<compile_context>
chip_gen: v7x
topology: tpu7x:2x2x1
jax: 0.10.2.dev20260603
libtpu: 0.0.44.dev20260713+nightly
codegen_flags: <defaults>
</compile_context>

<pallas_src>
import functools

import jax
import jax.numpy as jnp
from jax import lax
from jax.experimental import pallas as pl
from jax.experimental.pallas import tpu as pltpu
from jax.experimental.pallas import tpu_sc as plsc

NUM_RULES = 16384
NUM_MEMBERSHIPS = 100000
MEMBERSHIP_DIM = 32

NC = 2
NS = 16
NW = NC * NS
B_PER_W = NUM_RULES // NW
BLK = 128
NBLK = B_PER_W // BLK
L = 16

NFULL = NUM_MEMBERSHIPS // BLK
PACKED_ROWS = NUM_MEMBERSHIPS // 4
TAIL_ROW = NFULL * 32
WIDE = 640
NWIDE = NUM_MEMBERSHIPS // WIDE
T_PER_W = (NWIDE + NW - 1) // NW


def _format_body(tab3_hbm, tail_hbm, out_hbm, src_v, dst_v, srcl_v, dstl_v, tail_v):
    wid = lax.axis_index("s") * NC + lax.axis_index("c")
    lanes = lax.iota(jnp.int32, L)
    j_vecs = [lanes + L * jg for jg in range(WIDE // L)]
    q_vecs = [lax.shift_right_logical(j, 2) for j in j_vecs]
    c_vecs = [lax.shift_left(jnp.bitwise_and(j, 3), 5) for j in j_vecs]

    def transpose_piece(src, dst, ngroups):
        @plsc.parallel_loop(0, 2 * L, unroll=2)
        def _diag(hd):
            fd = jnp.bitwise_and(lanes + hd, L - 1) + jnp.broadcast_to(
                jnp.bitwise_and(hd, L), (L,)
            )
            kv = lax.shift_right_logical(fd, 3)
            sv = jnp.bitwise_and(fd, 7)
            for g0 in range(0, ngroups, 8):
                vals = [
                    plsc.load_gather(src, [kv, sv, j_vecs[g0 + i]])
                    for i in range(min(8, ngroups - g0))
                ]
                for i in range(min(8, ngroups - g0)):
                    jg = g0 + i
                    plsc.store_scatter(
                        dst, [q_vecs[jg], c_vecs[jg] + fd], vals[i]
                    )

    def do_piece(t, _):
        b = wid + t * NW

        @pl.when(b < NWIDE)
        def _():
            pltpu.sync_copy(tab3_hbm.at[:, :, pl.ds(b * WIDE, WIDE)], src_v)
            transpose_piece(src_v, dst_v, WIDE // L)
            pltpu.sync_copy(dst_v, out_hbm.at[pl.ds(b * (WIDE // 4), WIDE // 4), :])
        return _

    lax.fori_loop(0, T_PER_W, do_piece, None)

    @pl.when(wid == NW - 2)
    def _():
        pltpu.sync_copy(tab3_hbm.at[:, :, pl.ds(NWIDE * WIDE, BLK)], srcl_v)
        transpose_piece(srcl_v, dstl_v, BLK // L)
        pltpu.sync_copy(dstl_v, out_hbm.at[pl.ds(NWIDE * (WIDE // 4), 32), :])

    @pl.when(wid == NW - 1)
    def _():
        pltpu.sync_copy(tail_hbm, tail_v)
        pltpu.sync_copy(tail_v, out_hbm.at[pl.ds(TAIL_ROW, 8), :])


def _gather_body(map_hbm, tab_hbm, out_hbm, m_v, idx_v, f0, f1, f2, f3, blk_v, s0, s1, s2, s3):
    wid = lax.axis_index("s") * NC + lax.axis_index("c")
    base = wid * B_PER_W

    pltpu.sync_copy(map_hbm.at[pl.ds(base, B_PER_W)], m_v)
    for r in range(B_PER_W // L):
        mm = m_v[pl.ds(r * L, L)]
        idx_v[pl.ds(r * L, L)] = lax.shift_right_logical(mm, 2)

    lanes = lax.iota(jnp.int32, L)

    bufs = [f0, f1, f2, f3]
    sems = [s0, s1, s2, s3]
    fh = [
        pltpu.async_copy(
            tab_hbm.at[idx_v.at[pl.ds(db * BLK, BLK)]], bufs[db], sems[db]
        )
        for db in range(NBLK)
    ]
    for db in range(NBLK):
        fh[db].wait()
        fetched_v = bufs[db]

        offs = []
        rows = []
        for jg in range(8):
            mm = m_v[pl.ds(db * BLK + jg * L, L)]
            offs.append(lax.shift_left(jnp.bitwise_and(mm, 3), 5))
            rows.append(lanes + jg * L)
        @plsc.parallel_loop(0, 2 * L, unroll=2)
        def _diag(hd):
            fd = jnp.bitwise_and(lanes + hd, L - 1) + jnp.broadcast_to(
                jnp.bitwise_and(hd, L), (L,)
            )
            kv = lax.shift_right_logical(fd, 3)
            sv = jnp.bitwise_and(fd, 7)
            vals = [
                plsc.load_gather(fetched_v, [rows[jg], offs[jg] + fd])
                for jg in range(8)
            ]
            for jg in range(8):
                plsc.store_scatter(
                    blk_v, [kv, sv, rows[jg] + db * BLK], vals[jg]
                )

    pltpu.sync_copy(blk_v, out_hbm.at[:, :, pl.ds(base, B_PER_W)])


@jax.jit
def _run(mapping, tab3, tail):
    mesh = plsc.VectorSubcoreMesh(core_axis_name="c", subcore_axis_name="s")
    params = pltpu.CompilerParams(
        use_tc_tiling_on_sc=True, needs_layout_passes=False
    )
    table2 = pl.kernel(
        _format_body,
        out_type=jax.ShapeDtypeStruct((PACKED_ROWS, BLK), jnp.float32),
        mesh=mesh,
        scratch_types=[
            pltpu.VMEM((4, 8, WIDE), jnp.float32),
            pltpu.VMEM((WIDE // 4, BLK), jnp.float32),
            pltpu.VMEM((4, 8, BLK), jnp.float32),
            pltpu.VMEM((32, BLK), jnp.float32),
            pltpu.VMEM((8, BLK), jnp.float32),
        ],
        compiler_params=params,
    )(tab3, tail)
    return pl.kernel(
        _gather_body,
        out_type=jax.ShapeDtypeStruct((4, 8, NUM_RULES), jnp.float32),
        mesh=mesh,
        scratch_types=[
            pltpu.VMEM((B_PER_W,), jnp.int32),
            pltpu.VMEM((B_PER_W,), jnp.int32),
            pltpu.VMEM((BLK, BLK), jnp.float32),
            pltpu.VMEM((BLK, BLK), jnp.float32),
            pltpu.VMEM((BLK, BLK), jnp.float32),
            pltpu.VMEM((BLK, BLK), jnp.float32),
            pltpu.VMEM((4, 8, B_PER_W), jnp.float32),
            pltpu.SemaphoreType.DMA,
            pltpu.SemaphoreType.DMA,
            pltpu.SemaphoreType.DMA,
            pltpu.SemaphoreType.DMA,
        ],
        compiler_params=params,
    )(mapping, table2)


def kernel(x, mapping, table):
    del x
    tab3 = table.T.reshape(4, 8, NUM_MEMBERSHIPS)
    tail = table[4 * TAIL_ROW :].reshape(8, BLK)
    out3 = _run(mapping.astype(jnp.int32), tab3, tail)
    return out3.reshape(MEMBERSHIP_DIM, NUM_RULES).T.reshape(
        NUM_RULES, 1, MEMBERSHIP_DIM
    )

# --- scband reference (transcript-rebuilt; emitter-appended) ---
"""Pipeline reference for scband-mamdani-consequent-layer-61254823576009 (READ-ONLY COPY).

The authoritative reference and input builder live on the scoring server;
editing this copy changes nothing except your own understanding.
"""

import jax, jax.numpy as jnp
import numpy as np

NUM_RULES = 16384
NUM_MEMBERSHIPS = 100000
MEMBERSHIP_DIM = 32
X_DIM = 128


def setup_inputs(seed: int = 0) -> dict:
    key = jax.random.key(seed)
    k1, k2, k3 = jax.random.split(key, 3)
    # x is the firing-strength input to the layer; the original forward ignores it
    x = jax.random.normal(k1, (NUM_RULES, X_DIM), dtype=jnp.float32)
    # output_membership_mapping: one membership id per rule (membership_id[0] in the torch code)
    mapping = jax.random.randint(k2, (NUM_RULES,), 0, NUM_MEMBERSHIPS, dtype=jnp.int64)
    # mamdani_defs: learned consequent parameter table (one vector per output membership function)
    table = jax.random.normal(k3, (NUM_MEMBERSHIPS, MEMBERSHIP_DIM), dtype=jnp.float32)
    return {"x": x, "mapping": mapping, "table": table}


def reference(x, mapping, table):
    # torch.stack([mamdani_defs[membership_id[0]] for membership_id in mapping])
    # is a pure embedding gather over the membership table.
    data = jnp.take(table, mapping, axis=0)          # [NUM_RULES, MEMBERSHIP_DIM]
    data = data[:, None, :]                          # .unsqueeze(1) -> [NUM_RULES, 1, MEMBERSHIP_DIM]
    return data

if __name__ == "__main__":
    import jax
    _d = setup_inputs()
    print(jax.jit(kernel)(*tuple(_d.values())))

</pallas_src>

<mosaic_0001>
#map = affine_map<(d0, d1) -> (0, 0, 0)>
#map1 = affine_map<(d0, d1) -> (0, 0)>
module attributes {stable_mosaic.version = 14 : i64} {
  func.func @_format_body(%arg0: i32, %arg1: i32, %arg2: memref<4x8x100000xf32, #tpu.memory_space<hbm>>, %arg3: memref<8x128xf32, #tpu.memory_space<hbm>>, %arg4: memref<25000x128xf32, #tpu.memory_space<hbm>>, %arg5: memref<4x8x640xf32, #tpu.memory_space<vmem>>, %arg6: memref<160x128xf32, #tpu.memory_space<vmem>>, %arg7: memref<4x8x128xf32, #tpu.memory_space<vmem>>, %arg8: memref<32x128xf32, #tpu.memory_space<vmem>>, %arg9: memref<8x128xf32, #tpu.memory_space<vmem>>) attributes {dimension_semantics = [#tpu.dimension_semantics<core_parallel>, #tpu.dimension_semantics<subcore_parallel>], iteration_bounds = array<i64: 2, 16>, scalar_prefetch = 0 : i64, scratch_operands = 5 : i64, tpu.core_type = #tpu.core_type<sc_vector_subcore>, window_params = [{transform_indices = #map}, {transform_indices = #map1}, {transform_indices = #map1}]} {
    %mul3A = arith.constant 2 : i32
    %mul3A_0 = arith.muli %arg1, %mul3A : i32
    %add3A = arith.addi %mul3A_0, %arg0 : i32
    %iota3A = tpu.iota {dimensions = array<i32: 0>} : vector<16xi32>
    %add3A_1 = arith.constant 0 : i32
    %add3A_2 = vector.broadcast %add3A_1 : i32 to vector<16xi32>
    %add3A_3 = arith.addi %iota3A, %add3A_2 : vector<16xi32>
    %add3A_4 = arith.constant 16 : i32
    %add3A_5 = vector.broadcast %add3A_4 : i32 to vector<16xi32>
    %add3A_6 = arith.addi %iota3A, %add3A_5 : vector<16xi32>
    %add3A_7 = arith.constant 32 : i32
    %add3A_8 = vector.broadcast %add3A_7 : i32 to vector<16xi32>
    %add3A_9 = arith.addi %iota3A, %add3A_8 : vector<16xi32>
    %add3A_10 = arith.constant 48 : i32
    %add3A_11 = vector.broadcast %add3A_10 : i32 to vector<16xi32>
    %add3A_12 = arith.addi %iota3A, %add3A_11 : vector<16xi32>
    %add3A_13 = arith.constant 64 : i32
    %add3A_14 = vector.broadcast %add3A_13 : i32 to vector<16xi32>
    %add3A_15 = arith.addi %iota3A, %add3A_14 : vector<16xi32>
    %add3A_16 = arith.constant 80 : i32
    %add3A_17 = vector.broadcast %add3A_16 : i32 to vector<16xi32>
    %add3A_18 = arith.addi %iota3A, %add3A_17 : vector<16xi32>
    %add3A_19 = arith.constant 96 : i32
    %add3A_20 = vector.broadcast %add3A_19 : i32 to vector<16xi32>
    %add3A_21 = arith.addi %iota3A, %add3A_20 : vector<16xi32>
    %add3A_22 = arith.constant 112 : i32
    %add3A_23 = vector.broadcast %add3A_22 : i32 to vector<16xi32>
    %add3A_24 = arith.addi %iota3A, %add3A_23 : vector<16xi32>
    %add3A_25 = arith.constant 128 : i32
    %add3A_26 = vector.broadcast %add3A_25 : i32 to vector<16xi32>
    %add3A_27 = arith.addi %iota3A, %add3A_26 : vector<16xi32>
    %add3A_28 = arith.constant 144 : i32
    %add3A_29 = vector.broadcast %add3A_28 : i32 to vector<16xi32>
    %add3A_30 = arith.addi %iota3A, %add3A_29 : vector<16xi32>
    %add3A_31 = arith.constant 160 : i32
    %add3A_32 = vector.broadcast %add3A_31 : i32 to vector<16xi32>
    %add3A_33 = arith.addi %iota3A, %add3A_32 : vector<16xi32>
    %add3A_34 = arith.constant 176 : i32
    %add3A_35 = vector.broadcast %add3A_34 : i32 to vector<16xi32>
    %add3A_36 = arith.addi %iota3A, %add3A_35 : vector<16xi32>
    %add3A_37 = arith.constant 192 : i32
    %add3A_38 = vector.broadcast %add3A_37 : i32 to vector<16xi32>
    %add3A_39 = arith.addi %iota3A, %add3A_38 : vector<16xi32>
    %add3A_40 = arith.constant 208 : i32
    %add3A_41 = vector.broadcast %add3A_40 : i32 to vector<16xi32>
    %add3A_42 = arith.addi %iota3A, %add3A_41 : vector<16xi32>
    %add3A_43 = arith.constant 224 : i32
    %add3A_44 = vector.broadcast %add3A_43 : i32 to vector<16xi32>
    %add3A_45 = arith.addi %iota3A, %add3A_44 : vector<16xi32>
    %add3A_46 = arith.constant 240 : i32
    %add3A_47 = vector.broadcast %add3A_46 : i32 to vector<16xi32>
    %add3A_48 = arith.addi %iota3A, %add3A_47 : vector<16xi32>
    %add3A_49 = arith.constant 256 : i32
    %add3A_50 = vector.broadcast %add3A_49 : i32 to vector<16xi32>
    %add3A_51 = arith.addi %iota3A, %add3A_50 : vector<16xi32>
    %add3A_52 = arith.constant 272 : i32
    %add3A_53 = vector.broadcast %add3A_52 : i32 to vector<16xi32>
    %add3A_54 = arith.addi %iota3A, %add3A_53 : vector<16xi32>
    %add3A_55 = arith.constant 288 : i32
    %add3A_56 = vector.broadcast %add3A_55 : i32 to vector<16xi32>
    %add3A_57 = arith.addi %iota3A, %add3A_56 : vector<16xi32>
    %add3A_58 = arith.constant 304 : i32
    %add3A_59 = vector.broadcast %add3A_58 : i32 to vector<16xi32>
    %add3A_60 = arith.addi %iota3A, %add3A_59 : vector<16xi32>
    %add3A_61 = arith.constant 320 : i32
    %add3A_62 = vector.broadcast %add3A_61 : i32 to vector<16xi32>
    %add3A_63 = arith.addi %iota3A, %add3A_62 : vector<16xi32>
    %add3A_64 = arith.constant 336 : i32
    %add3A_65 = vector.broadcast %add3A_64 : i32 to vector<16xi32>
    %add3A_66 = arith.addi %iota3A, %add3A_65 : vector<16xi32>
    %add3A_67 = arith.constant 352 : i32
    %add3A_68 = vector.broadcast %add3A_67 : i32 to vector<16xi32>
    %add3A_69 = arith.addi %iota3A, %add3A_68 : vector<16xi32>
    %add3A_70 = arith.constant 368 : i32
    %add3A_71 = vector.broadcast %add3A_70 : i32 to vector<16xi32>
    %add3A_72 = arith.addi %iota3A, %add3A_71 : vector<16xi32>
    %add3A_73 = arith.constant 384 : i32
    %add3A_74 = vector.broadcast %add3A_73 : i32 to vector<16xi32>
    %add3A_75 = arith.addi %iota3A, %add3A_74 : vector<16xi32>
    %add3A_76 = arith.constant 400 : i32
    %add3A_77 = vector.broadcast %add3A_76 : i32 to vector<16xi32>
    %add3A_78 = arith.addi %iota3A, %add3A_77 : vector<16xi32>
    %add3A_79 = arith.constant 416 : i32
    %add3A_80 = vector.broadcast %add3A_79 : i32 to vector<16xi32>
    %add3A_81 = arith.addi %iota3A, %add3A_80 : vector<16xi32>
    %add3A_82 = arith.constant 432 : i32
    %add3A_83 = vector.broadcast %add3A_82 : i32 to vector<16xi32>
    %add3A_84 = arith.addi %iota3A, %add3A_83 : vector<16xi32>
    %add3A_85 = arith.constant 448 : i32
    %add3A_86 = vector.broadcast %add3A_85 : i32 to vector<16xi32>
    %add3A_87 = arith.addi %iota3A, %add3A_86 : vector<16xi32>
    %add3A_88 = arith.constant 464 : i32
    %add3A_89 = vector.broadcast %add3A_88 : i32 to vector<16xi32>
    %add3A_90 = arith.addi %iota3A, %add3A_89 : vector<16xi32>
    %add3A_91 = arith.constant 480 : i32
    %add3A_92 = vector.broadcast %add3A_91 : i32 to vector<16xi32>
    %add3A_93 = arith.addi %iota3A, %add3A_92 : vector<16xi32>
    %add3A_94 = arith.constant 496 : i32
    %add3A_95 = vector.broadcast %add3A_94 : i32 to vector<16xi32>
    %add3A_96 = arith.addi %iota3A, %add3A_95 : vector<16xi32>
    %add3A_97 = arith.constant 512 : i32
    %add3A_98 = vector.broadcast %add3A_97 : i32 to vector<16xi32>
    %add3A_99 = arith.addi %iota3A, %add3A_98 : vector<16xi32>
    %add3A_100 = arith.constant 528 : i32
    %add3A_101 = vector.broadcast %add3A_100 : i32 to vector<16xi32>
    %add3A_102 = arith.addi %iota3A, %add3A_101 : vector<16xi32>
    %add3A_103 = arith.constant 544 : i32
    %add3A_104 = vector.broadcast %add3A_103 : i32 to vector<16xi32>
    %add3A_105 = arith.addi %iota3A, %add3A_104 : vector<16xi32>
    %add3A_106 = arith.constant 560 : i32
    %add3A_107 = vector.broadcast %add3A_106 : i32 to vector<16xi32>
    %add3A_108 = arith.addi %iota3A, %add3A_107 : vector<16xi32>
    %add3A_109 = arith.constant 576 : i32
    %add3A_110 = vector.broadcast %add3A_109 : i32 to vector<16xi32>
    %add3A_111 = arith.addi %iota3A, %add3A_110 : vector<16xi32>
    %add3A_112 = arith.constant 592 : i32
    %add3A_113 = vector.broadcast %add3A_112 : i32 to vector<16xi32>
    %add3A_114 = arith.addi %iota3A, %add3A_113 : vector<16xi32>
    %add3A_115 = arith.constant 608 : i32
    %add3A_116 = vector.broadcast %add3A_115 : i32 to vector<16xi32>
    %add3A_117 = arith.addi %iota3A, %add3A_116 : vector<16xi32>
    %add3A_118 = arith.constant 624 : i32
    %add3A_119 = vector.broadcast %add3A_118 : i32 to vector<16xi32>
    %add3A_120 = arith.addi %iota3A, %add3A_119 : vector<16xi32>
    %shift_right_logical3A = arith.constant 2 : i32
    %shift_right_logical3A_121 = vector.broadcast %shift_right_logical3A : i32 to vector<16xi32>
    %shift_right_logical3A_122 = arith.shrui %add3A_3, %shift_right_logical3A_121 : vector<16xi32>
    %shift_right_logical3A_123 = arith.constant 2 : i32
    %shift_right_logical3A_124 = vector.broadcast %shift_right_logical3A_123 : i32 to vector<16xi32>
    %shift_right_logical3A_125 = arith.shrui %add3A_6, %shift_right_logical3A_124 : vector<16xi32>
    %shift_right_logical3A_126 = arith.constant 2 : i32
    %shift_right_logical3A_127 = vector.broadcast %shift_right_logical3A_126 : i32 to vector<16xi32>
    %shift_right_logical3A_128 = arith.shrui %add3A_9, %shift_right_logical3A_127 : vector<16xi32>
    %shift_right_logical3A_129 = arith.constant 2 : i32
    %shift_right_logical3A_130 = vector.broadcast %shift_right_logical3A_129 : i32 to vector<16xi32>
    %shift_right_logical3A_131 = arith.shrui %add3A_12, %shift_right_logical3A_130 : vector<16xi32>
    %shift_right_logical3A_132 = arith.constant 2 : i32
    %shift_right_logical3A_133 = vector.broadcast %shift_right_logical3A_132 : i32 to vector<16xi32>
    %shift_right_logical3A_134 = arith.shrui %add3A_15, %shift_right_logical3A_133 : vector<16xi32>
    %shift_right_logical3A_135 = arith.constant 2 : i32
    %shift_right_logical3A_136 = vector.broadcast %shift_right_logical3A_135 : i32 to vector<16xi32>
    %shift_right_logical3A_137 = arith.shrui %add3A_18, %shift_right_logical3A_136 : vector<16xi32>
    %shift_right_logical3A_138 = arith.constant 2 : i32
    %shift_right_logical3A_139 = vector.broadcast %shift_right_logical3A_138 : i32 to vector<16xi32>
    %shift_right_logical3A_140 = arith.shrui %add3A_21, %shift_right_logical3A_139 : vector<16xi32>
    %shift_right_logical3A_141 = arith.constant 2 : i32
    %shift_right_logical3A_142 = vector.broadcast %shift_right_logical3A_141 : i32 to vector<16xi32>
    %shift_right_logical3A_143 = arith.shrui %add3A_24, %shift_right_logical3A_142 : vector<16xi32>
    %shift_right_logical3A_144 = arith.constant 2 : i32
    %shift_right_logical3A_145 = vector.broadcast %shift_right_logical3A_144 : i32 to vector<16xi32>
    %shift_right_logical3A_146 = arith.shrui %add3A_27, %shift_right_logical3A_145 : vector<16xi32>
    %shift_right_logical3A_147 = arith.constant 2 : i32
    %shift_right_logical3A_148 = vector.broadcast %shift_right_logical3A_147 : i32 to vector<16xi32>
    %shift_right_logical3A_149 = arith.shrui %add3A_30, %shift_right_logical3A_148 : vector<16xi32>
    %shift_right_logical3A_150 = arith.constant 2 : i32
    %shift_right_logical3A_151 = vector.broadcast %shift_right_logical3A_150 : i32 to vector<16xi32>
    %shift_right_logical3A_152 = arith.shrui %add3A_33, %shift_right_logical3A_151 : vector<16xi32>
    %shift_right_logical3A_153 = arith.constant 2 : i32
    %shift_right_logical3A_154 = vector.broadcast %shift_right_logical3A_153 : i32 to vector<16xi32>
    %shift_right_logical3A_155 = arith.shrui %add3A_36, %shift_right_logical3A_154 : vector<16xi32>
    %shift_right_logical3A_156 = arith.constant 2 : i32
    %shift_right_logical3A_157 = vector.broadcast %shift_right_logical3A_156 : i32 to vector<16xi32>
    %shift_right_logical3A_158 = arith.shrui %add3A_39, %shift_right_logical3A_157 : vector<16xi32>
    %shift_right_logical3A_159 = arith.constant 2 : i32
    %shift_right_logical3A_160 = vector.broadcast %shift_right_logical3A_159 : i32 to vector<16xi32>
    %shift_right_logical3A_161 = arith.shrui %add3A_42, %shift_right_logical3A_160 : vector<16xi32>
    %shift_right_logical3A_162 = arith.constant 2 : i32
    %shift_right_logical3A_163 = vector.broadcast %shift_right_logical3A_162 : i32 to vector<16xi32>
    %shift_right_logical3A_164 = arith.shrui %add3A_45, %shift_right_logical3A_163 : vector<16xi32>
    %shift_right_logical3A_165 = arith.constant 2 : i32
    %shift_right_logical3A_166 = vector.broadcast %shift_right_logical3A_165 : i32 to vector<16xi32>
    %shift_right_logical3A_167 = arith.shrui %add3A_48, %shift_right_logical3A_166 : vector<16xi32>
    %shift_right_logical3A_168 = arith.constant 2 : i32
    %shift_right_logical3A_169 = vector.broadcast %shift_right_logical3A_168 : i32 to vector<16xi32>
    %shift_right_logical3A_170 = arith.shrui %add3A_51, %shift_right_logical3A_169 : vector<16xi32>
    %shift_right_logical3A_171 = arith.constant 2 : i32
    %shift_right_logical3A_172 = vector.broadcast %shift_right_logical3A_171 : i32 to vector<16xi32>
    %shift_right_logical3A_173 = arith.shrui %add3A_54, %shift_right_logical3A_172 : vector<16xi32>
    %shift_right_logical3A_174 = arith.constant 2 : i32
    %shift_right_logical3A_175 = vector.broadcast %shift_right_logical3A_174 : i32 to vector<16xi32>
    %shift_right_logical3A_176 = arith.shrui %add3A_57, %shift_right_logical3A_175 : vector<16xi32>
    %shift_right_logical3A_177 = arith.constant 2 : i32
    %shift_right_logical3A_178 = vector.broadcast %shift_right_logical3A_177 : i32 to vector<16xi32>
    %shift_right_logical3A_179 = arith.shrui %add3A_60, %shift_right_logical3A_178 : vector<16xi32>
    %shift_right_logical3A_180 = arith.constant 2 : i32
    %shift_right_logical3A_181 = vector.broadcast %shift_right_logical3A_180 : i32 to vector<16xi32>
    %shift_right_logical3A_182 = arith.shrui %add3A_63, %shift_right_logical3A_181 : vector<16xi32>
    %shift_right_logical3A_183 = arith.constant 2 : i32
    %shift_right_logical3A_184 = vector.broadcast %shift_right_logical3A_183 : i32 to vector<16xi32>
    %shift_right_logical3A_185 = arith.shrui %add3A_66, %shift_right_logical3A_184 : vector<16xi32>
    %shift_right_logical3A_186 = arith.constant 2 : i32
    %shift_right_logical3A_187 = vector.broadcast %shift_right_logical3A_186 : i32 to vector<16xi32>
    %shift_right_logical3A_188 = arith.shrui %add3A_69, %shift_right_logical3A_187 : vector<16xi32>
    %shift_right_logical3A_189 = arith.constant 2 : i32
    %shift_right_logical3A_190 = vector.broadcast %shift_right_logical3A_189 : i32 to vector<16xi32>
    %shift_right_logical3A_191 = arith.shrui %add3A_72, %shift_right_logical3A_190 : vector<16xi32>
    %shift_right_logical3A_192 = arith.constant 2 : i32
    %shift_right_logical3A_193 = vector.broadcast %shift_right_logical3A_192 : i32 to vector<16xi32>
    %shift_right_logical3A_194 = arith.shrui %add3A_75, %shift_right_logical3A_193 : vector<16xi32>
    %shift_right_logical3A_195 = arith.constant 2 : i32
    %shift_right_logical3A_196 = vector.broadcast %shift_right_logical3A_195 : i32 to vector<16xi32>
    %shift_right_logical3A_197 = arith.shrui %add3A_78, %shift_right_logical3A_196 : vector<16xi32>
    %shift_right_logical3A_198 = arith.constant 2 : i32
    %shift_right_logical3A_199 = vector.broadcast %shift_right_logical3A_198 : i32 to vector<16xi32>
    %shift_right_logical3A_200 = arith.shrui %add3A_81, %shift_right_logical3A_199 : vector<16xi32>
    %shift_right_logical3A_201 = arith.constant 2 : i32
    %shift_right_logical3A_202 = vector.broadcast %shift_right_logical3A_201 : i32 to vector<16xi32>
    %shift_right_logical3A_203 = arith.shrui %add3A_84, %shift_right_logical3A_202 : vector<16xi32>
    %shift_right_logical3A_204 = arith.constant 2 : i32
    %shift_right_logical3A_205 = vector.broadcast %shift_right_logical3A_204 : i32 to vector<16xi32>
    %shift_right_logical3A_206 = arith.shrui %add3A_87, %shift_right_logical3A_205 : vector<16xi32>
    %shift_right_logical3A_207 = arith.constant 2 : i32
    %shift_right_logical3A_208 = vector.broadcast %shift_right_logical3A_207 : i32 to vector<16xi32>
    %shift_right_logical3A_209 = arith.shrui %add3A_90, %shift_right_logical3A_208 : vector<16xi32>
    %shift_right_logical3A_210 = arith.constant 2 : i32
    %shift_right_logical3A_211 = vector.broadcast %shift_right_logical3A_210 : i32 to vector<16xi32>
    %shift_right_logical3A_212 = arith.shrui %add3A_93, %shift_right_logical3A_211 : vector<16xi32>
    %shift_right_logical3A_213 = arith.constant 2 : i32
    %shift_right_logical3A_214 = vector.broadcast %shift_right_logical3A_213 : i32 to vector<16xi32>
    %shift_right_logical3A_215 = arith.shrui %add3A_96, %shift_right_logical3A_214 : vector<16xi32>
    %shift_right_logical3A_216 = arith.constant 2 : i32
    %shift_right_logical3A_217 = vector.broadcast %shift_right_logical3A_216 : i32 to vector<16xi32>
    %shift_right_logical3A_218 = arith.shrui %add3A_99, %shift_right_logical3A_217 : vector<16xi32>
    %shift_right_logical3A_219 = arith.constant 2 : i32
    %shift_right_logical3A_220 = vector.broadcast %shift_right_logical3A_219 : i32 to vector<16xi32>
    %shift_right_logical3A_221 = arith.shrui %add3A_102, %shift_right_logical3A_220 : vector<16xi32>
    %shift_right_logical3A_222 = arith.constant 2 : i32
    %shift_right_logical3A_223 = vector.broadcast %shift_right_logical3A_222 : i32 to vector<16xi32>
    %shift_right_logical3A_224 = arith.shrui %add3A_105, %shift_right_logical3A_223 : vector<16xi32>
    %shift_right_logical3A_225 = arith.constant 2 : i32
    %shift_right_logical3A_226 = vector.broadcast %shift_right_logical3A_225 : i32 to vector<16xi32>
    %shift_right_logical3A_227 = arith.shrui %add3A_108, %shift_right_logical3A_226 : vector<16xi32>
    %shift_right_logical3A_228 = arith.constant 2 : i32
    %shift_right_logical3A_229 = vector.broadcast %shift_right_logical3A_228 : i32 to vector<16xi32>
    %shift_right_logical3A_230 = arith.shrui %add3A_111, %shift_right_logical3A_229 : vector<16xi32>
    %shift_right_logical3A_231 = arith.constant 2 : i32
    %shift_right_logical3A_232 = vector.broadcast %shift_right_logical3A_231 : i32 to vector<16xi32>
    %shift_right_logical3A_233 = arith.shrui %add3A_114, %shift_right_logical3A_232 : vector<16xi32>
    %shift_right_logical3A_234 = arith.constant 2 : i32
    %shift_right_logical3A_235 = vector.broadcast %shift_right_logical3A_234 : i32 to vector<16xi32>
    %shift_right_logical3A_236 = arith.shrui %add3A_117, %shift_right_logical3A_235 : vector<16xi32>
    %shift_right_logical3A_237 = arith.constant 2 : i32
    %shift_right_logical3A_238 = vector.broadcast %shift_right_logical3A_237 : i32 to vector<16xi32>
    %shift_right_logical3A_239 = arith.shrui %add3A_120, %shift_right_logical3A_238 : vector<16xi32>
    %and3A = arith.constant 3 : i32
    %and3A_240 = vector.broadcast %and3A : i32 to vector<16xi32>
    %and3A_241 = arith.andi %add3A_3, %and3A_240 : vector<16xi32>
    %shift_left3A = arith.constant 5 : i32
    %shift_left3A_242 = vector.broadcast %shift_left3A : i32 to vector<16xi32>
    %shift_left3A_243 = arith.shli %and3A_241, %shift_left3A_242 : vector<16xi32>
    %and3A_244 = arith.constant 3 : i32
    %and3A_245 = vector.broadcast %and3A_244 : i32 to vector<16xi32>
    %and3A_246 = arith.andi %add3A_6, %and3A_245 : vector<16xi32>
    %shift_left3A_247 = arith.constant 5 : i32
    %shift_left3A_248 = vector.broadcast %shift_left3A_247 : i32 to vector<16xi32>
    %shift_left3A_249 = arith.shli %and3A_246, %shift_left3A_248 : vector<16xi32>
    %and3A_250 = arith.constant 3 : i32
    %and3A_251 = vector.broadcast %and3A_250 : i32 to vector<16xi32>
    %and3A_252 = arith.andi %add3A_9, %and3A_251 : vector<16xi32>
    %shift_left3A_253 = arith.constant 5 : i32
    %shift_left3A_254 = vector.broadcast %shift_left3A_253 : i32 to vector<16xi32>
    %shift_left3A_255 = arith.shli %and3A_252, %shift_left3A_254 : vector<16xi32>
    %and3A_256 = arith.constant 3 : i32
    %and3A_257 = vector.broadcast %and3A_256 : i32 to vector<16xi32>
    %and3A_258 = arith.andi %add3A_12, %and3A_257 : vector<16xi32>
    %shift_left3A_259 = arith.constant 5 : i32
    %shift_left3A_260 = vector.broadcast %shift_left3A_259 : i32 to vector<16xi32>
    %shift_left3A_261 = arith.shli %and3A_258, %shift_left3A_260 : vector<16xi32>
    %and3A_262 = arith.constant 3 : i32
    %and3A_263 = vector.broadcast %and3A_262 : i32 to vector<16xi32>
    %and3A_264 = arith.andi %add3A_15, %and3A_263 : vector<16xi32>
    %shift_left3A_265 = arith.constant 5 : i32
    %shift_left3A_266 = vector.broadcast %shift_left3A_265 : i32 to vector<16xi32>
    %shift_left3A_267 = arith.shli %and3A_264, %shift_left3A_266 : vector<16xi32>
    %and3A_268 = arith.constant 3 : i32
    %and3A_269 = vector.broadcast %and3A_268 : i32 to vector<16xi32>
    %and3A_270 = arith.andi %add3A_18, %and3A_269 : vector<16xi32>
    %shift_left3A_271 = arith.constant 5 : i32
    %shift_left3A_272 = vector.broadcast %shift_left3A_271 : i32 to vector<16xi32>
    %shift_left3A_273 = arith.shli %and3A_270, %shift_left3A_272 : vector<16xi32>
    %and3A_274 = arith.constant 3 : i32
    %and3A_275 = vector.broadcast %and3A_274 : i32 to vector<16xi32>
    %and3A_276 = arith.andi %add3A_21, %and3A_275 : vector<16xi32>
    %shift_left3A_277 = arith.constant 5 : i32
    %shift_left3A_278 = vector.broadcast %shift_left3A_277 : i32 to vector<16xi32>
    %shift_left3A_279 = arith.shli %and3A_276, %shift_left3A_278 : vector<16xi32>
    %and3A_280 = arith.constant 3 : i32
    %and3A_281 = vector.broadcast %and3A_280 : i32 to vector<16xi32>
    %and3A_282 = arith.andi %add3A_24, %and3A_281 : vector<16xi32>
    %shift_left3A_283 = arith.constant 5 : i32
    %shift_left3A_284 = vector.broadcast %shift_left3A_283 : i32 to vector<16xi32>
    %shift_left3A_285 = arith.shli %and3A_282, %shift_left3A_284 : vector<16xi32>
    %and3A_286 = arith.constant 3 : i32
    %and3A_287 = vector.broadcast %and3A_286 : i32 to vector<16xi32>
    %and3A_288 = arith.andi %add3A_27, %and3A_287 : vector<16xi32>
    %shift_left3A_289 = arith.constant 5 : i32
    %shift_left3A_290 = vector.broadcast %shift_left3A_289 : i32 to vector<16xi32>
    %shift_left3A_291 = arith.shli %and3A_288, %shift_left3A_290 : vector<16xi32>
    %and3A_292 = arith.constant 3 : i32
    %and3A_293 = vector.broadcast %and3A_292 : i32 to vector<16xi32>
    %and3A_294 = arith.andi %add3A_30, %and3A_293 : vector<16xi32>
    %shift_left3A_295 = arith.constant 5 : i32
    %shift_left3A_296 = vector.broadcast %shift_left3A_295 : i32 to vector<16xi32>
    %shift_left3A_297 = arith.shli %and3A_294, %shift_left3A_296 : vector<16xi32>
    %and3A_298 = arith.constant 3 : i32
    %and3A_299 = vector.broadcast %and3A_298 : i32 to vector<16xi32>
    %and3A_300 = arith.andi %add3A_33, %and3A_299 : vector<16xi32>
    %shift_left3A_301 = arith.constant 5 : i32
    %shift_left3A_302 = vector.broadcast %shift_left3A_301 : i32 to vector<16xi32>
    %shift_left3A_303 = arith.shli %and3A_300, %shift_left3A_302 : vector<16xi32>
    %and3A_304 = arith.constant 3 : i32
    %and3A_305 = vector.broadcast %and3A_304 : i32 to vector<16xi32>
    %and3A_306 = arith.andi %add3A_36, %and3A_305 : vector<16xi32>
    %shift_left3A_307 = arith.constant 5 : i32
    %shift_left3A_308 = vector.broadcast %shift_left3A_307 : i32 to vector<16xi32>
    %shift_left3A_309 = arith.shli %and3A_306, %shift_left3A_308 : vector<16xi32>
    %and3A_310 = arith.constant 3 : i32
    %and3A_311 = vector.broadcast %and3A_310 : i32 to vector<16xi32>
    %and3A_312 = arith.andi %add3A_39, %and3A_311 : vector<16xi32>
    %shift_left3A_313 = arith.constant 5 : i32
    %shift_left3A_314 = vector.broadcast %shift_left3A_313 : i32 to vector<16xi32>
    %shift_left3A_315 = arith.shli %and3A_312, %shift_left3A_314 : vector<16xi32>
    %and3A_316 = arith.constant 3 : i32
    %and3A_317 = vector.broadcast %and3A_316 : i32 to vector<16xi32>
    %and3A_318 = arith.andi %add3A_42, %and3A_317 : vector<16xi32>
    %shift_left3A_319 = arith.constant 5 : i32
    %shift_left3A_320 = vector.broadcast %shift_left3A_319 : i32 to vector<16xi32>
    %shift_left3A_321 = arith.shli %and3A_318, %shift_left3A_320 : vector<16xi32>
    %and3A_322 = arith.constant 3 : i32
    %and3A_323 = vector.broadcast %and3A_322 : i32 to vector<16xi32>
    %and3A_324 = arith.andi %add3A_45, %and3A_323 : vector<16xi32>
    %shift_left3A_325 = arith.constant 5 : i32
    %shift_left3A_326 = vector.broadcast %shift_left3A_325 : i32 to vector<16xi32>
    %shift_left3A_327 = arith.shli %and3A_324, %shift_left3A_326 : vector<16xi32>
    %and3A_328 = arith.constant 3 : i32
    %and3A_329 = vector.broadcast %and3A_328 : i32 to vector<16xi32>
    %and3A_330 = arith.andi %add3A_48, %and3A_329 : vector<16xi32>
    %shift_left3A_331 = arith.constant 5 : i32
    %shift_left3A_332 = vector.broadcast %shift_left3A_331 : i32 to vector<16xi32>
    %shift_left3A_333 = arith.shli %and3A_330, %shift_left3A_332 : vector<16xi32>
    %and3A_334 = arith.constant 3 : i32
    %and3A_335 = vector.broadcast %and3A_334 : i32 to vector<16xi32>
    %and3A_336 = arith.andi %add3A_51, %and3A_335 : vector<16xi32>
    %shift_left3A_337 = arith.constant 5 : i32
    %shift_left3A_338 = vector.broadcast %shift_left3A_337 : i32 to vector<16xi32>
    %shift_left3A_339 = arith.shli %and3A_336, %shift_left3A_338 : vector<16xi32>
    %and3A_340 = arith.constant 3 : i32
    %and3A_341 = vector.broadcast %and3A_340 : i32 to vector<16xi32>
    %and3A_342 = arith.andi %add3A_54, %and3A_341 : vector<16xi32>
    %shift_left3A_343 = arith.constant 5 : i32
    %shift_left3A_344 = vector.broadcast %shift_left3A_343 : i32 to vector<16xi32>
    %shift_left3A_345 = arith.shli %and3A_342, %shift_left3A_344 : vector<16xi32>
    %and3A_346 = arith.constant 3 : i32
    %and3A_347 = vector.broadcast %and3A_346 : i32 to vector<16xi32>
    %and3A_348 = arith.andi %add3A_57, %and3A_347 : vector<16xi32>
    %shift_left3A_349 = arith.constant 5 : i32
    %shift_left3A_350 = vector.broadcast %shift_left3A_349 : i32 to vector<16xi32>
    %shift_left3A_351 = arith.shli %and3A_348, %shift_left3A_350 : vector<16xi32>
    %and3A_352 = arith.constant 3 : i32
    %and3A_353 = vector.broadcast %and3A_352 : i32 to vector<16xi32>
    %and3A_354 = arith.andi %add3A_60, %and3A_353 : vector<16xi32>
    %shift_left3A_355 = arith.constant 5 : i32
    %shift_left3A_356 = vector.broadcast %shift_left3A_355 : i32 to vector<16xi32>
    %shift_left3A_357 = arith.shli %and3A_354, %shift_left3A_356 : vector<16xi32>
    %and3A_358 = arith.constant 3 : i32
    %and3A_359 = vector.broadcast %and3A_358 : i32 to vector<16xi32>
    %and3A_360 = arith.andi %add3A_63, %and3A_359 : vector<16xi32>
    %shift_left3A_361 = arith.constant 5 : i32
    %shift_left3A_362 = vector.broadcast %shift_left3A_361 : i32 to vector<16xi32>
    %shift_left3A_363 = arith.shli %and3A_360, %shift_left3A_362 : vector<16xi32>
    %and3A_364 = arith.constant 3 : i32
    %and3A_365 = vector.broadcast %and3A_364 : i32 to vector<16xi32>
    %and3A_366 = arith.andi %add3A_66, %and3A_365 : vector<16xi32>
    %shift_left3A_367 = arith.constant 5 : i32
    %shift_left3A_368 = vector.broadcast %shift_left3A_367 : i32 to vector<16xi32>
    %shift_left3A_369 = arith.shli %and3A_366, %shift_left3A_368 : vector<16xi32>
    %and3A_370 = arith.constant 3 : i32
    %and3A_371 = vector.broadcast %and3A_370 : i32 to vector<16xi32>
    %and3A_372 = arith.andi %add3A_69, %and3A_371 : vector<16xi32>
    %shift_left3A_373 = arith.constant 5 : i32
    %shift_left3A_374 = vector.broadcast %shift_left3A_373 : i32 to vector<16xi32>
    %shift_left3A_375 = arith.shli %and3A_372, %shift_left3A_374 : vector<16xi32>
    %and3A_376 = arith.constant 3 : i32
    %and3A_377 = vector.broadcast %and3A_376 : i32 to vector<16xi32>
    %and3A_378 = arith.andi %add3A_72, %and3A_377 : vector<16xi32>
    %shift_left3A_379 = arith.constant 5 : i32
    %shift_left3A_380 = vector.broadcast %shift_left3A_379 : i32 to vector<16xi32>
    %shift_left3A_381 = arith.shli %and3A_378, %shift_left3A_380 : vector<16xi32>
    %and3A_382 = arith.constant 3 : i32
    %and3A_383 = vector.broadcast %and3A_382 : i32 to vector<16xi32>
    %and3A_384 = arith.andi %add3A_75, %and3A_383 : vector<16xi32>
    %shift_left3A_385 = arith.constant 5 : i32
    %shift_left3A_386 = vector.broadcast %shift_left3A_385 : i32 to vector<16xi32>
    %shift_left3A_387 = arith.shli %and3A_384, %shift_left3A_386 : vector<16xi32>
    %and3A_388 = arith.constant 3 : i32
    %and3A_389 = vector.broadcast %and3A_388 : i32 to vector<16xi32>
    %and3A_390 = arith.andi %add3A_78, %and3A_389 : vector<16xi32>
    %shift_left3A_391 = arith.constant 5 : i32
    %shift_left3A_392 = vector.broadcast %shift_left3A_391 : i32 to vector<16xi32>
    %shift_left3A_393 = arith.shli %and3A_390, %shift_left3A_392 : vector<16xi32>
    %and3A_394 = arith.constant 3 : i32
    %and3A_395 = vector.broadcast %and3A_394 : i32 to vector<16xi32>
    %and3A_396 = arith.andi %add3A_81, %and3A_395 : vector<16xi32>
    %shift_left3A_397 = arith.constant 5 : i32
    %shift_left3A_398 = vector.broadcast %shift_left3A_397 : i32 to vector<16xi32>
    %shift_left3A_399 = arith.shli %and3A_396, %shift_left3A_398 : vector<16xi32>
    %and3A_400 = arith.constant 3 : i32
    %and3A_401 = vector.broadcast %and3A_400 : i32 to vector<16xi32>
    %and3A_402 = arith.andi %add3A_84, %and3A_401 : vector<16xi32>
    %shift_left3A_403 = arith.constant 5 : i32
    %shift_left3A_404 = vector.broadcast %shift_left3A_403 : i32 to vector<16xi32>
    %shift_left3A_405 = arith.shli %and3A_402, %shift_left3A_404 : vector<16xi32>
    %and3A_406 = arith.constant 3 : i32
    %and3A_407 = vector.broadcast %and3A_406 : i32 to vector<16xi32>
    %and3A_408 = arith.andi %add3A_87, %and3A_407 : vector<16xi32>
    %shift_left3A_409 = arith.constant 5 : i32
    %shift_left3A_410 = vector.broadcast %shift_left3A_409 : i32 to vector<16xi32>
    %shift_left3A_411 = arith.shli %and3A_408, %shift_left3A_410 : vector<16xi32>
    %and3A_412 = arith.constant 3 : i32
    %and3A_413 = vector.broadcast %and3A_412 : i32 to vector<16xi32>
    %and3A_414 = arith.andi %add3A_90, %and3A_413 : vector<16xi32>
    %shift_left3A_415 = arith.constant 5 : i32
    %shift_left3A_416 = vector.broadcast %shift_left3A_415 : i32 to vector<16xi32>
    %shift_left3A_417 = arith.shli %and3A_414, %shift_left3A_416 : vector<16xi32>
    %and3A_418 = arith.constant 3 : i32
    %and3A_419 = vector.broadcast %and3A_418 : i32 to vector<16xi32>
    %and3A_420 = arith.andi %add3A_93, %and3A_419 : vector<16xi32>
    %shift_left3A_421 = arith.constant 5 : i32
    %shift_left3A_422 = vector.broadcast %shift_left3A_421 : i32 to vector<16xi32>
    %shift_left3A_423 = arith.shli %and3A_420, %shift_left3A_422 : vector<16xi32>
    %and3A_424 = arith.constant 3 : i32
    %and3A_425 = vector.broadcast %and3A_424 : i32 to vector<16xi32>
    %and3A_426 = arith.andi %add3A_96, %and3A_425 : vector<16xi32>
    %shift_left3A_427 = arith.constant 5 : i32
    %shift_left3A_428 = vector.broadcast %shift_left3A_427 : i32 to vector<16xi32>
    %shift_left3A_429 = arith.shli %and3A_426, %shift_left3A_428 : vector<16xi32>
    %and3A_430 = arith.constant 3 : i32
    %and3A_431 = vector.broadcast %and3A_430 : i32 to vector<16xi32>
    %and3A_432 = arith.andi %add3A_99, %and3A_431 : vector<16xi32>
    %shift_left3A_433 = arith.constant 5 : i32
    %shift_left3A_434 = vector.broadcast %shift_left3A_433 : i32 to vector<16xi32>
    %shift_left3A_435 = arith.shli %and3A_432, %shift_left3A_434 : vector<16xi32>
    %and3A_436 = arith.constant 3 : i32
    %and3A_437 = vector.broadcast %and3A_436 : i32 to vector<16xi32>
    %and3A_438 = arith.andi %add3A_102, %and3A_437 : vector<16xi32>
    %shift_left3A_439 = arith.constant 5 : i32
    %shift_left3A_440 = vector.broadcast %shift_left3A_439 : i32 to vector<16xi32>
    %shift_left3A_441 = arith.shli %and3A_438, %shift_left3A_440 : vector<16xi32>
    %and3A_442 = arith.constant 3 : i32
    %and3A_443 = vector.broadcast %and3A_442 : i32 to vector<16xi32>
    %and3A_444 = arith.andi %add3A_105, %and3A_443 : vector<16xi32>
    %shift_left3A_445 = arith.constant 5 : i32
    %shift_left3A_446 = vector.broadcast %shift_left3A_445 : i32 to vector<16xi32>
    %shift_left3A_447 = arith.shli %and3A_444, %shift_left3A_446 : vector<16xi32>
    %and3A_448 = arith.constant 3 : i32
    %and3A_449 = vector.broadcast %and3A_448 : i32 to vector<16xi32>
    %and3A_450 = arith.andi %add3A_108, %and3A_449 : vector<16xi32>
    %shift_left3A_451 = arith.constant 5 : i32
    %shift_left3A_452 = vector.broadcast %shift_left3A_451 : i32 to vector<16xi32>
    %shift_left3A_453 = arith.shli %and3A_450, %shift_left3A_452 : vector<16xi32>
    %and3A_454 = arith.constant 3 : i32
    %and3A_455 = vector.broadcast %and3A_454 : i32 to vector<16xi32>
    %and3A_456 = arith.andi %add3A_111, %and3A_455 : vector<16xi32>
    %shift_left3A_457 = arith.constant 5 : i32
    %shift_left3A_458 = vector.broadcast %shift_left3A_457 : i32 to vector<16xi32>
    %shift_left3A_459 = arith.shli %and3A_456, %shift_left3A_458 : vector<16xi32>
    %and3A_460 = arith.constant 3 : i32
    %and3A_461 = vector.broadcast %and3A_460 : i32 to vector<16xi32>
    %and3A_462 = arith.andi %add3A_114, %and3A_461 : vector<16xi32>
    %shift_left3A_463 = arith.constant 5 : i32
    %shift_left3A_464 = vector.broadcast %shift_left3A_463 : i32 to vector<16xi32>
    %shift_left3A_465 = arith.shli %and3A_462, %shift_left3A_464 : vector<16xi32>
    %and3A_466 = arith.constant 3 : i32
    %and3A_467 = vector.broadcast %and3A_466 : i32 to vector<16xi32>
    %and3A_468 = arith.andi %add3A_117, %and3A_467 : vector<16xi32>
    %shift_left3A_469 = arith.constant 5 : i32
    %shift_left3A_470 = vector.broadcast %shift_left3A_469 : i32 to vector<16xi32>
    %shift_left3A_471 = arith.shli %and3A_468, %shift_left3A_470 : vector<16xi32>
    %and3A_472 = arith.constant 3 : i32
    %and3A_473 = vector.broadcast %and3A_472 : i32 to vector<16xi32>
    %and3A_474 = arith.andi %add3A_120, %and3A_473 : vector<16xi32>
    %shift_left3A_475 = arith.constant 5 : i32
    %shift_left3A_476 = vector.broadcast %shift_left3A_475 : i32 to vector<16xi32>
    %shift_left3A_477 = arith.shli %and3A_474, %shift_left3A_476 : vector<16xi32>
    %scan3A = arith.constant 0 : i32
    %scan3A_478 = arith.constant 5 : i32
    %scan3A_479 = arith.addi %scan3A, %scan3A_478 : i32
    %scan3A_480 = arith.constant 1 : i32
    scf.for %scan3A_489 = %scan3A to %scan3A_479 step %scan3A_480  : i32 {
      %mul3A_490 = arith.constant 32 : i32
      %mul3A_491 = arith.muli %scan3A_489, %mul3A_490 : i32
      %add3A_492 = arith.addi %add3A, %mul3A_491 : i32
      %lt3A = arith.constant 156 : i32
      %lt3A_493 = arith.cmpi slt, %add3A_492, %lt3A : i32
      %convert_element_type3A_494 = arith.extui %lt3A_493 : i1 to i32
      %cond3A_495 = arith.constant 0 : i32
      %cond3A_496 = arith.cmpi ne, %convert_element_type3A_494, %cond3A_495 : i32
      scf.if %cond3A_496 {
        %mul3A_497 = arith.constant 640 : i32
        %mul3A_498 = arith.muli %add3A_492, %mul3A_497 : i32
        "tpu.region"() ({
          %run_scoped3A = tpu.sem_alloc : memref<!tpu.dma_semaphore, #tpu.memory_space<semaphore_mem>>
          %dma_start3A = arith.constant 0 : i32
          %dma_start3A_503 = arith.constant 0 : i32
          %dma_start3A_504 = tpu.memref_slice %arg2[%dma_start3A, %dma_start3A_503, %mul3A_498] : memref<4x8x100000xf32, #tpu.memory_space<hbm>> -> memref<4x8x640xf32, #tpu.memory_space<hbm>>
          %dma_start3A_505 = arith.constant 0 : i32
          %dma_start3A_506 = arith.constant 0 : i32
          %dma_start3A_507 = tpu.memref_slice %arg2[%dma_start3A_505, %dma_start3A_506, %mul3A_498] : memref<4x8x100000xf32, #tpu.memory_space<hbm>> -> memref<4x8x640xf32, #tpu.memory_space<hbm>>
          tpu.enqueue_dma source(%dma_start3A_507 : memref<4x8x640xf32, #tpu.memory_space<hbm>>) target(%arg5 : memref<4x8x640xf32, #tpu.memory_space<vmem>>) target_semaphore(%run_scoped3A : memref<!tpu.dma_semaphore, #tpu.memory_space<semaphore_mem>>)
          %dma_wait3A = arith.constant 0 : i32
          %dma_wait3A_508 = arith.constant 0 : i32
          %dma_wait3A_509 = tpu.memref_slice %arg2[%dma_wait3A, %dma_wait3A_508, %mul3A_498] : memref<4x8x100000xf32, #tpu.memory_space<hbm>> -> memref<4x8x640xf32, #tpu.memory_space<hbm>>
          %dma_wait3A_510 = arith.constant 0 : i32
          %dma_wait3A_511 = arith.constant 0 : i32
          %dma_wait3A_512 = tpu.memref_slice %arg2[%dma_wait3A_510, %dma_wait3A_511, %mul3A_498] : memref<4x8x100000xf32, #tpu.memory_space<hbm>> -> memref<4x8x640xf32, #tpu.memory_space<hbm>>
          tpu.wait_dma2 semaphore(%run_scoped3A : memref<!tpu.dma_semaphore, #tpu.memory_space<semaphore_mem>>) src(%dma_wait3A_512 : memref<4x8x640xf32, #tpu.memory_space<hbm>>) dst(%arg5 : memref<4x8x640xf32, #tpu.memory_space<vmem>>)
          tpu.yield
        }) : () -> ()
        %parallel_loop3A = arith.constant 0 : i32
        %parallel_loop3A_499 = arith.constant 32 : i32
        %parallel_loop3A_500 = arith.constant 1 : i32
        scf.for %parallel_loop3A_503 = %parallel_loop3A to %parallel_loop3A_499 step %parallel_loop3A_500  : i32 {
          %parallel_loop3A_504 = vector.broadcast %parallel_loop3A_503 : i32 to vector<16xi32>
          %parallel_loop3A_505 = arith.addi %iota3A, %parallel_loop3A_504 : vector<16xi32>
          %parallel_loop3A_506 = arith.constant 15 : i32
          %parallel_loop3A_507 = vector.broadcast %parallel_loop3A_506 : i32 to vector<16xi32>
          %parallel_loop3A_508 = arith.andi %parallel_loop3A_505, %parallel_loop3A_507 : vector<16xi32>
          %parallel_loop3A_509 = arith.constant 16 : i32
          %parallel_loop3A_510 = arith.andi %parallel_loop3A_503, %parallel_loop3A_509 : i32
          %parallel_loop3A_511 = vector.broadcast %parallel_loop3A_510 : i32 to vector<16xi32>
          %parallel_loop3A_512 = arith.addi %parallel_loop3A_508, %parallel_loop3A_511 : vector<16xi32>
          %parallel_loop3A_513 = arith.constant 3 : i32
          %parallel_loop3A_514 = vector.broadcast %parallel_loop3A_513 : i32 to vector<16xi32>
          %parallel_loop3A_515 = arith.shrui %parallel_loop3A_512, %parallel_loop3A_514 : vector<16xi32>
          %parallel_loop3A_516 = arith.constant 7 : i32
          %parallel_loop3A_517 = vector.broadcast %parallel_loop3A_516 : i32 to vector<16xi32>
          %parallel_loop3A_518 = arith.andi %parallel_loop3A_512, %parallel_loop3A_517 : vector<16xi32>
          %parallel_loop3A_519 = tpu.vector_load_idx %arg5[%parallel_loop3A_515, %parallel_loop3A_518, %add3A_3] : memref<4x8x640xf32, #tpu.memory_space<vmem>>[vector<16xi32>, vector<16xi32>, vector<16xi32>], vector<16xf32>,
          %parallel_loop3A_520 = tpu.vector_load_idx %arg5[%parallel_loop3A_515, %parallel_loop3A_518, %add3A_6] : memref<4x8x640xf32, #tpu.memory_space<vmem>>[vector<16xi32>, vector<16xi32>, vector<16xi32>], vector<16xf32>,
          %parallel_loop3A_521 = tpu.vector_load_idx %arg5[%parallel_loop3A_515, %parallel_loop3A_518, %add3A_9] : memref<4x8x640xf32, #tpu.memory_space<vmem>>[vector<16xi32>, vector<16xi32>, vector<16xi32>], vector<16xf32>,
          %parallel_loop3A_522 = tpu.vector_load_idx %arg5[%parallel_loop3A_515, %parallel_loop3A_518, %add3A_12] : memref<4x8x640xf32, #tpu.memory_space<vmem>>[vector<16xi32>, vector<16xi32>, vector<16xi32>], vector<16xf32>,
          %parallel_loop3A_523 = tpu.vector_load_idx %arg5[%parallel_loop3A_515, %parallel_loop3A_518, %add3A_15] : memref<4x8x640xf32, #tpu.memory_space<vmem>>[vector<16xi32>, vector<16xi32>, vector<16xi32>], vector<16xf32>,
          %parallel_loop3A_524 = tpu.vector_load_idx %arg5[%parallel_loop3A_515, %parallel_loop3A_518, %add3A_18] : memref<4x8x640xf32, #tpu.memory_space<vmem>>[vector<16xi32>, vector<16xi32>, vector<16xi32>], vector<16xf32>,
          %parallel_loop3A_525 = tpu.vector_load_idx %arg5[%parallel_loop3A_515, %parallel_loop3A_518, %add3A_21] : memref<4x8x640xf32, #tpu.memory_space<vmem>>[vector<16xi32>, vector<16xi32>, vector<16xi32>], vector<16xf32>,
          %parallel_loop3A_526 = tpu.vector_load_idx %arg5[%parallel_loop3A_515, %parallel_loop3A_518, %add3A_24] : memref<4x8x640xf32, #tpu.memory_space<vmem>>[vector<16xi32>, vector<16xi32>, vector<16xi32>], vector<16xf32>,
          %parallel_loop3A_527 = arith.addi %shift_left3A_243, %parallel_loop3A_512 : vector<16xi32>
          tpu.vector_store_idx %arg6[%shift_right_logical3A_122, %parallel_loop3A_527], %parallel_loop3A_519 : memref<160x128xf32, #tpu.memory_space<vmem>>[vector<16xi32>, vector<16xi32>], vector<16xf32>,
          %parallel_loop3A_528 = arith.addi %shift_left3A_249, %parallel_loop3A_512 : vector<16xi32>
          tpu.vector_store_idx %arg6[%shift_right_logical3A_125, %parallel_loop3A_528], %parallel_loop3A_520 : memref<160x128xf32, #tpu.memory_space<vmem>>[vector<16xi32>, vector<16xi32>], vector<16xf32>,
          %parallel_loop3A_529 = arith.addi %shift_left3A_255, %parallel_loop3A_512 : vector<16xi32>
          tpu.vector_store_idx %arg6[%shift_right_logical3A_128, %parallel_loop3A_529], %parallel_loop3A_521 : memref<160x128xf32, #tpu.memory_space<vmem>>[vector<16xi32>, vector<16xi32>], vector<16xf32>,
          %parallel_loop3A_530 = arith.addi %shift_left3A_261, %parallel_loop3A_512 : vector<16xi32>
          tpu.vector_store_idx %arg6[%shift_right_logical3A_131, %parallel_loop3A_530], %parallel_loop3A_522 : memref<160x128xf32, #tpu.memory_space<vmem>>[vector<16xi32>, vector<16xi32>], vector<16xf32>,
          %parallel_loop3A_531 = arith.addi %shift_left3A_267, %parallel_loop3A_512 : vector<16xi32>
          tpu.vector_store_idx %arg6[%shift_right_logical3A_134, %parallel_loop3A_531], %parallel_loop3A_523 : memref<160x128xf32, #tpu.memory_space<vmem>>[vector<16xi32>, vector<16xi32>], vector<16xf32>,
          %parallel_loop3A_532 = arith.addi %shift_left3A_273, %parallel_loop3A_512 : vector<16xi32>
          tpu.vector_store_idx %arg6[%shift_right_logical3A_137, %parallel_loop3A_532], %parallel_loop3A_524 : memref<160x128xf32, #tpu.memory_space<vmem>>[vector<16xi32>, vector<16xi32>], vector<16xf32>,
          %parallel_loop3A_533 = arith.addi %shift_left3A_279, %parallel_loop3A_512 : vector<16xi32>
          tpu.vector_store_idx %arg6[%shift_right_logical3A_140, %parallel_loop3A_533], %parallel_loop3A_525 : memref<160x128xf32, #tpu.memory_space<vmem>>[vector<16xi32>, vector<16xi32>], vector<16xf32>,
          %parallel_loop3A_534 = arith.addi %shift_left3A_285, %parallel_loop3A_512 : vector<16xi32>
          tpu.vector_store_idx %arg6[%shift_right_logical3A_143, %parallel_loop3A_534], %parallel_loop3A_526 : memref<160x128xf32, #tpu.memory_space<vmem>>[vector<16xi32>, vector<16xi32>], vector<16xf32>,
          %parallel_loop3A_535 = tpu.vector_load_idx %arg5[%parallel_loop3A_515, %parallel_loop3A_518, %add3A_27] : memref<4x8x640xf32, #tpu.memory_space<vmem>>[vector<16xi32>, vector<16xi32>, vector<16xi32>], vector<16xf32>,
          %parallel_loop3A_536 = tpu.vector_load_idx %arg5[%parallel_loop3A_515, %parallel_loop3A_518, %add3A_30] : memref<4x8x640xf32, #tpu.memory_space<vmem>>[vector<16xi32>, vector<16xi32>, vector<16xi32>], vector<16xf32>,
          %parallel_loop3A_537 = tpu.vector_load_idx %arg5[%parallel_loop3A_515, %parallel_loop3A_518, %add3A_33] : memref<4x8x640xf32, #tpu.memory_space<vmem>>[vector<16xi32>, vector<16xi32>, vector<16xi32>], vector<16xf32>,
          %parallel_loop3A_538 = tpu.vector_load_idx %arg5[%parallel_loop3A_515, %parallel_loop3A_518, %add3A_36] : memref<4x8x640xf32, #tpu.memory_space<vmem>>[vector<16xi32>, vector<16xi32>, vector<16xi32>], vector<16xf32>,
          %parallel_loop3A_539 = tpu.vector_load_idx %arg5[%parallel_loop3A_515, %parallel_loop3A_518, %add3A_39] : memref<4x8x640xf32, #tpu.memory_space<vmem>>[vector<16xi32>, vector<16xi32>, vector<16xi32>], vector<16xf32>,
          %parallel_loop3A_540 = tpu.vector_load_idx %arg5[%parallel_loop3A_515, %parallel_loop3A_518, %add3A_42] : memref<4x8x640xf32, #tpu.memory_space<vmem>>[vector<16xi32>, vector<16xi32>, vector<16xi32>], vector<16xf32>,
          %parallel_loop3A_541 = tpu.vector_load_idx %arg5[%parallel_loop3A_515, %parallel_loop3A_518, %add3A_45] : memref<4x8x640xf32, #tpu.memory_space<vmem>>[vector<16xi32>, vector<16xi32>, vector<16xi32>], vector<16xf32>,
          %parallel_loop3A_542 = tpu.vector_load_idx %arg5[%parallel_loop3A_515, %parallel_loop3A_518, %add3A_48] : memref<4x8x640xf32, #tpu.memory_space<vmem>>[vector<16xi32>, vector<16xi32>, vector<16xi32>], vector<16xf32>,
          %parallel_loop3A_543 = arith.addi %shift_left3A_291, %parallel_loop3A_512 : vector<16xi32>
          tpu.vector_store_idx %arg6[%shift_right_logical3A_146, %parallel_loop3A_543], %parallel_loop3A_535 : memref<160x128xf32, #tpu.memory_space<vmem>>[vector<16xi32>, vector<16xi32>], vector<16xf32>,
          %parallel_loop3A_544 = arith.addi %shift_left3A_297, %parallel_loop3A_512 : vector<16xi32>
          tpu.vector_store_idx %arg6[%shift_right_logical3A_149, %parallel_loop3A_544], %parallel_loop3A_536 : memref<160x128xf32, #tpu.memory_space<vmem>>[vector<16xi32>, vector<16xi32>], vector<16xf32>,
          %parallel_loop3A_545 = arith.addi %shift_left3A_303, %parallel_loop3A_512 : vector<16xi32>
          tpu.vector_store_idx %arg6[%shift_right_logical3A_152, %parallel_loop3A_545], %parallel_loop3A_537 : memref<160x128xf32, #tpu.memory_space<vmem>>[vector<16xi32>, vector<16xi32>], vector<16xf32>,
          %parallel_loop3A_546 = arith.addi %shift_left3A_309, %parallel_loop3A_512 : vector<16xi32>
          tpu.vector_store_idx %arg6[%shift_right_logical3A_155, %parallel_loop3A_546], %parallel_loop3A_538 : memref<160x128xf32, #tpu.memory_space<vmem>>[vector<16xi32>, vector<16xi32>], vector<16xf32>,
          %parallel_loop3A_547 = arith.addi %shift_left3A_315, %parallel_loop3A_512 : vector<16xi32>
          tpu.vector_store_idx %arg6[%shift_right_logical3A_158, %parallel_loop3A_547], %parallel_loop3A_539 : memref<160x128xf32, #tpu.memory_space<vmem>>[vector<16xi32>, vector<16xi32>], vector<16xf32>,
          %parallel_loop3A_548 = arith.addi %shift_left3A_321, %parallel_loop3A_512 : vector<16xi32>
          tpu.vector_store_idx %arg6[%shift_right_logical3A_161, %parallel_loop3A_548], %parallel_loop3A_540 : memref<160x128xf32, #tpu.memory_space<vmem>>[vector<16xi32>, vector<16xi32>], vector<16xf32>,
          %parallel_loop3A_549 = arith.addi %shift_left3A_327, %parallel_loop3A_512 : vector<16xi32>
          tpu.vector_store_idx %arg6[%shift_right_logical3A_164, %parallel_loop3A_549], %parallel_loop3A_541 : memref<160x128xf32, #tpu.memory_space<vmem>>[vector<16xi32>, vector<16xi32>], vector<16xf32>,
          %parallel_loop3A_550 = arith.addi %shift_left3A_333, %parallel_loop3A_512 : vector<16xi32>
          tpu.vector_store_idx %arg6[%shift_right_logical3A_167, %parallel_loop3A_550], %parallel_loop3A_542 : memref<160x128xf32, #tpu.memory_space<vmem>>[vector<16xi32>, vector<16xi32>], vector<16xf32>,
          %parallel_loop3A_551 = tpu.vector_load_idx %arg5[%parallel_loop3A_515, %parallel_loop3A_518, %add3A_51] : memref<4x8x640xf32, #tpu.memory_space<vmem>>[vector<16xi32>, vector<16xi32>, vector<16xi32>], vector<16xf32>,
          %parallel_loop3A_552 = tpu.vector_load_idx %arg5[%parallel_loop3A_515, %parallel_loop3A_518, %add3A_54] : memref<4x8x640xf32, #tpu.memory_space<vmem>>[vector<16xi32>, vector<16xi32>, vector<16xi32>], vector<16xf32>,
          %parallel_loop3A_553 = tpu.vector_load_idx %arg5[%parallel_loop3A_515, %parallel_loop3A_518, %add3A_57] : memref<4x8x640xf32, #tpu.memory_space<vmem>>[vector<16xi32>, vector<16xi32>, vector<16xi32>], vector<16xf32>,
          %parallel_loop3A_554 = tpu.vector_load_idx %arg5[%parallel_loop3A_515, %parallel_loop3A_518, %add3A_60] : memref<4x8x640xf32, #tpu.memory_space<vmem>>[vector<16xi32>, vector<16xi32>, vector<16xi32>], vector<16xf32>,
          %parallel_loop3A_555 = tpu.vector_load_idx %arg5[%parallel_loop3A_515, %parallel_loop3A_518, %add3A_63] : memref<4x8x640xf32, #tpu.memory_space<vmem>>[vector<16xi32>, vector<16xi32>, vector<16xi32>], vector<16xf32>,
          %parallel_loop3A_556 = tpu.vector_load_idx %arg5[%parallel_loop3A_515, %parallel_loop3A_518, %add3A_66] : memref<4x8x640xf32, #tpu.memory_space<vmem>>[vector<16xi32>, vector<16xi32>, vector<16xi32>], vector<16xf32>,
          %parallel_loop3A_557 = tpu.vector_load_idx %arg5[%parallel_loop3A_515, %parallel_loop3A_518, %add3A_69] : memref<4x8x640xf32, #tpu.memory_space<vmem>>[vector<16xi32>, vector<16xi32>, vector<16xi32>], vector<16xf32>,
          %parallel_loop3A_558 = tpu.vector_load_idx %arg5[%parallel_loop3A_515, %parallel_loop3A_518, %add3A_72] : memref<4x8x640xf32, #tpu.memory_space<vmem>>[vector<16xi32>, vector<16xi32>, vector<16xi32>], vector<16xf32>,
          %parallel_loop3A_559 = arith.addi %shift_left3A_339, %parallel_loop3A_512 : vector<16xi32>
          tpu.vector_store_idx %arg6[%shift_right_logical3A_170, %parallel_loop3A_559], %parallel_loop3A_551 : memref<160x128xf32, #tpu.memory_space<vmem>>[vector<16xi32>, vector<16xi32>], vector<16xf32>,
          %parallel_loop3A_560 = arith.addi %shift_left3A_345, %parallel_loop3A_512 : vector<16xi32>
          tpu.vector_store_idx %arg6[%shift_right_logical3A_173, %parallel_loop3A_560], %parallel_loop3A_552 : memref<160x128xf32, #tpu.memory_space<vmem>>[vector<16xi32>, vector<16xi32>], vector<16xf32>,
          %parallel_loop3A_561 = arith.addi %shift_left3A_351, %parallel_loop3A_512 : vector<16xi32>
          tpu.vector_store_idx %arg6[%shift_right_logical3A_176, %parallel_loop3A_561], %parallel_loop3A_553 : memref<160x128xf32, #tpu.memory_space<vmem>>[vector<16xi32>, vector<16xi32>], vector<16xf32>,
          %parallel_loop3A_562 = arith.addi %shift_left3A_357, %parallel_loop3A_512 : vector<16xi32>
          tpu.vector_store_idx %arg6[%shift_right_logical3A_179, %parallel_loop3A_562], %parallel_loop3A_554 : memref<160x128xf32, #tpu.memory_space<vmem>>[vector<16xi32>, vector<16xi32>], vector<16xf32>,
          %parallel_loop3A_563 = arith.addi %shift_left3A_363, %parallel_loop3A_512 : vector<16xi32>
          tpu.vector_store_idx %arg6[%shift_right_logical3A_182, %parallel_loop3A_563], %parallel_loop3A_555 : memref<160x128xf32, #tpu.memory_space<vmem>>[vector<16xi32>, vector<16xi32>], vector<16xf32>,
          %parallel_loop3A_564 = arith.addi %shift_left3A_369, %parallel_loop3A_512 : vector<16xi32>
          tpu.vector_store_idx %arg6[%shift_right_logical3A_185, %parallel_loop3A_564], %parallel_loop3A_556 : memref<160x128xf32, #tpu.memory_space<vmem>>[vector<16xi32>, vector<16xi32>], vector<16xf32>,
          %parallel_loop3A_565 = arith.addi %shift_left3A_375, %parallel_loop3A_512 : vector<16xi32>
          tpu.vector_store_idx %arg6[%shift_right_logical3A_188, %parallel_loop3A_565], %parallel_loop3A_557 : memref<160x128xf32, #tpu.memory_space<vmem>>[vector<16xi32>, vector<16xi32>], vector<16xf32>,
          %parallel_loop3A_566 = arith.addi %shift_left3A_381, %parallel_loop3A_512 : vector<16xi32>
          tpu.vector_store_idx %arg6[%shift_right_logical3A_191, %parallel_loop3A_566], %parallel_loop3A_558 : memref<160x128xf32, #tpu.memory_space<vmem>>[vector<16xi32>, vector<16xi32>], vector<16xf32>,
          %parallel_loop3A_567 = tpu.vector_load_idx %arg5[%parallel_loop3A_515, %parallel_loop3A_518, %add3A_75] : memref<4x8x640xf32, #tpu.memory_space<vmem>>[vector<16xi32>, vector<16xi32>, vector<16xi32>], vector<16xf32>,
          %parallel_loop3A_568 = tpu.vector_load_idx %arg5[%parallel_loop3A_515, %parallel_loop3A_518, %add3A_78] : memref<4x8x640xf32, #tpu.memory_space<vmem>>[vector<16xi32>, vector<16xi32>, vector<16xi32>], vector<16xf32>,
          %parallel_loop3A_569 = tpu.vector_load_idx %arg5[%parallel_loop3A_515, %parallel_loop3A_518, %add3A_81] : memref<4x8x640xf32, #tpu.memory_space<vmem>>[vector<16xi32>, vector<16xi32>, vector<16xi32>], vector<16xf32>,
          %parallel_loop3A_570 = tpu.vector_load_idx %arg5[%parallel_loop3A_515, %parallel_loop3A_518, %add3A_84] : memref<4x8x640xf32, #tpu.memory_space<vmem>>[vector<16xi32>, vector<16xi32>, vector<16xi32>], vector<16xf32>,
          %parallel_loop3A_571 = tpu.vector_load_idx %arg5[%parallel_loop3A_515, %parallel_loop3A_518, %add3A_87] : memref<4x8x640xf32, #tpu.memory_space<vmem>>[vector<16xi32>, vector<16xi32>, vector<16xi32>], vector<16xf32>,
          %parallel_loop3A_572 = tpu.vector_load_idx %arg5[%parallel_loop3A_515, %parallel_loop3A_518, %add3A_90] : memref<4x8x640xf32, #tpu.memory_space<vmem>>[vector<16xi32>, vector<16xi32>, vector<16xi32>], vector<16xf32>,
          %parallel_loop3A_573 = tpu.vector_load_idx %arg5[%parallel_loop3A_515, %parallel_loop3A_518, %add3A_93] : memref<4x8x640xf32, #tpu.memory_space<vmem>>[vector<16xi32>, vector<16xi32>, vector<16xi32>], vector<16xf32>,
          %parallel_loop3A_574 = tpu.vector_load_idx %arg5[%parallel_loop3A_515, %parallel_loop3A_518, %add3A_96] : memref<4x8x640xf32, #tpu.memory_space<vmem>>[vector<16xi32>, vector<16xi32>, vector<16xi32>], vector<16xf32>,
          %parallel_loop3A_575 = arith.addi %shift_left3A_387, %parallel_loop3A_512 : vector<16xi32>
          tpu.vector_store_idx %arg6[%shift_right_logical3A_194, %parallel_loop3A_575], %parallel_loop3A_567 : memref<160x128xf32, #tpu.memory_space<vmem>>[vector<16xi32>, vector<16xi32>], vector<16xf32>,
          %parallel_loop3A_576 = arith.addi %shift_left3A_393, %parallel_loop3A_512 : vector<16xi32>
          tpu.vector_store_idx %arg6[%shift_right_logical3A_197, %parallel_loop3A_576], %parallel_loop3A_568 : memref<160x128xf32, #tpu.memory_space<vmem>>[vector<16xi32>, vector<16xi32>], vector<16xf32>,
          %parallel_loop3A_577 = arith.addi %shift_left3A_399, %parallel_loop3A_512 : vector<16xi32>
          tpu.vector_store_idx %arg6[%shift_right_logical3A_200, %parallel_loop3A_577], %parallel_loop3A_569 : memref<160x128xf32, #tpu.memory_space<vmem>>[vector<16xi32>, vector<16xi32>], vector<16xf32>,
          %parallel_loop3A_578 = arith.addi %shift_left3A_405, %parallel_loop3A_512 : vector<16xi32>
          tpu.vector_store_idx %arg6[%shift_right_logical3A_203, %parallel_loop3A_578], %parallel_loop3A_570 : memref<160x128xf32, #tpu.memory_space<vmem>>[vector<16xi32>, vector<16xi32>], vector<16xf32>,
          %parallel_loop3A_579 = arith.addi %shift_left3A_411, %parallel_loop3A_512 : vector<16xi32>
          tpu.vector_store_idx %arg6[%shift_right_logical3A_206, %parallel_loop3A_579], %parallel_loop3A_571 : memref<160x128xf32, #tpu.memory_space<vmem>>[vector<16xi32>, vector<16xi32>], vector<16xf32>,
          %parallel_loop3A_580 = arith.addi %shift_left3A_417, %parallel_loop3A_512 : vector<16xi32>
          tpu.vector_store_idx %arg6[%shift_right_logical3A_209, %parallel_loop3A_580], %parallel_loop3A_572 : memref<160x128xf32, #tpu.memory_space<vmem>>[vector<16xi32>, vector<16xi32>], vector<16xf32>,
          %parallel_loop3A_581 = arith.addi %shift_left3A_423, %parallel_loop3A_512 : vector<16xi32>
          tpu.vector_store_idx %arg6[%shift_right_logical3A_212, %parallel_loop3A_581], %parallel_loop3A_573 : memref<160x128xf32, #tpu.memory_space<vmem>>[vector<16xi32>, vector<16xi32>], vector<16xf32>,
          %parallel_loop3A_582 = arith.addi %shift_left3A_429, %parallel_loop3A_512 : vector<16xi32>
          tpu.vector_store_idx %arg6[%shift_right_logical3A_215, %parallel_loop3A_582], %parallel_loop3A_574 : memref<160x128xf32, #tpu.memory_space<vmem>>[vector<16xi32>, vector<16xi32>], vector<16xf32>,
          %parallel_loop3A_583 = tpu.vector_load_idx %arg5[%parallel_loop3A_515, %parallel_loop3A_518, %add3A_99] : memref<4x8x640xf32, #tpu.memory_space<vmem>>[vector<16xi32>, vector<16xi32>, vector<16xi32>], vector<16xf32>,
          %parallel_loop3A_584 = tpu.vector_load_idx %arg5[%parallel_loop3A_515, %parallel_loop3A_518, %add3A_102] : memref<4x8x640xf32, #tpu.memory_space<vmem>>[vector<16xi32>, vector<16xi32>, vector<16xi32>], vector<16xf32>,
          %parallel_loop3A_585 = tpu.vector_load_idx %arg5[%parallel_loop3A_515, %parallel_loop3A_518, %add3A_105] : memref<4x8x640xf32, #tpu.memory_space<vmem>>[vector<16xi32>, vector<16xi32>, vector<16xi32>], vector<16xf32>,
          %parallel_loop3A_586 = tpu.vector_load_idx %arg5[%parallel_loop3A_515, %parallel_loop3A_518, %add3A_108] : memref<4x8x640xf32, #tpu.memory_space<vmem>>[vector<16xi32>, vector<16xi32>, vector<16xi32>], vector<16xf32>,
          %parallel_loop3A_587 = tpu.vector_load_idx %arg5[%parallel_loop3A_515, %parallel_loop3A_518, %add3A_111] : memref<4x8x640xf32, #tpu.memory_space<vmem>>[vector<16xi32>, vector<16xi32>, vector<16xi32>], vector<16xf32>,
          %parallel_loop3A_588 = tpu.vector_load_idx %arg5[%parallel_loop3A_515, %parallel_loop3A_518, %add3A_114] : memref<4x8x640xf32, #tpu.memory_space<vmem>>[vector<16xi32>, vector<16xi32>, vector<16xi32>], vector<16xf32>,
          %parallel_loop3A_589 = tpu.vector_load_idx %arg5[%parallel_loop3A_515, %parallel_loop3A_518, %add3A_117] : memref<4x8x640xf32, #tpu.memory_space<vmem>>[vector<16xi32>, vector<16xi32>, vector<16xi32>], vector<16xf32>,
          %parallel_loop3A_590 = tpu.vector_load_idx %arg5[%parallel_loop3A_515, %parallel_loop3A_518, %add3A_120] : memref<4x8x640xf32, #tpu.memory_space<vmem>>[vector<16xi32>, vector<16xi32>, vector<16xi32>], vector<16xf32>,
          %parallel_loop3A_591 = arith.addi %shift_left3A_435, %parallel_loop3A_512 : vector<16xi32>
          tpu.vector_store_idx %arg6[%shift_right_logical3A_218, %parallel_loop3A_591], %parallel_loop3A_583 : memref<160x128xf32, #tpu.memory_space<vmem>>[vector<16xi32>, vector<16xi32>], vector<16xf32>,
          %parallel_loop3A_592 = arith.addi %shift_left3A_441, %parallel_loop3A_512 : vector<16xi32>
          tpu.vector_store_idx %arg6[%shift_right_logical3A_221, %parallel_loop3A_592], %parallel_loop3A_584 : memref<160x128xf32, #tpu.memory_space<vmem>>[vector<16xi32>, vector<16xi32>], vector<16xf32>,
          %parallel_loop3A_593 = arith.addi %shift_left3A_447, %parallel_loop3A_512 : vector<16xi32>
          tpu.vector_store_idx %arg6[%shift_right_logical3A_224, %parallel_loop3A_593], %parallel_loop3A_585 : memref<160x128xf32, #tpu.memory_space<vmem>>[vector<16xi32>, vector<16xi32>], vector<16xf32>,
          %parallel_loop3A_594 = arith.addi %shift_left3A_453, %parallel_loop3A_512 : vector<16xi32>
          tpu.vector_store_idx %arg6[%shift_right_logical3A_227, %parallel_loop3A_594], %parallel_loop3A_586 : memref<160x128xf32, #tpu.memory_space<vmem>>[vector<16xi32>, vector<16xi32>], vector<16xf32>,
          %parallel_loop3A_595 = arith.addi %shift_left3A_459, %parallel_loop3A_512 : vector<16xi32>
          tpu.vector_store_idx %arg6[%shift_right_logical3A_230, %parallel_loop3A_595], %parallel_loop3A_587 : memref<160x128xf32, #tpu.memory_space<vmem>>[vector<16xi32>, vector<16xi32>], vector<16xf32>,
          %parallel_loop3A_596 = arith.addi %shift_left3A_465, %parallel_loop3A_512 : vector<16xi32>
          tpu.vector_store_idx %arg6[%shift_right_logical3A_233, %parallel_loop3A_596], %parallel_loop3A_588 : memref<160x128xf32, #tpu.memory_space<vmem>>[vector<16xi32>, vector<16xi32>], vector<16xf32>,
          %parallel_loop3A_597 = arith.addi %shift_left3A_471, %parallel_loop3A_512 : vector<16xi32>
          tpu.vector_store_idx %arg6[%shift_right_logical3A_236, %parallel_loop3A_597], %parallel_loop3A_589 : memref<160x128xf32, #tpu.memory_space<vmem>>[vector<16xi32>, vector<16xi32>], vector<16xf32>,
          %parallel_loop3A_598 = arith.addi %shift_left3A_477, %parallel_loop3A_512 : vector<16xi32>
          tpu.vector_store_idx %arg6[%shift_right_logical3A_239, %parallel_loop3A_598], %parallel_loop3A_590 : memref<160x128xf32, #tpu.memory_space<vmem>>[vector<16xi32>, vector<16xi32>], vector<16xf32>,
        } {sc.loop_unroll_factor = 2 : i64, sc.parallel_access}
        %mul3A_501 = arith.constant 160 : i32
        %mul3A_502 = arith.muli %add3A_492, %mul3A_501 : i32
        "tpu.region"() ({
          %run_scoped3A = tpu.sem_alloc : memref<!tpu.dma_semaphore, #tpu.memory_space<semaphore_mem>>
          %dma_start3A = arith.constant 0 : i32
          %dma_start3A_503 = tpu.memref_slice %arg4[%mul3A_502, %dma_start3A] : memref<25000x128xf32, #tpu.memory_space<hbm>> -> memref<160x128xf32, #tpu.memory_space<hbm>>
          %dma_start3A_504 = arith.constant 0 : i32
          %dma_start3A_505 = tpu.memref_slice %arg4[%mul3A_502, %dma_start3A_504] : memref<25000x128xf32, #tpu.memory_space<hbm>> -> memref<160x128xf32, #tpu.memory_space<hbm>>
          tpu.enqueue_dma source(%arg6 : memref<160x128xf32, #tpu.memory_space<vmem>>) target(%dma_start3A_505 : memref<160x128xf32, #tpu.memory_space<hbm>>) target_semaphore(%run_scoped3A : memref<!tpu.dma_semaphore, #tpu.memory_space<semaphore_mem>>)
          %dma_wait3A = arith.constant 0 : i32
          %dma_wait3A_506 = tpu.memref_slice %arg4[%mul3A_502, %dma_wait3A] : memref<25000x128xf32, #tpu.memory_space<hbm>> -> memref<160x128xf32, #tpu.memory_space<hbm>>
          %dma_wait3A_507 = arith.constant 0 : i32
          %dma_wait3A_508 = tpu.memref_slice %arg4[%mul3A_502, %dma_wait3A_507] : memref<25000x128xf32, #tpu.memory_space<hbm>> -> memref<160x128xf32, #tpu.memory_space<hbm>>
          tpu.wait_dma2 semaphore(%run_scoped3A : memref<!tpu.dma_semaphore, #tpu.memory_space<semaphore_mem>>) src(%arg6 : memref<160x128xf32, #tpu.memory_space<vmem>>) dst(%dma_wait3A_508 : memref<160x128xf32, #tpu.memory_space<hbm>>)
          tpu.yield
        }) : () -> ()
      } else {
      }
    }
    %scan3A_481 = arith.constant 5 : i32
    %eq3A = arith.constant 30 : i32
    %eq3A_482 = arith.cmpi eq, %add3A, %eq3A : i32
    %convert_element_type3A = arith.extui %eq3A_482 : i1 to i32
    %cond3A = arith.constant 0 : i32
    %cond3A_483 = arith.cmpi ne, %convert_element_type3A, %cond3A : i32
    scf.if %cond3A_483 {
      "tpu.region"() ({
        %run_scoped3A = tpu.sem_alloc : memref<!tpu.dma_semaphore, #tpu.memory_space<semaphore_mem>>
        %dma_start3A = arith.constant 0 : i32
        %dma_start3A_491 = arith.constant 0 : i32
        %dma_start3A_492 = arith.constant 99840 : i32
        %dma_start3A_493 = tpu.memref_slice %arg2[%dma_start3A, %dma_start3A_491, %dma_start3A_492] : memref<4x8x100000xf32, #tpu.memory_space<hbm>> -> memref<4x8x128xf32, #tpu.memory_space<hbm>>
        %dma_start3A_494 = arith.constant 0 : i32
        %dma_start3A_495 = arith.constant 0 : i32
        %dma_start3A_496 = arith.constant 99840 : i32
        %dma_start3A_497 = tpu.memref_slice %arg2[%dma_start3A_494, %dma_start3A_495, %dma_start3A_496] : memref<4x8x100000xf32, #tpu.memory_space<hbm>> -> memref<4x8x128xf32, #tpu.memory_space<hbm>>
        tpu.enqueue_dma source(%dma_start3A_497 : memref<4x8x128xf32, #tpu.memory_space<hbm>>) target(%arg7 : memref<4x8x128xf32, #tpu.memory_space<vmem>>) target_semaphore(%run_scoped3A : memref<!tpu.dma_semaphore, #tpu.memory_space<semaphore_mem>>)
        %dma_wait3A = arith.constant 0 : i32
        %dma_wait3A_498 = arith.constant 0 : i32
        %dma_wait3A_499 = arith.constant 99840 : i32
        %dma_wait3A_500 = tpu.memref_slice %arg2[%dma_wait3A, %dma_wait3A_498, %dma_wait3A_499] : memref<4x8x100000xf32, #tpu.memory_space<hbm>> -> memref<4x8x128xf32, #tpu.memory_space<hbm>>
        %dma_wait3A_501 = arith.constant 0 : i32
        %dma_wait3A_502 = arith.constant 0 : i32
        %dma_wait3A_503 = arith.constant 99840 : i32
        %dma_wait3A_504 = tpu.memref_slice %arg2[%dma_wait3A_501, %dma_wait3A_502, %dma_wait3A_503] : memref<4x8x100000xf32, #tpu.memory_space<hbm>> -> memref<4x8x128xf32, #tpu.memory_space<hbm>>
        tpu.wait_dma2 semaphore(%run_scoped3A : memref<!tpu.dma_semaphore, #tpu.memory_space<semaphore_mem>>) src(%dma_wait3A_504 : memref<4x8x128xf32, #tpu.memory_space<hbm>>) dst(%arg7 : memref<4x8x128xf32, #tpu.memory_space<vmem>>)
        tpu.yield
      }) : () -> ()
      %parallel_loop3A = arith.constant 0 : i32
      %parallel_loop3A_489 = arith.constant 32 : i32
      %parallel_loop3A_490 = arith.constant 1 : i32
      scf.for %parallel_loop3A_491 = %parallel_loop3A to %parallel_loop3A_489 step %parallel_loop3A_490  : i32 {
        %parallel_loop3A_492 = vector.broadcast %parallel_loop3A_491 : i32 to vector<16xi32>
        %parallel_loop3A_493 = arith.addi %iota3A, %parallel_loop3A_492 : vector<16xi32>
        %parallel_loop3A_494 = arith.constant 15 : i32
        %parallel_loop3A_495 = vector.broadcast %parallel_loop3A_494 : i32 to vector<16xi32>
        %parallel_loop3A_496 = arith.andi %parallel_loop3A_493, %parallel_loop3A_495 : vector<16xi32>
        %parallel_loop3A_497 = arith.constant 16 : i32
        %parallel_loop3A_498 = arith.andi %parallel_loop3A_491, %parallel_loop3A_497 : i32
        %parallel_loop3A_499 = vector.broadcast %parallel_loop3A_498 : i32 to vector<16xi32>
        %parallel_loop3A_500 = arith.addi %parallel_loop3A_496, %parallel_loop3A_499 : vector<16xi32>
        %parallel_loop3A_501 = arith.constant 3 : i32
        %parallel_loop3A_502 = vector.broadcast %parallel_loop3A_501 : i32 to vector<16xi32>
        %parallel_loop3A_503 = arith.shrui %parallel_loop3A_500, %parallel_loop3A_502 : vector<16xi32>
        %parallel_loop3A_504 = arith.constant 7 : i32
        %parallel_loop3A_505 = vector.broadcast %parallel_loop3A_504 : i32 to vector<16xi32>
        %parallel_loop3A_506 = arith.andi %parallel_loop3A_500, %parallel_loop3A_505 : vector<16xi32>
        %parallel_loop3A_507 = tpu.vector_load_idx %arg7[%parallel_loop3A_503, %parallel_loop3A_506, %add3A_3] : memref<4x8x128xf32, #tpu.memory_space<vmem>>[vector<16xi32>, vector<16xi32>, vector<16xi32>], vector<16xf32>,
        %parallel_loop3A_508 = tpu.vector_load_idx %arg7[%parallel_loop3A_503, %parallel_loop3A_506, %add3A_6] : memref<4x8x128xf32, #tpu.memory_space<vmem>>[vector<16xi32>, vector<16xi32>, vector<16xi32>], vector<16xf32>,
        %parallel_loop3A_509 = tpu.vector_load_idx %arg7[%parallel_loop3A_503, %parallel_loop3A_506, %add3A_9] : memref<4x8x128xf32, #tpu.memory_space<vmem>>[vector<16xi32>, vector<16xi32>, vector<16xi32>], vector<16xf32>,
        %parallel_loop3A_510 = tpu.vector_load_idx %arg7[%parallel_loop3A_503, %parallel_loop3A_506, %add3A_12] : memref<4x8x128xf32, #tpu.memory_space<vmem>>[vector<16xi32>, vector<16xi32>, vector<16xi32>], vector<16xf32>,
        %parallel_loop3A_511 = tpu.vector_load_idx %arg7[%parallel_loop3A_503, %parallel_loop3A_506, %add3A_15] : memref<4x8x128xf32, #tpu.memory_space<vmem>>[vector<16xi32>, vector<16xi32>, vector<16xi32>], vector<16xf32>,
        %parallel_loop3A_512 = tpu.vector_load_idx %arg7[%parallel_loop3A_503, %parallel_loop3A_506, %add3A_18] : memref<4x8x128xf32, #tpu.memory_space<vmem>>[vector<16xi32>, vector<16xi32>, vector<16xi32>], vector<16xf32>,
        %parallel_loop3A_513 = tpu.vector_load_idx %arg7[%parallel_loop3A_503, %parallel_loop3A_506, %add3A_21] : memref<4x8x128xf32, #tpu.memory_space<vmem>>[vector<16xi32>, vector<16xi32>, vector<16xi32>], vector<16xf32>,
        %parallel_loop3A_514 = tpu.vector_load_idx %arg7[%parallel_loop3A_503, %parallel_loop3A_506, %add3A_24] : memref<4x8x128xf32, #tpu.memory_space<vmem>>[vector<16xi32>, vector<16xi32>, vector<16xi32>], vector<16xf32>,
        %parallel_loop3A_515 = arith.addi %shift_left3A_243, %parallel_loop3A_500 : vector<16xi32>
        tpu.vector_store_idx %arg8[%shift_right_logical3A_122, %parallel_loop3A_515], %parallel_loop3A_507 : memref<32x128xf32, #tpu.memory_space<vmem>>[vector<16xi32>, vector<16xi32>], vector<16xf32>,
        %parallel_loop3A_516 = arith.addi %shift_left3A_249, %parallel_loop3A_500 : vector<16xi32>
        tpu.vector_store_idx %arg8[%shift_right_logical3A_125, %parallel_loop3A_516], %parallel_loop3A_508 : memref<32x128xf32, #tpu.memory_space<vmem>>[vector<16xi32>, vector<16xi32>], vector<16xf32>,
        %parallel_loop3A_517 = arith.addi %shift_left3A_255, %parallel_loop3A_500 : vector<16xi32>
        tpu.vector_store_idx %arg8[%shift_right_logical3A_128, %parallel_loop3A_517], %parallel_loop3A_509 : memref<32x128xf32, #tpu.memory_space<vmem>>[vector<16xi32>, vector<16xi32>], vector<16xf32>,
        %parallel_loop3A_518 = arith.addi %shift_left3A_261, %parallel_loop3A_500 : vector<16xi32>
        tpu.vector_store_idx %arg8[%shift_right_logical3A_131, %parallel_loop3A_518], %parallel_loop3A_510 : memref<32x128xf32, #tpu.memory_space<vmem>>[vector<16xi32>, vector<16xi32>], vector<16xf32>,
        %parallel_loop3A_519 = arith.addi %shift_left3A_267, %parallel_loop3A_500 : vector<16xi32>
        tpu.vector_store_idx %arg8[%shift_right_logical3A_134, %parallel_loop3A_519], %parallel_loop3A_511 : memref<32x128xf32, #tpu.memory_space<vmem>>[vector<16xi32>, vector<16xi32>], vector<16xf32>,
        %parallel_loop3A_520 = arith.addi %shift_left3A_273, %parallel_loop3A_500 : vector<16xi32>
        tpu.vector_store_idx %arg8[%shift_right_logical3A_137, %parallel_loop3A_520], %parallel_loop3A_512 : memref<32x128xf32, #tpu.memory_space<vmem>>[vector<16xi32>, vector<16xi32>], vector<16xf32>,
        %parallel_loop3A_521 = arith.addi %shift_left3A_279, %parallel_loop3A_500 : vector<16xi32>
        tpu.vector_store_idx %arg8[%shift_right_logical3A_140, %parallel_loop3A_521], %parallel_loop3A_513 : memref<32x128xf32, #tpu.memory_space<vmem>>[vector<16xi32>, vector<16xi32>], vector<16xf32>,
        %parallel_loop3A_522 = arith.addi %shift_left3A_285, %parallel_loop3A_500 : vector<16xi32>
        tpu.vector_store_idx %arg8[%shift_right_logical3A_143, %parallel_loop3A_522], %parallel_loop3A_514 : memref<32x128xf32, #tpu.memory_space<vmem>>[vector<16xi32>, vector<16xi32>], vector<16xf32>,
      } {sc.loop_unroll_factor = 2 : i64, sc.parallel_access}
      "tpu.region"() ({
        %run_scoped3A = tpu.sem_alloc : memref<!tpu.dma_semaphore, #tpu.memory_space<semaphore_mem>>
        %dma_start3A = arith.constant 24960 : i32
        %dma_start3A_491 = arith.constant 0 : i32
        %dma_start3A_492 = tpu.memref_slice %arg4[%dma_start3A, %dma_start3A_491] : memref<25000x128xf32, #tpu.memory_space<hbm>> -> memref<32x128xf32, #tpu.memory_space<hbm>>
        %dma_start3A_493 = arith.constant 24960 : i32
        %dma_start3A_494 = arith.constant 0 : i32
        %dma_start3A_495 = tpu.memref_slice %arg4[%dma_start3A_493, %dma_start3A_494] : memref<25000x128xf32, #tpu.memory_space<hbm>> -> memref<32x128xf32, #tpu.memory_space<hbm>>
        tpu.enqueue_dma source(%arg8 : memref<32x128xf32, #tpu.memory_space<vmem>>) target(%dma_start3A_495 : memref<32x128xf32, #tpu.memory_space<hbm>>) target_semaphore(%run_scoped3A : memref<!tpu.dma_semaphore, #tpu.memory_space<semaphore_mem>>)
        %dma_wait3A = arith.constant 24960 : i32
        %dma_wait3A_496 = arith.constant 0 : i32
        %dma_wait3A_497 = tpu.memref_slice %arg4[%dma_wait3A, %dma_wait3A_496] : memref<25000x128xf32, #tpu.memory_space<hbm>> -> memref<32x128xf32, #tpu.memory_space<hbm>>
        %dma_wait3A_498 = arith.constant 24960 : i32
        %dma_wait3A_499 = arith.constant 0 : i32
        %dma_wait3A_500 = tpu.memref_slice %arg4[%dma_wait3A_498, %dma_wait3A_499] : memref<25000x128xf32, #tpu.memory_space<hbm>> -> memref<32x128xf32, #tpu.memory_space<hbm>>
        tpu.wait_dma2 semaphore(%run_scoped3A : memref<!tpu.dma_semaphore, #tpu.memory_space<semaphore_mem>>) src(%arg8 : memref<32x128xf32, #tpu.memory_space<vmem>>) dst(%dma_wait3A_500 : memref<32x128xf32, #tpu.memory_space<hbm>>)
        tpu.yield
      }) : () -> ()
    } else {
    }
    %eq3A_484 = arith.constant 31 : i32
    %eq3A_485 = arith.cmpi eq, %add3A, %eq3A_484 : i32
    %convert_element_type3A_486 = arith.extui %eq3A_485 : i1 to i32
    %cond3A_487 = arith.constant 0 : i32
    %cond3A_488 = arith.cmpi ne, %convert_element_type3A_486, %cond3A_487 : i32
    scf.if %cond3A_488 {
      "tpu.region"() ({
        %run_scoped3A = tpu.sem_alloc : memref<!tpu.dma_semaphore, #tpu.memory_space<semaphore_mem>>
        tpu.enqueue_dma source(%arg3 : memref<8x128xf32, #tpu.memory_space<hbm>>) target(%arg9 : memref<8x128xf32, #tpu.memory_space<vmem>>) target_semaphore(%run_scoped3A : memref<!tpu.dma_semaphore, #tpu.memory_space<semaphore_mem>>)
        tpu.wait_dma2 semaphore(%run_scoped3A : memref<!tpu.dma_semaphore, #tpu.memory_space<semaphore_mem>>) src(%arg3 : memref<8x128xf32, #tpu.memory_space<hbm>>) dst(%arg9 : memref<8x128xf32, #tpu.memory_space<vmem>>)
        tpu.yield
      }) : () -> ()
      "tpu.region"() ({
        %run_scoped3A = tpu.sem_alloc : memref<!tpu.dma_semaphore, #tpu.memory_space<semaphore_mem>>
        %dma_start3A = arith.constant 24992 : i32
        %dma_start3A_489 = arith.constant 0 : i32
        %dma_start3A_490 = tpu.memref_slice %arg4[%dma_start3A, %dma_start3A_489] : memref<25000x128xf32, #tpu.memory_space<hbm>> -> memref<8x128xf32, #tpu.memory_space<hbm>>
        %dma_start3A_491 = arith.constant 24992 : i32
        %dma_start3A_492 = arith.constant 0 : i32
        %dma_start3A_493 = tpu.memref_slice %arg4[%dma_start3A_491, %dma_start3A_492] : memref<25000x128xf32, #tpu.memory_space<hbm>> -> memref<8x128xf32, #tpu.memory_space<hbm>>
        tpu.enqueue_dma source(%arg9 : memref<8x128xf32, #tpu.memory_space<vmem>>) target(%dma_start3A_493 : memref<8x128xf32, #tpu.memory_space<hbm>>) target_semaphore(%run_scoped3A : memref<!tpu.dma_semaphore, #tpu.memory_space<semaphore_mem>>)
        %dma_wait3A = arith.constant 24992 : i32
        %dma_wait3A_494 = arith.constant 0 : i32
        %dma_wait3A_495 = tpu.memref_slice %arg4[%dma_wait3A, %dma_wait3A_494] : memref<25000x128xf32, #tpu.memory_space<hbm>> -> memref<8x128xf32, #tpu.memory_space<hbm>>
        %dma_wait3A_496 = arith.constant 24992 : i32
        %dma_wait3A_497 = arith.constant 0 : i32
        %dma_wait3A_498 = tpu.memref_slice %arg4[%dma_wait3A_496, %dma_wait3A_497] : memref<25000x128xf32, #tpu.memory_space<hbm>> -> memref<8x128xf32, #tpu.memory_space<hbm>>
        tpu.wait_dma2 semaphore(%run_scoped3A : memref<!tpu.dma_semaphore, #tpu.memory_space<semaphore_mem>>) src(%arg9 : memref<8x128xf32, #tpu.memory_space<vmem>>) dst(%dma_wait3A_498 : memref<8x128xf32, #tpu.memory_space<hbm>>)
        tpu.yield
      }) : () -> ()
    } else {
    }
    return
  }
}

#map = affine_map<(d0, d1) -> (0)>
#map1 = affine_map<(d0, d1) -> (0, 0)>
#map2 = affine_map<(d0, d1) -> (0, 0, 0)>
module attributes {stable_mosaic.version = 14 : i64} {
  func.func @_gather_body(%arg0: i32, %arg1: i32, %arg2: memref<16384xi32, #tpu.memory_space<hbm>>, %arg3: memref<25000x128xf32, #tpu.memory_space<hbm>>, %arg4: memref<4x8x16384xf32, #tpu.memory_space<hbm>>, %arg5: memref<512xi32, #tpu.memory_space<vmem>>, %arg6: memref<512xi32, #tpu.memory_space<vmem>>, %arg7: memref<128x128xf32, #tpu.memory_space<vmem>>, %arg8: memref<128x128xf32, #tpu.memory_space<vmem>>, %arg9: memref<128x128xf32, #tpu.memory_space<vmem>>, %arg10: memref<128x128xf32, #tpu.memory_space<vmem>>, %arg11: memref<4x8x512xf32, #tpu.memory_space<vmem>>, %arg12: memref<!tpu.dma_semaphore, #tpu.memory_space<semaphore_mem>>, %arg13: memref<!tpu.dma_semaphore, #tpu.memory_space<semaphore_mem>>, %arg14: memref<!tpu.dma_semaphore, #tpu.memory_space<semaphore_mem>>, %arg15: memref<!tpu.dma_semaphore, #tpu.memory_space<semaphore_mem>>) attributes {dimension_semantics = [#tpu.dimension_semantics<core_parallel>, #tpu.dimension_semantics<subcore_parallel>], iteration_bounds = array<i64: 2, 16>, scalar_prefetch = 0 : i64, scratch_operands = 11 : i64, tpu.core_type = #tpu.core_type<sc_vector_subcore>, window_params = [{transform_indices = #map}, {transform_indices = #map1}, {transform_indices = #map2}]} {
    %mul3A = arith.constant 2 : i32
    %mul3A_0 = arith.muli %arg1, %mul3A : i32
    %add3A = arith.addi %mul3A_0, %arg0 : i32
    %mul3A_1 = arith.constant 512 : i32
    %mul3A_2 = arith.muli %add3A, %mul3A_1 : i32
    "tpu.region"() ({
      %run_scoped3A = tpu.sem_alloc : memref<!tpu.dma_semaphore, #tpu.memory_space<semaphore_mem>>
      %dma_start3A_623 = tpu.memref_slice %arg2[%mul3A_2] : memref<16384xi32, #tpu.memory_space<hbm>> -> memref<512xi32, #tpu.memory_space<hbm>>
      %dma_start3A_624 = tpu.memref_slice %arg2[%mul3A_2] : memref<16384xi32, #tpu.memory_space<hbm>> -> memref<512xi32, #tpu.memory_space<hbm>>
      tpu.enqueue_dma source(%dma_start3A_624 : memref<512xi32, #tpu.memory_space<hbm>>) target(%arg5 : memref<512xi32, #tpu.memory_space<vmem>>) target_semaphore(%run_scoped3A : memref<!tpu.dma_semaphore, #tpu.memory_space<semaphore_mem>>)
      %dma_wait3A_625 = tpu.memref_slice %arg2[%mul3A_2] : memref<16384xi32, #tpu.memory_space<hbm>> -> memref<512xi32, #tpu.memory_space<hbm>>
      %dma_wait3A_626 = tpu.memref_slice %arg2[%mul3A_2] : memref<16384xi32, #tpu.memory_space<hbm>> -> memref<512xi32, #tpu.memory_space<hbm>>
      tpu.wait_dma2 semaphore(%run_scoped3A : memref<!tpu.dma_semaphore, #tpu.memory_space<semaphore_mem>>) src(%dma_wait3A_626 : memref<512xi32, #tpu.memory_space<hbm>>) dst(%arg5 : memref<512xi32, #tpu.memory_space<vmem>>)
      tpu.yield
    }) : () -> ()
    %get3A = arith.constant 0 : index
    %get3A_3 = tpu.vector_load %arg5[%get3A] {strides = array<i32>} : memref<512xi32, #tpu.memory_space<vmem>>, vector<16xi32>,
    %shift_right_logical3A = arith.constant 2 : i32
    %shift_right_logical3A_4 = vector.broadcast %shift_right_logical3A : i32 to vector<16xi32>
    %shift_right_logical3A_5 = arith.shrui %get3A_3, %shift_right_logical3A_4 : vector<16xi32>
    %swap3A = arith.constant 0 : index
    %swap3A_6 = tpu.vector_load %arg6[%swap3A] {strides = array<i32>} : memref<512xi32, #tpu.memory_space<vmem>>, vector<16xi32>,
    tpu.vector_store %arg6[%swap3A], %shift_right_logical3A_5 {strides = array<i32>} : memref<512xi32, #tpu.memory_space<vmem>>, vector<16xi32>,
    %get3A_7 = arith.constant 16 : index
    %get3A_8 = tpu.vector_load %arg5[%get3A_7] {strides = array<i32>} : memref<512xi32, #tpu.memory_space<vmem>>, vector<16xi32>,
    %shift_right_logical3A_9 = arith.constant 2 : i32
    %shift_right_logical3A_10 = vector.broadcast %shift_right_logical3A_9 : i32 to vector<16xi32>
    %shift_right_logical3A_11 = arith.shrui %get3A_8, %shift_right_logical3A_10 : vector<16xi32>
    %swap3A_12 = arith.constant 16 : index
    %swap3A_13 = tpu.vector_load %arg6[%swap3A_12] {strides = array<i32>} : memref<512xi32, #tpu.memory_space<vmem>>, vector<16xi32>,
    tpu.vector_store %arg6[%swap3A_12], %shift_right_logical3A_11 {strides = array<i32>} : memref<512xi32, #tpu.memory_space<vmem>>, vector<16xi32>,
    %get3A_14 = arith.constant 32 : index
    %get3A_15 = tpu.vector_load %arg5[%get3A_14] {strides = array<i32>} : memref<512xi32, #tpu.memory_space<vmem>>, vector<16xi32>,
    %shift_right_logical3A_16 = arith.constant 2 : i32
    %shift_right_logical3A_17 = vector.broadcast %shift_right_logical3A_16 : i32 to vector<16xi32>
    %shift_right_logical3A_18 = arith.shrui %get3A_15, %shift_right_logical3A_17 : vector<16xi32>
    %swap3A_19 = arith.constant 32 : index
    %swap3A_20 = tpu.vector_load %arg6[%swap3A_19] {strides = array<i32>} : memref<512xi32, #tpu.memory_space<vmem>>, vector<16xi32>,
    tpu.vector_store %arg6[%swap3A_19], %shift_right_logical3A_18 {strides = array<i32>} : memref<512xi32, #tpu.memory_space<vmem>>, vector<16xi32>,
    %get3A_21 = arith.constant 48 : index
    %get3A_22 = tpu.vector_load %arg5[%get3A_21] {strides = array<i32>} : memref<512xi32, #tpu.memory_space<vmem>>, vector<16xi32>,
    %shift_right_logical3A_23 = arith.constant 2 : i32
    %shift_right_logical3A_24 = vector.broadcast %shift_right_logical3A_23 : i32 to vector<16xi32>
    %shift_right_logical3A_25 = arith.shrui %get3A_22, %shift_right_logical3A_24 : vector<16xi32>
    %swap3A_26 = arith.constant 48 : index
    %swap3A_27 = tpu.vector_load %arg6[%swap3A_26] {strides = array<i32>} : memref<512xi32, #tpu.memory_space<vmem>>, vector<16xi32>,
    tpu.vector_store %arg6[%swap3A_26], %shift_right_logical3A_25 {strides = array<i32>} : memref<512xi32, #tpu.memory_space<vmem>>, vector<16xi32>,
    %get3A_28 = arith.constant 64 : index
    %get3A_29 = tpu.vector_load %arg5[%get3A_28] {strides = array<i32>} : memref<512xi32, #tpu.memory_space<vmem>>, vector<16xi32>,
    %shift_right_logical3A_30 = arith.constant 2 : i32
    %shift_right_logical3A_31 = vector.broadcast %shift_right_logical3A_30 : i32 to vector<16xi32>
    %shift_right_logical3A_32 = arith.shrui %get3A_29, %shift_right_logical3A_31 : vector<16xi32>
    %swap3A_33 = arith.constant 64 : index
    %swap3A_34 = tpu.vector_load %arg6[%swap3A_33] {strides = array<i32>} : memref<512xi32, #tpu.memory_space<vmem>>, vector<16xi32>,
    tpu.vector_store %arg6[%swap3A_33], %shift_right_logical3A_32 {strides = array<i32>} : memref<512xi32, #tpu.memory_space<vmem>>, vector<16xi32>,
    %get3A_35 = arith.constant 80 : index
    %get3A_36 = tpu.vector_load %arg5[%get3A_35] {strides = array<i32>} : memref<512xi32, #tpu.memory_space<vmem>>, vector<16xi32>,
    %shift_right_logical3A_37 = arith.constant 2 : i32
    %shift_right_logical3A_38 = vector.broadcast %shift_right_logical3A_37 : i32 to vector<16xi32>
    %shift_right_logical3A_39 = arith.shrui %get3A_36, %shift_right_logical3A_38 : vector<16xi32>
    %swap3A_40 = arith.constant 80 : index
    %swap3A_41 = tpu.vector_load %arg6[%swap3A_40] {strides = array<i32>} : memref<512xi32, #tpu.memory_space<vmem>>, vector<16xi32>,
    tpu.vector_store %arg6[%swap3A_40], %shift_right_logical3A_39 {strides = array<i32>} : memref<512xi32, #tpu.memory_space<vmem>>, vector<16xi32>,
    %get3A_42 = arith.constant 96 : index
    %get3A_43 = tpu.vector_load %arg5[%get3A_42] {strides = array<i32>} : memref<512xi32, #tpu.memory_space<vmem>>, vector<16xi32>,
    %shift_right_logical3A_44 = arith.constant 2 : i32
    %shift_right_logical3A_45 = vector.broadcast %shift_right_logical3A_44 : i32 to vector<16xi32>
    %shift_right_logical3A_46 = arith.shrui %get3A_43, %shift_right_logical3A_45 : vector<16xi32>
    %swap3A_47 = arith.constant 96 : index
    %swap3A_48 = tpu.vector_load %arg6[%swap3A_47] {strides = array<i32>} : memref<512xi32, #tpu.memory_space<vmem>>, vector<16xi32>,
    tpu.vector_store %arg6[%swap3A_47], %shift_right_logical3A_46 {strides = array<i32>} : memref<512xi32, #tpu.memory_space<vmem>>, vector<16xi32>,
    %get3A_49 = arith.constant 112 : index
    %get3A_50 = tpu.vector_load %arg5[%get3A_49] {strides = array<i32>} : memref<512xi32, #tpu.memory_space<vmem>>, vector<16xi32>,
    %shift_right_logical3A_51 = arith.constant 2 : i32
    %shift_right_logical3A_52 = vector.broadcast %shift_right_logical3A_51 : i32 to vector<16xi32>
    %shift_right_logical3A_53 = arith.shrui %get3A_50, %shift_right_logical3A_52 : vector<16xi32>
    %swap3A_54 = arith.constant 112 : index
    %swap3A_55 = tpu.vector_load %arg6[%swap3A_54] {strides = array<i32>} : memref<512xi32, #tpu.memory_space<vmem>>, vector<16xi32>,
    tpu.vector_store %arg6[%swap3A_54], %shift_right_logical3A_53 {strides = array<i32>} : memref<512xi32, #tpu.memory_space<vmem>>, vector<16xi32>,
    %get3A_56 = arith.constant 128 : index
    %get3A_57 = tpu.vector_load %arg5[%get3A_56] {strides = array<i32>} : memref<512xi32, #tpu.memory_space<vmem>>, vector<16xi32>,
    %shift_right_logical3A_58 = arith.constant 2 : i32
    %shift_right_logical3A_59 = vector.broadcast %shift_right_logical3A_58 : i32 to vector<16xi32>
    %shift_right_logical3A_60 = arith.shrui %get3A_57, %shift_right_logical3A_59 : vector<16xi32>
    %swap3A_61 = arith.constant 128 : index
    %swap3A_62 = tpu.vector_load %arg6[%swap3A_61] {strides = array<i32>} : memref<512xi32, #tpu.memory_space<vmem>>, vector<16xi32>,
    tpu.vector_store %arg6[%swap3A_61], %shift_right_logical3A_60 {strides = array<i32>} : memref<512xi32, #tpu.memory_space<vmem>>, vector<16xi32>,
    %get3A_63 = arith.constant 144 : index
    %get3A_64 = tpu.vector_load %arg5[%get3A_63] {strides = array<i32>} : memref<512xi32, #tpu.memory_space<vmem>>, vector<16xi32>,
    %shift_right_logical3A_65 = arith.constant 2 : i32
    %shift_right_logical3A_66 = vector.broadcast %shift_right_logical3A_65 : i32 to vector<16xi32>
    %shift_right_logical3A_67 = arith.shrui %get3A_64, %shift_right_logical3A_66 : vector<16xi32>
    %swap3A_68 = arith.constant 144 : index
    %swap3A_69 = tpu.vector_load %arg6[%swap3A_68] {strides = array<i32>} : memref<512xi32, #tpu.memory_space<vmem>>, vector<16xi32>,
    tpu.vector_store %arg6[%swap3A_68], %shift_right_logical3A_67 {strides = array<i32>} : memref<512xi32, #tpu.memory_space<vmem>>, vector<16xi32>,
    %get3A_70 = arith.constant 160 : index
    %get3A_71 = tpu.vector_load %arg5[%get3A_70] {strides = array<i32>} : memref<512xi32, #tpu.memory_space<vmem>>, vector<16xi32>,
    %shift_right_logical3A_72 = arith.constant 2 : i32
    %shift_right_logical3A_73 = vector.broadcast %shift_right_logical3A_72 : i32 to vector<16xi32>
    %shift_right_logical3A_74 = arith.shrui %get3A_71, %shift_right_logical3A_73 : vector<16xi32>
    %swap3A_75 = arith.constant 160 : index
    %swap3A_76 = tpu.vector_load %arg6[%swap3A_75] {strides = array<i32>} : memref<512xi32, #tpu.memory_space<vmem>>, vector<16xi32>,
    tpu.vector_store %arg6[%swap3A_75], %shift_right_logical3A_74 {strides = array<i32>} : memref<512xi32, #tpu.memory_space<vmem>>, vector<16xi32>,
    %get3A_77 = arith.constant 176 : index
    %get3A_78 = tpu.vector_load %arg5[%get3A_77] {strides = array<i32>} : memref<512xi32, #tpu.memory_space<vmem>>, vector<16xi32>,
    %shift_right_logical3A_79 = arith.constant 2 : i32
    %shift_right_logical3A_80 = vector.broadcast %shift_right_logical3A_79 : i32 to vector<16xi32>
    %shift_right_logical3A_81 = arith.shrui %get3A_78, %shift_right_logical3A_80 : vector<16xi32>
    %swap3A_82 = arith.constant 176 : index
    %swap3A_83 = tpu.vector_load %arg6[%swap3A_82] {strides = array<i32>} : memref<512xi32, #tpu.memory_space<vmem>>, vector<16xi32>,
    tpu.vector_store %arg6[%swap3A_82], %shift_right_logical3A_81 {strides = array<i32>} : memref<512xi32, #tpu.memory_space<vmem>>, vector<16xi32>,
    %get3A_84 = arith.constant 192 : index
    %get3A_85 = tpu.vector_load %arg5[%get3A_84] {strides = array<i32>} : memref<512xi32, #tpu.memory_space<vmem>>, vector<16xi32>,
    %shift_right_logical3A_86 = arith.constant 2 : i32
    %shift_right_logical3A_87 = vector.broadcast %shift_right_logical3A_86 : i32 to vector<16xi32>
    %shift_right_logical3A_88 = arith.shrui %get3A_85, %shift_right_logical3A_87 : vector<16xi32>
    %swap3A_89 = arith.constant 192 : index
    %swap3A_90 = tpu.vector_load %arg6[%swap3A_89] {strides = array<i32>} : memref<512xi32, #tpu.memory_space<vmem>>, vector<16xi32>,
    tpu.vector_store %arg6[%swap3A_89], %shift_right_logical3A_88 {strides = array<i32>} : memref<512xi32, #tpu.memory_space<vmem>>, vector<16xi32>,
    %get3A_91 = arith.constant 208 : index
    %get3A_92 = tpu.vector_load %arg5[%get3A_91] {strides = array<i32>} : memref<512xi32, #tpu.memory_space<vmem>>, vector<16xi32>,
    %shift_right_logical3A_93 = arith.constant 2 : i32
    %shift_right_logical3A_94 = vector.broadcast %shift_right_logical3A_93 : i32 to vector<16xi32>
    %shift_right_logical3A_95 = arith.shrui %get3A_92, %shift_right_logical3A_94 : vector<16xi32>
    %swap3A_96 = arith.constant 208 : index
    %swap3A_97 = tpu.vector_load %arg6[%swap3A_96] {strides = array<i32>} : memref<512xi32, #tpu.memory_space<vmem>>, vector<16xi32>,
    tpu.vector_store %arg6[%swap3A_96], %shift_right_logical3A_95 {strides = array<i32>} : memref<512xi32, #tpu.memory_space<vmem>>, vector<16xi32>,
    %get3A_98 = arith.constant 224 : index
    %get3A_99 = tpu.vector_load %arg5[%get3A_98] {strides = array<i32>} : memref<512xi32, #tpu.memory_space<vmem>>, vector<16xi32>,
    %shift_right_logical3A_100 = arith.constant 2 : i32
    %shift_right_logical3A_101 = vector.broadcast %shift_right_logical3A_100 : i32 to vector<16xi32>
    %shift_right_logical3A_102 = arith.shrui %get3A_99, %shift_right_logical3A_101 : vector<16xi32>
    %swap3A_103 = arith.constant 224 : index
    %swap3A_104 = tpu.vector_load %arg6[%swap3A_103] {strides = array<i32>} : memref<512xi32, #tpu.memory_space<vmem>>, vector<16xi32>,
    tpu.vector_store %arg6[%swap3A_103], %shift_right_logical3A_102 {strides = array<i32>} : memref<512xi32, #tpu.memory_space<vmem>>, vector<16xi32>,
    %get3A_105 = arith.constant 240 : index
    %get3A_106 = tpu.vector_load %arg5[%get3A_105] {strides = array<i32>} : memref<512xi32, #tpu.memory_space<vmem>>, vector<16xi32>,
    %shift_right_logical3A_107 = arith.constant 2 : i32
    %shift_right_logical3A_108 = vector.broadcast %shift_right_logical3A_107 : i32 to vector<16xi32>
    %shift_right_logical3A_109 = arith.shrui %get3A_106, %shift_right_logical3A_108 : vector<16xi32>
    %swap3A_110 = arith.constant 240 : index
    %swap3A_111 = tpu.vector_load %arg6[%swap3A_110] {strides = array<i32>} : memref<512xi32, #tpu.memory_space<vmem>>, vector<16xi32>,
    tpu.vector_store %arg6[%swap3A_110], %shift_right_logical3A_109 {strides = array<i32>} : memref<512xi32, #tpu.memory_space<vmem>>, vector<16xi32>,
    %get3A_112 = arith.constant 256 : index
    %get3A_113 = tpu.vector_load %arg5[%get3A_112] {strides = array<i32>} : memref<512xi32, #tpu.memory_space<vmem>>, vector<16xi32>,
    %shift_right_logical3A_114 = arith.constant 2 : i32
    %shift_right_logical3A_115 = vector.broadcast %shift_right_logical3A_114 : i32 to vector<16xi32>
    %shift_right_logical3A_116 = arith.shrui %get3A_113, %shift_right_logical3A_115 : vector<16xi32>
    %swap3A_117 = arith.constant 256 : index
    %swap3A_118 = tpu.vector_load %arg6[%swap3A_117] {strides = array<i32>} : memref<512xi32, #tpu.memory_space<vmem>>, vector<16xi32>,
    tpu.vector_store %arg6[%swap3A_117], %shift_right_logical3A_116 {strides = array<i32>} : memref<512xi32, #tpu.memory_space<vmem>>, vector<16xi32>,
    %get3A_119 = arith.constant 272 : index
    %get3A_120 = tpu.vector_load %arg5[%get3A_119] {strides = array<i32>} : memref<512xi32, #tpu.memory_space<vmem>>, vector<16xi32>,
    %shift_right_logical3A_121 = arith.constant 2 : i32
    %shift_right_logical3A_122 = vector.broadcast %shift_right_logical3A_121 : i32 to vector<16xi32>
    %shift_right_logical3A_123 = arith.shrui %get3A_120, %shift_right_logical3A_122 : vector<16xi32>
    %swap3A_124 = arith.constant 272 : index
    %swap3A_125 = tpu.vector_load %arg6[%swap3A_124] {strides = array<i32>} : memref<512xi32, #tpu.memory_space<vmem>>, vector<16xi32>,
    tpu.vector_store %arg6[%swap3A_124], %shift_right_logical3A_123 {strides = array<i32>} : memref<512xi32, #tpu.memory_space<vmem>>, vector<16xi32>,
    %get3A_126 = arith.constant 288 : index
    %get3A_127 = tpu.vector_load %arg5[%get3A_126] {strides = array<i32>} : memref<512xi32, #tpu.memory_space<vmem>>, vector<16xi32>,
    %shift_right_logical3A_128 = arith.constant 2 : i32
    %shift_right_logical3A_129 = vector.broadcast %shift_right_logical3A_128 : i32 to vector<16xi32>
    %shift_right_logical3A_130 = arith.shrui %get3A_127, %shift_right_logical3A_129 : vector<16xi32>
    %swap3A_131 = arith.constant 288 : index
    %swap3A_132 = tpu.vector_load %arg6[%swap3A_131] {strides = array<i32>} : memref<512xi32, #tpu.memory_space<vmem>>, vector<16xi32>,
    tpu.vector_store %arg6[%swap3A_131], %shift_right_logical3A_130 {strides = array<i32>} : memref<512xi32, #tpu.memory_space<vmem>>, vector<16xi32>,
    %get3A_133 = arith.constant 304 : index
    %get3A_134 = tpu.vector_load %arg5[%get3A_133] {strides = array<i32>} : memref<512xi32, #tpu.memory_space<vmem>>, vector<16xi32>,
    %shift_right_logical3A_135 = arith.constant 2 : i32
    %shift_right_logical3A_136 = vector.broadcast %shift_right_logical3A_135 : i32 to vector<16xi32>
    %shift_right_logical3A_137 = arith.shrui %get3A_134, %shift_right_logical3A_136 : vector<16xi32>
    %swap3A_138 = arith.constant 304 : index
    %swap3A_139 = tpu.vector_load %arg6[%swap3A_138] {strides = array<i32>} : memref<512xi32, #tpu.memory_space<vmem>>, vector<16xi32>,
    tpu.vector_store %arg6[%swap3A_138], %shift_right_logical3A_137 {strides = array<i32>} : memref<512xi32, #tpu.memory_space<vmem>>, vector<16xi32>,
    %get3A_140 = arith.constant 320 : index
    %get3A_141 = tpu.vector_load %arg5[%get3A_140] {strides = array<i32>} : memref<512xi32, #tpu.memory_space<vmem>>, vector<16xi32>,
    %shift_right_logical3A_142 = arith.constant 2 : i32
    %shift_right_logical3A_143 = vector.broadcast %shift_right_logical3A_142 : i32 to vector<16xi32>
    %shift_right_logical3A_144 = arith.shrui %get3A_141, %shift_right_logical3A_143 : vector<16xi32>
    %swap3A_145 = arith.constant 320 : index
    %swap3A_146 = tpu.vector_load %arg6[%swap3A_145] {strides = array<i32>} : memref<512xi32, #tpu.memory_space<vmem>>, vector<16xi32>,
    tpu.vector_store %arg6[%swap3A_145], %shift_right_logical3A_144 {strides = array<i32>} : memref<512xi32, #tpu.memory_space<vmem>>, vector<16xi32>,
    %get3A_147 = arith.constant 336 : index
    %get3A_148 = tpu.vector_load %arg5[%get3A_147] {strides = array<i32>} : memref<512xi32, #tpu.memory_space<vmem>>, vector<16xi32>,
    %shift_right_logical3A_149 = arith.constant 2 : i32
    %shift_right_logical3A_150 = vector.broadcast %shift_right_logical3A_149 : i32 to vector<16xi32>
    %shift_right_logical3A_151 = arith.shrui %get3A_148, %shift_right_logical3A_150 : vector<16xi32>
    %swap3A_152 = arith.constant 336 : index
    %swap3A_153 = tpu.vector_load %arg6[%swap3A_152] {strides = array<i32>} : memref<512xi32, #tpu.memory_space<vmem>>, vector<16xi32>,
    tpu.vector_store %arg6[%swap3A_152], %shift_right_logical3A_151 {strides = array<i32>} : memref<512xi32, #tpu.memory_space<vmem>>, vector<16xi32>,
    %get3A_154 = arith.constant 352 : index
    %get3A_155 = tpu.vector_load %arg5[%get3A_154] {strides = array<i32>} : memref<512xi32, #tpu.memory_space<vmem>>, vector<16xi32>,
    %shift_right_logical3A_156 = arith.constant 2 : i32
    %shift_right_logical3A_157 = vector.broadcast %shift_right_logical3A_156 : i32 to vector<16xi32>
    %shift_right_logical3A_158 = arith.shrui %get3A_155, %shift_right_logical3A_157 : vector<16xi32>
    %swap3A_159 = arith.constant 352 : index
    %swap3A_160 = tpu.vector_load %arg6[%swap3A_159] {strides = array<i32>} : memref<512xi32, #tpu.memory_space<vmem>>, vector<16xi32>,
    tpu.vector_store %arg6[%swap3A_159], %shift_right_logical3A_158 {strides = array<i32>} : memref<512xi32, #tpu.memory_space<vmem>>, vector<16xi32>,
    %get3A_161 = arith.constant 368 : index
    %get3A_162 = tpu.vector_load %arg5[%get3A_161] {strides = array<i32>} : memref<512xi32, #tpu.memory_space<vmem>>, vector<16xi32>,
    %shift_right_logical3A_163 = arith.constant 2 : i32
    %shift_right_logical3A_164 = vector.broadcast %shift_right_logical3A_163 : i32 to vector<16xi32>
    %shift_right_logical3A_165 = arith.shrui %get3A_162, %shift_right_logical3A_164 : vector<16xi32>
    %swap3A_166 = arith.constant 368 : index
    %swap3A_167 = tpu.vector_load %arg6[%swap3A_166] {strides = array<i32>} : memref<512xi32, #tpu.memory_space<vmem>>, vector<16xi32>,
    tpu.vector_store %arg6[%swap3A_166], %shift_right_logical3A_165 {strides = array<i32>} : memref<512xi32, #tpu.memory_space<vmem>>, vector<16xi32>,
    %get3A_168 = arith.constant 384 : index
    %get3A_169 = tpu.vector_load %arg5[%get3A_168] {strides = array<i32>} : memref<512xi32, #tpu.memory_space<vmem>>, vector<16xi32>,
    %shift_right_logical3A_170 = arith.constant 2 : i32
    %shift_right_logical3A_171 = vector.broadcast %shift_right_logical3A_170 : i32 to vector<16xi32>
    %shift_right_logical3A_172 = arith.shrui %get3A_169, %shift_right_logical3A_171 : vector<16xi32>
    %swap3A_173 = arith.constant 384 : index
    %swap3A_174 = tpu.vector_load %arg6[%swap3A_173] {strides = array<i32>} : memref<512xi32, #tpu.memory_space<vmem>>, vector<16xi32>,
    tpu.vector_store %arg6[%swap3A_173], %shift_right_logical3A_172 {strides = array<i32>} : memref<512xi32, #tpu.memory_space<vmem>>, vector<16xi32>,
    %get3A_175 = arith.constant 400 : index
    %get3A_176 = tpu.vector_load %arg5[%get3A_175] {strides = array<i32>} : memref<512xi32, #tpu.memory_space<vmem>>, vector<16xi32>,
    %shift_right_logical3A_177 = arith.constant 2 : i32
    %shift_right_logical3A_178 = vector.broadcast %shift_right_logical3A_177 : i32 to vector<16xi32>
    %shift_right_logical3A_179 = arith.shrui %get3A_176, %shift_right_logical3A_178 : vector<16xi32>
    %swap3A_180 = arith.constant 400 : index
    %swap3A_181 = tpu.vector_load %arg6[%swap3A_180] {strides = array<i32>} : memref<512xi32, #tpu.memory_space<vmem>>, vector<16xi32>,
    tpu.vector_store %arg6[%swap3A_180], %shift_right_logical3A_179 {strides = array<i32>} : memref<512xi32, #tpu.memory_space<vmem>>, vector<16xi32>,
    %get3A_182 = arith.constant 416 : index
    %get3A_183 = tpu.vector_load %arg5[%get3A_182] {strides = array<i32>} : memref<512xi32, #tpu.memory_space<vmem>>, vector<16xi32>,
    %shift_right_logical3A_184 = arith.constant 2 : i32
    %shift_right_logical3A_185 = vector.broadcast %shift_right_logical3A_184 : i32 to vector<16xi32>
    %shift_right_logical3A_186 = arith.shrui %get3A_183, %shift_right_logical3A_185 : vector<16xi32>
    %swap3A_187 = arith.constant 416 : index
    %swap3A_188 = tpu.vector_load %arg6[%swap3A_187] {strides = array<i32>} : memref<512xi32, #tpu.memory_space<vmem>>, vector<16xi32>,
    tpu.vector_store %arg6[%swap3A_187], %shift_right_logical3A_186 {strides = array<i32>} : memref<512xi32, #tpu.memory_space<vmem>>, vector<16xi32>,
    %get3A_189 = arith.constant 432 : index
    %get3A_190 = tpu.vector_load %arg5[%get3A_189] {strides = array<i32>} : memref<512xi32, #tpu.memory_space<vmem>>, vector<16xi32>,
    %shift_right_logical3A_191 = arith.constant 2 : i32
    %shift_right_logical3A_192 = vector.broadcast %shift_right_logical3A_191 : i32 to vector<16xi32>
    %shift_right_logical3A_193 = arith.shrui %get3A_190, %shift_right_logical3A_192 : vector<16xi32>
    %swap3A_194 = arith.constant 432 : index
    %swap3A_195 = tpu.vector_load %arg6[%swap3A_194] {strides = array<i32>} : memref<512xi32, #tpu.memory_space<vmem>>, vector<16xi32>,
    tpu.vector_store %arg6[%swap3A_194], %shift_right_logical3A_193 {strides = array<i32>} : memref<512xi32, #tpu.memory_space<vmem>>, vector<16xi32>,
    %get3A_196 = arith.constant 448 : index
    %get3A_197 = tpu.vector_load %arg5[%get3A_196] {strides = array<i32>} : memref<512xi32, #tpu.memory_space<vmem>>, vector<16xi32>,
    %shift_right_logical3A_198 = arith.constant 2 : i32
    %shift_right_logical3A_199 = vector.broadcast %shift_right_logical3A_198 : i32 to vector<16xi32>
    %shift_right_logical3A_200 = arith.shrui %get3A_197, %shift_right_logical3A_199 : vector<16xi32>
    %swap3A_201 = arith.constant 448 : index
    %swap3A_202 = tpu.vector_load %arg6[%swap3A_201] {strides = array<i32>} : memref<512xi32, #tpu.memory_space<vmem>>, vector<16xi32>,
    tpu.vector_store %arg6[%swap3A_201], %shift_right_logical3A_200 {strides = array<i32>} : memref<512xi32, #tpu.memory_space<vmem>>, vector<16xi32>,
    %get3A_203 = arith.constant 464 : index
    %get3A_204 = tpu.vector_load %arg5[%get3A_203] {strides = array<i32>} : memref<512xi32, #tpu.memory_space<vmem>>, vector<16xi32>,
    %shift_right_logical3A_205 = arith.constant 2 : i32
    %shift_right_logical3A_206 = vector.broadcast %shift_right_logical3A_205 : i32 to vector<16xi32>
    %shift_right_logical3A_207 = arith.shrui %get3A_204, %shift_right_logical3A_206 : vector<16xi32>
    %swap3A_208 = arith.constant 464 : index
    %swap3A_209 = tpu.vector_load %arg6[%swap3A_208] {strides = array<i32>} : memref<512xi32, #tpu.memory_space<vmem>>, vector<16xi32>,
    tpu.vector_store %arg6[%swap3A_208], %shift_right_logical3A_207 {strides = array<i32>} : memref<512xi32, #tpu.memory_space<vmem>>, vector<16xi32>,
    %get3A_210 = arith.constant 480 : index
    %get3A_211 = tpu.vector_load %arg5[%get3A_210] {strides = array<i32>} : memref<512xi32, #tpu.memory_space<vmem>>, vector<16xi32>,
    %shift_right_logical3A_212 = arith.constant 2 : i32
    %shift_right_logical3A_213 = vector.broadcast %shift_right_logical3A_212 : i32 to vector<16xi32>
    %shift_right_logical3A_214 = arith.shrui %get3A_211, %shift_right_logical3A_213 : vector<16xi32>
    %swap3A_215 = arith.constant 480 : index
    %swap3A_216 = tpu.vector_load %arg6[%swap3A_215] {strides = array<i32>} : memref<512xi32, #tpu.memory_space<vmem>>, vector<16xi32>,
    tpu.vector_store %arg6[%swap3A_215], %shift_right_logical3A_214 {strides = array<i32>} : memref<512xi32, #tpu.memory_space<vmem>>, vector<16xi32>,
    %get3A_217 = arith.constant 496 : index
    %get3A_218 = tpu.vector_load %arg5[%get3A_217] {strides = array<i32>} : memref<512xi32, #tpu.memory_space<vmem>>, vector<16xi32>,
    %shift_right_logical3A_219 = arith.constant 2 : i32
    %shift_right_logical3A_220 = vector.broadcast %shift_right_logical3A_219 : i32 to vector<16xi32>
    %shift_right_logical3A_221 = arith.shrui %get3A_218, %shift_right_logical3A_220 : vector<16xi32>
    %swap3A_222 = arith.constant 496 : index
    %swap3A_223 = tpu.vector_load %arg6[%swap3A_222] {strides = array<i32>} : memref<512xi32, #tpu.memory_space<vmem>>, vector<16xi32>,
    tpu.vector_store %arg6[%swap3A_222], %shift_right_logical3A_221 {strides = array<i32>} : memref<512xi32, #tpu.memory_space<vmem>>, vector<16xi32>,
    %iota3A = tpu.iota {dimensions = array<i32: 0>} : vector<16xi32>
    %dma_start3A = arith.constant 0 : i32
    %dma_start3A_224 = tpu.memref_slice %arg6[%dma_start3A] : memref<512xi32, #tpu.memory_space<vmem>> -> memref<128xi32, #tpu.memory_space<vmem>>
    %dma_start3A_225 = arith.constant 0 : i32
    %dma_start3A_226 = arith.constant 0 : i32
    %dma_start3A_227 = tpu.memref_slice %arg3[%dma_start3A_225, %dma_start3A_226] : memref<25000x128xf32, #tpu.memory_space<hbm>> -> memref<25000x128xf32, #tpu.memory_space<hbm>>
    tpu.enqueue_indirect_dma source(%dma_start3A_227 : memref<25000x128xf32, #tpu.memory_space<hbm>>) target(%arg7 : memref<128x128xf32, #tpu.memory_space<vmem>>) offsets(%dma_start3A_224 : memref<128xi32, #tpu.memory_space<vmem>>) semaphore(%arg12 : memref<!tpu.dma_semaphore, #tpu.memory_space<semaphore_mem>>)
    %dma_start3A_228 = arith.constant 128 : i32
    %dma_start3A_229 = tpu.memref_slice %arg6[%dma_start3A_228] : memref<512xi32, #tpu.memory_space<vmem>> -> memref<128xi32, #tpu.memory_space<vmem>>
    %dma_start3A_230 = arith.constant 0 : i32
    %dma_start3A_231 = arith.constant 0 : i32
    %dma_start3A_232 = tpu.memref_slice %arg3[%dma_start3A_230, %dma_start3A_231] : memref<25000x128xf32, #tpu.memory_space<hbm>> -> memref<25000x128xf32, #tpu.memory_space<hbm>>
    tpu.enqueue_indirect_dma source(%dma_start3A_232 : memref<25000x128xf32, #tpu.memory_space<hbm>>) target(%arg8 : memref<128x128xf32, #tpu.memory_space<vmem>>) offsets(%dma_start3A_229 : memref<128xi32, #tpu.memory_space<vmem>>) semaphore(%arg13 : memref<!tpu.dma_semaphore, #tpu.memory_space<semaphore_mem>>)
    %dma_start3A_233 = arith.constant 256 : i32
    %dma_start3A_234 = tpu.memref_slice %arg6[%dma_start3A_233] : memref<512xi32, #tpu.memory_space<vmem>> -> memref<128xi32, #tpu.memory_space<vmem>>
    %dma_start3A_235 = arith.constant 0 : i32
    %dma_start3A_236 = arith.constant 0 : i32
    %dma_start3A_237 = tpu.memref_slice %arg3[%dma_start3A_235, %dma_start3A_236] : memref<25000x128xf32, #tpu.memory_space<hbm>> -> memref<25000x128xf32, #tpu.memory_space<hbm>>
    tpu.enqueue_indirect_dma source(%dma_start3A_237 : memref<25000x128xf32, #tpu.memory_space<hbm>>) target(%arg9 : memref<128x128xf32, #tpu.memory_space<vmem>>) offsets(%dma_start3A_234 : memref<128xi32, #tpu.memory_space<vmem>>) semaphore(%arg14 : memref<!tpu.dma_semaphore, #tpu.memory_space<semaphore_mem>>)
    %dma_start3A_238 = arith.constant 384 : i32
    %dma_start3A_239 = tpu.memref_slice %arg6[%dma_start3A_238] : memref<512xi32, #tpu.memory_space<vmem>> -> memref<128xi32, #tpu.memory_space<vmem>>
    %dma_start3A_240 = arith.constant 0 : i32
    %dma_start3A_241 = arith.constant 0 : i32
    %dma_start3A_242 = tpu.memref_slice %arg3[%dma_start3A_240, %dma_start3A_241] : memref<25000x128xf32, #tpu.memory_space<hbm>> -> memref<25000x128xf32, #tpu.memory_space<hbm>>
    tpu.enqueue_indirect_dma source(%dma_start3A_242 : memref<25000x128xf32, #tpu.memory_space<hbm>>) target(%arg10 : memref<128x128xf32, #tpu.memory_space<vmem>>) offsets(%dma_start3A_239 : memref<128xi32, #tpu.memory_space<vmem>>) semaphore(%arg15 : memref<!tpu.dma_semaphore, #tpu.memory_space<semaphore_mem>>)
    %dma_wait3A = arith.constant 0 : i32
    %dma_wait3A_243 = tpu.memref_slice %arg6[%dma_wait3A] : memref<512xi32, #tpu.memory_space<vmem>> -> memref<128xi32, #tpu.memory_space<vmem>>
    %dma_wait3A_244 = arith.constant 0 : i32
    %dma_wait3A_245 = arith.constant 0 : i32
    %dma_wait3A_246 = tpu.memref_slice %arg3[%dma_wait3A_244, %dma_wait3A_245] : memref<25000x128xf32, #tpu.memory_space<hbm>> -> memref<25000x128xf32, #tpu.memory_space<hbm>>
    tpu.wait_indirect_dma semaphore(%arg12 : memref<!tpu.dma_semaphore, #tpu.memory_space<semaphore_mem>>) src(%dma_wait3A_246 : memref<25000x128xf32, #tpu.memory_space<hbm>>) dst(%arg7 : memref<128x128xf32, #tpu.memory_space<vmem>>)
    %get3A_247 = arith.constant 0 : index
    %get3A_248 = tpu.vector_load %arg5[%get3A_247] {strides = array<i32>} : memref<512xi32, #tpu.memory_space<vmem>>, vector<16xi32>,
    %and3A = arith.constant 3 : i32
    %and3A_249 = vector.broadcast %and3A : i32 to vector<16xi32>
    %and3A_250 = arith.andi %get3A_248, %and3A_249 : vector<16xi32>
    %shift_left3A = arith.constant 5 : i32
    %shift_left3A_251 = vector.broadcast %shift_left3A : i32 to vector<16xi32>
    %shift_left3A_252 = arith.shli %and3A_250, %shift_left3A_251 : vector<16xi32>
    %add3A_253 = arith.constant 0 : i32
    %add3A_254 = vector.broadcast %add3A_253 : i32 to vector<16xi32>
    %add3A_255 = arith.addi %iota3A, %add3A_254 : vector<16xi32>
    %get3A_256 = arith.constant 16 : index
    %get3A_257 = tpu.vector_load %arg5[%get3A_256] {strides = array<i32>} : memref<512xi32, #tpu.memory_space<vmem>>, vector<16xi32>,
    %and3A_258 = arith.constant 3 : i32
    %and3A_259 = vector.broadcast %and3A_258 : i32 to vector<16xi32>
    %and3A_260 = arith.andi %get3A_257, %and3A_259 : vector<16xi32>
    %shift_left3A_261 = arith.constant 5 : i32
    %shift_left3A_262 = vector.broadcast %shift_left3A_261 : i32 to vector<16xi32>
    %shift_left3A_263 = arith.shli %and3A_260, %shift_left3A_262 : vector<16xi32>
    %add3A_264 = arith.constant 16 : i32
    %add3A_265 = vector.broadcast %add3A_264 : i32 to vector<16xi32>
    %add3A_266 = arith.addi %iota3A, %add3A_265 : vector<16xi32>
    %get3A_267 = arith.constant 32 : index
    %get3A_268 = tpu.vector_load %arg5[%get3A_267] {strides = array<i32>} : memref<512xi32, #tpu.memory_space<vmem>>, vector<16xi32>,
    %and3A_269 = arith.constant 3 : i32
    %and3A_270 = vector.broadcast %and3A_269 : i32 to vector<16xi32>
    %and3A_271 = arith.andi %get3A_268, %and3A_270 : vector<16xi32>
    %shift_left3A_272 = arith.constant 5 : i32
    %shift_left3A_273 = vector.broadcast %shift_left3A_272 : i32 to vector<16xi32>
    %shift_left3A_274 = arith.shli %and3A_271, %shift_left3A_273 : vector<16xi32>
    %add3A_275 = arith.constant 32 : i32
    %add3A_276 = vector.broadcast %add3A_275 : i32 to vector<16xi32>
    %add3A_277 = arith.addi %iota3A, %add3A_276 : vector<16xi32>
    %get3A_278 = arith.constant 48 : index
    %get3A_279 = tpu.vector_load %arg5[%get3A_278] {strides = array<i32>} : memref<512xi32, #tpu.memory_space<vmem>>, vector<16xi32>,
    %and3A_280 = arith.constant 3 : i32
    %and3A_281 = vector.broadcast %and3A_280 : i32 to vector<16xi32>
    %and3A_282 = arith.andi %get3A_279, %and3A_281 : vector<16xi32>
    %shift_left3A_283 = arith.constant 5 : i32
    %shift_left3A_284 = vector.broadcast %shift_left3A_283 : i32 to vector<16xi32>
    %shift_left3A_285 = arith.shli %and3A_282, %shift_left3A_284 : vector<16xi32>
    %add3A_286 = arith.constant 48 : i32
    %add3A_287 = vector.broadcast %add3A_286 : i32 to vector<16xi32>
    %add3A_288 = arith.addi %iota3A, %add3A_287 : vector<16xi32>
    %get3A_289 = arith.constant 64 : index
    %get3A_290 = tpu.vector_load %arg5[%get3A_289] {strides = array<i32>} : memref<512xi32, #tpu.memory_space<vmem>>, vector<16xi32>,
    %and3A_291 = arith.constant 3 : i32
    %and3A_292 = vector.broadcast %and3A_291 : i32 to vector<16xi32>
    %and3A_293 = arith.andi %get3A_290, %and3A_292 : vector<16xi32>
    %shift_left3A_294 = arith.constant 5 : i32
    %shift_left3A_295 = vector.broadcast %shift_left3A_294 : i32 to vector<16xi32>
    %shift_left3A_296 = arith.shli %and3A_293, %shift_left3A_295 : vector<16xi32>
    %add3A_297 = arith.constant 64 : i32
    %add3A_298 = vector.broadcast %add3A_297 : i32 to vector<16xi32>
    %add3A_299 = arith.addi %iota3A, %add3A_298 : vector<16xi32>
    %get3A_300 = arith.constant 80 : index
    %get3A_301 = tpu.vector_load %arg5[%get3A_300] {strides = array<i32>} : memref<512xi32, #tpu.memory_space<vmem>>, vector<16xi32>,
    %and3A_302 = arith.constant 3 : i32
    %and3A_303 = vector.broadcast %and3A_302 : i32 to vector<16xi32>
    %and3A_304 = arith.andi %get3A_301, %and3A_303 : vector<16xi32>
    %shift_left3A_305 = arith.constant 5 : i32
    %shift_left3A_306 = vector.broadcast %shift_left3A_305 : i32 to vector<16xi32>
    %shift_left3A_307 = arith.shli %and3A_304, %shift_left3A_306 : vector<16xi32>
    %add3A_308 = arith.constant 80 : i32
    %add3A_309 = vector.broadcast %add3A_308 : i32 to vector<16xi32>
    %add3A_310 = arith.addi %iota3A, %add3A_309 : vector<16xi32>
    %get3A_311 = arith.constant 96 : index
    %get3A_312 = tpu.vector_load %arg5[%get3A_311] {strides = array<i32>} : memref<512xi32, #tpu.memory_space<vmem>>, vector<16xi32>,
    %and3A_313 = arith.constant 3 : i32
    %and3A_314 = vector.broadcast %and3A_313 : i32 to vector<16xi32>
    %and3A_315 = arith.andi %get3A_312, %and3A_314 : vector<16xi32>
    %shift_left3A_316 = arith.constant 5 : i32
    %shift_left3A_317 = vector.broadcast %shift_left3A_316 : i32 to vector<16xi32>
    %shift_left3A_318 = arith.shli %and3A_315, %shift_left3A_317 : vector<16xi32>
    %add3A_319 = arith.constant 96 : i32
    %add3A_320 = vector.broadcast %add3A_319 : i32 to vector<16xi32>
    %add3A_321 = arith.addi %iota3A, %add3A_320 : vector<16xi32>
    %get3A_322 = arith.constant 112 : index
    %get3A_323 = tpu.vector_load %arg5[%get3A_322] {strides = array<i32>} : memref<512xi32, #tpu.memory_space<vmem>>, vector<16xi32>,
    %and3A_324 = arith.constant 3 : i32
    %and3A_325 = vector.broadcast %and3A_324 : i32 to vector<16xi32>
    %and3A_326 = arith.andi %get3A_323, %and3A_325 : vector<16xi32>
    %shift_left3A_327 = arith.constant 5 : i32
    %shift_left3A_328 = vector.broadcast %shift_left3A_327 : i32 to vector<16xi32>
    %shift_left3A_329 = arith.shli %and3A_326, %shift_left3A_328 : vector<16xi32>
    %add3A_330 = arith.constant 112 : i32
    %add3A_331 = vector.broadcast %add3A_330 : i32 to vector<16xi32>
    %add3A_332 = arith.addi %iota3A, %add3A_331 : vector<16xi32>
    %parallel_loop3A = arith.constant 0 : i32
    %parallel_loop3A_333 = arith.constant 32 : i32
    %parallel_loop3A_334 = arith.constant 1 : i32
    scf.for %parallel_loop3A_623 = %parallel_loop3A to %parallel_loop3A_333 step %parallel_loop3A_334  : i32 {
      %parallel_loop3A_624 = vector.broadcast %parallel_loop3A_623 : i32 to vector<16xi32>
      %parallel_loop3A_625 = arith.addi %iota3A, %parallel_loop3A_624 : vector<16xi32>
      %parallel_loop3A_626 = arith.constant 15 : i32
      %parallel_loop3A_627 = vector.broadcast %parallel_loop3A_626 : i32 to vector<16xi32>
      %parallel_loop3A_628 = arith.andi %parallel_loop3A_625, %parallel_loop3A_627 : vector<16xi32>
      %parallel_loop3A_629 = arith.constant 16 : i32
      %parallel_loop3A_630 = arith.andi %parallel_loop3A_623, %parallel_loop3A_629 : i32
      %parallel_loop3A_631 = vector.broadcast %parallel_loop3A_630 : i32 to vector<16xi32>
      %parallel_loop3A_632 = arith.addi %parallel_loop3A_628, %parallel_loop3A_631 : vector<16xi32>
      %parallel_loop3A_633 = arith.constant 3 : i32
      %parallel_loop3A_634 = vector.broadcast %parallel_loop3A_633 : i32 to vector<16xi32>
      %parallel_loop3A_635 = arith.shrui %parallel_loop3A_632, %parallel_loop3A_634 : vector<16xi32>
      %parallel_loop3A_636 = arith.constant 7 : i32
      %parallel_loop3A_637 = vector.broadcast %parallel_loop3A_636 : i32 to vector<16xi32>
      %parallel_loop3A_638 = arith.andi %parallel_loop3A_632, %parallel_loop3A_637 : vector<16xi32>
      %parallel_loop3A_639 = arith.addi %shift_left3A_252, %parallel_loop3A_632 : vector<16xi32>
      %parallel_loop3A_640 = tpu.vector_load_idx %arg7[%add3A_255, %parallel_loop3A_639] : memref<128x128xf32, #tpu.memory_space<vmem>>[vector<16xi32>, vector<16xi32>], vector<16xf32>,
      %parallel_loop3A_641 = arith.addi %shift_left3A_263, %parallel_loop3A_632 : vector<16xi32>
      %parallel_loop3A_642 = tpu.vector_load_idx %arg7[%add3A_266, %parallel_loop3A_641] : memref<128x128xf32, #tpu.memory_space<vmem>>[vector<16xi32>, vector<16xi32>], vector<16xf32>,
      %parallel_loop3A_643 = arith.addi %shift_left3A_274, %parallel_loop3A_632 : vector<16xi32>
      %parallel_loop3A_644 = tpu.vector_load_idx %arg7[%add3A_277, %parallel_loop3A_643] : memref<128x128xf32, #tpu.memory_space<vmem>>[vector<16xi32>, vector<16xi32>], vector<16xf32>,
      %parallel_loop3A_645 = arith.addi %shift_left3A_285, %parallel_loop3A_632 : vector<16xi32>
      %parallel_loop3A_646 = tpu.vector_load_idx %arg7[%add3A_288, %parallel_loop3A_645] : memref<128x128xf32, #tpu.memory_space<vmem>>[vector<16xi32>, vector<16xi32>], vector<16xf32>,
      %parallel_loop3A_647 = arith.addi %shift_left3A_296, %parallel_loop3A_632 : vector<16xi32>
      %parallel_loop3A_648 = tpu.vector_load_idx %arg7[%add3A_299, %parallel_loop3A_647] : memref<128x128xf32, #tpu.memory_space<vmem>>[vector<16xi32>, vector<16xi32>], vector<16xf32>,
      %parallel_loop3A_649 = arith.addi %shift_left3A_307, %parallel_loop3A_632 : vector<16xi32>
      %parallel_loop3A_650 = tpu.vector_load_idx %arg7[%add3A_310, %parallel_loop3A_649] : memref<128x128xf32, #tpu.memory_space<vmem>>[vector<16xi32>, vector<16xi32>], vector<16xf32>,
      %parallel_loop3A_651 = arith.addi %shift_left3A_318, %parallel_loop3A_632 : vector<16xi32>
      %parallel_loop3A_652 = tpu.vector_load_idx %arg7[%add3A_321, %parallel_loop3A_651] : memref<128x128xf32, #tpu.memory_space<vmem>>[vector<16xi32>, vector<16xi32>], vector<16xf32>,
      %parallel_loop3A_653 = arith.addi %shift_left3A_329, %parallel_loop3A_632 : vector<16xi32>
      %parallel_loop3A_654 = tpu.vector_load_idx %arg7[%add3A_332, %parallel_loop3A_653] : memref<128x128xf32, #tpu.memory_space<vmem>>[vector<16xi32>, vector<16xi32>], vector<16xf32>,
      %parallel_loop3A_655 = arith.constant 0 : i32
      %parallel_loop3A_656 = vector.broadcast %parallel_loop3A_655 : i32 to vector<16xi32>
      %parallel_loop3A_657 = arith.addi %add3A_255, %parallel_loop3A_656 : vector<16xi32>
      tpu.vector_store_idx %arg11[%parallel_loop3A_635, %parallel_loop3A_638, %parallel_loop3A_657], %parallel_loop3A_640 : memref<4x8x512xf32, #tpu.memory_space<vmem>>[vector<16xi32>, vector<16xi32>, vector<16xi32>], vector<16xf32>,
      %parallel_loop3A_658 = arith.constant 0 : i32
      %parallel_loop3A_659 = vector.broadcast %parallel_loop3A_658 : i32 to vector<16xi32>
      %parallel_loop3A_660 = arith.addi %add3A_266, %parallel_loop3A_659 : vector<16xi32>
      tpu.vector_store_idx %arg11[%parallel_loop3A_635, %parallel_loop3A_638, %parallel_loop3A_660], %parallel_loop3A_642 : memref<4x8x512xf32, #tpu.memory_space<vmem>>[vector<16xi32>, vector<16xi32>, vector<16xi32>], vector<16xf32>,
      %parallel_loop3A_661 = arith.constant 0 : i32
      %parallel_loop3A_662 = vector.broadcast %parallel_loop3A_661 : i32 to vector<16xi32>
      %parallel_loop3A_663 = arith.addi %add3A_277, %parallel_loop3A_662 : vector<16xi32>
      tpu.vector_store_idx %arg11[%parallel_loop3A_635, %parallel_loop3A_638, %parallel_loop3A_663], %parallel_loop3A_644 : memref<4x8x512xf32, #tpu.memory_space<vmem>>[vector<16xi32>, vector<16xi32>, vector<16xi32>], vector<16xf32>,
      %parallel_loop3A_664 = arith.constant 0 : i32
      %parallel_loop3A_665 = vector.broadcast %parallel_loop3A_664 : i32 to vector<16xi32>
      %parallel_loop3A_666 = arith.addi %add3A_288, %parallel_loop3A_665 : vector<16xi32>
      tpu.vector_store_idx %arg11[%parallel_loop3A_635, %parallel_loop3A_638, %parallel_loop3A_666], %parallel_loop3A_646 : memref<4x8x512xf32, #tpu.memory_space<vmem>>[vector<16xi32>, vector<16xi32>, vector<16xi32>], vector<16xf32>,
      %parallel_loop3A_667 = arith.constant 0 : i32
      %parallel_loop3A_668 = vector.broadcast %parallel_loop3A_667 : i32 to vector<16xi32>
      %parallel_loop3A_669 = arith.addi %add3A_299, %parallel_loop3A_668 : vector<16xi32>
      tpu.vector_store_idx %arg11[%parallel_loop3A_635, %parallel_loop3A_638, %parallel_loop3A_669], %parallel_loop3A_648 : memref<4x8x512xf32, #tpu.memory_space<vmem>>[vector<16xi32>, vector<16xi32>, vector<16xi32>], vector<16xf32>,
      %parallel_loop3A_670 = arith.constant 0 : i32
      %parallel_loop3A_671 = vector.broadcast %parallel_loop3A_670 : i32 to vector<16xi32>
      %parallel_loop3A_672 = arith.addi %add3A_310, %parallel_loop3A_671 : vector<16xi32>
      tpu.vector_store_idx %arg11[%parallel_loop3A_635, %parallel_loop3A_638, %parallel_loop3A_672], %parallel_loop3A_650 : memref<4x8x512xf32, #tpu.memory_space<vmem>>[vector<16xi32>, vector<16xi32>, vector<16xi32>], vector<16xf32>,
      %parallel_loop3A_673 = arith.constant 0 : i32
      %parallel_loop3A_674 = vector.broadcast %parallel_loop3A_673 : i32 to vector<16xi32>
      %parallel_loop3A_675 = arith.addi %add3A_321, %parallel_loop3A_674 : vector<16xi32>
      tpu.vector_store_idx %arg11[%parallel_loop3A_635, %parallel_loop3A_638, %parallel_loop3A_675], %parallel_loop3A_652 : memref<4x8x512xf32, #tpu.memory_space<vmem>>[vector<16xi32>, vector<16xi32>, vector<16xi32>], vector<16xf32>,
      %parallel_loop3A_676 = arith.constant 0 : i32
      %parallel_loop3A_677 = vector.broadcast %parallel_loop3A_676 : i32 to vector<16xi32>
      %parallel_loop3A_678 = arith.addi %add3A_332, %parallel_loop3A_677 : vector<16xi32>
      tpu.vector_store_idx %arg11[%parallel_loop3A_635, %parallel_loop3A_638, %parallel_loop3A_678], %parallel_loop3A_654 : memref<4x8x512xf32, #tpu.memory_space<vmem>>[vector<16xi32>, vector<16xi32>, vector<16xi32>], vector<16xf32>,
    } {sc.loop_unroll_factor = 2 : i64, sc.parallel_access}
    %dma_wait3A_335 = arith.constant 128 : i32
    %dma_wait3A_336 = tpu.memref_slice %arg6[%dma_wait3A_335] : memref<512xi32, #tpu.memory_space<vmem>> -> memref<128xi32, #tpu.memory_space<vmem>>
    %dma_wait3A_337 = arith.constant 0 : i32
    %dma_wait3A_338 = arith.constant 0 : i32
    %dma_wait3A_339 = tpu.memref_slice %arg3[%dma_wait3A_337, %dma_wait3A_338] : memref<25000x128xf32, #tpu.memory_space<hbm>> -> memref<25000x128xf32, #tpu.memory_space<hbm>>
    tpu.wait_indirect_dma semaphore(%arg13 : memref<!tpu.dma_semaphore, #tpu.memory_space<semaphore_mem>>) src(%dma_wait3A_339 : memref<25000x128xf32, #tpu.memory_space<hbm>>) dst(%arg8 : memref<128x128xf32, #tpu.memory_space<vmem>>)
    %get3A_340 = arith.constant 128 : index
    %get3A_341 = tpu.vector_load %arg5[%get3A_340] {strides = array<i32>} : memref<512xi32, #tpu.memory_space<vmem>>, vector<16xi32>,
    %and3A_342 = arith.constant 3 : i32
    %and3A_343 = vector.broadcast %and3A_342 : i32 to vector<16xi32>
    %and3A_344 = arith.andi %get3A_341, %and3A_343 : vector<16xi32>
    %shift_left3A_345 = arith.constant 5 : i32
    %shift_left3A_346 = vector.broadcast %shift_left3A_345 : i32 to vector<16xi32>
    %shift_left3A_347 = arith.shli %and3A_344, %shift_left3A_346 : vector<16xi32>
    %add3A_348 = arith.constant 0 : i32
    %add3A_349 = vector.broadcast %add3A_348 : i32 to vector<16xi32>
    %add3A_350 = arith.addi %iota3A, %add3A_349 : vector<16xi32>
    %get3A_351 = arith.constant 144 : index
    %get3A_352 = tpu.vector_load %arg5[%get3A_351] {strides = array<i32>} : memref<512xi32, #tpu.memory_space<vmem>>, vector<16xi32>,
    %and3A_353 = arith.constant 3 : i32
    %and3A_354 = vector.broadcast %and3A_353 : i32 to vector<16xi32>
    %and3A_355 = arith.andi %get3A_352, %and3A_354 : vector<16xi32>
    %shift_left3A_356 = arith.constant 5 : i32
    %shift_left3A_357 = vector.broadcast %shift_left3A_356 : i32 to vector<16xi32>
    %shift_left3A_358 = arith.shli %and3A_355, %shift_left3A_357 : vector<16xi32>
    %add3A_359 = arith.constant 16 : i32
    %add3A_360 = vector.broadcast %add3A_359 : i32 to vector<16xi32>
    %add3A_361 = arith.addi %iota3A, %add3A_360 : vector<16xi32>
    %get3A_362 = arith.constant 160 : index
    %get3A_363 = tpu.vector_load %arg5[%get3A_362] {strides = array<i32>} : memref<512xi32, #tpu.memory_space<vmem>>, vector<16xi32>,
    %and3A_364 = arith.constant 3 : i32
    %and3A_365 = vector.broadcast %and3A_364 : i32 to vector<16xi32>
    %and3A_366 = arith.andi %get3A_363, %and3A_365 : vector<16xi32>
    %shift_left3A_367 = arith.constant 5 : i32
    %shift_left3A_368 = vector.broadcast %shift_left3A_367 : i32 to vector<16xi32>
    %shift_left3A_369 = arith.shli %and3A_366, %shift_left3A_368 : vector<16xi32>
    %add3A_370 = arith.constant 32 : i32
    %add3A_371 = vector.broadcast %add3A_370 : i32 to vector<16xi32>
    %add3A_372 = arith.addi %iota3A, %add3A_371 : vector<16xi32>
    %get3A_373 = arith.constant 176 : index
    %get3A_374 = tpu.vector_load %arg5[%get3A_373] {strides = array<i32>} : memref<512xi32, #tpu.memory_space<vmem>>, vector<16xi32>,
    %and3A_375 = arith.constant 3 : i32
    %and3A_376 = vector.broadcast %and3A_375 : i32 to vector<16xi32>
    %and3A_377 = arith.andi %get3A_374, %and3A_376 : vector<16xi32>
    %shift_left3A_378 = arith.constant 5 : i32
    %shift_left3A_379 = vector.broadcast %shift_left3A_378 : i32 to vector<16xi32>
    %shift_left3A_380 = arith.shli %and3A_377, %shift_left3A_379 : vector<16xi32>
    %add3A_381 = arith.constant 48 : i32
    %add3A_382 = vector.broadcast %add3A_381 : i32 to vector<16xi32>
    %add3A_383 = arith.addi %iota3A, %add3A_382 : vector<16xi32>
    %get3A_384 = arith.constant 192 : index
    %get3A_385 = tpu.vector_load %arg5[%get3A_384] {strides = array<i32>} : memref<512xi32, #tpu.memory_space<vmem>>, vector<16xi32>,
    %and3A_386 = arith.constant 3 : i32
    %and3A_387 = vector.broadcast %and3A_386 : i32 to vector<16xi32>
    %and3A_388 = arith.andi %get3A_385, %and3A_387 : vector<16xi32>
    %shift_left3A_389 = arith.constant 5 : i32
    %shift_left3A_390 = vector.broadcast %shift_left3A_389 : i32 to vector<16xi32>
    %shift_left3A_391 = arith.shli %and3A_388, %shift_left3A_390 : vector<16xi32>
    %add3A_392 = arith.constant 64 : i32
    %add3A_393 = vector.broadcast %add3A_392 : i32 to vector<16xi32>
    %add3A_394 = arith.addi %iota3A, %add3A_393 : vector<16xi32>
    %get3A_395 = arith.constant 208 : index
    %get3A_396 = tpu.vector_load %arg5[%get3A_395] {strides = array<i32>} : memref<512xi32, #tpu.memory_space<vmem>>, vector<16xi32>,
    %and3A_397 = arith.constant 3 : i32
    %and3A_398 = vector.broadcast %and3A_397 : i32 to vector<16xi32>
    %and3A_399 = arith.andi %get3A_396, %and3A_398 : vector<16xi32>
    %shift_left3A_400 = arith.constant 5 : i32
    %shift_left3A_401 = vector.broadcast %shift_left3A_400 : i32 to vector<16xi32>
    %shift_left3A_402 = arith.shli %and3A_399, %shift_left3A_401 : vector<16xi32>
    %add3A_403 = arith.constant 80 : i32
    %add3A_404 = vector.broadcast %add3A_403 : i32 to vector<16xi32>
    %add3A_405 = arith.addi %iota3A, %add3A_404 : vector<16xi32>
    %get3A_406 = arith.constant 224 : index
    %get3A_407 = tpu.vector_load %arg5[%get3A_406] {strides = array<i32>} : memref<512xi32, #tpu.memory_space<vmem>>, vector<16xi32>,
    %and3A_408 = arith.constant 3 : i32
    %and3A_409 = vector.broadcast %and3A_408 : i32 to vector<16xi32>
    %and3A_410 = arith.andi %get3A_407, %and3A_409 : vector<16xi32>
    %shift_left3A_411 = arith.constant 5 : i32
    %shift_left3A_412 = vector.broadcast %shift_left3A_411 : i32 to vector<16xi32>
    %shift_left3A_413 = arith.shli %and3A_410, %shift_left3A_412 : vector<16xi32>
    %add3A_414 = arith.constant 96 : i32
    %add3A_415 = vector.broadcast %add3A_414 : i32 to vector<16xi32>
    %add3A_416 = arith.addi %iota3A, %add3A_415 : vector<16xi32>
    %get3A_417 = arith.constant 240 : index
    %get3A_418 = tpu.vector_load %arg5[%get3A_417] {strides = array<i32>} : memref<512xi32, #tpu.memory_space<vmem>>, vector<16xi32>,
    %and3A_419 = arith.constant 3 : i32
    %and3A_420 = vector.broadcast %and3A_419 : i32 to vector<16xi32>
    %and3A_421 = arith.andi %get3A_418, %and3A_420 : vector<16xi32>
    %shift_left3A_422 = arith.constant 5 : i32
    %shift_left3A_423 = vector.broadcast %shift_left3A_422 : i32 to vector<16xi32>
    %shift_left3A_424 = arith.shli %and3A_421, %shift_left3A_423 : vector<16xi32>
    %add3A_425 = arith.constant 112 : i32
    %add3A_426 = vector.broadcast %add3A_425 : i32 to vector<16xi32>
    %add3A_427 = arith.addi %iota3A, %add3A_426 : vector<16xi32>
    %parallel_loop3A_428 = arith.constant 0 : i32
    %parallel_loop3A_429 = arith.constant 32 : i32
    %parallel_loop3A_430 = arith.constant 1 : i32
    scf.for %parallel_loop3A_623 = %parallel_loop3A_428 to %parallel_loop3A_429 step %parallel_loop3A_430  : i32 {
      %parallel_loop3A_624 = vector.broadcast %parallel_loop3A_623 : i32 to vector<16xi32>
      %parallel_loop3A_625 = arith.addi %iota3A, %parallel_loop3A_624 : vector<16xi32>
      %parallel_loop3A_626 = arith.constant 15 : i32
      %parallel_loop3A_627 = vector.broadcast %parallel_loop3A_626 : i32 to vector<16xi32>
      %parallel_loop3A_628 = arith.andi %parallel_loop3A_625, %parallel_loop3A_627 : vector<16xi32>
      %parallel_loop3A_629 = arith.constant 16 : i32
      %parallel_loop3A_630 = arith.andi %parallel_loop3A_623, %parallel_loop3A_629 : i32
      %parallel_loop3A_631 = vector.broadcast %parallel_loop3A_630 : i32 to vector<16xi32>
      %parallel_loop3A_632 = arith.addi %parallel_loop3A_628, %parallel_loop3A_631 : vector<16xi32>
      %parallel_loop3A_633 = arith.constant 3 : i32
      %parallel_loop3A_634 = vector.broadcast %parallel_loop3A_633 : i32 to vector<16xi32>
      %parallel_loop3A_635 = arith.shrui %parallel_loop3A_632, %parallel_loop3A_634 : vector<16xi32>
      %parallel_loop3A_636 = arith.constant 7 : i32
      %parallel_loop3A_637 = vector.broadcast %parallel_loop3A_636 : i32 to vector<16xi32>
      %parallel_loop3A_638 = arith.andi %parallel_loop3A_632, %parallel_loop3A_637 : vector<16xi32>
      %parallel_loop3A_639 = arith.addi %shift_left3A_347, %parallel_loop3A_632 : vector<16xi32>
      %parallel_loop3A_640 = tpu.vector_load_idx %arg8[%add3A_350, %parallel_loop3A_639] : memref<128x128xf32, #tpu.memory_space<vmem>>[vector<16xi32>, vector<16xi32>], vector<16xf32>,
      %parallel_loop3A_641 = arith.addi %shift_left3A_358, %parallel_loop3A_632 : vector<16xi32>
      %parallel_loop3A_642 = tpu.vector_load_idx %arg8[%add3A_361, %parallel_loop3A_641] : memref<128x128xf32, #tpu.memory_space<vmem>>[vector<16xi32>, vector<16xi32>], vector<16xf32>,
      %parallel_loop3A_643 = arith.addi %shift_left3A_369, %parallel_loop3A_632 : vector<16xi32>
      %parallel_loop3A_644 = tpu.vector_load_idx %arg8[%add3A_372, %parallel_loop3A_643] : memref<128x128xf32, #tpu.memory_space<vmem>>[vector<16xi32>, vector<16xi32>], vector<16xf32>,
      %parallel_loop3A_645 = arith.addi %shift_left3A_380, %parallel_loop3A_632 : vector<16xi32>
      %parallel_loop3A_646 = tpu.vector_load_idx %arg8[%add3A_383, %parallel_loop3A_645] : memref<128x128xf32, #tpu.memory_space<vmem>>[vector<16xi32>, vector<16xi32>], vector<16xf32>,
      %parallel_loop3A_647 = arith.addi %shift_left3A_391, %parallel_loop3A_632 : vector<16xi32>
      %parallel_loop3A_648 = tpu.vector_load_idx %arg8[%add3A_394, %parallel_loop3A_647] : memref<128x128xf32, #tpu.memory_space<vmem>>[vector<16xi32>, vector<16xi32>], vector<16xf32>,
      %parallel_loop3A_649 = arith.addi %shift_left3A_402, %parallel_loop3A_632 : vector<16xi32>
      %parallel_loop3A_650 = tpu.vector_load_idx %arg8[%add3A_405, %parallel_loop3A_649] : memref<128x128xf32, #tpu.memory_space<vmem>>[vector<16xi32>, vector<16xi32>], vector<16xf32>,
      %parallel_loop3A_651 = arith.addi %shift_left3A_413, %parallel_loop3A_632 : vector<16xi32>
      %parallel_loop3A_652 = tpu.vector_load_idx %arg8[%add3A_416, %parallel_loop3A_651] : memref<128x128xf32, #tpu.memory_space<vmem>>[vector<16xi32>, vector<16xi32>], vector<16xf32>,
      %parallel_loop3A_653 = arith.addi %shift_left3A_424, %parallel_loop3A_632 : vector<16xi32>
      %parallel_loop3A_654 = tpu.vector_load_idx %arg8[%add3A_427, %parallel_loop3A_653] : memref<128x128xf32, #tpu.memory_space<vmem>>[vector<16xi32>, vector<16xi32>], vector<16xf32>,
      %parallel_loop3A_655 = arith.constant 128 : i32
      %parallel_loop3A_656 = vector.broadcast %parallel_loop3A_655 : i32 to vector<16xi32>
      %parallel_loop3A_657 = arith.addi %add3A_350, %parallel_loop3A_656 : vector<16xi32>
      tpu.vector_store_idx %arg11[%parallel_loop3A_635, %parallel_loop3A_638, %parallel_loop3A_657], %parallel_loop3A_640 : memref<4x8x512xf32, #tpu.memory_space<vmem>>[vector<16xi32>, vector<16xi32>, vector<16xi32>], vector<16xf32>,
      %parallel_loop3A_658 = arith.constant 128 : i32
      %parallel_loop3A_659 = vector.broadcast %parallel_loop3A_658 : i32 to vector<16xi32>
      %parallel_loop3A_660 = arith.addi %add3A_361, %parallel_loop3A_659 : vector<16xi32>
      tpu.vector_store_idx %arg11[%parallel_loop3A_635, %parallel_loop3A_638, %parallel_loop3A_660], %parallel_loop3A_642 : memref<4x8x512xf32, #tpu.memory_space<vmem>>[vector<16xi32>, vector<16xi32>, vector<16xi32>], vector<16xf32>,
      %parallel_loop3A_661 = arith.constant 128 : i32
      %parallel_loop3A_662 = vector.broadcast %parallel_loop3A_661 : i32 to vector<16xi32>
      %parallel_loop3A_663 = arith.addi %add3A_372, %parallel_loop3A_662 : vector<16xi32>
      tpu.vector_store_idx %arg11[%parallel_loop3A_635, %parallel_loop3A_638, %parallel_loop3A_663], %parallel_loop3A_644 : memref<4x8x512xf32, #tpu.memory_space<vmem>>[vector<16xi32>, vector<16xi32>, vector<16xi32>], vector<16xf32>,
      %parallel_loop3A_664 = arith.constant 128 : i32
      %parallel_loop3A_665 = vector.broadcast %parallel_loop3A_664 : i32 to vector<16xi32>
      %parallel_loop3A_666 = arith.addi %add3A_383, %parallel_loop3A_665 : vector<16xi32>
      tpu.vector_store_idx %arg11[%parallel_loop3A_635, %parallel_loop3A_638, %parallel_loop3A_666], %parallel_loop3A_646 : memref<4x8x512xf32, #tpu.memory_space<vmem>>[vector<16xi32>, vector<16xi32>, vector<16xi32>], vector<16xf32>,
      %parallel_loop3A_667 = arith.constant 128 : i32
      %parallel_loop3A_668 = vector.broadcast %parallel_loop3A_667 : i32 to vector<16xi32>
      %parallel_loop3A_669 = arith.addi %add3A_394, %parallel_loop3A_668 : vector<16xi32>
      tpu.vector_store_idx %arg11[%parallel_loop3A_635, %parallel_loop3A_638, %parallel_loop3A_669], %parallel_loop3A_648 : memref<4x8x512xf32, #tpu.memory_space<vmem>>[vector<16xi32>, vector<16xi32>, vector<16xi32>], vector<16xf32>,
      %parallel_loop3A_670 = arith.constant 128 : i32
      %parallel_loop3A_671 = vector.broadcast %parallel_loop3A_670 : i32 to vector<16xi32>
      %parallel_loop3A_672 = arith.addi %add3A_405, %parallel_loop3A_671 : vector<16xi32>
      tpu.vector_store_idx %arg11[%parallel_loop3A_635, %parallel_loop3A_638, %parallel_loop3A_672], %parallel_loop3A_650 : memref<4x8x512xf32, #tpu.memory_space<vmem>>[vector<16xi32>, vector<16xi32>, vector<16xi32>], vector<16xf32>,
      %parallel_loop3A_673 = arith.constant 128 : i32
      %parallel_loop3A_674 = vector.broadcast %parallel_loop3A_673 : i32 to vector<16xi32>
      %parallel_loop3A_675 = arith.addi %add3A_416, %parallel_loop3A_674 : vector<16xi32>
      tpu.vector_store_idx %arg11[%parallel_loop3A_635, %parallel_loop3A_638, %parallel_loop3A_675], %parallel_loop3A_652 : memref<4x8x512xf32, #tpu.memory_space<vmem>>[vector<16xi32>, vector<16xi32>, vector<16xi32>], vector<16xf32>,
      %parallel_loop3A_676 = arith.constant 128 : i32
      %parallel_loop3A_677 = vector.broadcast %parallel_loop3A_676 : i32 to vector<16xi32>
      %parallel_loop3A_678 = arith.addi %add3A_427, %parallel_loop3A_677 : vector<16xi32>
      tpu.vector_store_idx %arg11[%parallel_loop3A_635, %parallel_loop3A_638, %parallel_loop3A_678], %parallel_loop3A_654 : memref<4x8x512xf32, #tpu.memory_space<vmem>>[vector<16xi32>, vector<16xi32>, vector<16xi32>], vector<16xf32>,
    } {sc.loop_unroll_factor = 2 : i64, sc.parallel_access}
    %dma_wait3A_431 = arith.constant 256 : i32
    %dma_wait3A_432 = tpu.memref_slice %arg6[%dma_wait3A_431] : memref<512xi32, #tpu.memory_space<vmem>> -> memref<128xi32, #tpu.memory_space<vmem>>
    %dma_wait3A_433 = arith.constant 0 : i32
    %dma_wait3A_434 = arith.constant 0 : i32
    %dma_wait3A_435 = tpu.memref_slice %arg3[%dma_wait3A_433, %dma_wait3A_434] : memref<25000x128xf32, #tpu.memory_space<hbm>> -> memref<25000x128xf32, #tpu.memory_space<hbm>>
    tpu.wait_indirect_dma semaphore(%arg14 : memref<!tpu.dma_semaphore, #tpu.memory_space<semaphore_mem>>) src(%dma_wait3A_435 : memref<25000x128xf32, #tpu.memory_space<hbm>>) dst(%arg9 : memref<128x128xf32, #tpu.memory_space<vmem>>)
    %get3A_436 = arith.constant 256 : index
    %get3A_437 = tpu.vector_load %arg5[%get3A_436] {strides = array<i32>} : memref<512xi32, #tpu.memory_space<vmem>>, vector<16xi32>,
    %and3A_438 = arith.constant 3 : i32
    %and3A_439 = vector.broadcast %and3A_438 : i32 to vector<16xi32>
    %and3A_440 = arith.andi %get3A_437, %and3A_439 : vector<16xi32>
    %shift_left3A_441 = arith.constant 5 : i32
    %shift_left3A_442 = vector.broadcast %shift_left3A_441 : i32 to vector<16xi32>
    %shift_left3A_443 = arith.shli %and3A_440, %shift_left3A_442 : vector<16xi32>
    %add3A_444 = arith.constant 0 : i32
    %add3A_445 = vector.broadcast %add3A_444 : i32 to vector<16xi32>
    %add3A_446 = arith.addi %iota3A, %add3A_445 : vector<16xi32>
    %get3A_447 = arith.constant 272 : index
    %get3A_448 = tpu.vector_load %arg5[%get3A_447] {strides = array<i32>} : memref<512xi32, #tpu.memory_space<vmem>>, vector<16xi32>,
    %and3A_449 = arith.constant 3 : i32
    %and3A_450 = vector.broadcast %and3A_449 : i32 to vector<16xi32>
    %and3A_451 = arith.andi %get3A_448, %and3A_450 : vector<16xi32>
    %shift_left3A_452 = arith.constant 5 : i32
    %shift_left3A_453 = vector.broadcast %shift_left3A_452 : i32 to vector<16xi32>
    %shift_left3A_454 = arith.shli %and3A_451, %shift_left3A_453 : vector<16xi32>
    %add3A_455 = arith.constant 16 : i32
    %add3A_456 = vector.broadcast %add3A_455 : i32 to vector<16xi32>
    %add3A_457 = arith.addi %iota3A, %add3A_456 : vector<16xi32>
    %get3A_458 = arith.constant 288 : index
    %get3A_459 = tpu.vector_load %arg5[%get3A_458] {strides = array<i32>} : memref<512xi32, #tpu.memory_space<vmem>>, vector<16xi32>,
    %and3A_460 = arith.constant 3 : i32
    %and3A_461 = vector.broadcast %and3A_460 : i32 to vector<16xi32>
    %and3A_462 = arith.andi %get3A_459, %and3A_461 : vector<16xi32>
    %shift_left3A_463 = arith.constant 5 : i32
    %shift_left3A_464 = vector.broadcast %shift_left3A_463 : i32 to vector<16xi32>
    %shift_left3A_465 = arith.shli %and3A_462, %shift_left3A_464 : vector<16xi32>
    %add3A_466 = arith.constant 32 : i32
    %add3A_467 = vector.broadcast %add3A_466 : i32 to vector<16xi32>
    %add3A_468 = arith.addi %iota3A, %add3A_467 : vector<16xi32>
    %get3A_469 = arith.constant 304 : index
    %get3A_470 = tpu.vector_load %arg5[%get3A_469] {strides = array<i32>} : memref<512xi32, #tpu.memory_space<vmem>>, vector<16xi32>,
    %and3A_471 = arith.constant 3 : i32
    %and3A_472 = vector.broadcast %and3A_471 : i32 to vector<16xi32>
    %and3A_473 = arith.andi %get3A_470, %and3A_472 : vector<16xi32>
    %shift_left3A_474 = arith.constant 5 : i32
    %shift_left3A_475 = vector.broadcast %shift_left3A_474 : i32 to vector<16xi32>
    %shift_left3A_476 = arith.shli %and3A_473, %shift_left3A_475 : vector<16xi32>
    %add3A_477 = arith.constant 48 : i32
    %add3A_478 = vector.broadcast %add3A_477 : i32 to vector<16xi32>
    %add3A_479 = arith.addi %iota3A, %add3A_478 : vector<16xi32>
    %get3A_480 = arith.constant 320 : index
    %get3A_481 = tpu.vector_load %arg5[%get3A_480] {strides = array<i32>} : memref<512xi32, #tpu.memory_space<vmem>>, vector<16xi32>,
    %and3A_482 = arith.constant 3 : i32
    %and3A_483 = vector.broadcast %and3A_482 : i32 to vector<16xi32>
    %and3A_484 = arith.andi %get3A_481, %and3A_483 : vector<16xi32>
    %shift_left3A_485 = arith.constant 5 : i32
    %shift_left3A_486 = vector.broadcast %shift_left3A_485 : i32 to vector<16xi32>
    %shift_left3A_487 = arith.shli %and3A_484, %shift_left3A_486 : vector<16xi32>
    %add3A_488 = arith.constant 64 : i32
    %add3A_489 = vector.broadcast %add3A_488 : i32 to vector<16xi32>
    %add3A_490 = arith.addi %iota3A, %add3A_489 : vector<16xi32>
    %get3A_491 = arith.constant 336 : index
    %get3A_492 = tpu.vector_load %arg5[%get3A_491] {strides = array<i32>} : memref<512xi32, #tpu.memory_space<vmem>>, vector<16xi32>,
    %and3A_493 = arith.constant 3 : i32
    %and3A_494 = vector.broadcast %and3A_493 : i32 to vector<16xi32>
    %and3A_495 = arith.andi %get3A_492, %and3A_494 : vector<16xi32>
    %shift_left3A_496 = arith.constant 5 : i32
    %shift_left3A_497 = vector.broadcast %shift_left3A_496 : i32 to vector<16xi32>
    %shift_left3A_498 = arith.shli %and3A_495, %shift_left3A_497 : vector<16xi32>
    %add3A_499 = arith.constant 80 : i32
    %add3A_500 = vector.broadcast %add3A_499 : i32 to vector<16xi32>
    %add3A_501 = arith.addi %iota3A, %add3A_500 : vector<16xi32>
    %get3A_502 = arith.constant 352 : index
    %get3A_503 = tpu.vector_load %arg5[%get3A_502] {strides = array<i32>} : memref<512xi32, #tpu.memory_space<vmem>>, vector<16xi32>,
    %and3A_504 = arith.constant 3 : i32
    %and3A_505 = vector.broadcast %and3A_504 : i32 to vector<16xi32>
    %and3A_506 = arith.andi %get3A_503, %and3A_505 : vector<16xi32>
    %shift_left3A_507 = arith.constant 5 : i32
    %shift_left3A_508 = vector.broadcast %shift_left3A_507 : i32 to vector<16xi32>
    %shift_left3A_509 = arith.shli %and3A_506, %shift_left3A_508 : vector<16xi32>
    %add3A_510 = arith.constant 96 : i32
    %add3A_511 = vector.broadcast %add3A_510 : i32 to vector<16xi32>
    %add3A_512 = arith.addi %iota3A, %add3A_511 : vector<16xi32>
    %get3A_513 = arith.constant 368 : index
    %get3A_514 = tpu.vector_load %arg5[%get3A_513] {strides = array<i32>} : memref<512xi32, #tpu.memory_space<vmem>>, vector<16xi32>,
    %and3A_515 = arith.constant 3 : i32
    %and3A_516 = vector.broadcast %and3A_515 : i32 to vector<16xi32>
    %and3A_517 = arith.andi %get3A_514, %and3A_516 : vector<16xi32>
    %shift_left3A_518 = arith.constant 5 : i32
    %shift_left3A_519 = vector.broadcast %shift_left3A_518 : i32 to vector<16xi32>
    %shift_left3A_520 = arith.shli %and3A_517, %shift_left3A_519 : vector<16xi32>
    %add3A_521 = arith.constant 112 : i32
    %add3A_522 = vector.broadcast %add3A_521 : i32 to vector<16xi32>
    %add3A_523 = arith.addi %iota3A, %add3A_522 : vector<16xi32>
    %parallel_loop3A_524 = arith.constant 0 : i32
    %parallel_loop3A_525 = arith.constant 32 : i32
    %parallel_loop3A_526 = arith.constant 1 : i32
    scf.for %parallel_loop3A_623 = %parallel_loop3A_524 to %parallel_loop3A_525 step %parallel_loop3A_526  : i32 {
      %parallel_loop3A_624 = vector.broadcast %parallel_loop3A_623 : i32 to vector<16xi32>
      %parallel_loop3A_625 = arith.addi %iota3A, %parallel_loop3A_624 : vector<16xi32>
      %parallel_loop3A_626 = arith.constant 15 : i32
      %parallel_loop3A_627 = vector.broadcast %parallel_loop3A_626 : i32 to vector<16xi32>
      %parallel_loop3A_628 = arith.andi %parallel_loop3A_625, %parallel_loop3A_627 : vector<16xi32>
      %parallel_loop3A_629 = arith.constant 16 : i32
      %parallel_loop3A_630 = arith.andi %parallel_loop3A_623, %parallel_loop3A_629 : i32
      %parallel_loop3A_631 = vector.broadcast %parallel_loop3A_630 : i32 to vector<16xi32>
      %parallel_loop3A_632 = arith.addi %parallel_loop3A_628, %parallel_loop3A_631 : vector<16xi32>
      %parallel_loop3A_633 = arith.constant 3 : i32
      %parallel_loop3A_634 = vector.broadcast %parallel_loop3A_633 : i32 to vector<16xi32>
      %parallel_loop3A_635 = arith.shrui %parallel_loop3A_632, %parallel_loop3A_634 : vector<16xi32>
      %parallel_loop3A_636 = arith.constant 7 : i32
      %parallel_loop3A_637 = vector.broadcast %parallel_loop3A_636 : i32 to vector<16xi32>
      %parallel_loop3A_638 = arith.andi %parallel_loop3A_632, %parallel_loop3A_637 : vector<16xi32>
      %parallel_loop3A_639 = arith.addi %shift_left3A_443, %parallel_loop3A_632 : vector<16xi32>
      %parallel_loop3A_640 = tpu.vector_load_idx %arg9[%add3A_446, %parallel_loop3A_639] : memref<128x128xf32, #tpu.memory_space<vmem>>[vector<16xi32>, vector<16xi32>], vector<16xf32>,
      %parallel_loop3A_641 = arith.addi %shift_left3A_454, %parallel_loop3A_632 : vector<16xi32>
      %parallel_loop3A_642 = tpu.vector_load_idx %arg9[%add3A_457, %parallel_loop3A_641] : memref<128x128xf32, #tpu.memory_space<vmem>>[vector<16xi32>, vector<16xi32>], vector<16xf32>,
      %parallel_loop3A_643 = arith.addi %shift_left3A_465, %parallel_loop3A_632 : vector<16xi32>
      %parallel_loop3A_644 = tpu.vector_load_idx %arg9[%add3A_468, %parallel_loop3A_643] : memref<128x128xf32, #tpu.memory_space<vmem>>[vector<16xi32>, vector<16xi32>], vector<16xf32>,
      %parallel_loop3A_645 = arith.addi %shift_left3A_476, %parallel_loop3A_632 : vector<16xi32>
      %parallel_loop3A_646 = tpu.vector_load_idx %arg9[%add3A_479, %parallel_loop3A_645] : memref<128x128xf32, #tpu.memory_space<vmem>>[vector<16xi32>, vector<16xi32>], vector<16xf32>,
      %parallel_loop3A_647 = arith.addi %shift_left3A_487, %parallel_loop3A_632 : vector<16xi32>
      %parallel_loop3A_648 = tpu.vector_load_idx %arg9[%add3A_490, %parallel_loop3A_647] : memref<128x128xf32, #tpu.memory_space<vmem>>[vector<16xi32>, vector<16xi32>], vector<16xf32>,
      %parallel_loop3A_649 = arith.addi %shift_left3A_498, %parallel_loop3A_632 : vector<16xi32>
      %parallel_loop3A_650 = tpu.vector_load_idx %arg9[%add3A_501, %parallel_loop3A_649] : memref<128x128xf32, #tpu.memory_space<vmem>>[vector<16xi32>, vector<16xi32>], vector<16xf32>,
      %parallel_loop3A_651 = arith.addi %shift_left3A_509, %parallel_loop3A_632 : vector<16xi32>
      %parallel_loop3A_652 = tpu.vector_load_idx %arg9[%add3A_512, %parallel_loop3A_651] : memref<128x128xf32, #tpu.memory_space<vmem>>[vector<16xi32>, vector<16xi32>], vector<16xf32>,
      %parallel_loop3A_653 = arith.addi %shift_left3A_520, %parallel_loop3A_632 : vector<16xi32>
      %parallel_loop3A_654 = tpu.vector_load_idx %arg9[%add3A_523, %parallel_loop3A_653] : memref<128x128xf32, #tpu.memory_space<vmem>>[vector<16xi32>, vector<16xi32>], vector<16xf32>,
      %parallel_loop3A_655 = arith.constant 256 : i32
      %parallel_loop3A_656 = vector.broadcast %parallel_loop3A_655 : i32 to vector<16xi32>
      %parallel_loop3A_657 = arith.addi %add3A_446, %parallel_loop3A_656 : vector<16xi32>
      tpu.vector_store_idx %arg11[%parallel_loop3A_635, %parallel_loop3A_638, %parallel_loop3A_657], %parallel_loop3A_640 : memref<4x8x512xf32, #tpu.memory_space<vmem>>[vector<16xi32>, vector<16xi32>, vector<16xi32>], vector<16xf32>,
      %parallel_loop3A_658 = arith.constant 256 : i32
      %parallel_loop3A_659 = vector.broadcast %parallel_loop3A_658 : i32 to vector<16xi32>
      %parallel_loop3A_660 = arith.addi %add3A_457, %parallel_loop3A_659 : vector<16xi32>
      tpu.vector_store_idx %arg11[%parallel_loop3A_635, %parallel_loop3A_638, %parallel_loop3A_660], %parallel_loop3A_642 : memref<4x8x512xf32, #tpu.memory_space<vmem>>[vector<16xi32>, vector<16xi32>, vector<16xi32>], vector<16xf32>,
      %parallel_loop3A_661 = arith.constant 256 : i32
      %parallel_loop3A_662 = vector.broadcast %parallel_loop3A_661 : i32 to vector<16xi32>
      %parallel_loop3A_663 = arith.addi %add3A_468, %parallel_loop3A_662 : vector<16xi32>
      tpu.vector_store_idx %arg11[%parallel_loop3A_635, %parallel_loop3A_638, %parallel_loop3A_663], %parallel_loop3A_644 : memref<4x8x512xf32, #tpu.memory_space<vmem>>[vector<16xi32>, vector<16xi32>, vector<16xi32>], vector<16xf32>,
      %parallel_loop3A_664 = arith.constant 256 : i32
      %parallel_loop3A_665 = vector.broadcast %parallel_loop3A_664 : i32 to vector<16xi32>
      %parallel_loop3A_666 = arith.addi %add3A_479, %parallel_loop3A_665 : vector<16xi32>
      tpu.vector_store_idx %arg11[%parallel_loop3A_635, %parallel_loop3A_638, %parallel_loop3A_666], %parallel_loop3A_646 : memref<4x8x512xf32, #tpu.memory_space<vmem>>[vector<16xi32>, vector<16xi32>, vector<16xi32>], vector<16xf32>,
      %parallel_loop3A_667 = arith.constant 256 : i32
      %parallel_loop3A_668 = vector.broadcast %parallel_loop3A_667 : i32 to vector<16xi32>
      %parallel_loop3A_669 = arith.addi %add3A_490, %parallel_loop3A_668 : vector<16xi32>
      tpu.vector_store_idx %arg11[%parallel_loop3A_635, %parallel_loop3A_638, %parallel_loop3A_669], %parallel_loop3A_648 : memref<4x8x512xf32, #tpu.memory_space<vmem>>[vector<16xi32>, vector<16xi32>, vector<16xi32>], vector<16xf32>,
      %parallel_loop3A_670 = arith.constant 256 : i32
      %parallel_loop3A_671 = vector.broadcast %parallel_loop3A_670 : i32 to vector<16xi32>
      %parallel_loop3A_672 = arith.addi %add3A_501, %parallel_loop3A_671 : vector<16xi32>
      tpu.vector_store_idx %arg11[%parallel_loop3A_635, %parallel_loop3A_638, %parallel_loop3A_672], %parallel_loop3A_650 : memref<4x8x512xf32, #tpu.memory_space<vmem>>[vector<16xi32>, vector<16xi32>, vector<16xi32>], vector<16xf32>,
      %parallel_loop3A_673 = arith.constant 256 : i32
      %parallel_loop3A_674 = vector.broadcast %parallel_loop3A_673 : i32 to vector<16xi32>
      %parallel_loop3A_675 = arith.addi %add3A_512, %parallel_loop3A_674 : vector<16xi32>
      tpu.vector_store_idx %arg11[%parallel_loop3A_635, %parallel_loop3A_638, %parallel_loop3A_675], %parallel_loop3A_652 : memref<4x8x512xf32, #tpu.memory_space<vmem>>[vector<16xi32>, vector<16xi32>, vector<16xi32>], vector<16xf32>,
      %parallel_loop3A_676 = arith.constant 256 : i32
      %parallel_loop3A_677 = vector.broadcast %parallel_loop3A_676 : i32 to vector<16xi32>
      %parallel_loop3A_678 = arith.addi %add3A_523, %parallel_loop3A_677 : vector<16xi32>
      tpu.vector_store_idx %arg11[%parallel_loop3A_635, %parallel_loop3A_638, %parallel_loop3A_678], %parallel_loop3A_654 : memref<4x8x512xf32, #tpu.memory_space<vmem>>[vector<16xi32>, vector<16xi32>, vector<16xi32>], vector<16xf32>,
    } {sc.loop_unroll_factor = 2 : i64, sc.parallel_access}
    %dma_wait3A_527 = arith.constant 384 : i32
    %dma_wait3A_528 = tpu.memref_slice %arg6[%dma_wait3A_527] : memref<512xi32, #tpu.memory_space<vmem>> -> memref<128xi32, #tpu.memory_space<vmem>>
    %dma_wait3A_529 = arith.constant 0 : i32
    %dma_wait3A_530 = arith.constant 0 : i32
    %dma_wait3A_531 = tpu.memref_slice %arg3[%dma_wait3A_529, %dma_wait3A_530] : memref<25000x128xf32, #tpu.memory_space<hbm>> -> memref<25000x128xf32, #tpu.memory_space<hbm>>
    tpu.wait_indirect_dma semaphore(%arg15 : memref<!tpu.dma_semaphore, #tpu.memory_space<semaphore_mem>>) src(%dma_wait3A_531 : memref<25000x128xf32, #tpu.memory_space<hbm>>) dst(%arg10 : memref<128x128xf32, #tpu.memory_space<vmem>>)
    %get3A_532 = arith.constant 384 : index
    %get3A_533 = tpu.vector_load %arg5[%get3A_532] {strides = array<i32>} : memref<512xi32, #tpu.memory_space<vmem>>, vector<16xi32>,
    %and3A_534 = arith.constant 3 : i32
    %and3A_535 = vector.broadcast %and3A_534 : i32 to vector<16xi32>
    %and3A_536 = arith.andi %get3A_533, %and3A_535 : vector<16xi32>
    %shift_left3A_537 = arith.constant 5 : i32
    %shift_left3A_538 = vector.broadcast %shift_left3A_537 : i32 to vector<16xi32>
    %shift_left3A_539 = arith.shli %and3A_536, %shift_left3A_538 : vector<16xi32>
    %add3A_540 = arith.constant 0 : i32
    %add3A_541 = vector.broadcast %add3A_540 : i32 to vector<16xi32>
    %add3A_542 = arith.addi %iota3A, %add3A_541 : vector<16xi32>
    %get3A_543 = arith.constant 400 : index
    %get3A_544 = tpu.vector_load %arg5[%get3A_543] {strides = array<i32>} : memref<512xi32, #tpu.memory_space<vmem>>, vector<16xi32>,
    %and3A_545 = arith.constant 3 : i32
    %and3A_546 = vector.broadcast %and3A_545 : i32 to vector<16xi32>
    %and3A_547 = arith.andi %get3A_544, %and3A_546 : vector<16xi32>
    %shift_left3A_548 = arith.constant 5 : i32
    %shift_left3A_549 = vector.broadcast %shift_left3A_548 : i32 to vector<16xi32>
    %shift_left3A_550 = arith.shli %and3A_547, %shift_left3A_549 : vector<16xi32>
    %add3A_551 = arith.constant 16 : i32
    %add3A_552 = vector.broadcast %add3A_551 : i32 to vector<16xi32>
    %add3A_553 = arith.addi %iota3A, %add3A_552 : vector<16xi32>
    %get3A_554 = arith.constant 416 : index
    %get3A_555 = tpu.vector_load %arg5[%get3A_554] {strides = array<i32>} : memref<512xi32, #tpu.memory_space<vmem>>, vector<16xi32>,
    %and3A_556 = arith.constant 3 : i32
    %and3A_557 = vector.broadcast %and3A_556 : i32 to vector<16xi32>
    %and3A_558 = arith.andi %get3A_555, %and3A_557 : vector<16xi32>
    %shift_left3A_559 = arith.constant 5 : i32
    %shift_left3A_560 = vector.broadcast %shift_left3A_559 : i32 to vector<16xi32>
    %shift_left3A_561 = arith.shli %and3A_558, %shift_left3A_560 : vector<16xi32>
    %add3A_562 = arith.constant 32 : i32
    %add3A_563 = vector.broadcast %add3A_562 : i32 to vector<16xi32>
    %add3A_564 = arith.addi %iota3A, %add3A_563 : vector<16xi32>
    %get3A_565 = arith.constant 432 : index
    %get3A_566 = tpu.vector_load %arg5[%get3A_565] {strides = array<i32>} : memref<512xi32, #tpu.memory_space<vmem>>, vector<16xi32>,
    %and3A_567 = arith.constant 3 : i32
    %and3A_568 = vector.broadcast %and3A_567 : i32 to vector<16xi32>
    %and3A_569 = arith.andi %get3A_566, %and3A_568 : vector<16xi32>
    %shift_left3A_570 = arith.constant 5 : i32
    %shift_left3A_571 = vector.broadcast %shift_left3A_570 : i32 to vector<16xi32>
    %shift_left3A_572 = arith.shli %and3A_569, %shift_left3A_571 : vector<16xi32>
    %add3A_573 = arith.constant 48 : i32
    %add3A_574 = vector.broadcast %add3A_573 : i32 to vector<16xi32>
    %add3A_575 = arith.addi %iota3A, %add3A_574 : vector<16xi32>
    %get3A_576 = arith.constant 448 : index
    %get3A_577 = tpu.vector_load %arg5[%get3A_576] {strides = array<i32>} : memref<512xi32, #tpu.memory_space<vmem>>, vector<16xi32>,
    %and3A_578 = arith.constant 3 : i32
    %and3A_579 = vector.broadcast %and3A_578 : i32 to vector<16xi32>
    %and3A_580 = arith.andi %get3A_577, %and3A_579 : vector<16xi32>
    %shift_left3A_581 = arith.constant 5 : i32
    %shift_left3A_582 = vector.broadcast %shift_left3A_581 : i32 to vector<16xi32>
    %shift_left3A_583 = arith.shli %and3A_580, %shift_left3A_582 : vector<16xi32>
    %add3A_584 = arith.constant 64 : i32
    %add3A_585 = vector.broadcast %add3A_584 : i32 to vector<16xi32>
    %add3A_586 = arith.addi %iota3A, %add3A_585 : vector<16xi32>
    %get3A_587 = arith.constant 464 : index
    %get3A_588 = tpu.vector_load %arg5[%get3A_587] {strides = array<i32>} : memref<512xi32, #tpu.memory_space<vmem>>, vector<16xi32>,
    %and3A_589 = arith.constant 3 : i32
    %and3A_590 = vector.broadcast %and3A_589 : i32 to vector<16xi32>
    %and3A_591 = arith.andi %get3A_588, %and3A_590 : vector<16xi32>
    %shift_left3A_592 = arith.constant 5 : i32
    %shift_left3A_593 = vector.broadcast %shift_left3A_592 : i32 to vector<16xi32>
    %shift_left3A_594 = arith.shli %and3A_591, %shift_left3A_593 : vector<16xi32>
    %add3A_595 = arith.constant 80 : i32
    %add3A_596 = vector.broadcast %add3A_595 : i32 to vector<16xi32>
    %add3A_597 = arith.addi %iota3A, %add3A_596 : vector<16xi32>
    %get3A_598 = arith.constant 480 : index
    %get3A_599 = tpu.vector_load %arg5[%get3A_598] {strides = array<i32>} : memref<512xi32, #tpu.memory_space<vmem>>, vector<16xi32>,
    %and3A_600 = arith.constant 3 : i32
    %and3A_601 = vector.broadcast %and3A_600 : i32 to vector<16xi32>
    %and3A_602 = arith.andi %get3A_599, %and3A_601 : vector<16xi32>
    %shift_left3A_603 = arith.constant 5 : i32
    %shift_left3A_604 = vector.broadcast %shift_left3A_603 : i32 to vector<16xi32>
    %shift_left3A_605 = arith.shli %and3A_602, %shift_left3A_604 : vector<16xi32>
    %add3A_606 = arith.constant 96 : i32
    %add3A_607 = vector.broadcast %add3A_606 : i32 to vector<16xi32>
    %add3A_608 = arith.addi %iota3A, %add3A_607 : vector<16xi32>
    %get3A_609 = arith.constant 496 : index
    %get3A_610 = tpu.vector_load %arg5[%get3A_609] {strides = array<i32>} : memref<512xi32, #tpu.memory_space<vmem>>, vector<16xi32>,
    %and3A_611 = arith.constant 3 : i32
    %and3A_612 = vector.broadcast %and3A_611 : i32 to vector<16xi32>
    %and3A_613 = arith.andi %get3A_610, %and3A_612 : vector<16xi32>
    %shift_left3A_614 = arith.constant 5 : i32
    %shift_left3A_615 = vector.broadcast %shift_left3A_614 : i32 to vector<16xi32>
    %shift_left3A_616 = arith.shli %and3A_613, %shift_left3A_615 : vector<16xi32>
    %add3A_617 = arith.constant 112 : i32
    %add3A_618 = vector.broadcast %add3A_617 : i32 to vector<16xi32>
    %add3A_619 = arith.addi %iota3A, %add3A_618 : vector<16xi32>
    %parallel_loop3A_620 = arith.constant 0 : i32
    %parallel_loop3A_621 = arith.constant 32 : i32
    %parallel_loop3A_622 = arith.constant 1 : i32
    scf.for %parallel_loop3A_623 = %parallel_loop3A_620 to %parallel_loop3A_621 step %parallel_loop3A_622  : i32 {
      %parallel_loop3A_624 = vector.broadcast %parallel_loop3A_623 : i32 to vector<16xi32>
      %parallel_loop3A_625 = arith.addi %iota3A, %parallel_loop3A_624 : vector<16xi32>
      %parallel_loop3A_626 = arith.constant 15 : i32
      %parallel_loop3A_627 = vector.broadcast %parallel_loop3A_626 : i32 to vector<16xi32>
      %parallel_loop3A_628 = arith.andi %parallel_loop3A_625, %parallel_loop3A_627 : vector<16xi32>
      %parallel_loop3A_629 = arith.constant 16 : i32
      %parallel_loop3A_630 = arith.andi %parallel_loop3A_623, %parallel_loop3A_629 : i32
      %parallel_loop3A_631 = vector.broadcast %parallel_loop3A_630 : i32 to vector<16xi32>
      %parallel_loop3A_632 = arith.addi %parallel_loop3A_628, %parallel_loop3A_631 : vector<16xi32>
      %parallel_loop3A_633 = arith.constant 3 : i32
      %parallel_loop3A_634 = vector.broadcast %parallel_loop3A_633 : i32 to vector<16xi32>
      %parallel_loop3A_635 = arith.shrui %parallel_loop3A_632, %parallel_loop3A_634 : vector<16xi32>
      %parallel_loop3A_636 = arith.constant 7 : i32
      %parallel_loop3A_637 = vector.broadcast %parallel_loop3A_636 : i32 to vector<16xi32>
      %parallel_loop3A_638 = arith.andi %parallel_loop3A_632, %parallel_loop3A_637 : vector<16xi32>
      %parallel_loop3A_639 = arith.addi %shift_left3A_539, %parallel_loop3A_632 : vector<16xi32>
      %parallel_loop3A_640 = tpu.vector_load_idx %arg10[%add3A_542, %parallel_loop3A_639] : memref<128x128xf32, #tpu.memory_space<vmem>>[vector<16xi32>, vector<16xi32>], vector<16xf32>,
      %parallel_loop3A_641 = arith.addi %shift_left3A_550, %parallel_loop3A_632 : vector<16xi32>
      %parallel_loop3A_642 = tpu.vector_load_idx %arg10[%add3A_553, %parallel_loop3A_641] : memref<128x128xf32, #tpu.memory_space<vmem>>[vector<16xi32>, vector<16xi32>], vector<16xf32>,
      %parallel_loop3A_643 = arith.addi %shift_left3A_561, %parallel_loop3A_632 : vector<16xi32>
      %parallel_loop3A_644 = tpu.vector_load_idx %arg10[%add3A_564, %parallel_loop3A_643] : memref<128x128xf32, #tpu.memory_space<vmem>>[vector<16xi32>, vector<16xi32>], vector<16xf32>,
      %parallel_loop3A_645 = arith.addi %shift_left3A_572, %parallel_loop3A_632 : vector<16xi32>
      %parallel_loop3A_646 = tpu.vector_load_idx %arg10[%add3A_575, %parallel_loop3A_645] : memref<128x128xf32, #tpu.memory_space<vmem>>[vector<16xi32>, vector<16xi32>], vector<16xf32>,
      %parallel_loop3A_647 = arith.addi %shift_left3A_583, %parallel_loop3A_632 : vector<16xi32>
      %parallel_loop3A_648 = tpu.vector_load_idx %arg10[%add3A_586, %parallel_loop3A_647] : memref<128x128xf32, #tpu.memory_space<vmem>>[vector<16xi32>, vector<16xi32>], vector<16xf32>,
      %parallel_loop3A_649 = arith.addi %shift_left3A_594, %parallel_loop3A_632 : vector<16xi32>
      %parallel_loop3A_650 = tpu.vector_load_idx %arg10[%add3A_597, %parallel_loop3A_649] : memref<128x128xf32, #tpu.memory_space<vmem>>[vector<16xi32>, vector<16xi32>], vector<16xf32>,
      %parallel_loop3A_651 = arith.addi %shift_left3A_605, %parallel_loop3A_632 : vector<16xi32>
      %parallel_loop3A_652 = tpu.vector_load_idx %arg10[%add3A_608, %parallel_loop3A_651] : memref<128x128xf32, #tpu.memory_space<vmem>>[vector<16xi32>, vector<16xi32>], vector<16xf32>,
      %parallel_loop3A_653 = arith.addi %shift_left3A_616, %parallel_loop3A_632 : vector<16xi32>
      %parallel_loop3A_654 = tpu.vector_load_idx %arg10[%add3A_619, %parallel_loop3A_653] : memref<128x128xf32, #tpu.memory_space<vmem>>[vector<16xi32>, vector<16xi32>], vector<16xf32>,
      %parallel_loop3A_655 = arith.constant 384 : i32
      %parallel_loop3A_656 = vector.broadcast %parallel_loop3A_655 : i32 to vector<16xi32>
      %parallel_loop3A_657 = arith.addi %add3A_542, %parallel_loop3A_656 : vector<16xi32>
      tpu.vector_store_idx %arg11[%parallel_loop3A_635, %parallel_loop3A_638, %parallel_loop3A_657], %parallel_loop3A_640 : memref<4x8x512xf32, #tpu.memory_space<vmem>>[vector<16xi32>, vector<16xi32>, vector<16xi32>], vector<16xf32>,
      %parallel_loop3A_658 = arith.constant 384 : i32
      %parallel_loop3A_659 = vector.broadcast %parallel_loop3A_658 : i32 to vector<16xi32>
      %parallel_loop3A_660 = arith.addi %add3A_553, %parallel_loop3A_659 : vector<16xi32>
      tpu.vector_store_idx %arg11[%parallel_loop3A_635, %parallel_loop3A_638, %parallel_loop3A_660], %parallel_loop3A_642 : memref<4x8x512xf32, #tpu.memory_space<vmem>>[vector<16xi32>, vector<16xi32>, vector<16xi32>], vector<16xf32>,
      %parallel_loop3A_661 = arith.constant 384 : i32
      %parallel_loop3A_662 = vector.broadcast %parallel_loop3A_661 : i32 to vector<16xi32>
      %parallel_loop3A_663 = arith.addi %add3A_564, %parallel_loop3A_662 : vector<16xi32>
      tpu.vector_store_idx %arg11[%parallel_loop3A_635, %parallel_loop3A_638, %parallel_loop3A_663], %parallel_loop3A_644 : memref<4x8x512xf32, #tpu.memory_space<vmem>>[vector<16xi32>, vector<16xi32>, vector<16xi32>], vector<16xf32>,
      %parallel_loop3A_664 = arith.constant 384 : i32
      %parallel_loop3A_665 = vector.broadcast %parallel_loop3A_664 : i32 to vector<16xi32>
      %parallel_loop3A_666 = arith.addi %add3A_575, %parallel_loop3A_665 : vector<16xi32>
      tpu.vector_store_idx %arg11[%parallel_loop3A_635, %parallel_loop3A_638, %parallel_loop3A_666], %parallel_loop3A_646 : memref<4x8x512xf32, #tpu.memory_space<vmem>>[vector<16xi32>, vector<16xi32>, vector<16xi32>], vector<16xf32>,
      %parallel_loop3A_667 = arith.constant 384 : i32
      %parallel_loop3A_668 = vector.broadcast %parallel_loop3A_667 : i32 to vector<16xi32>
      %parallel_loop3A_669 = arith.addi %add3A_586, %parallel_loop3A_668 : vector<16xi32>
      tpu.vector_store_idx %arg11[%parallel_loop3A_635, %parallel_loop3A_638, %parallel_loop3A_669], %parallel_loop3A_648 : memref<4x8x512xf32, #tpu.memory_space<vmem>>[vector<16xi32>, vector<16xi32>, vector<16xi32>], vector<16xf32>,
      %parallel_loop3A_670 = arith.constant 384 : i32
      %parallel_loop3A_671 = vector.broadcast %parallel_loop3A_670 : i32 to vector<16xi32>
      %parallel_loop3A_672 = arith.addi %add3A_597, %parallel_loop3A_671 : vector<16xi32>
      tpu.vector_store_idx %arg11[%parallel_loop3A_635, %parallel_loop3A_638, %parallel_loop3A_672], %parallel_loop3A_650 : memref<4x8x512xf32, #tpu.memory_space<vmem>>[vector<16xi32>, vector<16xi32>, vector<16xi32>], vector<16xf32>,
      %parallel_loop3A_673 = arith.constant 384 : i32
      %parallel_loop3A_674 = vector.broadcast %parallel_loop3A_673 : i32 to vector<16xi32>
      %parallel_loop3A_675 = arith.addi %add3A_608, %parallel_loop3A_674 : vector<16xi32>
      tpu.vector_store_idx %arg11[%parallel_loop3A_635, %parallel_loop3A_638, %parallel_loop3A_675], %parallel_loop3A_652 : memref<4x8x512xf32, #tpu.memory_space<vmem>>[vector<16xi32>, vector<16xi32>, vector<16xi32>], vector<16xf32>,
      %parallel_loop3A_676 = arith.constant 384 : i32
      %parallel_loop3A_677 = vector.broadcast %parallel_loop3A_676 : i32 to vector<16xi32>
      %parallel_loop3A_678 = arith.addi %add3A_619, %parallel_loop3A_677 : vector<16xi32>
      tpu.vector_store_idx %arg11[%parallel_loop3A_635, %parallel_loop3A_638, %parallel_loop3A_678], %parallel_loop3A_654 : memref<4x8x512xf32, #tpu.memory_space<vmem>>[vector<16xi32>, vector<16xi32>, vector<16xi32>], vector<16xf32>,
    } {sc.loop_unroll_factor = 2 : i64, sc.parallel_access}
    "tpu.region"() ({
      %run_scoped3A = tpu.sem_alloc : memref<!tpu.dma_semaphore, #tpu.memory_space<semaphore_mem>>
      %dma_start3A_623 = arith.constant 0 : i32
      %dma_start3A_624 = arith.constant 0 : i32
      %dma_start3A_625 = tpu.memref_slice %arg4[%dma_start3A_623, %dma_start3A_624, %mul3A_2] : memref<4x8x16384xf32, #tpu.memory_space<hbm>> -> memref<4x8x512xf32, #tpu.memory_space<hbm>>
      %dma_start3A_626 = arith.constant 0 : i32
      %dma_start3A_627 = arith.constant 0 : i32
      %dma_start3A_628 = tpu.memref_slice %arg4[%dma_start3A_626, %dma_start3A_627, %mul3A_2] : memref<4x8x16384xf32, #tpu.memory_space<hbm>> -> memref<4x8x512xf32, #tpu.memory_space<hbm>>
      tpu.enqueue_dma source(%arg11 : memref<4x8x512xf32, #tpu.memory_space<vmem>>) target(%dma_start3A_628 : memref<4x8x512xf32, #tpu.memory_space<hbm>>) target_semaphore(%run_scoped3A : memref<!tpu.dma_semaphore, #tpu.memory_space<semaphore_mem>>)
      %dma_wait3A_629 = arith.constant 0 : i32
      %dma_wait3A_630 = arith.constant 0 : i32
      %dma_wait3A_631 = tpu.memref_slice %arg4[%dma_wait3A_629, %dma_wait3A_630, %mul3A_2] : memref<4x8x16384xf32, #tpu.memory_space<hbm>> -> memref<4x8x512xf32, #tpu.memory_space<hbm>>
      %dma_wait3A_632 = arith.constant 0 : i32
      %dma_wait3A_633 = arith.constant 0 : i32
      %dma_wait3A_634 = tpu.memref_slice %arg4[%dma_wait3A_632, %dma_wait3A_633, %mul3A_2] : memref<4x8x16384xf32, #tpu.memory_space<hbm>> -> memref<4x8x512xf32, #tpu.memory_space<hbm>>
      tpu.wait_dma2 semaphore(%run_scoped3A : memref<!tpu.dma_semaphore, #tpu.memory_space<semaphore_mem>>) src(%arg11 : memref<4x8x512xf32, #tpu.memory_space<vmem>>) dst(%dma_wait3A_634 : memref<4x8x512xf32, #tpu.memory_space<hbm>>)
      tpu.yield
    }) : () -> ()
    return
  }
}

</mosaic_0001>

<sc_bundles>
// kernel: _run.4.cloned.1.call-start
scs
__scs_entry_jumppad:
0x0: {  	(pc) =	sbr.rel $0x88, $3  }
0x1: {  	(tag) =	ssettag $0x0;
	lr =	simm.s32 $0x1  }
0x2: {  	[smem:$0x3F9E] =	sst lr;
	_ =	strace $0xD0000000  }
0x3: {  	_ = 	snop  }
0x4: {  	_ = 	snop  }
0x5: {  	_ = 	snop  }
0x6: {  	_ = 	snop  }
0x7: {  	_ = 	snop  }
__scs_overlays_trampoline_lowered:
0x8: {  	[smem:$0x3FAD] =	sst s0  }
0x9: {  	[smem:$0x3FAE] =	sst s1  }
0xa: {  	[smem:$0x3FAF] =	sst s2  }
0xb: {  	[smem:$0x3FB0] =	sst s3  }
0xc: {  	[smem:$0x3FB1] =	sst s4  }
0xd: {  	[smem:$0x3FB2] =	sst s5  }
0xe: {  	[smem:$0x3FB3] =	sst s6  }
0xf: {  	[smem:$0x3FB4] =	sst s7  }
0x10: {  	[smem:$0x3FB5] =	sst s8  }
0x11: {  	[smem:$0x3FB6] =	sst s9;
	s0 =	simm.s32 @!p0 $0x0  }
0x12: {  	s1 =	sld [smem:$0x3F9C];
	s0 =	simm.s32 @p0 $0x1  }
0x13: {  	[smem:$0x3FB7] =	sst s0;
	s0 =	simm.s32 @!p1 $0x0  }
0x14: {  	s2 =	sld [smem:$0x3F9B];
	s0 =	simm.s32 @p1 $0x1  }
0x15: {  	[smem:$0x3FB8] =	sst s0;
	s0 =	simm.s32 @!p2 $0x0  }
0x16: {  	s3 =	sld [smem:$0x3FDB];
	s0 =	simm.s32 @p2 $0x1  }
0x17: {  	s4 =	simm.s32 $0x1BF5;
	[smem:$0x3FBA] =	sst s0  }
0x18: {  	s0 =	sld [smem:$0x3F9D];
	_ =	swait.ge [sflag:s4], $0x0  }
0x19: {  	s7 =	sld [smem:$0x3F9E]  }
0x1a: {  	s8 =	sadd.s32 $0xFFFFE003, lr  }
0x1b: {  	s9 =	sadd.s32 $0xFFFFFEF7, lr;
	s5 =	simm.s32 $0xFFFFFFFF;
	p2 =	slt.u32 s8, $0xFFFFF086  }
0x1c: {  	p1 =	slt.u32 s9, $0xF7A;
	s5 =	simm.s32 @!p2 $0x0  }
0x1d: {  	s5 =	simm.s32 @p1 $0x1;
	p0 =	seq.s32 s7, s2  }
0x1e: {  	s7 =	smul.u32 @!p0 $0xF7A, s2;
	p2 =	seq.s32 @!p0 s5, $0x0  }
0x1f: {  	s9 =	smul.u32 $0xF7A, s1;
	s8 =	simm.s32 @!p0 $0x1BF5;
	p2 =	por !p2, p0  }
0x20: {  	[sflag:s8] =	ssyncset.s32 @!p0 $0xFFFFF086;
	s6 =	sadd.s32 @!p0 s3, s7;
	s7 =	simm.s32 @!p0 $0x108  }
0x21: {  	s3 =	sadd.s32 s3, s9;
	s6 =	sadd.s32 @!p0 $0x88, s6;
	s7 =	simm.s32 @p2 $0x1082  }
0x22: {  	[simem:s7], [sflag:s8] =	dma.local @!p0 [hbm:s6], $0xF7A  }
0x23: {  	s9 =	sor.u32 $0xD0000000, s2;
	s6 =	simm.s32 $0x108;
	_ =	swait.ge @!p0 [sflag:s8], $0x0  }
0x24: {  	s3 =	sadd.s32 $0x88, s3;
	s6 =	simm.s32 @!p1 $0x1082;
	[sflag:s4] =	ssyncset.s32 $0xFFFFF086  }
0x25: {  	[simem:s6], [sflag:s4] =	dma.local [hbm:s3], $0xF7A  }
0x26: {  	[smem:$0x3F9E] =	sst s1;
	(tag) =	ssettag s2;
	_ =	strace s9  }
0x27: {  	s1 =	sld [smem:$0x3FAE]  }
0x28: {  	s2 =	sld [smem:$0x3FAF]  }
0x29: {  	s4 =	sld [smem:$0x3FB1]  }
0x2a: {  	p0 =	seq.s32 s5, $0x0;
	s5 =	sld [smem:$0x3FB2]  }
0x2b: {  	s6 =	sld [smem:$0x3FB3]  }
0x2c: {  	s7 =	sld [smem:$0x3FB4]  }
0x2d: {  	s3 =	simm.s32 $0x108;
	s8 =	sld [smem:$0x3FB5]  }
0x2e: {  	s3 =	simm.s32 @!p0 $0x1082;
	s9 =	sld [smem:$0x3FB6]  }
0x2f: {  	lr =	sadd.s32 s0, s3;
	s0 =	sld [smem:$0x3FAD]  }
0x30: {  	s3 =	sld [smem:$0x3FB0]  }
0x31: {  	[smem:$0x3FB9] =	sst s10  }
0x32: {  	s10 =	sld [smem:$0x3FB7];
	_ =	sdelay $0x3  }
0x33: {  	p0 =	seq.s32 s10, $0x1;
	s10 =	sld [smem:$0x3FB9];
	_ =	sdelay $0x3  }
0x34: {  	[smem:$0x3FB9] =	sst s10  }
0x35: {  	s10 =	sld [smem:$0x3FB8];
	_ =	sdelay $0x3  }
0x36: {  	p1 =	seq.s32 s10, $0x1;
	s10 =	sld [smem:$0x3FB9];
	_ =	sdelay $0x3  }
0x37: {  	[smem:$0x3FB9] =	sst s10  }
0x38: {  	s10 =	sld [smem:$0x3FBA]  }
0x39: {  	_ = 	snop;
	(pc) =	sbr.ind lr, $3  }
0x3a: {  	_ = 	snop  }
0x3b: {  	_ = 	snop  }
0x3c: {  	p2 =	seq.s32 s10, $0x1;
	s10 =	sld [smem:$0x3FB9]  }
0x3d: {  	_ =	shalt  }
0x3e: {  	_ =	shalt  }
0x3f: {  	_ =	shalt  }
0x40: {  	_ =	shalt  }
0x41: {  	_ =	shalt  }
0x42: {  	_ =	shalt  }
0x43: {  	_ =	shalt  }
0x44: {  	_ =	shalt  }
0x45: {  	_ =	shalt  }
0x46: {  	_ =	shalt  }
0x47: {  	_ =	shalt  }
0x48: {  	_ =	shalt  }
0x49: {  	_ =	shalt  }
0x4a: {  	_ =	shalt  }
0x4b: {  	_ =	shalt  }
0x4c: {  	_ =	shalt  }
0x4d: {  	_ =	shalt  }
0x4e: {  	_ =	shalt  }
0x4f: {  	_ =	shalt  }
0x50: {  	_ =	shalt  }
0x51: {  	_ =	shalt  }
0x52: {  	_ =	shalt  }
0x53: {  	_ =	shalt  }
0x54: {  	_ =	shalt  }
0x55: {  	_ =	shalt  }
0x56: {  	_ =	shalt  }
0x57: {  	_ =	shalt  }
0x58: {  	_ =	shalt  }
0x59: {  	_ =	shalt  }
0x5a: {  	_ =	shalt  }
0x5b: {  	_ =	shalt  }
0x5c: {  	_ =	shalt  }
0x5d: {  	_ =	shalt  }
0x5e: {  	_ =	shalt  }
0x5f: {  	_ =	shalt  }
0x60: {  	_ =	shalt  }
0x61: {  	_ =	shalt  }
0x62: {  	_ =	shalt  }
0x63: {  	_ =	shalt  }
0x64: {  	_ =	shalt  }
0x65: {  	_ =	shalt  }
0x66: {  	_ =	shalt  }
0x67: {  	_ =	shalt  }
0x68: {  	_ =	shalt  }
0x69: {  	_ =	shalt  }
0x6a: {  	_ =	shalt  }
0x6b: {  	_ =	shalt  }
0x6c: {  	_ =	shalt  }
0x6d: {  	_ =	shalt  }
0x6e: {  	_ =	shalt  }
0x6f: {  	_ =	shalt  }
0x70: {  	_ =	shalt  }
0x71: {  	_ =	shalt  }
0x72: {  	_ =	shalt  }
0x73: {  	_ =	shalt  }
0x74: {  	_ =	shalt  }
0x75: {  	_ =	shalt  }
0x76: {  	_ =	shalt  }
0x77: {  	_ =	shalt  }
0x78: {  	_ =	shalt  }
0x79: {  	_ =	shalt  }
0x7a: {  	_ =	shalt  }
0x7b: {  	_ =	shalt  }
0x7c: {  	_ =	shalt  }
0x7d: {  	_ =	shalt  }
0x7e: {  	_ =	shalt  }
0x7f: {  	_ =	shalt  }
0x80: {  	_ =	shalt  }
0x81: {  	_ =	shalt  }
0x82: {  	_ =	shalt  }
0x83: {  	_ =	shalt  }
0x84: {  	_ =	shalt  }
0x85: {  	_ =	shalt  }
0x86: {  	_ =	shalt  }
0x87: {  	_ =	shalt  }
.Lfunc_end0:
.L_simem_size_0:
called_computation_lowered:
.L_overlay_start_0:
0x88: {  	s2 =	sld [smem:$0x3FD9]  }
0x89: {  	s3 =	sld [smem:$0x3FFE];
	_ =	sdelay $0x1  }
0x8a: {  	s1 =	srdreg.scid  }
0x8b: {  	s0 =	sand.u32 $0x1, s1  }
0x8c: {  	s17 =	sshll.u32 s0, $0xA;
	s2 =	sadd.s32 s3, s2  }
0x8d: {  	s2 =	sadd.s32 s2, s17  }
0x8e: {  	[smem:$0x3FC5] =	sst s2  }
0x8f: {  	_ = 	snop  }
0x90: {  	s2 =	sld [smem:$0x3FC8]  }
0x91: {  	s18 =	sld [smem:$0x3FC7];
	(tm) =	ssettm $0x1  }
0x92: {  	s4 =	sld [smem:$0x3FFB];
	_ =	sdelay $0x3  }
0x93: {  	_ =	strace s4  }
0x94: {  	s4 =	sld [smem:$0x3FFC];
	_ =	sdelay $0x3  }
0x95: {  	_ =	strace s4  }
0x96: {  	s4 =	sld [smem:$0x3FFD];
	_ =	sdelay $0x3  }
0x97: {  	_ =	strace s4  }
0x98: {  	_ =	strace $0x8FFFFFFF  }
0x99: {  	s19 =	sld [smem:$0x3FDB];
	_ =	sdelay $0x1  }
0x9a: {  	s5 =	simm.s32 $_scs_section_size  }
0x9b: {  	s6 =	simm.s32 $_size__tile_overlayer_lowered;
	s7 =	simm.s32 $_tile_overlayer_lowered  }
0x9c: {  	s22 =	simm.s32 $0x1BFF;
	s21 =	sshll.u32 s7, $0x1;
	s4 =	sadd.s32 s5, s19  }
0x9d: {  	s8 =	simm.s32 $0x0;
	s20 =	sshll.u32 s6, $0x1;
	s6 =	sadd.s32 s21, s4  }
0x9e: {  	[timem:s8], [sflag:s22] =	dma.local [hbm:s6], s20  }
0x9f: {  	_ =	swait.ge [sflag:s22], s20  }
0xa0: {  	s5 =	ssub.s32 $0x0, s20;
	[sflag:s22] =	ssyncset.done $0x0  }
0xa1: {  	[sflag:s22] =	ssyncadd.s32 s5;
	_ =	sdelay $0x1  }
0xa2: {  	s23 =	simm.s32 $0x1B8B  }
0xa3: {  	_ =	swait.ge [sflag:s23], $0x1  }
0xa4: {  	[sflag:s23] =	ssyncset.done $0x0  }
0xa5: {  	s25 =	simm.s32 $0x1B8E;
	s24 =	sld [smem:$0x3FFE];
	[sflag:s23] =	ssyncadd.s32 $0xFFFFFFFF  }
0xa6: {  	s26 =	simm.s32 $execute0_lowered;
	[smem:$0x3FD2] =	sst s25  }
0xa7: {  	s6 =	sshll.u32 s26, $0x1;
	_ =	strace $0x80000046;
	[dreg:$0x1] =	wrdreg $0xFFFFFFFF  }
0xa8: {  	s28 =	simm.s32 $_size_execute0_lowered;
	s4 =	sadd.s32 s4, s6;
	[dreg:$0x0] =	wrdreg $0x0  }
0xa9: {  	s6 =	sshll.u32 s28, $0x1;
	[dreg:$0x2] =	wrdreg s4  }
0xaa: {  	[dreg:$0x3] =	wrdreg s6  }
0xab: {  	[dreg:$0x4] =	wrdreg $0xC0  }
0xac: {  	_ =	task [dreg:s8], $0x5FFFF  }
0xad: {  	[dreg:$0x1] =	wrdreg $0xFFFFFFFF  }
0xae: {  	[dreg:$0x0] =	wrdreg $0x60  }
0xaf: {  	[dreg:$0x2] =	wrdreg s2  }
0xb0: {  	[dreg:$0x3] =	wrdreg s18  }
0xb1: {  	[dreg:$0x4] =	wrdreg s24  }
0xb2: {  	[dreg:$0x5] =	wrdreg $0x9  }
0xb3: {  	_ =	task.clear_ibuf [dreg:s8], $0x6FFFF;
	_ =	strace $0x90000046  }
0xb4: {  	s29 =	simm.s32 $0x9;
	_ =	strace $0x80000048  }
0xb5: {  	_ =	swait.ge [sflag:s29], $0x1  }
0xb6: {  	[sflag:s29] =	ssyncadd.s32 $0xFFFFFFFF  }
0xb7: {  	_ =	strace $0x90000048  }
0xb8: {  	_ =	sfence  }
0xb9: {  	s30 =	sld [smem:$0x0];
	_ =	sdelay $0x2  }
0xba: {  	s31 =	sshll.u32 s1, $0xD;
	s1 =	sshrl.u32 s1, $0x2  }
0xbb: {  	s3 =	sand.u32 $0x4000, s31;
	s1 =	sadd.s32 s1, s30  }
0xbc: {  	s0 =	sor.u32 s3, s0;
	s1 =	sshll.u32 s1, $0x11  }
0xbd: {  	s0 =	sor.u32 s1, s0  }
0xbe: {  	s0 =	sadd.s32 $0x8F2B, s0  }
0xbf: {  	[sflag:s0] =	ssyncadd.remote.s32 $0x1  }
0xc0: {  	_ =	sfence.sel $0xFFFF  }
0xc1: {  	[dreg:$0x0] =	wrdreg $0xFFFFFFFF;
	(pc) =	sbr.abs _section_cstart, $3  }
0xc2: {  	[dreg:$0x1] =	wrdreg $0xFFFFFFFF  }
0xc3: {  	_ =	task.clear_ibuf [dreg:s8], $0x2FFFF;
	_ =	strace $0x9FFFFFFF  }
0xc4: {  	(tm) =	ssettm $0x7FFFFFFF  }
0xc5: {  	_ =	shalt  }
tec
execute0_lowered:
.L_overlay_start_1:
0x0: {  	(tag) =	ssettag $0x1  }
0x1: {  	v0 =	vlaneseq.u32  }
0x2: {  	v1 =	vor.u32 $0x430, v0  }
0x3: {  	v52 =	vmul.u32 $0x20, v0;
	[tilespmem:$0x1FCF0] =	vst v1;
	v1 =	vor.u32 $0x440, v0  }
0x4: {  	s0 =	rddreg [dreg:$0x0];
	[tilespmem:$0x1FD00] =	vst v1;
	v1 =	vor.u32 $0x450, v0  }
0x5: {  	s1 =	rddreg [dreg:$0x1];
	[tilespmem:$0x1FD10] =	vst v1;
	v1 =	vor.u32 $0x1800, v52  }
0x6: {  	s9 =	rddreg [dreg:$0x2];
	s3 =	simm.s32 $0x0;
	[tilespmem:$0x1FD20] =	vst v1;
	v1 =	vor.u32 $0x1A00, v52  }
0x7: {  	[smem:$0x7FF] =	sst s3;
	v33 =	vor.u32 $0x3C00, v52;
	[tilespmem:$0x1FD30] =	vst v1  }
0x8: {  	s2 =	rddreg [dreg:$0x3];
	v49 =	vor.u32 $0x3E00, v52;
	_ =	strace $0x80000047;
	[tilespmem:$0x1FD40] =	vst v33  }
0x9: {  	v30 =	vor.u32 $0x460, v0;
	[tilespmem:$0x1FD50] =	vst v49  }
0xa: {  	v29 =	vor.u32 $0x470, v0;
	[tilespmem:$0x1FD60] =	vst v30  }
0xb: {  	v34 =	vor.u32 $0x1000, v52;
	[tilespmem:$0x1FD70] =	vst v29  }
0xc: {  	v36 =	vor.u32 $0x1200, v52;
	[tilespmem:$0x1FD80] =	vst v34  }
0xd: {  	v37 =	vor.u32 $0x1400, v52;
	[tilespmem:$0x1FD90] =	vst v36  }
0xe: {  	v32 =	vor.u32 $0x1600, v52;
	[tilespmem:$0x1FDA0] =	vst v37  }
0xf: {  	v40 =	vor.u32 $0x1C00, v52;
	[tilespmem:$0x1FDB0] =	vst v32  }
0x10: {  	v41 =	vor.u32 $0x1E00, v52;
	[tilespmem:$0x1FDC0] =	vst v40  }
0x11: {  	v38 =	vor.u32 $0x800, v0;
	[tilespmem:$0x1FDD0] =	vst v41  }
0x12: {  	v2 =	vor.u32 $0x810, v0;
	[tilespmem:$0x1FDE0] =	vst v38  }
0x13: {  	v3 =	vor.u32 $0x820, v0;
	[tilespmem:$0x1FDF0] =	vst v2  }
0x14: {  	v4 =	vor.u32 $0x830, v0;
	[tilespmem:$0x1FE00] =	vst v3  }
0x15: {  	v5 =	vor.u32 $0x840, v0;
	[tilespmem:$0x1FE10] =	vst v4  }
0x16: {  	v6 =	vor.u32 $0x850, v0;
	[tilespmem:$0x1FE20] =	vst v5  }
0x17: {  	v7 =	vor.u32 $0x860, v0;
	[tilespmem:$0x1FE30] =	vst v6  }
0x18: {  	v8 =	vor.u32 $0x870, v0;
	[tilespmem:$0x1FE40] =	vst v7  }
0x19: {  	v9 =	vor.u32 $0x2000, v52;
	[tilespmem:$0x1FE50] =	vst v8  }
0x1a: {  	v47 =	vor.u32 $0x2200, v52;
	[tilespmem:$0x1FE60] =	vst v9  }
0x1b: {  	v11 =	vor.u32 $0x2400, v52;
	[tilespmem:$0x1FE70] =	vst v47  }
0x1c: {  	v12 =	vor.u32 $0x2600, v52;
	[tilespmem:$0x1FE80] =	vst v11  }
0x1d: {  	v13 =	vor.u32 $0x2800, v52;
	[tilespmem:$0x1FE90] =	vst v12  }
0x1e: {  	v14 =	vor.u32 $0x2A00, v52;
	[tilespmem:$0x1FEA0] =	vst v13  }
0x1f: {  	v15 =	vor.u32 $0x2C00, v52;
	[tilespmem:$0x1FEB0] =	vst v14  }
0x20: {  	v16 =	vor.u32 $0x2E00, v52;
	[tilespmem:$0x1FEC0] =	vst v15  }
0x21: {  	v17 =	vor.u32 $0xC00, v0;
	[tilespmem:$0x1FED0] =	vst v16  }
0x22: {  	v18 =	vor.u32 $0xC10, v0;
	[tilespmem:$0x1FEE0] =	vst v17  }
0x23: {  	v19 =	vor.u32 $0xC20, v0;
	[tilespmem:$0x1FEF0] =	vst v18  }
0x24: {  	v20 =	vor.u32 $0xC30, v0;
	[tilespmem:$0x1FF00] =	vst v19  }
0x25: {  	v21 =	vor.u32 $0xC40, v0;
	[tilespmem:$0x1FF10] =	vst v20  }
0x26: {  	v22 =	vor.u32 $0xC50, v0;
	[tilespmem:$0x1FF20] =	vst v21  }
0x27: {  	v23 =	vor.u32 $0xC60, v0;
	[tilespmem:$0x1FF30] =	vst v22  }
0x28: {  	v24 =	vor.u32 $0xC70, v0;
	[tilespmem:$0x1FF40] =	vst v23  }
0x29: {  	v25 =	vor.u32 $0x3000, v52;
	[tilespmem:$0x1FF50] =	vst v24  }
0x2a: {  	v27 =	vor.u32 $0x3200, v52;
	[tilespmem:$0x1FF60] =	vst v25  }
0x2b: {  	s4 =	srdreg.scid;
	s12 =	simm.s32 $0xC3800;
	v26 =	vor.u32 $0x3400, v52;
	[tilespmem:$0x1FF70] =	vst v27  }
0x2c: {  	s13 =	simm.s32 $0x2;
	s14 =	simm.s32 $0x5000;
	s15 =	simm.s32 $0x1;
	v28 =	vor.u32 $0x3600, v52;
	[tilespmem:$0x1FF80] =	vst v26  }
0x2d: {  	s16 =	simm.s32 $0xC000;
	s17 =	simm.s32 $0x400;
	s18 =	simm.s32 $0xA000;
	v50 =	vor.u32 $0x10, v0;
	v45 =	vor.u32 $0x3800, v52;
	[tilespmem:$0x1FF90] =	vst v28  }
0x2e: {  	s19 =	simm.s32 $0xB000;
	s20 =	simm.s32 $0x0;
	v51 =	vor.u32 $0x20, v0;
	v53 =	vor.u32 $0x30, v0;
	s6 =	sand.u32 $0x1, s4;
	v42 =	vor.u32 $0x3A00, v52;
	[tilespmem:$0x1FFA0] =	vst v45  }
.Ltmp0:
0x2f: {  	v54 =	vor.u32 $0x40, v0;
	v55 =	vor.u32 $0x50, v0;
	s4 =	stileid.u32;
	s7 =	ssub.s32 $0x2, s6;
	v43 =	vor.u32 $0xE00, v52;
	[tilespmem:$0x1FFB0] =	vst v42;
	(pc) =	sbr.rel .LBB2_1-.Ltmp0, $4  }
0x30: {  	v56 =	vor.u32 $0x60, v0;
	v57 =	vor.u32 $0x70, v0;
	v44 =	vor.u32 $0x400, v0;
	s5 =	sadd.s32 $0x800, s9;
	s10 =	sshll.u32 s4, $0x1;
	s8 =	sshrl.u32 s7, $0x1;
	[tilespmem:$0x1FFC0] =	vst v43  }
0x31: {  	v39 =	vor.u32 $0x410, v0;
	v46 =	vor.u32 $0x420, v0;
	v58 =	vor.u32 $0x200, v52;
	s6 =	sor.u32 s6, s10;
	s11 =	ssub.s32 s7, s8;
	s7 =	sadd.s32 $0x62200, s9;
	[tilespmem:$0x1FFD0] =	vst v44  }
0x32: {  	v59 =	vor.u32 $0x400, v52;
	v60 =	vor.u32 $0x600, v52;
	s8 =	sadd.s32 $0x18600, s0;
	s9 =	sadd.s32 $0x62000, s9;
	p0 =	seq.s32 s6, $0x1F;
	[tilespmem:$0x1FFE0] =	vst v39  }
0x33: {  	v61 =	vor.u32 $0x800, v52;
	v62 =	vor.u32 $0xA00, v52;
	v63 =	vor.u32 $0xC00, v52;
	p1 =	sne.s32 s6, $0x1E;
	s10 =	smax.u32 s11, $0x1;
	s11 =	simm.s32 $0x1400;
	v33 =	vmovc v39;
	[tilespmem:$0x1FFF0] =	vst v46  }
.LBB2_12:
0x34: {  	[tilespmem:s16], [sflag:$0x1] =	stream.linear.gather [hbm4b:s1+s3], $0x400, $0x38;
	[tilespmem:$0xC400] =	vst v63  }
0x35: {  	_ =	swait.ge [sflag:s15], $0x400  }
0x36: {  	[sflag:s15] =	ssyncset.done $0x0  }
0x37: {  	[sflag:s15] =	ssyncadd.s32 $0xFFFFFC00  }
0x38: {  	[hbm4b:s7+s3] =	stream.linear.scatter [tilespmem:s16], [sflag:$0x1], $0x400, $0x38;
	[tilespmem:$0xC400] =	vst v63  }
0x39: {  	_ =	swait.ge [sflag:s15], $0x400  }
0x3a: {  	[sflag:s15] =	ssyncset.done $0x0  }
0x3b: {  	[sflag:s15] =	ssyncadd.s32 $0xFFFFFC00  }
.LBB2_13:
0x3c: {  	s20 =	sadd.s32 $0x1, s20  }
0x3d: {  	p2 =	sne.s32 s20, s10  }
.Ltmp1:
0x3e: {  	_ = 	snop;
	(pc) =	sbr.rel @!p2 .LBB2_14-.Ltmp1, $1  }
0x3f: {  	_ =	sdelay $0x3  }
.LBB2_1:
.Ltmp2:
0x40: {  	(pc) =	sbr.rel .LBB2_2-.Ltmp2, $2  }
0x41: {  	_ =	sdelay $0x2  }
0x42: {  	s21 =	simm.s32 $0x0  }
.LBB2_6:
0x43: {  	s21 =	sadd.s32 $0x1, s21  }
0x44: {  	p2 =	sne.s32 s21, $0x5  }
.Ltmp3:
0x45: {  	_ = 	snop;
	(pc) =	sbr.rel @!p2 .LBB2_7-.Ltmp3, $1  }
0x46: {  	_ =	sdelay $0x3  }
.LBB2_2:
0x47: {  	s22 =	sshll.u32 s21, $0x5  }
0x48: {  	s22 =	sor.u32 s6, s22  }
0x49: {  	p2 =	sgt.u32 s22, $0x9B  }
.Ltmp4:
0x4a: {  	_ = 	snop;
	(pc) =	sbr.rel @p2 .LBB2_6-.Ltmp4, $1  }
0x4b: {  	_ =	sdelay $0x3  }
0x4c: {  	s23 =	simm.s32 $0x1  }
0x4d: {  	s24 =	simm.s32 $0x0;
	v1 =	vadd.s32 s23, v0  }
0x4e: {  	s31 =	sand.u32 $0x10, s24;
	v2 =	vand.u32 $0xF, v1  }
0x4f: {  	v16 =	vor.u32 s31, v2  }
0x50: {  	v2 =	vshrl.u32 v16, $0x3  }
0x51: {  	v1 =	vshll.u32 v1, $0x7;
	v2 =	vmul.u32 $0x1400, v2  }
0x52: {  	s25 =	smul.u32 $0x280, s22;
	v1 =	vand.u32 $0x380, v1  }
0x53: {  	v45 =	vmov v3;
	v3 =	vadd.s32 s24, v0;
	v18 =	vor.u32 v1, v2  }
0x54: {  	s25 =	sadd.s32 s0, s25;
	v1 =	vand.u32 $0xF, v3;
	v2 =	vor.u32 v0, v18  }
0x55: {  	[tilespmem:s24], [sflag:$0x2] =	stream.strided.gather [hbm4b:s25+s11], $0x5000, s12, s11, $0x38;
	v17 =	vor.u32 s31, v1;
	v1 =	vor.u32 v57, v18;
	[tilespmem:$0xC400] =	vst v63  }
0x56: {  	v48 =	vld [tilespmem:$0x1FD00];
	_ =	swait.ge [sflag:s13], $0x5000;
	v5 =	vor.u32 v54, v18  }
0x57: {  	v41 =	vmov v4;
	[sflag:s13] =	ssyncset.done $0x0;
	v49 =	vld [tilespmem:$0x1FCF0];
	v6 =	vor.u32 v51, v18;
	v4 =	vshrl.u32 v17, $0x3  }
0x58: {  	v40 =	vmovc v7;
	v35 =	vld [tilespmem:$0x1FD10];
	[sflag:s13] =	ssyncadd.s32 $0xFFFFB000;
	v3 =	vshll.u32 v3, $0x7;
	v7 =	vor.u32 v50, v18;
	v4 =	vmul.u32 $0x1400, v4  }
0x59: {  	v42 =	vmov v9;
	v3 =	vand.u32 $0x380, v3;
	v9 =	vor.u32 v55, v18;
	v2 =	vld.idx.msk [tilespmem:v2+s3+$0x0], $0xffff  }
0x5a: {  	v39 =	vmov v8;
	v25 =	vor.u32 v3, v4;
	v3 =	vor.u32 v56, v18;
	v8 =	vld.idx.msk [tilespmem:v1+s3+$0x0], $0xffff  }
0x5b: {  	v4 =	vor.u32 v0, v25;
	v5 =	vld.idx.msk [tilespmem:v5+s3+$0x0], $0xffff  }
0x5c: {  	v1 =	vor.u32 v53, v18;
	v6 =	vld.idx.msk [tilespmem:v6+s3+$0x0], $0xffff  }
0x5d: {  	v10 =	vor.u32 v57, v25;
	v7 =	vld.idx.msk [tilespmem:v7+s3+$0x0], $0xffff  }
0x5e: {  	v13 =	vor.u32 v52, v16;
	v11 =	vor.u32 v56, v25;
	v9 =	vld.idx.msk [tilespmem:v9+s3+$0x0], $0xffff  }
0x5f: {  	v14 =	vor.u32 v58, v16;
	v12 =	vor.u32 v50, v25;
	v3 =	vld.idx.msk [tilespmem:v3+s3+$0x0], $0xffff  }
0x60: {  	v19 =	vor.u32 v59, v16;
	v15 =	vor.u32 v51, v25;
	v4 =	vld.idx.msk [tilespmem:v4+s3+$0x0], $0xffff  }
0x61: {  	v22 =	vor.u32 v60, v16;
	v20 =	vor.u32 v53, v25;
	v1 =	vld.idx.msk [tilespmem:v1+s3+$0x0], $0xffff  }
0x62: {  	v23 =	vor.u32 v61, v16;
	v21 =	vor.u32 v54, v25;
	v10 =	vld.idx.msk [tilespmem:v10+s3+$0x0], $0xffff  }
0x63: {  	v26 =	vor.u32 v52, v17;
	v24 =	vor.u32 v55, v25;
	v11 =	vld.idx.msk [tilespmem:v11+s3+$0x0], $0xffff;
	[tilespmem:v13+s14+$0x0] =	vst.idx.msk $0xffff, v2  }
0x64: {  	v2 =	vld.idx.msk [tilespmem:v12+s3+$0x0], $0xffff;
	v12 =	vor.u32 v58, v17;
	[tilespmem:v14+s14+$0x0] =	vst.idx.msk $0xffff, v7  }
0x65: {  	v13 =	vor.u32 v59, v17;
	v7 =	vld.idx.msk [tilespmem:v15+s3+$0x0], $0xffff;
	[tilespmem:v19+s14+$0x0] =	vst.idx.msk $0xffff, v6  }
0x66: {  	v14 =	vor.u32 v60, v17;
	v6 =	vld.idx.msk [tilespmem:v20+s3+$0x0], $0xffff;
	[tilespmem:v22+s14+$0x0] =	vst.idx.msk $0xffff, v1  }
0x67: {  	v15 =	vor.u32 v61, v17;
	v1 =	vld.idx.msk [tilespmem:v21+s3+$0x0], $0xffff;
	[tilespmem:v23+s14+$0x0] =	vst.idx.msk $0xffff, v5  }
0x68: {  	v19 =	vor.u32 v62, v17;
	v5 =	vld.idx.msk [tilespmem:v24+s3+$0x0], $0xffff;
	[tilespmem:v26+s14+$0x0] =	vst.idx.msk $0xffff, v4  }
0x69: {  	[tilespmem:v12+s14+$0x0] =	vst.idx.msk $0xffff, v2  }
0x6a: {  	v2 =	vor.u32 v63, v17;
	[tilespmem:v13+s14+$0x0] =	vst.idx.msk $0xffff, v7  }
0x6b: {  	v12 =	vor.u32 v62, v16;
	[tilespmem:v14+s14+$0x0] =	vst.idx.msk $0xffff, v6  }
0x6c: {  	v4 =	vor.u32 v43, v17;
	[tilespmem:v15+s14+$0x0] =	vst.idx.msk $0xffff, v1  }
0x6d: {  	v6 =	vadd.s32 v46, v25;
	v1 =	vor.u32 $0x1020, v0;
	[tilespmem:v19+s14+$0x0] =	vst.idx.msk $0xffff, v5  }
0x6e: {  	v13 =	vor.u32 v63, v16;
	v14 =	vadd.s32 v44, v25;
	[tilespmem:$0x1FCE0] =	vst v1  }
0x6f: {  	v15 =	vor.u32 v43, v16;
	v19 =	vadd.s32 v35, v25;
	[tilespmem:v2+s14+$0x0] =	vst.idx.msk $0xffff, v11  }
0x70: {  	[tilespmem:v12+s14+$0x0] =	vst.idx.msk $0xffff, v9  }
0x71: {  	v11 =	vor.u32 $0x1010, v0;
	[tilespmem:v4+s14+$0x0] =	vst.idx.msk $0xffff, v10  }
0x72: {  	v2 =	vadd.s32 v33, v25;
	v6 =	vld.idx.msk [tilespmem:v6+s3+$0x0], $0xffff;
	[tilespmem:$0x1FC10] =	vst v11  }
0x73: {  	v4 =	vadd.s32 v48, v25;
	[tilespmem:v13+s14+$0x0] =	vst.idx.msk $0xffff, v3;
	v3 =	vld.idx.msk [tilespmem:v14+s3+$0x0], $0xffff  }
0x74: {  	v9 =	vadd.s32 v49, v25;
	v12 =	vor.u32 $0x4400, v52;
	[tilespmem:v15+s14+$0x0] =	vst.idx.msk $0xffff, v8;
	v8 =	vld.idx.msk [tilespmem:v19+s3+$0x0], $0xffff  }
0x75: {  	v7 =	vadd.s32 v11, v25;
	v10 =	vadd.s32 v30, v25;
	[tilespmem:$0x1FC20] =	vst v12;
	v12 =	vor.u32 $0x4600, v52;
	v21 =	vld [tilespmem:$0x1FFA0]  }
0x76: {  	v28 =	vadd.s32 v11, v18;
	v11 =	vadd.s32 v29, v25;
	v13 =	vor.u32 $0x4000, v52;
	v24 =	vld [tilespmem:$0x1FFB0];
	[tilespmem:$0x1FC30] =	vst v12  }
0x77: {  	v15 =	vor.u32 $0x4200, v52;
	v12 =	vor.u32 v34, v17;
	v2 =	vld.idx.msk [tilespmem:v2+s3+$0x0], $0xffff;
	[tilespmem:$0x1FC40] =	vst v13  }
0x78: {  	v19 =	vor.u32 $0x4A00, v52;
	v4 =	vld.idx.msk [tilespmem:v4+s3+$0x0], $0xffff;
	[tilespmem:$0x1FC50] =	vst v15  }
0x79: {  	v9 =	vld.idx.msk [tilespmem:v9+s3+$0x0], $0xffff;
	[tilespmem:$0x1FC60] =	vst v19  }
0x7a: {  	v13 =	vadd.s32 v44, v18;
	v44 =	vor.u32 $0x4E00, v52;
	v10 =	vld.idx.msk [tilespmem:v10+s3+$0x0], $0xffff  }
0x7b: {  	v11 =	vld.idx.msk [tilespmem:v11+s3+$0x0], $0xffff;
	[tilespmem:$0x1FC70] =	vst v44  }
0x7c: {  	v14 =	vor.u32 v36, v17;
	v23 =	vld [tilespmem:$0x1FD20];
	[tilespmem:v12+s14+$0x0] =	vst.idx.msk $0xffff, v3  }
0x7d: {  	v26 =	vor.u32 v37, v17;
	v22 =	vld [tilespmem:$0x1FD30];
	_ =	sdelay $0x1  }
0x7e: {  	v20 =	vmov v27  }
0x7f: {  	v5 =	vor.u32 v27, v16;
	v27 =	vadd.s32 v30, v18;
	v1 =	vmovc v32;
	v30 =	vor.u32 v32, v17  }
0x80: {  	v15 =	vadd.s32 v29, v18;
	v32 =	vor.u32 v23, v17;
	v12 =	vld.idx.msk [tilespmem:v13+s3+$0x0], $0xffff;
	[tilespmem:v14+s14+$0x0] =	vst.idx.msk $0xffff, v2  }
0x81: {  	v13 =	vadd.s32 v49, v18;
	v49 =	vld [tilespmem:$0x1FDC0];
	[tilespmem:v26+s14+$0x0] =	vst.idx.msk $0xffff, v6;
	v3 =	vor.u32 v22, v17  }
0x82: {  	v14 =	vadd.s32 v48, v18;
	v48 =	vld [tilespmem:$0x1FDD0]  }
0x83: {  	v31 =	vadd.s32 v33, v18  }
0x84: {  	v43 =	vadd.s32 v46, v18;
	[tilespmem:v30+s14+$0x0] =	vst.idx.msk $0xffff, v9  }
0x85: {  	v46 =	vld.idx.msk [tilespmem:v27+s3+$0x0], $0xffff;
	[tilespmem:v32+s14+$0x0] =	vst.idx.msk $0xffff, v4  }
0x86: {  	v19 =	vld.idx.msk [tilespmem:v15+s3+$0x0], $0xffff;
	v2 =	vor.u32 v49, v17;
	[tilespmem:v3+s14+$0x0] =	vst.idx.msk $0xffff, v8  }
0x87: {  	v15 =	vadd.s32 v35, v18;
	v6 =	vor.u32 v48, v17;
	v26 =	vld [tilespmem:$0x1FDF0]  }
0x88: {  	v27 =	vld.idx.msk [tilespmem:v31+s3+$0x0], $0xffff  }
0x89: {  	v31 =	vld.idx.msk [tilespmem:v43+s3+$0x0], $0xffff  }
0x8a: {  	v9 =	vadd.s32 v39, v25;
	v30 =	vor.u32 v34, v16;
	v14 =	vld.idx.msk [tilespmem:v14+s3+$0x0], $0xffff  }
0x8b: {  	v4 =	vadd.s32 v45, v25;
	v32 =	vor.u32 v36, v16;
	v8 =	vld.idx.msk [tilespmem:v13+s3+$0x0], $0xffff;
	[tilespmem:v2+s14+$0x0] =	vst.idx.msk $0xffff, v10  }
0x8c: {  	[tilespmem:v6+s14+$0x0] =	vst.idx.msk $0xffff, v11;
	v11 =	vld.idx.msk [tilespmem:v15+s3+$0x0], $0xffff;
	v3 =	vadd.s32 v26, v25  }
0x8d: {  	v29 =	vor.u32 v44, v16;
	v44 =	vld [tilespmem:$0x1FE20]  }
0x8e: {  	v13 =	vor.u32 v37, v16;
	v15 =	vld [tilespmem:$0x1FE30]  }
0x8f: {  	v10 =	vadd.s32 v38, v25;
	v9 =	vld.idx.msk [tilespmem:v9+s3+$0x0], $0xffff;
	[tilespmem:v30+s14+$0x0] =	vst.idx.msk $0xffff, v12  }
0x90: {  	v2 =	vor.u32 $0x4800, v52;
	v37 =	vld.idx.msk [tilespmem:v4+s3+$0x0], $0xffff;
	[tilespmem:v32+s14+$0x0] =	vst.idx.msk $0xffff, v27  }
0x91: {  	v33 =	vor.u32 v1, v16;
	v3 =	vld.idx.msk [tilespmem:v3+s3+$0x0], $0xffff;
	[tilespmem:$0x1FC80] =	vst v2;
	v2 =	vor.u32 $0x4C00, v52  }
0x92: {  	v35 =	vor.u32 v23, v16;
	[tilespmem:$0x1FC90] =	vst v2  }
0x93: {  	v12 =	vor.u32 v22, v16;
	v2 =	vor.u32 $0x1050, v0;
	[tilespmem:v13+s14+$0x0] =	vst.idx.msk $0xffff, v31  }
0x94: {  	v10 =	vld.idx.msk [tilespmem:v10+s3+$0x0], $0xffff;
	[tilespmem:$0x1FCA0] =	vst v2;
	v2 =	vor.u32 $0x1070, v0  }
0x95: {  	v6 =	vadd.s32 v44, v25;
	[tilespmem:$0x1FCB0] =	vst v2  }
0x96: {  	v23 =	vadd.s32 v15, v25;
	[tilespmem:v33+s14+$0x0] =	vst.idx.msk $0xffff, v8  }
0x97: {  	v43 =	vor.u32 v49, v16;
	v30 =	vadd.s32 v41, v25;
	[tilespmem:v35+s14+$0x0] =	vst.idx.msk $0xffff, v14  }
0x98: {  	[tilespmem:v12+s14+$0x0] =	vst.idx.msk $0xffff, v11  }
0x99: {  	v13 =	vor.u32 v48, v16;
	v31 =	vadd.s32 v40, v25;
	v1 =	vld [tilespmem:$0x1FE80]  }
0x9a: {  	v8 =	vld.idx.msk [tilespmem:v6+s3+$0x0], $0xffff  }
0x9b: {  	v49 =	vor.u32 v42, v17;
	v14 =	vadd.s32 v38, v18;
	v35 =	vld.idx.msk [tilespmem:v23+s3+$0x0], $0xffff  }
0x9c: {  	v22 =	vor.u32 v47, v17;
	v2 =	vor.u32 $0x1000, v0;
	v12 =	vld.idx.msk [tilespmem:v30+s3+$0x0], $0xffff;
	[tilespmem:v43+s14+$0x0] =	vst.idx.msk $0xffff, v46  }
0x9d: {  	v30 =	vld [tilespmem:$0x1FE90];
	[tilespmem:$0x1FCC0] =	vst v2  }
0x9e: {  	v45 =	vadd.s32 v45, v18;
	[tilespmem:v13+s14+$0x0] =	vst.idx.msk $0xffff, v19;
	v19 =	vld.idx.msk [tilespmem:v31+s3+$0x0], $0xffff;
	v23 =	vor.u32 v1, v17  }
0x9f: {  	v27 =	vld [tilespmem:$0x1FEA0]  }
0xa0: {  	v36 =	vadd.s32 v44, v18;
	[tilespmem:v49+s14+$0x0] =	vst.idx.msk $0xffff, v10;
	v14 =	vld.idx.msk [tilespmem:v14+s3+$0x0], $0xffff  }
0xa1: {  	v11 =	vadd.s32 v26, v18;
	v26 =	vld [tilespmem:$0x1FEB0];
	[tilespmem:v22+s14+$0x0] =	vst.idx.msk $0xffff, v3  }
0xa2: {  	v13 =	vadd.s32 v41, v18;
	v41 =	vld [tilespmem:$0x1FEC0]  }
0xa3: {  	v39 =	vadd.s32 v39, v18;
	v32 =	vld.idx.msk [tilespmem:v45+s3+$0x0], $0xffff;
	v46 =	vor.u32 v30, v17;
	[tilespmem:v23+s14+$0x0] =	vst.idx.msk $0xffff, v37  }
0xa4: {  	v31 =	vor.u32 v27, v17;
	v4 =	vld [tilespmem:$0x1FED0]  }
0xa5: {  	v38 =	vadd.s32 v15, v18;
	v15 =	vld.idx.msk [tilespmem:v36+s3+$0x0], $0xffff  }
0xa6: {  	v48 =	vadd.s32 v40, v18;
	v11 =	vld.idx.msk [tilespmem:v11+s3+$0x0], $0xffff;
	v10 =	vor.u32 v26, v17  }
0xa7: {  	v13 =	vld.idx.msk [tilespmem:v13+s3+$0x0], $0xffff;
	v3 =	vor.u32 v41, v17  }
0xa8: {  	[tilespmem:v46+s14+$0x0] =	vst.idx.msk $0xffff, v12;
	v46 =	vld.idx.msk [tilespmem:v39+s3+$0x0], $0xffff  }
0xa9: {  	v45 =	vld [tilespmem:$0x1FF00];
	[tilespmem:v31+s14+$0x0] =	vst.idx.msk $0xffff, v8;
	v37 =	vor.u32 v4, v17  }
0xaa: {  	v6 =	vld [tilespmem:$0x1FEF0]  }
0xab: {  	v49 =	vor.u32 v42, v16;
	[tilespmem:v10+s14+$0x0] =	vst.idx.msk $0xffff, v35;
	v35 =	vld.idx.msk [tilespmem:v48+s3+$0x0], $0xffff  }
0xac: {  	v39 =	vor.u32 v47, v16;
	v23 =	vld [tilespmem:$0x1FEE0];
	[tilespmem:v3+s14+$0x0] =	vst.idx.msk $0xffff, v19  }
0xad: {  	v48 =	vor.u32 v1, v16;
	v44 =	vld [tilespmem:$0x1FF10]  }
0xae: {  	v36 =	vor.u32 v30, v16;
	[tilespmem:v37+s14+$0x0] =	vst.idx.msk $0xffff, v9;
	v37 =	vld.idx.msk [tilespmem:v38+s3+$0x0], $0xffff  }
0xaf: {  	v12 =	vadd.s32 v45, v25;
	v38 =	vor.u32 v27, v16;
	v30 =	vld [tilespmem:$0x1FF20]  }
0xb0: {  	v27 =	vld [tilespmem:$0x1FF30];
	[tilespmem:v49+s14+$0x0] =	vst.idx.msk $0xffff, v14  }
0xb1: {  	v8 =	vadd.s32 v6, v25;
	v14 =	vor.u32 v26, v16;
	v26 =	vld [tilespmem:$0x1FF40];
	[tilespmem:v39+s14+$0x0] =	vst.idx.msk $0xffff, v11  }
0xb2: {  	v10 =	vadd.s32 v23, v25;
	v22 =	vld [tilespmem:$0x1FF50];
	[tilespmem:v48+s14+$0x0] =	vst.idx.msk $0xffff, v32  }
0xb3: {  	v42 =	vor.u32 v4, v16;
	v3 =	vadd.s32 v44, v25;
	v4 =	vld [tilespmem:$0x1FF60];
	[tilespmem:v36+s14+$0x0] =	vst.idx.msk $0xffff, v13  }
0xb4: {  	v19 =	vld.idx.msk [tilespmem:v12+s3+$0x0], $0xffff;
	[tilespmem:v38+s14+$0x0] =	vst.idx.msk $0xffff, v15  }
0xb5: {  	v15 =	vadd.s32 v6, v18;
	v9 =	vadd.s32 v30, v25;
	v6 =	vld [tilespmem:$0x1FF80]  }
0xb6: {  	v11 =	vor.u32 v41, v16;
	v40 =	vld.idx.msk [tilespmem:v8+s3+$0x0], $0xffff;
	v12 =	vadd.s32 v27, v25  }
0xb7: {  	v39 =	vld.idx.msk [tilespmem:v10+s3+$0x0], $0xffff;
	v49 =	vadd.s32 v26, v25  }
0xb8: {  	v48 =	vld.idx.msk [tilespmem:v3+s3+$0x0], $0xffff;
	[tilespmem:v14+s14+$0x0] =	vst.idx.msk $0xffff, v37;
	v41 =	vadd.s32 v22, v25;
	v3 =	vor.u32 v4, v17  }
0xb9: {  	v8 =	vor.u32 v20, v17;
	v1 =	vld [tilespmem:$0x1FF90]  }
0xba: {  	v32 =	vld.idx.msk [tilespmem:v9+s3+$0x0], $0xffff;
	v31 =	vor.u32 v6, v17  }
0xbb: {  	[tilespmem:v11+s14+$0x0] =	vst.idx.msk $0xffff, v35;
	v10 =	vld.idx.msk [tilespmem:v12+s3+$0x0], $0xffff  }
0xbc: {  	v13 =	vadd.s32 v23, v18;
	[tilespmem:v42+s14+$0x0] =	vst.idx.msk $0xffff, v46;
	v33 =	vld.idx.msk [tilespmem:v49+s3+$0x0], $0xffff  }
0xbd: {  	v9 =	vld.idx.msk [tilespmem:v41+s3+$0x0], $0xffff;
	[tilespmem:v3+s14+$0x0] =	vst.idx.msk $0xffff, v39  }
0xbe: {  	v14 =	vadd.s32 v45, v18;
	v20 =	vor.u32 v1, v17;
	[tilespmem:v8+s14+$0x0] =	vst.idx.msk $0xffff, v40  }
0xbf: {  	v49 =	vadd.s32 v44, v18;
	v44 =	vld [tilespmem:$0x1FD40];
	[tilespmem:v31+s14+$0x0] =	vst.idx.msk $0xffff, v19  }
0xc0: {  	v46 =	vld [tilespmem:$0x1FD50]  }
0xc1: {  	v11 =	vld.idx.msk [tilespmem:v13+s3+$0x0], $0xffff  }
0xc2: {  	v2 =	vor.u32 $0x1030, v0;
	v36 =	vadd.s32 v30, v18;
	v37 =	vor.u32 v24, v17;
	v12 =	vld.idx.msk [tilespmem:v15+s3+$0x0], $0xffff  }
0xc3: {  	v38 =	vadd.s32 v27, v18;
	v35 =	vor.u32 v21, v17;
	v13 =	vld.idx.msk [tilespmem:v14+s3+$0x0], $0xffff;
	[tilespmem:v20+s14+$0x0] =	vst.idx.msk $0xffff, v48  }
0xc4: {  	v42 =	vor.u32 v4, v16;
	v15 =	vadd.s32 v2, v25;
	v41 =	vadd.s32 v26, v18;
	[tilespmem:$0x1FCD0] =	vst v2;
	v31 =	vld [tilespmem:$0x1FCE0]  }
0xc5: {  	s23 =	simm.s32 $0x2;
	v40 =	vadd.s32 v22, v18;
	v14 =	vld.idx.msk [tilespmem:v49+s3+$0x0], $0xffff;
	v39 =	vor.u32 v44, v17;
	v34 =	vor.u32 v46, v17  }
.LBB2_4:
0xc6: {  	_ =	sdelay $0x1  }
0xc7: {  	[tilespmem:v35+s14+$0x0] =	vst.idx.msk $0xffff, v32;
	v32 =	vld.idx.msk [tilespmem:v36+s3+$0x0], $0xffff  }
0xc8: {  	v35 =	vld.idx.msk [tilespmem:v38+s3+$0x0], $0xffff  }
0xc9: {  	v1 =	vld [tilespmem:$0x1FF80]  }
0xca: {  	v19 =	vld [tilespmem:$0x1FF90]  }
0xcb: {  	v48 =	vld.idx.msk [tilespmem:v40+s3+$0x0], $0xffff  }
0xcc: {  	v21 =	vld [tilespmem:$0x1FFA0]  }
0xcd: {  	v2 =	vld [tilespmem:$0x1FCC0]  }
0xce: {  	v22 =	vld [tilespmem:$0x1FFB0]  }
0xcf: {  	v26 =	vld [tilespmem:$0x1FCA0]  }
0xd0: {  	v30 =	vld [tilespmem:$0x1FCB0]  }
0xd1: {  	v20 =	vld [tilespmem:$0x1FC90]  }
0xd2: {  	v27 =	vld [tilespmem:$0x1FC80]  }
0xd3: {  	v6 =	vld [tilespmem:$0x1FC60]  }
0xd4: {  	v4 =	vld [tilespmem:$0x1FC50];
	[tilespmem:v37+s14+$0x0] =	vst.idx.msk $0xffff, v10  }
0xd5: {  	v24 =	vld [tilespmem:$0x1FCD0];
	v10 =	vadd.s32 v31, v25;
	[tilespmem:v39+s14+$0x0] =	vst.idx.msk $0xffff, v33;
	v36 =	vor.u32 v1, v16  }
0xd6: {  	v8 =	vor.u32 $0x1040, v0;
	v3 =	vor.u32 $0x1060, v0;
	v37 =	vld.idx.msk [tilespmem:v41+s3+$0x0], $0xffff;
	[tilespmem:v34+s14+$0x0] =	vst.idx.msk $0xffff, v9;
	v38 =	vor.u32 v19, v16  }
0xd7: {  	v33 =	vadd.s32 v3, v25;
	v9 =	vadd.s32 v8, v25;
	v15 =	vld.idx.msk [tilespmem:v15+s3+$0x0], $0xffff;
	[tilespmem:v42+s14+$0x0] =	vst.idx.msk $0xffff, v11  }
0xd8: {  	v7 =	vld.idx.msk [tilespmem:v7+s3+$0x0], $0xffff;
	v49 =	vor.u32 v21, v16;
	v45 =	vadd.s32 v2, v25;
	v11 =	vor.u32 v22, v16  }
0xd9: {  	v47 =	vadd.s32 v26, v25;
	[tilespmem:v5+s14+$0x0] =	vst.idx.msk $0xffff, v12;
	v40 =	vadd.s32 v26, v18;
	v26 =	vld [tilespmem:$0x1FC70]  }
0xda: {  	v5 =	vor.u32 v44, v16;
	v10 =	vld.idx.msk [tilespmem:v10+s3+$0x0], $0xffff;
	[tilespmem:v36+s14+$0x0] =	vst.idx.msk $0xffff, v13  }
0xdb: {  	[tilespmem:v38+s14+$0x0] =	vst.idx.msk $0xffff, v14;
	v14 =	vadd.s32 v2, v18;
	v2 =	vld [tilespmem:$0x1FC40]  }
0xdc: {  	v12 =	vadd.s32 v30, v25;
	v33 =	vld.idx.msk [tilespmem:v33+s3+$0x0], $0xffff  }
0xdd: {  	v44 =	vadd.s32 v3, v18;
	v9 =	vld.idx.msk [tilespmem:v9+s3+$0x0], $0xffff;
	v13 =	vor.u32 v46, v16;
	[tilespmem:v49+s14+$0x0] =	vst.idx.msk $0xffff, v32  }
0xde: {  	v36 =	vor.u32 v20, v16;
	v25 =	vld.idx.msk [tilespmem:v45+s3+$0x0], $0xffff;
	v43 =	vor.u32 v26, v17;
	[tilespmem:v11+s14+$0x0] =	vst.idx.msk $0xffff, v35  }
0xdf: {  	v35 =	vor.u32 v4, v16;
	[tilespmem:v5+s14+$0x0] =	vst.idx.msk $0xffff, v37;
	v37 =	vor.u32 v4, v17;
	v4 =	vld [tilespmem:$0x1FC20]  }
0xe0: {  	s24 =	smov.u32 s23;
	v11 =	vadd.s32 v31, v18;
	v31 =	vor.u32 v2, v17;
	v41 =	vor.u32 v2, v16;
	v2 =	vld [tilespmem:$0x1FC30]  }
0xe1: {  	v23 =	vmovc v50;
	s25 =	sadd.s32 $0x1, s24;
	v39 =	vld.idx.msk [tilespmem:v47+s3+$0x0], $0xffff;
	v45 =	vor.u32 v27, v17;
	v47 =	vadd.s32 s24, v0;
	v5 =	vadd.s32 v24, v18  }
0xe2: {  	[tilespmem:v13+s14+$0x0] =	vst.idx.msk $0xffff, v48;
	v13 =	vadd.s32 v8, v18;
	v48 =	vadd.s32 s25, v0;
	v0 =	vmovc v63;
	v63 =	vmov v62  }
0xe3: {  	v12 =	vld.idx.msk [tilespmem:v12+s3+$0x0], $0xffff;
	v62 =	vmovc v61;
	v61 =	vmovc v60;
	v60 =	vmov v59;
	v59 =	vmov v58;
	v58 =	vmov v57  }
0xe4: {  	v57 =	vmovc v56;
	v56 =	vmovc v55;
	v55 =	vmov v54;
	v54 =	vmov v53;
	v14 =	vld.idx.msk [tilespmem:v14+s3+$0x0], $0xffff;
	v34 =	vor.u32 v4, v17  }
0xe5: {  	v46 =	vor.u32 v20, v17;
	v38 =	vor.u32 v6, v16;
	v28 =	vld.idx.msk [tilespmem:v28+s3+$0x0], $0xffff;
	v42 =	vor.u32 v2, v17  }
0xe6: {  	v32 =	vor.u32 v27, v16;
	v27 =	vmovc v51;
	v18 =	vadd.s32 v30, v18;
	v20 =	vand.u32 $0xF, v48;
	v11 =	vld.idx.msk [tilespmem:v11+s3+$0x0], $0xffff  }
0xe7: {  	v53 =	vmovc v54;
	v54 =	vmov v55;
	v55 =	vmov v56;
	v56 =	vmov v57;
	v49 =	vld.idx.msk [tilespmem:v5+s3+$0x0], $0xffff;
	[tilespmem:v31+s14+$0x0] =	vst.idx.msk $0xffff, v25  }
0xe8: {  	s24 =	sand.u32 $0x10, s24;
	v57 =	vmov v58;
	v5 =	vand.u32 $0xF, v47;
	v25 =	vor.u32 v6, v17;
	[tilespmem:v37+s14+$0x0] =	vst.idx.msk $0xffff, v7;
	v7 =	vld.idx.msk [tilespmem:v13+s3+$0x0], $0xffff  }
0xe9: {  	v58 =	vmovc v59;
	v59 =	vmovc v60;
	v47 =	vshll.u32 v47, $0x7;
	v17 =	vor.u32 s24, v5;
	v13 =	vor.u32 s24, v20;
	v20 =	vld [tilespmem:$0x1FF70];
	[tilespmem:v34+s14+$0x0] =	vst.idx.msk $0xffff, v10  }
0xea: {  	v60 =	vmovc v61;
	v61 =	vmovc v62;
	v6 =	vld [tilespmem:$0x1FCE0];
	v37 =	vshll.u32 v48, $0x7;
	v48 =	vshrl.u32 v13, $0x3;
	v34 =	vshrl.u32 v17, $0x3;
	[tilespmem:v42+s14+$0x0] =	vst.idx.msk $0xffff, v15  }
0xeb: {  	v62 =	vmovc v63;
	v37 =	vand.u32 $0x380, v37;
	v10 =	vld.idx.msk [tilespmem:v40+s3+$0x0], $0xffff;
	v40 =	vmul.u32 $0x1400, v48;
	v34 =	vmul.u32 $0x1400, v34;
	[tilespmem:v45+s14+$0x0] =	vst.idx.msk $0xffff, v9  }
0xec: {  	v63 =	vmovc v0;
	v9 =	vld.idx.msk [tilespmem:v18+s3+$0x0], $0xffff;
	v45 =	vor.u32 v4, v16;
	v18 =	vand.u32 $0x380, v47;
	v47 =	vor.u32 v2, v16  }
0xed: {  	v0 =	vlaneseq.u32;
	v15 =	vld.idx.msk [tilespmem:v44+s3+$0x0], $0xffff;
	[tilespmem:v25+s14+$0x0] =	vst.idx.msk $0xffff, v39;
	v25 =	vor.u32 v18, v34;
	v18 =	vor.u32 v37, v40  }
0xee: {  	v5 =	vor.u32 v20, v13;
	v16 =	vmov v13;
	[tilespmem:v41+s14+$0x0] =	vst.idx.msk $0xffff, v14;
	v13 =	vor.u32 v0, v18  }
0xef: {  	v50 =	vmovc v23;
	v51 =	vmov v27;
	v27 =	vld [tilespmem:$0x1FD90];
	v30 =	vmov v52;
	[tilespmem:v35+s14+$0x0] =	vst.idx.msk $0xffff, v28;
	v23 =	vor.u32 v57, v25  }
0xf0: {  	v52 =	vmov v30;
	v30 =	vld [tilespmem:$0x1FFE0];
	[tilespmem:v46+s14+$0x0] =	vst.idx.msk $0xffff, v33;
	v35 =	vor.u32 v54, v25  }
0xf1: {  	v2 =	vld [tilespmem:$0x1FC10];
	[tilespmem:v45+s14+$0x0] =	vst.idx.msk $0xffff, v11  }
0xf2: {  	v31 =	vmov v6;
	v6 =	vld [tilespmem:$0x1FD80];
	v33 =	vor.u32 v57, v18;
	[tilespmem:v47+s14+$0x0] =	vst.idx.msk $0xffff, v49  }
0xf3: {  	v37 =	vor.u32 v54, v18;
	[tilespmem:v43+s14+$0x0] =	vst.idx.msk $0xffff, v12;
	v13 =	vld.idx.msk [tilespmem:v13+s3+$0x0], $0xffff  }
0xf4: {  	v48 =	vor.u32 v51, v18;
	v41 =	vld.idx.msk [tilespmem:v23+s3+$0x0], $0xffff  }
0xf5: {  	v12 =	vor.u32 v50, v18;
	v11 =	vor.u32 v56, v25;
	v35 =	vld.idx.msk [tilespmem:v35+s3+$0x0], $0xffff  }
0xf6: {  	v28 =	vadd.s32 v2, v18;
	[tilespmem:v32+s14+$0x0] =	vst.idx.msk $0xffff, v7;
	v7 =	vadd.s32 v2, v25;
	v2 =	vld [tilespmem:$0x1FFC0]  }
0xf7: {  	v46 =	vor.u32 v56, v18;
	v33 =	vld.idx.msk [tilespmem:v33+s3+$0x0], $0xffff;
	[tilespmem:v38+s14+$0x0] =	vst.idx.msk $0xffff, v10  }
0xf8: {  	v45 =	vor.u32 v53, v18;
	v10 =	vld.idx.msk [tilespmem:v37+s3+$0x0], $0xffff;
	[tilespmem:v36+s14+$0x0] =	vst.idx.msk $0xffff, v15  }
0xf9: {  	v47 =	vor.u32 v0, v25;
	v15 =	vld.idx.msk [tilespmem:v48+s3+$0x0], $0xffff  }
0xfa: {  	v40 =	vor.u32 v55, v18;
	v43 =	vor.u32 v52, v16;
	[tilespmem:v29+s14+$0x0] =	vst.idx.msk $0xffff, v9;
	v11 =	vld.idx.msk [tilespmem:v11+s3+$0x0], $0xffff  }
0xfb: {  	v14 =	vor.u32 v50, v25;
	v32 =	vor.u32 v58, v16;
	v9 =	vld.idx.msk [tilespmem:v12+s3+$0x0], $0xffff  }
0xfc: {  	v34 =	vor.u32 v51, v25;
	v37 =	vor.u32 v59, v16;
	v12 =	vld.idx.msk [tilespmem:v46+s3+$0x0], $0xffff  }
0xfd: {  	v38 =	vor.u32 v53, v25;
	v48 =	vor.u32 v60, v16;
	v36 =	vld.idx.msk [tilespmem:v45+s3+$0x0], $0xffff  }
0xfe: {  	v42 =	vor.u32 v61, v16;
	v29 =	vld.idx.msk [tilespmem:v47+s3+$0x0], $0xffff  }
0xff: {  	v49 =	vor.u32 v55, v25;
	v23 =	vor.u32 v52, v17;
	v39 =	vld.idx.msk [tilespmem:v40+s3+$0x0], $0xffff;
	[tilespmem:v43+s14+$0x0] =	vst.idx.msk $0xffff, v13  }
0x100: {  	v44 =	vor.u32 v62, v16;
	v13 =	vld.idx.msk [tilespmem:v14+s3+$0x0], $0xffff;
	[tilespmem:v32+s14+$0x0] =	vst.idx.msk $0xffff, v9  }
0x101: {  	v14 =	vor.u32 v58, v17;
	v9 =	vld.idx.msk [tilespmem:v34+s3+$0x0], $0xffff;
	[tilespmem:v37+s14+$0x0] =	vst.idx.msk $0xffff, v15  }
0x102: {  	v43 =	vor.u32 v59, v17;
	v15 =	vld.idx.msk [tilespmem:v38+s3+$0x0], $0xffff;
	[tilespmem:v48+s14+$0x0] =	vst.idx.msk $0xffff, v36  }
0x103: {  	v47 =	vor.u32 v60, v17;
	v38 =	vld [tilespmem:$0x1FFD0];
	[tilespmem:v42+s14+$0x0] =	vst.idx.msk $0xffff, v10  }
0x104: {  	v48 =	vor.u32 v61, v17;
	v10 =	vld.idx.msk [tilespmem:v49+s3+$0x0], $0xffff;
	[tilespmem:v23+s14+$0x0] =	vst.idx.msk $0xffff, v29  }
0x105: {  	v4 =	vld [tilespmem:$0x1FD70];
	v49 =	vor.u32 v62, v17;
	[tilespmem:v44+s14+$0x0] =	vst.idx.msk $0xffff, v39  }
0x106: {  	v45 =	vld [tilespmem:$0x1FD10];
	[tilespmem:v14+s14+$0x0] =	vst.idx.msk $0xffff, v13;
	v13 =	vor.u32 v63, v17  }
0x107: {  	v42 =	vld [tilespmem:$0x1FFF0];
	v14 =	vor.u32 v2, v17;
	[tilespmem:v43+s14+$0x0] =	vst.idx.msk $0xffff, v9  }
0x108: {  	v46 =	vld [tilespmem:$0x1FE00];
	[tilespmem:v47+s14+$0x0] =	vst.idx.msk $0xffff, v15;
	v15 =	vor.u32 v63, v16;
	v29 =	vadd.s32 v38, v25  }
0x109: {  	v44 =	vld [tilespmem:$0x1FD00];
	[tilespmem:v48+s14+$0x0] =	vst.idx.msk $0xffff, v35  }
0x10a: {  	v39 =	vor.u32 v2, v16;
	v2 =	vld [tilespmem:$0x1FD60];
	[tilespmem:v49+s14+$0x0] =	vst.idx.msk $0xffff, v10  }
0x10b: {  	v36 =	vadd.s32 v45, v18;
	v43 =	vld [tilespmem:$0x1FCF0];
	[tilespmem:v13+s14+$0x0] =	vst.idx.msk $0xffff, v11  }
0x10c: {  	v9 =	vadd.s32 v42, v25;
	v10 =	vadd.s32 v45, v25;
	v45 =	vld [tilespmem:$0x1FDF0];
	[tilespmem:v14+s14+$0x0] =	vst.idx.msk $0xffff, v41  }
0x10d: {  	[tilespmem:v15+s14+$0x0] =	vst.idx.msk $0xffff, v12;
	v12 =	vld.idx.msk [tilespmem:v29+s3+$0x0], $0xffff  }
0x10e: {  	v48 =	vadd.s32 v38, v18;
	v35 =	vadd.s32 v4, v18;
	v29 =	vadd.s32 v4, v25;
	v4 =	vld [tilespmem:$0x1FDA0]  }
0x10f: {  	v37 =	vadd.s32 v2, v18;
	v15 =	vadd.s32 v2, v25;
	v2 =	vld [tilespmem:$0x1FDB0]  }
0x110: {  	v11 =	vadd.s32 v30, v25;
	[tilespmem:v39+s14+$0x0] =	vst.idx.msk $0xffff, v33;
	v39 =	vadd.s32 v30, v18;
	v30 =	vld [tilespmem:$0x1FD20]  }
0x111: {  	v9 =	vld.idx.msk [tilespmem:v9+s3+$0x0], $0xffff  }
0x112: {  	v13 =	vadd.s32 v44, v25;
	v10 =	vld.idx.msk [tilespmem:v10+s3+$0x0], $0xffff  }
0x113: {  	v14 =	vadd.s32 v43, v25;
	v32 =	vld.idx.msk [tilespmem:v48+s3+$0x0], $0xffff  }
0x114: {  	v35 =	vld.idx.msk [tilespmem:v35+s3+$0x0], $0xffff  }
0x115: {  	v48 =	vadd.s32 v44, v18;
	v44 =	vld [tilespmem:$0x1FDE0]  }
0x116: {  	v47 =	vor.u32 v6, v17;
	v11 =	vld.idx.msk [tilespmem:v11+s3+$0x0], $0xffff  }
0x117: {  	v13 =	vld.idx.msk [tilespmem:v13+s3+$0x0], $0xffff  }
0x118: {  	v14 =	vld.idx.msk [tilespmem:v14+s3+$0x0], $0xffff  }
0x119: {  	v49 =	vor.u32 v27, v17;
	v15 =	vld.idx.msk [tilespmem:v15+s3+$0x0], $0xffff  }
0x11a: {  	v40 =	vld.idx.msk [tilespmem:v29+s3+$0x0], $0xffff  }
0x11b: {  	[tilespmem:v47+s14+$0x0] =	vst.idx.msk $0xffff, v12;
	v47 =	vld [tilespmem:$0x1FD30]  }
0x11c: {  	v36 =	vld.idx.msk [tilespmem:v36+s3+$0x0], $0xffff;
	v23 =	vor.u32 v4, v17  }
0x11d: {  	v37 =	vld.idx.msk [tilespmem:v37+s3+$0x0], $0xffff;
	v38 =	vor.u32 v2, v17  }
0x11e: {  	[tilespmem:v49+s14+$0x0] =	vst.idx.msk $0xffff, v11;
	v49 =	vld [tilespmem:$0x1FDC0]  }
0x11f: {  	v42 =	vadd.s32 v42, v18;
	v29 =	vor.u32 v26, v16;
	v26 =	vld [tilespmem:$0x1FE50];
	v41 =	vor.u32 v30, v17  }
0x120: {  	v33 =	vadd.s32 v43, v18;
	v34 =	vor.u32 v2, v16;
	v2 =	vld [tilespmem:$0x1FE60];
	v12 =	vor.u32 v47, v17  }
0x121: {  	[tilespmem:v23+s14+$0x0] =	vst.idx.msk $0xffff, v9;
	v23 =	vld [tilespmem:$0x1FDD0]  }
0x122: {  	[tilespmem:v38+s14+$0x0] =	vst.idx.msk $0xffff, v14;
	v38 =	vld.idx.msk [tilespmem:v39+s3+$0x0], $0xffff  }
0x123: {  	v39 =	vor.u32 v6, v16;
	v6 =	vld [tilespmem:$0x1FEA0];
	v11 =	vor.u32 v49, v17  }
0x124: {  	[tilespmem:v41+s14+$0x0] =	vst.idx.msk $0xffff, v13;
	v41 =	vld.idx.msk [tilespmem:v42+s3+$0x0], $0xffff  }
0x125: {  	[tilespmem:v12+s14+$0x0] =	vst.idx.msk $0xffff, v10;
	v12 =	vld.idx.msk [tilespmem:v33+s3+$0x0], $0xffff  }
0x126: {  	v42 =	vor.u32 v27, v16;
	v33 =	vor.u32 v4, v16;
	v4 =	vld [tilespmem:$0x1FE30]  }
0x127: {  	v27 =	vld [tilespmem:$0x1FE90];
	v9 =	vor.u32 v23, v17  }
0x128: {  	v14 =	vadd.s32 v26, v25;
	[tilespmem:v11+s14+$0x0] =	vst.idx.msk $0xffff, v15;
	v15 =	vld.idx.msk [tilespmem:v48+s3+$0x0], $0xffff  }
0x129: {  	v13 =	vadd.s32 v46, v25;
	v48 =	vld [tilespmem:$0x1FE20]  }
0x12a: {  	v10 =	vadd.s32 v45, v25;
	[tilespmem:v39+s14+$0x0] =	vst.idx.msk $0xffff, v32;
	v32 =	vor.u32 v47, v16;
	v47 =	vld [tilespmem:$0x1FE10]  }
0x12b: {  	[tilespmem:v42+s14+$0x0] =	vst.idx.msk $0xffff, v38;
	v38 =	vor.u32 v49, v16;
	v49 =	vld [tilespmem:$0x1FE40];
	v43 =	vadd.s32 v4, v25  }
0x12c: {  	[tilespmem:v9+s14+$0x0] =	vst.idx.msk $0xffff, v40;
	v40 =	vor.u32 v30, v16;
	v30 =	vld [tilespmem:$0x1FF50]  }
0x12d: {  	v14 =	vld.idx.msk [tilespmem:v14+s3+$0x0], $0xffff  }
0x12e: {  	v11 =	vadd.s32 v44, v25;
	v13 =	vld.idx.msk [tilespmem:v13+s3+$0x0], $0xffff  }
0x12f: {  	[tilespmem:v33+s14+$0x0] =	vst.idx.msk $0xffff, v41;
	v10 =	vld.idx.msk [tilespmem:v10+s3+$0x0], $0xffff;
	v9 =	vadd.s32 v48, v25  }
0x130: {  	[tilespmem:v34+s14+$0x0] =	vst.idx.msk $0xffff, v12;
	v39 =	vadd.s32 v47, v25;
	v34 =	vld.idx.msk [tilespmem:v43+s3+$0x0], $0xffff  }
0x131: {  	v33 =	vor.u32 v23, v16;
	v23 =	vadd.s32 v49, v25;
	v43 =	vld [tilespmem:$0x1FE70]  }
0x132: {  	[tilespmem:v40+s14+$0x0] =	vst.idx.msk $0xffff, v15;
	v15 =	vadd.s32 v44, v18;
	v44 =	vld [tilespmem:$0x1FE80]  }
0x133: {  	v12 =	vor.u32 v2, v17;
	v11 =	vld.idx.msk [tilespmem:v11+s3+$0x0], $0xffff  }
0x134: {  	[tilespmem:v32+s14+$0x0] =	vst.idx.msk $0xffff, v36;
	v9 =	vld.idx.msk [tilespmem:v9+s3+$0x0], $0xffff  }
0x135: {  	[tilespmem:v38+s14+$0x0] =	vst.idx.msk $0xffff, v37;
	v36 =	vld.idx.msk [tilespmem:v39+s3+$0x0], $0xffff  }
0x136: {  	[tilespmem:v33+s14+$0x0] =	vst.idx.msk $0xffff, v35;
	v35 =	vld.idx.msk [tilespmem:v23+s3+$0x0], $0xffff;
	v40 =	vor.u32 v43, v17  }
0x137: {  	v32 =	vadd.s32 v45, v18;
	v23 =	vadd.s32 v26, v18;
	v26 =	vld [tilespmem:$0x1FEB0];
	v45 =	vor.u32 v44, v17  }
0x138: {  	[tilespmem:v12+s14+$0x0] =	vst.idx.msk $0xffff, v11;
	v12 =	vld.idx.msk [tilespmem:v15+s3+$0x0], $0xffff  }
0x139: {  	v37 =	vadd.s32 v46, v18;
	v15 =	vadd.s32 v49, v18;
	v49 =	vld [tilespmem:$0x1FEC0]  }
0x13a: {  	v46 =	vld [tilespmem:$0x1FEF0];
	v33 =	vadd.s32 v47, v18  }
0x13b: {  	v38 =	vor.u32 v27, v17;
	v47 =	vld [tilespmem:$0x1FEE0];
	[tilespmem:v40+s14+$0x0] =	vst.idx.msk $0xffff, v10  }
0x13c: {  	v41 =	vor.u32 v6, v17;
	[tilespmem:v45+s14+$0x0] =	vst.idx.msk $0xffff, v13;
	v45 =	vld [tilespmem:$0x1FED0]  }
0x13d: {  	v32 =	vld.idx.msk [tilespmem:v32+s3+$0x0], $0xffff;
	v11 =	vor.u32 v26, v17  }
0x13e: {  	v37 =	vld.idx.msk [tilespmem:v37+s3+$0x0], $0xffff;
	v10 =	vor.u32 v49, v17;
	v40 =	vadd.s32 v48, v18  }
0x13f: {  	v33 =	vld.idx.msk [tilespmem:v33+s3+$0x0], $0xffff  }
0x140: {  	v39 =	vadd.s32 v4, v18;
	v48 =	vld [tilespmem:$0x1FF00];
	[tilespmem:v38+s14+$0x0] =	vst.idx.msk $0xffff, v36  }
0x141: {  	v38 =	vor.u32 v2, v16;
	v2 =	vld [tilespmem:$0x1FF10];
	[tilespmem:v41+s14+$0x0] =	vst.idx.msk $0xffff, v9;
	v13 =	vor.u32 v45, v17  }
0x142: {  	v41 =	vld.idx.msk [tilespmem:v23+s3+$0x0], $0xffff;
	[tilespmem:v11+s14+$0x0] =	vst.idx.msk $0xffff, v34  }
0x143: {  	v23 =	vor.u32 v43, v16;
	[tilespmem:v10+s14+$0x0] =	vst.idx.msk $0xffff, v35;
	v35 =	vld.idx.msk [tilespmem:v40+s3+$0x0], $0xffff  }
0x144: {  	v34 =	vor.u32 v44, v16;
	v40 =	vor.u32 v27, v16;
	v27 =	vld [tilespmem:$0x1FF20]  }
0x145: {  	v15 =	vld.idx.msk [tilespmem:v15+s3+$0x0], $0xffff;
	v36 =	vadd.s32 v48, v25  }
0x146: {  	v9 =	vadd.s32 v46, v25;
	[tilespmem:v13+s14+$0x0] =	vst.idx.msk $0xffff, v14;
	v14 =	vld.idx.msk [tilespmem:v39+s3+$0x0], $0xffff;
	v39 =	vor.u32 v6, v16  }
0x147: {  	v11 =	vadd.s32 v47, v25;
	v6 =	vld [tilespmem:$0x1FF30];
	[tilespmem:v38+s14+$0x0] =	vst.idx.msk $0xffff, v12;
	v12 =	vor.u32 v26, v16  }
0x148: {  	v10 =	vadd.s32 v2, v25;
	v26 =	vld [tilespmem:$0x1FF40];
	[tilespmem:v23+s14+$0x0] =	vst.idx.msk $0xffff, v32;
	v23 =	vor.u32 v49, v16  }
0x149: {  	v4 =	vld [tilespmem:$0x1FF60];
	v13 =	vadd.s32 v27, v25;
	[tilespmem:v34+s14+$0x0] =	vst.idx.msk $0xffff, v37;
	v34 =	vor.u32 v45, v16  }
0x14a: {  	v46 =	vadd.s32 v46, v18;
	v43 =	vld.idx.msk [tilespmem:v36+s3+$0x0], $0xffff;
	[tilespmem:v40+s14+$0x0] =	vst.idx.msk $0xffff, v33  }
0x14b: {  	v44 =	vld.idx.msk [tilespmem:v9+s3+$0x0], $0xffff;
	[tilespmem:v39+s14+$0x0] =	vst.idx.msk $0xffff, v35  }
0x14c: {  	v11 =	vld.idx.msk [tilespmem:v11+s3+$0x0], $0xffff;
	v36 =	vadd.s32 v6, v25;
	[tilespmem:v12+s14+$0x0] =	vst.idx.msk $0xffff, v14  }
0x14d: {  	v45 =	vld.idx.msk [tilespmem:v10+s3+$0x0], $0xffff;
	v9 =	vadd.s32 v26, v25;
	[tilespmem:v23+s14+$0x0] =	vst.idx.msk $0xffff, v15  }
0x14e: {  	v42 =	vadd.s32 v30, v25;
	v37 =	vor.u32 v4, v17;
	v32 =	vld.idx.msk [tilespmem:v13+s3+$0x0], $0xffff;
	[tilespmem:v34+s14+$0x0] =	vst.idx.msk $0xffff, v41  }
0x14f: {  	v13 =	vor.u32 v20, v17;
	v12 =	vld.idx.msk [tilespmem:v46+s3+$0x0], $0xffff  }
0x150: {  	v46 =	vld [tilespmem:$0x1FD50]  }
0x151: {  	v10 =	vld.idx.msk [tilespmem:v36+s3+$0x0], $0xffff  }
0x152: {  	v40 =	vadd.s32 v47, v18;
	v33 =	vld.idx.msk [tilespmem:v9+s3+$0x0], $0xffff  }
0x153: {  	v47 =	vor.u32 v1, v17;
	v14 =	vadd.s32 v48, v18;
	v9 =	vld.idx.msk [tilespmem:v42+s3+$0x0], $0xffff;
	[tilespmem:v37+s14+$0x0] =	vst.idx.msk $0xffff, v11  }
0x154: {  	p2 =	slt.u32 s23, $0x1E;
	v48 =	vor.u32 v19, v17;
	v23 =	vadd.s32 v2, v18;
	[tilespmem:v13+s14+$0x0] =	vst.idx.msk $0xffff, v44;
	v44 =	vld [tilespmem:$0x1FD40]  }
.Ltmp5:
0x155: {  	_ = 	snop;
	(pc) =	sbr.rel @p2 .LBB2_4-.Ltmp5, $4  }
0x156: {  	v35 =	vor.u32 v21, v17;
	v38 =	vadd.s32 v6, v18;
	v15 =	vadd.s32 v24, v25  }
0x157: {  	v41 =	vadd.s32 v26, v18;
	v36 =	vadd.s32 v27, v18;
	v37 =	vor.u32 v22, v17;
	v11 =	vld.idx.msk [tilespmem:v40+s3+$0x0], $0xffff  }
0x158: {  	v40 =	vadd.s32 v30, v18;
	v42 =	vor.u32 v4, v16;
	v13 =	vld.idx.msk [tilespmem:v14+s3+$0x0], $0xffff;
	[tilespmem:v47+s14+$0x0] =	vst.idx.msk $0xffff, v43  }
0x159: {  	s23 =	sadd.s32 $0x2, s23;
	v14 =	vld.idx.msk [tilespmem:v23+s3+$0x0], $0xffff;
	[tilespmem:v48+s14+$0x0] =	vst.idx.msk $0xffff, v45;
	v34 =	vor.u32 v46, v17;
	v39 =	vor.u32 v44, v17  }
0x15a: {  	_ =	sdelay $0x3  }
0x15b: {  	[tilespmem:v35+s14+$0x0] =	vst.idx.msk $0xffff, v32;
	v43 =	vld.idx.msk [tilespmem:v36+s3+$0x0], $0xffff  }
0x15c: {  	v32 =	vld.idx.msk [tilespmem:v38+s3+$0x0], $0xffff;
	[tilespmem:v37+s14+$0x0] =	vst.idx.msk $0xffff, v10  }
0x15d: {  	v26 =	vld [tilespmem:$0x1FF80]  }
0x15e: {  	[tilespmem:v39+s14+$0x0] =	vst.idx.msk $0xffff, v33;
	v33 =	vld.idx.msk [tilespmem:v41+s3+$0x0], $0xffff  }
0x15f: {  	v21 =	vld [tilespmem:$0x1FF90]  }
0x160: {  	v1 =	vld [tilespmem:$0x1FCC0]  }
0x161: {  	[tilespmem:v34+s14+$0x0] =	vst.idx.msk $0xffff, v9;
	v9 =	vld.idx.msk [tilespmem:v40+s3+$0x0], $0xffff  }
0x162: {  	v45 =	vld [tilespmem:$0x1FFA0];
	[tilespmem:v42+s14+$0x0] =	vst.idx.msk $0xffff, v11  }
0x163: {  	v42 =	vld [tilespmem:$0x1FFB0]  }
0x164: {  	v20 =	vor.u32 v26, v16  }
0x165: {  	v49 =	vadd.s32 v3, v25;
	v22 =	vor.u32 v21, v16  }
0x166: {  	v15 =	vld.idx.msk [tilespmem:v15+s3+$0x0], $0xffff  }
0x167: {  	v10 =	vadd.s32 v31, v25;
	v7 =	vld.idx.msk [tilespmem:v7+s3+$0x0], $0xffff;
	v34 =	vor.u32 v45, v16  }
0x168: {  	v4 =	vld [tilespmem:$0x1FCA0];
	[tilespmem:v5+s14+$0x0] =	vst.idx.msk $0xffff, v12;
	v11 =	vor.u32 v42, v16  }
0x169: {  	v5 =	vor.u32 v44, v16;
	v44 =	vld [tilespmem:$0x1FCB0];
	[tilespmem:v20+s14+$0x0] =	vst.idx.msk $0xffff, v13  }
0x16a: {  	v49 =	vld.idx.msk [tilespmem:v49+s3+$0x0], $0xffff;
	[tilespmem:v22+s14+$0x0] =	vst.idx.msk $0xffff, v14  }
0x16b: {  	v23 =	vadd.s32 v1, v25;
	v20 =	vld [tilespmem:$0x1FC40]  }
0x16c: {  	v39 =	vadd.s32 v8, v25;
	v10 =	vld.idx.msk [tilespmem:v10+s3+$0x0], $0xffff;
	[tilespmem:v34+s14+$0x0] =	vst.idx.msk $0xffff, v43  }
0x16d: {  	v40 =	vadd.s32 v4, v25;
	v21 =	vld [tilespmem:$0x1FC50];
	[tilespmem:v11+s14+$0x0] =	vst.idx.msk $0xffff, v32  }
0x16e: {  	v45 =	vadd.s32 v44, v25;
	v2 =	vld [tilespmem:$0x1FC20];
	[tilespmem:v5+s14+$0x0] =	vst.idx.msk $0xffff, v33  }
0x16f: {  	v47 =	vor.u32 v46, v16;
	v48 =	vadd.s32 v1, v18;
	v1 =	vld [tilespmem:$0x1FCD0]  }
0x170: {  	v25 =	vld.idx.msk [tilespmem:v23+s3+$0x0], $0xffff;
	v30 =	vor.u32 v20, v17  }
0x171: {  	v42 =	vld.idx.msk [tilespmem:v39+s3+$0x0], $0xffff  }
0x172: {  	v43 =	vld.idx.msk [tilespmem:v40+s3+$0x0], $0xffff;
	v41 =	vor.u32 v21, v17  }
0x173: {  	v12 =	vld.idx.msk [tilespmem:v45+s3+$0x0], $0xffff  }
0x174: {  	v5 =	vadd.s32 v1, v18;
	v1 =	vld [tilespmem:$0x1FC30];
	[tilespmem:v47+s14+$0x0] =	vst.idx.msk $0xffff, v9  }
0x175: {  	v27 =	vld [tilespmem:$0x1FC80];
	[tilespmem:v30+s14+$0x0] =	vst.idx.msk $0xffff, v25  }
0x176: {  	v19 =	vld [tilespmem:$0x1FC60]  }
0x177: {  	v11 =	vadd.s32 v31, v18;
	v31 =	vor.u32 v2, v17;
	v22 =	vld [tilespmem:$0x1FC90];
	[tilespmem:v41+s14+$0x0] =	vst.idx.msk $0xffff, v7  }
0x178: {  	v7 =	vld [tilespmem:$0x1FC70]  }
0x179: {  	v8 =	vadd.s32 v8, v18;
	v6 =	vor.u32 v1, v17  }
0x17a: {  	v4 =	vadd.s32 v4, v18;
	v9 =	vor.u32 v27, v17  }
0x17b: {  	v3 =	vadd.s32 v3, v18;
	v13 =	vld.idx.msk [tilespmem:v48+s3+$0x0], $0xffff;
	v45 =	vor.u32 v19, v17  }
0x17c: {  	v25 =	vld.idx.msk [tilespmem:v28+s3+$0x0], $0xffff;
	[tilespmem:v31+s14+$0x0] =	vst.idx.msk $0xffff, v10;
	v28 =	vor.u32 v22, v17  }
0x17d: {  	v10 =	vor.u32 v20, v16;
	v46 =	vor.u32 v7, v17;
	v7 =	vld.idx.msk [tilespmem:v11+s3+$0x0], $0xffff;
	v11 =	vadd.s32 v44, v18  }
0x17e: {  	v8 =	vld.idx.msk [tilespmem:v8+s3+$0x0], $0xffff;
	[tilespmem:v6+s14+$0x0] =	vst.idx.msk $0xffff, v15  }
0x17f: {  	v4 =	vld.idx.msk [tilespmem:v4+s3+$0x0], $0xffff;
	v6 =	vor.u32 v21, v16;
	[tilespmem:v9+s14+$0x0] =	vst.idx.msk $0xffff, v42  }
0x180: {  	v3 =	vld.idx.msk [tilespmem:v3+s3+$0x0], $0xffff;
	v9 =	vor.u32 v2, v16;
	[tilespmem:v45+s14+$0x0] =	vst.idx.msk $0xffff, v43  }
0x181: {  	v5 =	vld.idx.msk [tilespmem:v5+s3+$0x0], $0xffff;
	v47 =	vor.u32 v1, v16;
	[tilespmem:v28+s14+$0x0] =	vst.idx.msk $0xffff, v49  }
0x182: {  	v48 =	vor.u32 v27, v16;
	v11 =	vld.idx.msk [tilespmem:v11+s3+$0x0], $0xffff;
	[tilespmem:v10+s14+$0x0] =	vst.idx.msk $0xffff, v13  }
0x183: {  	v49 =	vor.u32 v19, v16;
	[tilespmem:v46+s14+$0x0] =	vst.idx.msk $0xffff, v12  }
0x184: {  	v10 =	vor.u32 v22, v16;
	[tilespmem:v6+s14+$0x0] =	vst.idx.msk $0xffff, v25  }
0x185: {  	[tilespmem:v9+s14+$0x0] =	vst.idx.msk $0xffff, v7  }
0x186: {  	[tilespmem:v47+s14+$0x0] =	vst.idx.msk $0xffff, v5  }
0x187: {  	[tilespmem:v48+s14+$0x0] =	vst.idx.msk $0xffff, v8  }
0x188: {  	s22 =	smul.u32 $0xA00, s22;
	[tilespmem:v49+s14+$0x0] =	vst.idx.msk $0xffff, v4  }
0x189: {  	[tilespmem:v10+s14+$0x0] =	vst.idx.msk $0xffff, v3  }
0x18a: {  	s22 =	sadd.s32 s5, s22;
	[tilespmem:v29+s14+$0x0] =	vst.idx.msk $0xffff, v11  }
0x18b: {  	[hbm4b:s22+s3] =	stream.linear.scatter [tilespmem:s14], [sflag:$0x1], $0x5000, $0x38;
	[tilespmem:$0xC400] =	vst v63  }
0x18c: {  	_ =	swait.ge [sflag:s15], $0x5000  }
0x18d: {  	v43 =	vld [tilespmem:$0x1FFC0]  }
0x18e: {  	v44 =	vld [tilespmem:$0x1FFD0]  }
0x18f: {  	v33 =	vld [tilespmem:$0x1FFE0]  }
0x190: {  	v46 =	vld [tilespmem:$0x1FFF0]  }
0x191: {  	v30 =	vld [tilespmem:$0x1FD60]  }
0x192: {  	v29 =	vld [tilespmem:$0x1FD70]  }
0x193: {  	v34 =	vld [tilespmem:$0x1FD80]  }
0x194: {  	v36 =	vld [tilespmem:$0x1FD90]  }
0x195: {  	v37 =	vld [tilespmem:$0x1FDA0]  }
0x196: {  	v32 =	vld [tilespmem:$0x1FDB0]  }
0x197: {  	v38 =	vld [tilespmem:$0x1FDE0]  }
0x198: {  	v3 =	vld [tilespmem:$0x1FE00]  }
0x199: {  	v4 =	vld [tilespmem:$0x1FE10]  }
.Ltmp6:
0x19a: {  	v7 =	vld [tilespmem:$0x1FE40];
	(pc) =	sbr.rel .LBB2_6-.Ltmp6, $4  }
0x19b: {  	v8 =	vld [tilespmem:$0x1FE50]  }
0x19c: {  	v9 =	vld [tilespmem:$0x1FE60]  }
0x19d: {  	[sflag:s15] =	ssyncset.done $0x0;
	v47 =	vld [tilespmem:$0x1FE70]  }
0x19e: {  	v27 =	vld [tilespmem:$0x1FF70];
	[sflag:s15] =	ssyncadd.s32 $0xFFFFB000  }
.LBB2_7:
.Ltmp7:
0x19f: {  	(pc) =	sbr.rel @p0 .LBB2_12-.Ltmp7, $1  }
0x1a0: {  	_ =	sdelay $0x3  }
.Ltmp8:
0x1a1: {  	(pc) =	sbr.rel @p1 .LBB2_13-.Ltmp8, $1  }
0x1a2: {  	_ =	sdelay $0x3  }
0x1a3: {  	s21 =	simm.s32 $0x1  }
0x1a4: {  	s22 =	simm.s32 $0x0;
	v1 =	vadd.s32 s21, v0  }
0x1a5: {  	s29 =	sand.u32 $0x10, s22;
	v3 =	vadd.s32 s22, v0;
	v2 =	vand.u32 $0xF, v1  }
0x1a6: {  	v4 =	vand.u32 $0xF, v3;
	v1 =	vshll.u32 v1, $0x7;
	v2 =	vor.u32 s29, v2  }
0x1a7: {  	v3 =	vshll.u32 v3, $0x7;
	v4 =	vor.u32 s29, v4;
	v5 =	vshll.u32 v2, $0x7  }
0x1a8: {  	v1 =	vand.u32 $0x380, v1;
	v6 =	vshll.u32 v4, $0x7;
	v5 =	vand.u32 $0xC00, v5  }
0x1a9: {  	v3 =	vand.u32 $0x380, v3;
	v1 =	vor.u32 v1, v5;
	v5 =	vand.u32 $0xC00, v6  }
0x1aa: {  	v6 =	vor.u32 v56, v1;
	v3 =	vor.u32 v3, v5  }
0x1ab: {  	[tilespmem:s18], [sflag:$0x1] =	stream.strided.gather [hbm4b:s8+s17], $0x1000, s12, s17, $0x38;
	v7 =	vor.u32 v50, v3;
	[tilespmem:$0xC400] =	vst v63  }
0x1ac: {  	_ =	swait.ge [sflag:s15], $0x1000  }
0x1ad: {  	[sflag:s15] =	ssyncset.done $0x0  }
0x1ae: {  	[sflag:s15] =	ssyncadd.s32 $0xFFFFF000;
	v5 =	vor.u32 v50, v1  }
0x1af: {  	v9 =	vor.u32 v54, v1;
	v11 =	vor.u32 v55, v1;
	v12 =	vor.u32 v51, v1;
	v47 =	vld.idx.msk [tilespmem:v6+s18+$0x0], $0xffff  }
0x1b0: {  	v13 =	vor.u32 v53, v1;
	v14 =	vor.u32 v57, v1;
	v6 =	vor.u32 v0, v1;
	v1 =	vld.idx.msk [tilespmem:v7+s18+$0x0], $0xffff  }
0x1b1: {  	v8 =	vor.u32 v51, v3;
	_ =	sdelay $0x3  }
0x1b2: {  	v40 =	vld.idx.msk [tilespmem:v5+s18+$0x0], $0xffff;
	[tilespmem:$0x1FBD0] =	vst v1  }
0x1b3: {  	v1 =	vld.idx.msk [tilespmem:v8+s18+$0x0], $0xffff;
	_ =	sdelay $0x3  }
0x1b4: {  	v49 =	vor.u32 v43, v4;
	v24 =	vor.u32 v52, v2  }
0x1b5: {  	v42 =	vor.u32 v58, v2;
	v10 =	vor.u32 v0, v3;
	[tilespmem:$0x1FBE0] =	vst v1;
	v1 =	vor.u32 v59, v4  }
0x1b6: {  	v20 =	vor.u32 v60, v2;
	v32 =	vor.u32 v62, v4;
	v31 =	vor.u32 v59, v2;
	[tilespmem:$0x1FBF0] =	vst v1  }
0x1b7: {  	v28 =	vor.u32 v62, v2;
	v27 =	vor.u32 v58, v4;
	v1 =	vor.u32 v61, v4;
	v25 =	vld.idx.msk [tilespmem:v9+s18+$0x0], $0xffff  }
0x1b8: {  	v21 =	vor.u32 v60, v4;
	v15 =	vor.u32 v53, v3;
	v26 =	vld.idx.msk [tilespmem:v11+s18+$0x0], $0xffff;
	[tilespmem:$0x1FC00] =	vst v1  }
0x1b9: {  	s30 =	simm.s32 $0x2;
	v22 =	vor.u32 v54, v3;
	v29 =	vor.u32 v56, v3;
	v41 =	vor.u32 v57, v3;
	v17 =	vld.idx.msk [tilespmem:v6+s18+$0x0], $0xffff  }
0x1ba: {  	s31 =	simm.s32 $0x3;
	v5 =	vor.u32 v63, v4;
	v7 =	vor.u32 v55, v3;
	v8 =	vadd.s32 s30, v0;
	v3 =	vld.idx.msk [tilespmem:v10+s18+$0x0], $0xffff  }
0x1bb: {  	v1 =	vor.u32 v63, v2;
	v9 =	vshll.u32 v8, $0x7;
	v10 =	vadd.s32 s31, v0;
	v30 =	vld.idx.msk [tilespmem:v14+s18+$0x0], $0xffff  }
0x1bc: {  	s21 =	sand.u32 $0x10, s30;
	v6 =	vor.u32 v52, v4;
	v4 =	vand.u32 $0xF, v8;
	v18 =	vld.idx.msk [tilespmem:v12+s18+$0x0], $0xffff;
	v8 =	vand.u32 $0xF, v10  }
0x1bd: {  	v19 =	vld.idx.msk [tilespmem:v13+s18+$0x0], $0xffff;
	v4 =	vor.u32 s21, v4;
	v10 =	vshll.u32 v10, $0x7;
	v23 =	vor.u32 s21, v8  }
0x1be: {  	v16 =	vld.idx.msk [tilespmem:v15+s18+$0x0], $0xffff;
	s21 =	simm.s32 $0x4;
	v11 =	vshll.u32 v4, $0x7;
	v8 =	vor.u32 v43, v4;
	v12 =	vshll.u32 v23, $0x7  }
.LBB2_10:
0x1bf: {  	v13 =	vld.idx.msk [tilespmem:v7+s18+$0x0], $0xffff  }
0x1c0: {  	v35 =	vmov v49;
	v49 =	vmov v8;
	v8 =	vld.idx.msk [tilespmem:v22+s18+$0x0], $0xffff  }
0x1c1: {  	v11 =	vand.u32 $0xC00, v11;
	v9 =	vand.u32 $0x380, v9;
	v41 =	vld.idx.msk [tilespmem:v41+s18+$0x0], $0xffff  }
0x1c2: {  	v34 =	vmov v1;
	v1 =	vor.u32 v9, v11;
	v9 =	vld.idx.msk [tilespmem:v29+s18+$0x0], $0xffff  }
0x1c3: {  	v14 =	vmov v5;
	v5 =	vand.u32 $0x380, v10;
	[tilespmem:v6+s19+$0x0] =	vst.idx.msk $0xffff, v3;
	v3 =	vld [tilespmem:$0x1FBD0]  }
0x1c4: {  	v36 =	vor.u32 v43, v2;
	v10 =	vor.u32 v61, v2;
	v2 =	vmovc v23;
	v23 =	vor.u32 v50, v1;
	_ =	sdelay $0x3  }
0x1c5: {  	[tilespmem:v27+s19+$0x0] =	vst.idx.msk $0xffff, v3  }
0x1c6: {  	v12 =	vand.u32 $0xC00, v12;
	v3 =	vld.idx.msk [tilespmem:v23+s18+$0x0], $0xffff  }
0x1c7: {  	v5 =	vor.u32 v5, v12  }
0x1c8: {  	[tilespmem:v24+s19+$0x0] =	vst.idx.msk $0xffff, v17;
	v7 =	vor.u32 v56, v5  }
0x1c9: {  	[tilespmem:v42+s19+$0x0] =	vst.idx.msk $0xffff, v40  }
0x1ca: {  	[tilespmem:v31+s19+$0x0] =	vst.idx.msk $0xffff, v18  }
0x1cb: {  	[tilespmem:$0x1FBD0] =	vst v3;
	v3 =	vld [tilespmem:$0x1FBF0]  }
0x1cc: {  	v15 =	vmov v25;
	v11 =	vor.u32 v0, v1;
	[tilespmem:v20+s19+$0x0] =	vst.idx.msk $0xffff, v19  }
0x1cd: {  	v25 =	vor.u32 v51, v1;
	v44 =	vor.u32 v53, v1;
	v22 =	vor.u32 v54, v1;
	v48 =	vld.idx.msk [tilespmem:v7+s18+$0x0], $0xffff  }
0x1ce: {  	v29 =	vor.u32 v56, v1;
	v6 =	vor.u32 v57, v1;
	v7 =	vor.u32 v55, v1;
	v1 =	vld [tilespmem:$0x1FBE0];
	_ =	sdelay $0x4  }
0x1cf: {  	[tilespmem:v3+s19+$0x0] =	vst.idx.msk $0xffff, v1  }
0x1d0: {  	v1 =	vld.idx.msk [tilespmem:v25+s18+$0x0], $0xffff;
	_ =	sdelay $0x1  }
0x1d1: {  	v12 =	vor.u32 v50, v5  }
0x1d2: {  	v45 =	vmov v26;
	v26 =	vor.u32 v55, v5  }
0x1d3: {  	v17 =	vor.u32 v0, v5  }
0x1d4: {  	v37 =	vmov v30;
	v30 =	vor.u32 v57, v5;
	[tilespmem:$0x1FBE0] =	vst v1;
	v1 =	vor.u32 v59, v4  }
0x1d5: {  	v18 =	vor.u32 v54, v5;
	[tilespmem:$0x1FBF0] =	vst v1;
	v1 =	vld [tilespmem:$0x1FC00]  }
0x1d6: {  	v33 =	vmov v28;
	v38 =	vor.u32 v51, v5;
	v40 =	vld.idx.msk [tilespmem:v12+s18+$0x0], $0xffff  }
0x1d7: {  	v39 =	vor.u32 v53, v5;
	v26 =	vld.idx.msk [tilespmem:v26+s18+$0x0], $0xffff  }
0x1d8: {  	v17 =	vld.idx.msk [tilespmem:v17+s18+$0x0], $0xffff  }
0x1d9: {  	v30 =	vld.idx.msk [tilespmem:v30+s18+$0x0], $0xffff;
	[tilespmem:v21+s19+$0x0] =	vst.idx.msk $0xffff, v16  }
0x1da: {  	v25 =	vld.idx.msk [tilespmem:v18+s18+$0x0], $0xffff;
	[tilespmem:v10+s19+$0x0] =	vst.idx.msk $0xffff, v15  }
0x1db: {  	v24 =	vor.u32 v52, v2;
	v28 =	vor.u32 v62, v2;
	v18 =	vld.idx.msk [tilespmem:v38+s18+$0x0], $0xffff;
	[tilespmem:v33+s19+$0x0] =	vst.idx.msk $0xffff, v45  }
0x1dc: {  	v42 =	vor.u32 v58, v2;
	v5 =	vor.u32 v63, v4;
	v19 =	vld.idx.msk [tilespmem:v39+s18+$0x0], $0xffff;
	[tilespmem:v34+s19+$0x0] =	vst.idx.msk $0xffff, v47  }
0x1dd: {  	v31 =	vor.u32 v59, v2;
	v20 =	vor.u32 v60, v2;
	[tilespmem:v1+s19+$0x0] =	vst.idx.msk $0xffff, v8  }
0x1de: {  	p2 =	slt.u32 s21, $0x1E;
	s22 =	smov.u32 s21;
	v27 =	vor.u32 v58, v4;
	v12 =	vor.u32 v62, v4;
	[tilespmem:v32+s19+$0x0] =	vst.idx.msk $0xffff, v13  }
.Ltmp9:
0x1df: {  	s23 =	sadd.s32 $0x1, s22;
	v21 =	vor.u32 v60, v4;
	v1 =	vor.u32 v61, v4;
	v8 =	vadd.s32 s22, v0;
	[tilespmem:v14+s19+$0x0] =	vst.idx.msk $0xffff, v9;
	(pc) =	sbr.rel @p2 .LBB2_10-.Ltmp9, $4  }
0x1e0: {  	[tilespmem:$0x1FC00] =	vst v1;
	v1 =	vor.u32 v63, v2;
	v9 =	vshll.u32 v8, $0x7;
	v3 =	vld.idx.msk [tilespmem:v11+s18+$0x0], $0xffff;
	v11 =	vadd.s32 s23, v0  }
0x1e1: {  	s22 =	sand.u32 $0x10, s22;
	[tilespmem:v35+s19+$0x0] =	vst.idx.msk $0xffff, v41;
	v41 =	vmovc v6;
	v6 =	vor.u32 v52, v4;
	v4 =	vand.u32 $0xF, v8;
	v8 =	vand.u32 $0xF, v11  }
0x1e2: {  	[tilespmem:v36+s19+$0x0] =	vst.idx.msk $0xffff, v37;
	v4 =	vor.u32 s22, v4;
	v10 =	vshll.u32 v11, $0x7;
	v23 =	vor.u32 s22, v8  }
0x1e3: {  	s21 =	sadd.s32 $0x2, s21;
	v47 =	vmovc v48;
	v32 =	vmovc v12;
	v16 =	vld.idx.msk [tilespmem:v44+s18+$0x0], $0xffff;
	v11 =	vshll.u32 v4, $0x7;
	v8 =	vor.u32 v43, v4;
	v12 =	vshll.u32 v23, $0x7  }
0x1e4: {  	_ =	sdelay $0x1  }
0x1e5: {  	v12 =	vand.u32 $0xC00, v12;
	v10 =	vand.u32 $0x380, v10  }
0x1e6: {  	v11 =	vand.u32 $0xC00, v11;
	v9 =	vand.u32 $0x380, v9;
	v10 =	vor.u32 v10, v12  }
0x1e7: {  	v7 =	vld.idx.msk [tilespmem:v7+s18+$0x0], $0xffff;
	v9 =	vor.u32 v9, v11;
	v11 =	vor.u32 v50, v10  }
0x1e8: {  	[tilespmem:v24+s19+$0x0] =	vst.idx.msk $0xffff, v17;
	v13 =	vld.idx.msk [tilespmem:v22+s18+$0x0], $0xffff  }
0x1e9: {  	v15 =	vld.idx.msk [tilespmem:v29+s18+$0x0], $0xffff;
	[tilespmem:v42+s19+$0x0] =	vst.idx.msk $0xffff, v40  }
0x1ea: {  	v35 =	vld.idx.msk [tilespmem:v41+s18+$0x0], $0xffff;
	[tilespmem:v6+s19+$0x0] =	vst.idx.msk $0xffff, v3  }
0x1eb: {  	[tilespmem:v31+s19+$0x0] =	vst.idx.msk $0xffff, v18  }
0x1ec: {  	[tilespmem:v20+s19+$0x0] =	vst.idx.msk $0xffff, v19;
	v6 =	vld.idx.msk [tilespmem:v11+s18+$0x0], $0xffff  }
0x1ed: {  	v11 =	vld [tilespmem:$0x1FBD0];
	_ =	sdelay $0x4  }
0x1ee: {  	[tilespmem:v27+s19+$0x0] =	vst.idx.msk $0xffff, v11  }
0x1ef: {  	v24 =	vld [tilespmem:$0x1FBF0];
	_ =	sdelay $0x2  }
0x1f0: {  	v20 =	vld [tilespmem:$0x1FBE0];
	_ =	sdelay $0x3  }
0x1f1: {  	v12 =	vor.u32 v56, v10  }
0x1f2: {  	v14 =	vor.u32 v50, v9;
	[tilespmem:v24+s19+$0x0] =	vst.idx.msk $0xffff, v20  }
0x1f3: {  	v33 =	vor.u32 v51, v9;
	[tilespmem:v21+s19+$0x0] =	vst.idx.msk $0xffff, v16  }
0x1f4: {  	v34 =	vor.u32 v54, v10;
	v21 =	vld [tilespmem:$0x1FC00]  }
0x1f5: {  	v37 =	vor.u32 v61, v2;
	v36 =	vor.u32 v55, v10  }
0x1f6: {  	v3 =	vor.u32 v0, v10;
	v12 =	vld.idx.msk [tilespmem:v12+s18+$0x0], $0xffff  }
0x1f7: {  	v45 =	vor.u32 v56, v9;
	v14 =	vld.idx.msk [tilespmem:v14+s18+$0x0], $0xffff  }
0x1f8: {  	v17 =	vld.idx.msk [tilespmem:v33+s18+$0x0], $0xffff;
	v11 =	vor.u32 v0, v9  }
0x1f9: {  	v38 =	vor.u32 v51, v10;
	v18 =	vld.idx.msk [tilespmem:v34+s18+$0x0], $0xffff  }
0x1fa: {  	v39 =	vld.idx.msk [tilespmem:v36+s18+$0x0], $0xffff;
	v24 =	vor.u32 v57, v10;
	[tilespmem:v37+s19+$0x0] =	vst.idx.msk $0xffff, v25  }
0x1fb: {  	v3 =	vld.idx.msk [tilespmem:v3+s18+$0x0], $0xffff;
	v10 =	vor.u32 v53, v10;
	[tilespmem:v28+s19+$0x0] =	vst.idx.msk $0xffff, v26  }
0x1fc: {  	v2 =	vor.u32 v43, v2;
	v40 =	vor.u32 v55, v9;
	v48 =	vld.idx.msk [tilespmem:v45+s18+$0x0], $0xffff;
	[tilespmem:v21+s19+$0x0] =	vst.idx.msk $0xffff, v13  }
0x1fd: {  	v41 =	vor.u32 v54, v9;
	v11 =	vld.idx.msk [tilespmem:v11+s18+$0x0], $0xffff;
	[tilespmem:v32+s19+$0x0] =	vst.idx.msk $0xffff, v7;
	v7 =	vor.u32 v53, v9  }
0x1fe: {  	v16 =	vld.idx.msk [tilespmem:v38+s18+$0x0], $0xffff;
	v9 =	vor.u32 v57, v9;
	[tilespmem:v5+s19+$0x0] =	vst.idx.msk $0xffff, v15;
	v5 =	vor.u32 v52, v23  }
0x1ff: {  	[tilespmem:v1+s19+$0x0] =	vst.idx.msk $0xffff, v47;
	v1 =	vor.u32 v52, v4;
	v44 =	vld.idx.msk [tilespmem:v24+s18+$0x0], $0xffff  }
0x200: {  	v42 =	vor.u32 v58, v23;
	v10 =	vld.idx.msk [tilespmem:v10+s18+$0x0], $0xffff  }
0x201: {  	[tilespmem:v2+s19+$0x0] =	vst.idx.msk $0xffff, v30;
	v2 =	vor.u32 v58, v4;
	v15 =	vld.idx.msk [tilespmem:v40+s18+$0x0], $0xffff  }
0x202: {  	v24 =	vor.u32 v59, v23;
	[tilespmem:v49+s19+$0x0] =	vst.idx.msk $0xffff, v35;
	v7 =	vld.idx.msk [tilespmem:v7+s18+$0x0], $0xffff  }
0x203: {  	v25 =	vor.u32 v60, v23;
	v9 =	vld.idx.msk [tilespmem:v9+s18+$0x0], $0xffff;
	[tilespmem:v5+s19+$0x0] =	vst.idx.msk $0xffff, v3  }
0x204: {  	v3 =	vor.u32 v59, v4;
	v5 =	vld.idx.msk [tilespmem:v41+s18+$0x0], $0xffff;
	[tilespmem:v1+s19+$0x0] =	vst.idx.msk $0xffff, v11  }
0x205: {  	[tilespmem:v42+s19+$0x0] =	vst.idx.msk $0xffff, v6;
	v6 =	vor.u32 v60, v4  }
0x206: {  	[tilespmem:v2+s19+$0x0] =	vst.idx.msk $0xffff, v14;
	v2 =	vor.u32 v61, v23  }
0x207: {  	v49 =	vor.u32 v61, v4;
	[tilespmem:v24+s19+$0x0] =	vst.idx.msk $0xffff, v16  }
0x208: {  	[tilespmem:v25+s19+$0x0] =	vst.idx.msk $0xffff, v10;
	v10 =	vor.u32 v62, v4  }
0x209: {  	v1 =	vor.u32 v63, v4;
	[tilespmem:v3+s19+$0x0] =	vst.idx.msk $0xffff, v17  }
0x20a: {  	[tilespmem:v6+s19+$0x0] =	vst.idx.msk $0xffff, v7  }
0x20b: {  	v3 =	vor.u32 v62, v23;
	[tilespmem:v2+s19+$0x0] =	vst.idx.msk $0xffff, v18  }
0x20c: {  	v4 =	vor.u32 v63, v23;
	[tilespmem:v49+s19+$0x0] =	vst.idx.msk $0xffff, v5  }
0x20d: {  	v5 =	vor.u32 v43, v23;
	[tilespmem:v10+s19+$0x0] =	vst.idx.msk $0xffff, v15  }
0x20e: {  	[tilespmem:v1+s19+$0x0] =	vst.idx.msk $0xffff, v48  }
0x20f: {  	[tilespmem:v8+s19+$0x0] =	vst.idx.msk $0xffff, v9  }
0x210: {  	[tilespmem:v3+s19+$0x0] =	vst.idx.msk $0xffff, v39  }
0x211: {  	[tilespmem:v4+s19+$0x0] =	vst.idx.msk $0xffff, v12  }
0x212: {  	[tilespmem:v5+s19+$0x0] =	vst.idx.msk $0xffff, v44  }
0x213: {  	[hbm4b:s9+s3] =	stream.linear.scatter [tilespmem:s19], [sflag:$0x1], $0x1000, $0x38;
	[tilespmem:$0xC400] =	vst v63  }
0x214: {  	_ =	swait.ge [sflag:s15], $0x1000  }
0x215: {  	v30 =	vld [tilespmem:$0x1FD60]  }
0x216: {  	v29 =	vld [tilespmem:$0x1FD70]  }
0x217: {  	v34 =	vld [tilespmem:$0x1FD80]  }
0x218: {  	v36 =	vld [tilespmem:$0x1FD90]  }
0x219: {  	v37 =	vld [tilespmem:$0x1FDA0]  }
0x21a: {  	v32 =	vld [tilespmem:$0x1FDB0]  }
0x21b: {  	v38 =	vld [tilespmem:$0x1FDE0]  }
0x21c: {  	v3 =	vld [tilespmem:$0x1FE00]  }
0x21d: {  	v4 =	vld [tilespmem:$0x1FE10]  }
0x21e: {  	v7 =	vld [tilespmem:$0x1FE40]  }
0x21f: {  	v8 =	vld [tilespmem:$0x1FE50]  }
.Ltmp10:
0x220: {  	v9 =	vld [tilespmem:$0x1FE60];
	(pc) =	sbr.rel .LBB2_13-.Ltmp10, $4  }
0x221: {  	v47 =	vld [tilespmem:$0x1FE70]  }
0x222: {  	v27 =	vld [tilespmem:$0x1FF70]  }
0x223: {  	[sflag:s15] =	ssyncset.done $0x0;
	v44 =	vld [tilespmem:$0x1FFD0]  }
0x224: {  	v33 =	vld [tilespmem:$0x1FFE0];
	[sflag:s15] =	ssyncadd.s32 $0xFFFFF000  }
.LBB2_14:
0x225: {  	_ =	sfence.sel $0x180000  }
0x226: {  	[bflag:$0x0] =	sbarrier.arrive $0xFFFF  }
0x227: {  	p0 =	sne.s32 s4, $0x0;
	_ =	strace $0x90000047  }
0x228: {  	s0 =	sadd.s32 @!p0 $0x100000, s2;
	[bflag:$0x2] =	sbarrier.arrive $0xFFFF  }
0x229: {  	[sflag:s0] =	ssyncadd.tile.s32 @!p0 $0x1;
	_ =	shalt  }
.Lfunc_end2:
_tile_overlayer_lowered:
.L_overlay_start_2:
0x22a: {  	(tag) =	ssettag $0x2  }
0x22b: {  	s0 =	rddreg [dreg:$0x0];
	s2 =	stileid.u32  }
0x22c: {  	s1 =	rddreg [dreg:$0x1];
	p0 =	sne.s32 s2, $0x0  }
0x22d: {  	s3 =	rddreg [dreg:$0x2];
	[bflag:$0x3] =	sbarrier.arrive $0xFFFF;
	s2 =	simm.s32 @!p0 $0x1C01  }
0x22e: {  	[timem:s3], [sflag:s2] =	dma.local @!p0 [hbm:s0], s1  }
0x22f: {  	s0 =	simm.s32 @!p0 $0x1  }
0x230: {  	_ =	swait.ge @!p0 [sflag:s0], s1  }
0x231: {  	s1 =	ssub.s32 @!p0 $0x0, s1;
	[sflag:s0] =	ssyncset.done @!p0 $0x0  }
0x232: {  	[sflag:s0] =	ssyncadd.s32 @!p0 s1  }
0x233: {  	[bflag:$0x3] =	sbarrier.arrive $0xFFFF  }
0x234: {  	_ =	shalt  }

// kernel: _run.7.cloned.1.call-start
scs
__scs_entry_jumppad:
0x0: {  	(pc) =	sbr.rel $0x88, $3  }
0x1: {  	(tag) =	ssettag $0x0;
	lr =	simm.s32 $0x1  }
0x2: {  	[smem:$0x3F9E] =	sst lr;
	_ =	strace $0xD0000000  }
0x3: {  	_ = 	snop  }
0x4: {  	_ = 	snop  }
0x5: {  	_ = 	snop  }
0x6: {  	_ = 	snop  }
0x7: {  	_ = 	snop  }
__scs_overlays_trampoline_lowered:
0x8: {  	[smem:$0x3FAD] =	sst s0  }
0x9: {  	[smem:$0x3FAE] =	sst s1  }
0xa: {  	[smem:$0x3FAF] =	sst s2  }
0xb: {  	[smem:$0x3FB0] =	sst s3  }
0xc: {  	[smem:$0x3FB1] =	sst s4  }
0xd: {  	[smem:$0x3FB2] =	sst s5  }
0xe: {  	[smem:$0x3FB3] =	sst s6  }
0xf: {  	[smem:$0x3FB4] =	sst s7  }
0x10: {  	[smem:$0x3FB5] =	sst s8  }
0x11: {  	[smem:$0x3FB6] =	sst s9;
	s0 =	simm.s32 @!p0 $0x0  }
0x12: {  	s1 =	sld [smem:$0x3F9C];
	s0 =	simm.s32 @p0 $0x1  }
0x13: {  	[smem:$0x3FB7] =	sst s0;
	s0 =	simm.s32 @!p1 $0x0  }
0x14: {  	s2 =	sld [smem:$0x3F9B];
	s0 =	simm.s32 @p1 $0x1  }
0x15: {  	[smem:$0x3FB8] =	sst s0;
	s0 =	simm.s32 @!p2 $0x0  }
0x16: {  	s3 =	sld [smem:$0x3FDB];
	s0 =	simm.s32 @p2 $0x1  }
0x17: {  	s4 =	simm.s32 $0x1BF5;
	[smem:$0x3FBA] =	sst s0  }
0x18: {  	s0 =	sld [smem:$0x3F9D];
	_ =	swait.ge [sflag:s4], $0x0  }
0x19: {  	s7 =	sld [smem:$0x3F9E]  }
0x1a: {  	s8 =	sadd.s32 $0xFFFFE003, lr  }
0x1b: {  	s9 =	sadd.s32 $0xFFFFFEF7, lr;
	s5 =	simm.s32 $0xFFFFFFFF;
	p2 =	slt.u32 s8, $0xFFFFF086  }
0x1c: {  	p1 =	slt.u32 s9, $0xF7A;
	s5 =	simm.s32 @!p2 $0x0  }
0x1d: {  	s5 =	simm.s32 @p1 $0x1;
	p0 =	seq.s32 s7, s2  }
0x1e: {  	s7 =	smul.u32 @!p0 $0xF7A, s2;
	p2 =	seq.s32 @!p0 s5, $0x0  }
0x1f: {  	s9 =	smul.u32 $0xF7A, s1;
	s8 =	simm.s32 @!p0 $0x1BF5;
	p2 =	por !p2, p0  }
0x20: {  	[sflag:s8] =	ssyncset.s32 @!p0 $0xFFFFF086;
	s6 =	sadd.s32 @!p0 s3, s7;
	s7 =	simm.s32 @!p0 $0x108  }
0x21: {  	s3 =	sadd.s32 s3, s9;
	s6 =	sadd.s32 @!p0 $0x88, s6;
	s7 =	simm.s32 @p2 $0x1082  }
0x22: {  	[simem:s7], [sflag:s8] =	dma.local @!p0 [hbm:s6], $0xF7A  }
0x23: {  	s9 =	sor.u32 $0xD0000000, s2;
	s6 =	simm.s32 $0x108;
	_ =	swait.ge @!p0 [sflag:s8], $0x0  }
0x24: {  	s3 =	sadd.s32 $0x88, s3;
	s6 =	simm.s32 @!p1 $0x1082;
	[sflag:s4] =	ssyncset.s32 $0xFFFFF086  }
0x25: {  	[simem:s6], [sflag:s4] =	dma.local [hbm:s3], $0xF7A  }
0x26: {  	[smem:$0x3F9E] =	sst s1;
	(tag) =	ssettag s2;
	_ =	strace s9  }
0x27: {  	s1 =	sld [smem:$0x3FAE]  }
0x28: {  	s2 =	sld [smem:$0x3FAF]  }
0x29: {  	s4 =	sld [smem:$0x3FB1]  }
0x2a: {  	p0 =	seq.s32 s5, $0x0;
	s5 =	sld [smem:$0x3FB2]  }
0x2b: {  	s6 =	sld [smem:$0x3FB3]  }
0x2c: {  	s7 =	sld [smem:$0x3FB4]  }
0x2d: {  	s3 =	simm.s32 $0x108;
	s8 =	sld [smem:$0x3FB5]  }
0x2e: {  	s3 =	simm.s32 @!p0 $0x1082;
	s9 =	sld [smem:$0x3FB6]  }
0x2f: {  	lr =	sadd.s32 s0, s3;
	s0 =	sld [smem:$0x3FAD]  }
0x30: {  	s3 =	sld [smem:$0x3FB0]  }
0x31: {  	[smem:$0x3FB9] =	sst s10  }
0x32: {  	s10 =	sld [smem:$0x3FB7];
	_ =	sdelay $0x3  }
0x33: {  	p0 =	seq.s32 s10, $0x1;
	s10 =	sld [smem:$0x3FB9];
	_ =	sdelay $0x3  }
0x34: {  	[smem:$0x3FB9] =	sst s10  }
0x35: {  	s10 =	sld [smem:$0x3FB8];
	_ =	sdelay $0x3  }
0x36: {  	p1 =	seq.s32 s10, $0x1;
	s10 =	sld [smem:$0x3FB9];
	_ =	sdelay $0x3  }
0x37: {  	[smem:$0x3FB9] =	sst s10  }
0x38: {  	s10 =	sld [smem:$0x3FBA]  }
0x39: {  	_ = 	snop;
	(pc) =	sbr.ind lr, $3  }
0x3a: {  	_ = 	snop  }
0x3b: {  	_ = 	snop  }
0x3c: {  	p2 =	seq.s32 s10, $0x1;
	s10 =	sld [smem:$0x3FB9]  }
0x3d: {  	_ =	shalt  }
0x3e: {  	_ =	shalt  }
0x3f: {  	_ =	shalt  }
0x40: {  	_ =	shalt  }
0x41: {  	_ =	shalt  }
0x42: {  	_ =	shalt  }
0x43: {  	_ =	shalt  }
0x44: {  	_ =	shalt  }
0x45: {  	_ =	shalt  }
0x46: {  	_ =	shalt  }
0x47: {  	_ =	shalt  }
0x48: {  	_ =	shalt  }
0x49: {  	_ =	shalt  }
0x4a: {  	_ =	shalt  }
0x4b: {  	_ =	shalt  }
0x4c: {  	_ =	shalt  }
0x4d: {  	_ =	shalt  }
0x4e: {  	_ =	shalt  }
0x4f: {  	_ =	shalt  }
0x50: {  	_ =	shalt  }
0x51: {  	_ =	shalt  }
0x52: {  	_ =	shalt  }
0x53: {  	_ =	shalt  }
0x54: {  	_ =	shalt  }
0x55: {  	_ =	shalt  }
0x56: {  	_ =	shalt  }
0x57: {  	_ =	shalt  }
0x58: {  	_ =	shalt  }
0x59: {  	_ =	shalt  }
0x5a: {  	_ =	shalt  }
0x5b: {  	_ =	shalt  }
0x5c: {  	_ =	shalt  }
0x5d: {  	_ =	shalt  }
0x5e: {  	_ =	shalt  }
0x5f: {  	_ =	shalt  }
0x60: {  	_ =	shalt  }
0x61: {  	_ =	shalt  }
0x62: {  	_ =	shalt  }
0x63: {  	_ =	shalt  }
0x64: {  	_ =	shalt  }
0x65: {  	_ =	shalt  }
0x66: {  	_ =	shalt  }
0x67: {  	_ =	shalt  }
0x68: {  	_ =	shalt  }
0x69: {  	_ =	shalt  }
0x6a: {  	_ =	shalt  }
0x6b: {  	_ =	shalt  }
0x6c: {  	_ =	shalt  }
0x6d: {  	_ =	shalt  }
0x6e: {  	_ =	shalt  }
0x6f: {  	_ =	shalt  }
0x70: {  	_ =	shalt  }
0x71: {  	_ =	shalt  }
0x72: {  	_ =	shalt  }
0x73: {  	_ =	shalt  }
0x74: {  	_ =	shalt  }
0x75: {  	_ =	shalt  }
0x76: {  	_ =	shalt  }
0x77: {  	_ =	shalt  }
0x78: {  	_ =	shalt  }
0x79: {  	_ =	shalt  }
0x7a: {  	_ =	shalt  }
0x7b: {  	_ =	shalt  }
0x7c: {  	_ =	shalt  }
0x7d: {  	_ =	shalt  }
0x7e: {  	_ =	shalt  }
0x7f: {  	_ =	shalt  }
0x80: {  	_ =	shalt  }
0x81: {  	_ =	shalt  }
0x82: {  	_ =	shalt  }
0x83: {  	_ =	shalt  }
0x84: {  	_ =	shalt  }
0x85: {  	_ =	shalt  }
0x86: {  	_ =	shalt  }
0x87: {  	_ =	shalt  }
.Lfunc_end0:
.L_simem_size_0:
called_computation.1_lowered:
.L_overlay_start_0:
0x88: {  	s2 =	sld [smem:$0x3FD9]  }
0x89: {  	s3 =	sld [smem:$0x3FFE];
	_ =	sdelay $0x1  }
0x8a: {  	s1 =	srdreg.scid  }
0x8b: {  	s0 =	sand.u32 $0x1, s1  }
0x8c: {  	s17 =	sshll.u32 s0, $0xA;
	s2 =	sadd.s32 s3, s2  }
0x8d: {  	s2 =	sadd.s32 s2, s17  }
0x8e: {  	[smem:$0x3FC5] =	sst s2  }
0x8f: {  	_ = 	snop  }
0x90: {  	s2 =	sld [smem:$0x3FC9]  }
0x91: {  	s18 =	sld [smem:$0x3FD0];
	(tm) =	ssettm $0x1  }
0x92: {  	s4 =	sld [smem:$0x3FFB];
	_ =	sdelay $0x3  }
0x93: {  	_ =	strace s4  }
0x94: {  	s4 =	sld [smem:$0x3FFC];
	_ =	sdelay $0x3  }
0x95: {  	_ =	strace s4  }
0x96: {  	s4 =	sld [smem:$0x3FFD];
	_ =	sdelay $0x3  }
0x97: {  	_ =	strace s4  }
0x98: {  	_ =	strace $0x8FFFFFFF  }
0x99: {  	s19 =	sld [smem:$0x3FDB];
	_ =	sdelay $0x1  }
0x9a: {  	s5 =	simm.s32 $_scs_section_size  }
0x9b: {  	s6 =	simm.s32 $_size__tile_overlayer_lowered;
	s7 =	simm.s32 $_tile_overlayer_lowered  }
0x9c: {  	s22 =	simm.s32 $0x1BFF;
	s21 =	sshll.u32 s7, $0x1;
	s4 =	sadd.s32 s5, s19  }
0x9d: {  	s8 =	simm.s32 $0x0;
	s20 =	sshll.u32 s6, $0x1;
	s6 =	sadd.s32 s21, s4  }
0x9e: {  	[timem:s8], [sflag:s22] =	dma.local [hbm:s6], s20  }
0x9f: {  	_ =	swait.ge [sflag:s22], s20  }
0xa0: {  	s5 =	ssub.s32 $0x0, s20;
	[sflag:s22] =	ssyncset.done $0x0  }
0xa1: {  	[sflag:s22] =	ssyncadd.s32 s5;
	_ =	sdelay $0x1  }
0xa2: {  	s23 =	simm.s32 $0x1B8B  }
0xa3: {  	_ =	swait.ge [sflag:s23], $0x1  }
0xa4: {  	[sflag:s23] =	ssyncset.done $0x0  }
0xa5: {  	s25 =	simm.s32 $0x1B8E;
	s24 =	sld [smem:$0x3FFE];
	[sflag:s23] =	ssyncadd.s32 $0xFFFFFFFF  }
0xa6: {  	s26 =	simm.s32 $execute0_lowered;
	[smem:$0x3FD2] =	sst s25  }
0xa7: {  	s6 =	sshll.u32 s26, $0x1;
	_ =	strace $0x80000049;
	[dreg:$0x1] =	wrdreg $0xFFFFFFFF  }
0xa8: {  	s28 =	simm.s32 $_size_execute0_lowered;
	s4 =	sadd.s32 s4, s6;
	[dreg:$0x0] =	wrdreg $0x0  }
0xa9: {  	s6 =	sshll.u32 s28, $0x1;
	[dreg:$0x2] =	wrdreg s4  }
0xaa: {  	[dreg:$0x3] =	wrdreg s6  }
0xab: {  	[dreg:$0x4] =	wrdreg $0xC0  }
0xac: {  	_ =	task [dreg:s8], $0x5FFFF  }
0xad: {  	[dreg:$0x1] =	wrdreg $0xFFFFFFFF  }
0xae: {  	[dreg:$0x0] =	wrdreg $0x60  }
0xaf: {  	[dreg:$0x2] =	wrdreg s2  }
0xb0: {  	[dreg:$0x3] =	wrdreg s24  }
0xb1: {  	[dreg:$0x4] =	wrdreg s18  }
0xb2: {  	[dreg:$0x5] =	wrdreg $0x9  }
0xb3: {  	_ =	task.clear_ibuf [dreg:s8], $0x6FFFF;
	_ =	strace $0x90000049  }
0xb4: {  	s29 =	simm.s32 $0x9;
	_ =	strace $0x8000004B  }
0xb5: {  	_ =	swait.ge [sflag:s29], $0x1  }
0xb6: {  	[sflag:s29] =	ssyncadd.s32 $0xFFFFFFFF  }
0xb7: {  	_ =	strace $0x9000004B  }
0xb8: {  	_ =	sfence  }
0xb9: {  	s30 =	sld [smem:$0x0];
	_ =	sdelay $0x2  }
0xba: {  	s31 =	sshll.u32 s1, $0xD;
	s1 =	sshrl.u32 s1, $0x2  }
0xbb: {  	s3 =	sand.u32 $0x4000, s31;
	s1 =	sadd.s32 s1, s30  }
0xbc: {  	s0 =	sor.u32 s3, s0;
	s1 =	sshll.u32 s1, $0x11  }
0xbd: {  	s0 =	sor.u32 s1, s0  }
0xbe: {  	s0 =	sadd.s32 $0x8F2B, s0  }
0xbf: {  	[sflag:s0] =	ssyncadd.remote.s32 $0x1  }
0xc0: {  	_ =	sfence.sel $0xFFFF  }
0xc1: {  	[dreg:$0x0] =	wrdreg $0xFFFFFFFF;
	(pc) =	sbr.abs _section_cstart, $3  }
0xc2: {  	[dreg:$0x1] =	wrdreg $0xFFFFFFFF  }
0xc3: {  	_ =	task.clear_ibuf [dreg:s8], $0x2FFFF;
	_ =	strace $0x9FFFFFFF  }
0xc4: {  	(tm) =	ssettm $0x7FFFFFFF  }
0xc5: {  	_ =	shalt  }
tec
execute0_lowered:
.L_overlay_start_1:
0x0: {  	(tag) =	ssettag $0x1  }
0x1: {  	s4 =	rddreg [dreg:$0x0]  }
0x2: {  	s3 =	rddreg [dreg:$0x1]  }
0x3: {  	v0 =	vlaneseq.u32;
	s5 =	rddreg [dreg:$0x2];
	s2 =	simm.s32 $0x0  }
0x4: {  	[smem:$0x7FF] =	sst s2;
	v26 =	vor.u32 $0x400, v0  }
0x5: {  	s0 =	rddreg [dreg:$0x3];
	v24 =	vor.u32 $0x410, v0;
	_ =	strace $0x8000004A;
	[tilespmem:$0x1FF20] =	vst v26  }
0x6: {  	v15 =	vor.u32 $0x420, v0;
	[tilespmem:$0x1FF30] =	vst v24  }
0x7: {  	v16 =	vor.u32 $0x430, v0;
	[tilespmem:$0x1FF40] =	vst v15  }
0x8: {  	v13 =	vor.u32 $0x440, v0;
	[tilespmem:$0x1FF50] =	vst v16  }
0x9: {  	v29 =	vor.u32 $0x450, v0;
	[tilespmem:$0x1FF60] =	vst v13  }
0xa: {  	v30 =	vor.u32 $0x460, v0;
	[tilespmem:$0x1FF70] =	vst v29  }
0xb: {  	v31 =	vor.u32 $0x470, v0;
	[tilespmem:$0x1FF80] =	vst v30  }
0xc: {  	v2 =	vor.u32 $0x800, v0;
	[tilespmem:$0x1FF90] =	vst v31  }
0xd: {  	v3 =	vor.u32 $0x850, v0;
	[tilespmem:$0x1FFA0] =	vst v2  }
0xe: {  	v62 =	vor.u32 $0x60, v0;
	[tilespmem:$0x1FFB0] =	vst v3  }
0xf: {  	v28 =	vor.u32 $0x50, v0;
	[tilespmem:$0x1FFD0] =	vst v62  }
0x10: {  	v63 =	vmul.u32 $0x80, v0;
	v12 =	vor.u32 $0x40, v0;
	[tilespmem:$0x1FFE0] =	vst v28  }
0x11: {  	[tilespmem:$0x1FFF0] =	vst v12  }
0x12: {  	v1 =	vor.u32 $0x3000, v63;
	[tilespmem:$0x1FEC0] =	vst v63  }
0x13: {  	v33 =	vor.u32 $0x800, v63;
	[tilespmem:$0x1FE30] =	vst v1  }
0x14: {  	v61 =	vor.u32 $0x1000, v63;
	[tilespmem:$0x1FED0] =	vst v33  }
0x15: {  	v14 =	vor.u32 $0x1800, v63;
	[tilespmem:$0x1FEE0] =	vst v61  }
0x16: {  	v19 =	vor.u32 $0x2000, v63;
	[tilespmem:$0x1FEF0] =	vst v14  }
0x17: {  	s6 =	srdreg.scid;
	s1 =	stileid.u32;
	v18 =	vor.u32 $0x2800, v63;
	[tilespmem:$0x1FF00] =	vst v19  }
0x18: {  	s10 =	simm.s32 $0x400;
	s11 =	simm.s32 $0x280;
	s12 =	simm.s32 $0x4400;
	v1 =	vor.u32 $0x3800, v63;
	[tilespmem:$0x1FF10] =	vst v18  }
0x19: {  	s13 =	simm.s32 $0x300;
	s14 =	simm.s32 $0x8400;
	s15 =	simm.s32 $0x380;
	[tilespmem:$0x1FE40] =	vst v1;
	v1 =	vor.u32 $0x810, v0  }
0x1a: {  	s16 =	simm.s32 $0xC400;
	s17 =	simm.s32 $0x1;
	s18 =	simm.s32 $0x10400;
	v27 =	vor.u32 $0x10, v0;
	[tilespmem:$0x1FE50] =	vst v1;
	v1 =	vor.u32 $0x820, v0  }
0x1b: {  	s19 =	simm.s32 $0x2;
	s20 =	simm.s32 $0x3;
	s21 =	simm.s32 $0x4;
	v10 =	vor.u32 $0x20, v0;
	v11 =	vor.u32 $0x30, v0;
	[tilespmem:$0x1FE60] =	vst v1;
	v1 =	vor.u32 $0x830, v0  }
0x1c: {  	s22 =	simm.s32 $0x1000;
	s23 =	simm.s32 $0x20000;
	s6 =	sand.u32 $0x1, s6;
	v9 =	vor.u32 $0x70, v0;
	[tilespmem:$0x1FE70] =	vst v1;
	v1 =	vor.u32 $0x840, v0;
	v0 =	vor.u32 $0x860, v0  }
0x1d: {  	s8 =	sshll.u32 s1, $0xA;
	s7 =	ssub.s32 $0x2, s6;
	s6 =	sshll.u32 s6, $0x9;
	[tilespmem:$0x1FE90] =	vst v0;
	v0 =	vlaneseq.u32  }
0x1e: {  	s24 =	simm.s32 $0x0;
	s9 =	sshrl.u32 s7, $0x1;
	s6 =	sor.u32 s6, s8;
	[tilespmem:$0x1FE80] =	vst v1;
	v1 =	vor.u32 $0x870, v0  }
0x1f: {  	s3 =	sadd.s32 $0x800, s3;
	s7 =	ssub.s32 s7, s9;
	s8 =	sshrl.u32 s6, $0x3;
	v32 =	vor.u32 $0xC00, v0;
	[tilespmem:$0x1FEA0] =	vst v1  }
0x20: {  	s5 =	sadd.s32 s5, s6;
	s9 =	simm.s32 $0x200;
	s4 =	sadd.s32 s4, s8;
	v1 =	vor.u32 $0xC10, v0;
	[tilespmem:$0x1FFC0] =	vst v32  }
0x21: {  	s6 =	smax.u32 s7, $0x1;
	s7 =	simm.s32 $0x5;
	s8 =	simm.s32 $0x80;
	[tilespmem:$0x1FEB0] =	vst v1  }
.LBB2_1:
0x22: {  	[tilespmem:s2], [sflag:$0x5] =	stream.linear.gather [hbm4b:s4+s2], $0x200, $0x38;
	[tilespmem:$0x14400] =	vst v63  }
0x23: {  	_ =	swait.ge [sflag:s7], $0x200  }
0x24: {  	[sflag:s7] =	ssyncset.done $0x0  }
0x25: {  	[sflag:s7] =	ssyncadd.s32 $0xFFFFFE00  }
0x26: {  	v1 =	vld [tilespmem:$0x0]  }
0x27: {  	v2 =	vld [tilespmem:$0x10]  }
0x28: {  	v3 =	vld [tilespmem:$0x20]  }
0x29: {  	v4 =	vld [tilespmem:$0x30]  }
0x2a: {  	v5 =	vld [tilespmem:$0x40]  }
0x2b: {  	v6 =	vld [tilespmem:$0x50];
	v1 =	vshrl.u32 v1, $0x2  }
0x2c: {  	[tilespmem:$0x200] =	vst v1;
	v1 =	vshrl.u32 v2, $0x2;
	v2 =	vld [tilespmem:$0x60]  }
0x2d: {  	[tilespmem:$0x210] =	vst v1;
	v1 =	vshrl.u32 v3, $0x2;
	v3 =	vld [tilespmem:$0x70]  }
0x2e: {  	[tilespmem:$0x220] =	vst v1;
	v1 =	vshrl.u32 v4, $0x2;
	v4 =	vld [tilespmem:$0x80]  }
0x2f: {  	[tilespmem:$0x230] =	vst v1;
	v1 =	vshrl.u32 v5, $0x2;
	v5 =	vld [tilespmem:$0x90]  }
0x30: {  	[tilespmem:$0x240] =	vst v1;
	v1 =	vshrl.u32 v6, $0x2;
	v6 =	vld [tilespmem:$0xA0]  }
0x31: {  	[tilespmem:$0x250] =	vst v1;
	v1 =	vshrl.u32 v2, $0x2;
	v2 =	vld [tilespmem:$0xB0]  }
0x32: {  	[tilespmem:$0x260] =	vst v1;
	v1 =	vshrl.u32 v3, $0x2;
	v3 =	vld [tilespmem:$0xC0]  }
0x33: {  	[tilespmem:$0x270] =	vst v1;
	v1 =	vshrl.u32 v4, $0x2;
	v4 =	vld [tilespmem:$0xD0]  }
0x34: {  	[tilespmem:$0x280] =	vst v1;
	v1 =	vshrl.u32 v5, $0x2;
	v5 =	vld [tilespmem:$0xE0]  }
0x35: {  	[tilespmem:$0x290] =	vst v1;
	v1 =	vshrl.u32 v6, $0x2;
	v6 =	vld [tilespmem:$0xF0]  }
0x36: {  	[tilespmem:$0x2A0] =	vst v1;
	v1 =	vshrl.u32 v2, $0x2;
	v2 =	vld [tilespmem:$0x100]  }
0x37: {  	[tilespmem:$0x2B0] =	vst v1;
	v1 =	vshrl.u32 v3, $0x2;
	v3 =	vld [tilespmem:$0x110]  }
0x38: {  	[tilespmem:$0x2C0] =	vst v1;
	v1 =	vshrl.u32 v4, $0x2;
	v4 =	vld [tilespmem:$0x120]  }
0x39: {  	[tilespmem:$0x2D0] =	vst v1;
	v1 =	vshrl.u32 v5, $0x2;
	v5 =	vld [tilespmem:$0x130]  }
0x3a: {  	[tilespmem:$0x2E0] =	vst v1;
	v1 =	vshrl.u32 v6, $0x2;
	v6 =	vld [tilespmem:$0x140]  }
0x3b: {  	[tilespmem:$0x2F0] =	vst v1;
	v1 =	vshrl.u32 v2, $0x2;
	v2 =	vld [tilespmem:$0x150]  }
0x3c: {  	[tilespmem:$0x300] =	vst v1;
	v1 =	vshrl.u32 v3, $0x2;
	v3 =	vld [tilespmem:$0x160]  }
0x3d: {  	[tilespmem:$0x310] =	vst v1;
	v1 =	vshrl.u32 v4, $0x2;
	v4 =	vld [tilespmem:$0x170]  }
0x3e: {  	[tilespmem:$0x320] =	vst v1;
	v1 =	vshrl.u32 v5, $0x2;
	v5 =	vld [tilespmem:$0x180]  }
0x3f: {  	[tilespmem:$0x330] =	vst v1;
	v1 =	vshrl.u32 v6, $0x2;
	v6 =	vld [tilespmem:$0x190]  }
0x40: {  	[tilespmem:$0x340] =	vst v1;
	v1 =	vshrl.u32 v2, $0x2;
	v2 =	vld [tilespmem:$0x1A0]  }
0x41: {  	[tilespmem:$0x350] =	vst v1;
	v1 =	vshrl.u32 v3, $0x2;
	v3 =	vld [tilespmem:$0x1B0]  }
0x42: {  	[tilespmem:$0x360] =	vst v1;
	v1 =	vshrl.u32 v4, $0x2;
	v4 =	vld [tilespmem:$0x1C0]  }
0x43: {  	[tilespmem:$0x370] =	vst v1;
	v1 =	vshrl.u32 v5, $0x2;
	v5 =	vld [tilespmem:$0x1D0]  }
0x44: {  	[tilespmem:$0x380] =	vst v1;
	v1 =	vshrl.u32 v6, $0x2;
	v6 =	vld [tilespmem:$0x1E0]  }
0x45: {  	[tilespmem:$0x390] =	vst v1;
	v1 =	vshrl.u32 v2, $0x2;
	v2 =	vld [tilespmem:$0x1F0]  }
0x46: {  	[tilespmem:$0x3A0] =	vst v1;
	v1 =	vshrl.u32 v3, $0x2  }
0x47: {  	[tilespmem:$0x3B0] =	vst v1;
	v1 =	vshrl.u32 v4, $0x2  }
0x48: {  	[tilespmem:$0x3C0] =	vst v1;
	v1 =	vshrl.u32 v5, $0x2  }
0x49: {  	[tilespmem:$0x3D0] =	vst v1;
	v1 =	vshrl.u32 v6, $0x2  }
0x4a: {  	[tilespmem:$0x3E0] =	vst v1;
	v1 =	vshrl.u32 v2, $0x2  }
0x4b: {  	[tilespmem:$0x3F0] =	vst v1  }
0x4c: {  	[tilespmem:s10], [sflag:$0x1] =	stream.indirect.gather [hbm4b:s3+s8], $0x80, s9, s8, $0xb8;
	[tilespmem:$0x14400] =	vst v63  }
0x4d: {  	_ = 	snop  }
0x4e: {  	[tilespmem:s12], [sflag:$0x2] =	stream.indirect.gather [hbm4b:s3+s8], $0x80, s11, s8, $0xb8;
	[tilespmem:$0x14400] =	vst v63  }
0x4f: {  	_ = 	snop  }
0x50: {  	[tilespmem:s14], [sflag:$0x3] =	stream.indirect.gather [hbm4b:s3+s8], $0x80, s13, s8, $0xb8;
	[tilespmem:$0x14400] =	vst v63  }
0x51: {  	_ = 	snop  }
0x52: {  	[tilespmem:s16], [sflag:$0x4] =	stream.indirect.gather [hbm4b:s3+s8], $0x80, s15, s8, $0xb8;
	[tilespmem:$0x14400] =	vst v63  }
0x53: {  	_ =	swait.ge [sflag:s17], $0x4000  }
0x54: {  	[sflag:s17] =	ssyncset.done $0x0  }
0x55: {  	[sflag:s17] =	ssyncadd.s32 $0xFFFFC000  }
0x56: {  	v1 =	vld [tilespmem:$0x0]  }
0x57: {  	v2 =	vld [tilespmem:$0x10]  }
0x58: {  	v3 =	vld [tilespmem:$0x20]  }
0x59: {  	v4 =	vld [tilespmem:$0x30]  }
0x5a: {  	v5 =	vld [tilespmem:$0x40]  }
0x5b: {  	v6 =	vld [tilespmem:$0x50]  }
0x5c: {  	v7 =	vld [tilespmem:$0x60]  }
0x5d: {  	s25 =	simm.s32 $0x1;
	v8 =	vld [tilespmem:$0x70]  }
0x5e: {  	v17 =	vadd.s32 s25, v0  }
0x5f: {  	v1 =	vshll.u32 v1, $0x5;
	v2 =	vshll.u32 v2, $0x5;
	v5 =	vshll.u32 v5, $0x5  }
0x60: {  	v3 =	vshll.u32 v3, $0x5;
	v4 =	vshll.u32 v4, $0x5;
	v5 =	vand.u32 $0x60, v5  }
0x61: {  	v6 =	vshll.u32 v6, $0x5;
	v7 =	vshll.u32 v7, $0x5;
	v37 =	vor.u32 v19, v5;
	v5 =	vld [tilespmem:$0x1FE30]  }
0x62: {  	v8 =	vshll.u32 v8, $0x5;
	v1 =	vand.u32 $0x60, v1;
	v2 =	vand.u32 $0x60, v2  }
0x63: {  	v3 =	vand.u32 $0x60, v3;
	v4 =	vand.u32 $0x60, v4;
	v6 =	vand.u32 $0x60, v6  }
0x64: {  	s31 =	sand.u32 $0x10, s2;
	v7 =	vand.u32 $0x60, v7;
	v40 =	vor.u32 v63, v1;
	v1 =	vand.u32 $0xF, v17  }
0x65: {  	v8 =	vand.u32 $0x60, v8;
	v41 =	vor.u32 v33, v2;
	v1 =	vor.u32 s31, v1  }
0x66: {  	v39 =	vor.u32 v61, v3;
	v2 =	vor.u32 v1, v41;
	v34 =	vor.u32 v5, v7;
	v7 =	vld [tilespmem:$0x1FE40]  }
0x67: {  	v38 =	vor.u32 v14, v4;
	v35 =	vor.u32 v18, v6;
	v4 =	vor.u32 v1, v39  }
0x68: {  	v3 =	vadd.s32 s2, v0;
	v17 =	vshll.u32 v17, $0x7;
	v6 =	vor.u32 v1, v40  }
0x69: {  	v17 =	vand.u32 $0x380, v17;
	v19 =	vor.u32 v1, v38;
	v20 =	vshll.u32 v1, $0x9  }
0x6a: {  	v22 =	vor.u32 v1, v35;
	v20 =	vand.u32 $0x3000, v20;
	v5 =	vand.u32 $0xF, v3  }
0x6b: {  	v21 =	vld.idx.msk [tilespmem:v2+s10+$0x0], $0xffff;
	v36 =	vor.u32 v7, v8;
	v8 =	vor.u32 s31, v5;
	v5 =	vor.u32 v1, v37  }
0x6c: {  	v52 =	vor.u32 v17, v20;
	v3 =	vshll.u32 v3, $0x7;
	v23 =	vld.idx.msk [tilespmem:v4+s10+$0x0], $0xffff;
	v2 =	vor.u32 v1, v36  }
0x6d: {  	v17 =	vor.u32 v0, v52;
	v4 =	vld.idx.msk [tilespmem:v6+s10+$0x0], $0xffff;
	v7 =	vshll.u32 v8, $0x9;
	v1 =	vor.u32 v1, v34  }
0x6e: {  	v3 =	vand.u32 $0x380, v3;
	v47 =	vld.idx.msk [tilespmem:v19+s10+$0x0], $0xffff;
	v18 =	vor.u32 v8, v40;
	v6 =	vand.u32 $0x3000, v7  }
0x6f: {  	v25 =	vor.u32 v8, v41;
	v7 =	vld.idx.msk [tilespmem:v22+s10+$0x0], $0xffff;
	v51 =	vor.u32 v3, v6;
	v3 =	vor.u32 v27, v52  }
0x70: {  	v50 =	vor.u32 v10, v52;
	v55 =	vor.u32 v11, v52;
	v54 =	vor.u32 v8, v39;
	v20 =	vld.idx.msk [tilespmem:v5+s10+$0x0], $0xffff  }
0x71: {  	v60 =	vor.u32 v12, v52;
	v56 =	vor.u32 v8, v38;
	v57 =	vor.u32 v8, v37;
	v42 =	vld.idx.msk [tilespmem:v2+s10+$0x0], $0xffff  }
0x72: {  	v19 =	vor.u32 v8, v35;
	v53 =	vor.u32 v8, v36;
	v48 =	vor.u32 v27, v51;
	v43 =	vld.idx.msk [tilespmem:v1+s10+$0x0], $0xffff  }
0x73: {  	v49 =	vor.u32 v10, v51;
	v45 =	vor.u32 v11, v51;
	v5 =	vld.idx.msk [tilespmem:v18+s10+$0x0], $0xffff;
	[tilespmem:v17+s18+$0x0] =	vst.idx.msk $0xffff, v4  }
0x74: {  	v46 =	vor.u32 v12, v51;
	v44 =	vor.u32 v28, v51;
	v6 =	vld.idx.msk [tilespmem:v25+s10+$0x0], $0xffff;
	[tilespmem:v3+s18+$0x0] =	vst.idx.msk $0xffff, v21  }
0x75: {  	s28 =	simm.s32 $0x2;
	s29 =	simm.s32 $0x3;
	v2 =	vor.u32 v0, v51;
	v4 =	vld.idx.msk [tilespmem:v54+s10+$0x0], $0xffff;
	v54 =	vor.u32 v28, v52;
	[tilespmem:v50+s18+$0x0] =	vst.idx.msk $0xffff, v23  }
0x76: {  	v17 =	vor.u32 v8, v34;
	v8 =	vadd.s32 s28, v0;
	v18 =	vadd.s32 s29, v0;
	v1 =	vld.idx.msk [tilespmem:v57+s10+$0x0], $0xffff;
	[tilespmem:v55+s18+$0x0] =	vst.idx.msk $0xffff, v47  }
0x77: {  	s26 =	simm.s32 $0x4;
	s25 =	sand.u32 $0x10, s28;
	v3 =	vld.idx.msk [tilespmem:v56+s10+$0x0], $0xffff;
	v50 =	vor.u32 v9, v51;
	v47 =	vor.u32 v9, v52;
	[tilespmem:v60+s18+$0x0] =	vst.idx.msk $0xffff, v20  }
.LBB2_2:
0x78: {  	s29 =	sand.u32 $0x10, s26  }
0x79: {  	p0 =	slt.u32 s26, $0x1E;
	v20 =	vand.u32 $0xF, v8;
	v21 =	vand.u32 $0xF, v18;
	v19 =	vld.idx.msk [tilespmem:v19+s10+$0x0], $0xffff;
	v22 =	vor.u32 v62, v52;
	s28 =	smov.u32 s26;
	s26 =	sadd.s32 $0x2, s26  }
0x7a: {  	v25 =	vor.u32 v62, v51;
	v20 =	vor.u32 s25, v20;
	v21 =	vor.u32 s25, v21;
	v23 =	vld.idx.msk [tilespmem:v53+s10+$0x0], $0xffff;
	[tilespmem:v54+s18+$0x0] =	vst.idx.msk $0xffff, v7;
	s25 =	smov.u32 s29  }
0x7b: {  	v53 =	vor.u32 v20, v41;
	v7 =	vor.u32 v21, v40;
	v51 =	vor.u32 v21, v41;
	v17 =	vld.idx.msk [tilespmem:v17+s10+$0x0], $0xffff  }
0x7c: {  	v54 =	vor.u32 v20, v40;
	v52 =	vshll.u32 v20, $0x9;
	v55 =	vor.u32 v21, v39;
	[tilespmem:v2+s18+$0x0] =	vst.idx.msk $0xffff, v5  }
0x7d: {  	v56 =	vshll.u32 v21, $0x9;
	v2 =	vor.u32 v21, v38;
	v5 =	vor.u32 v21, v37;
	[tilespmem:v48+s18+$0x0] =	vst.idx.msk $0xffff, v6  }
0x7e: {  	v18 =	vshll.u32 v18, $0x7;
	v57 =	vor.u32 v21, v35;
	v6 =	vand.u32 $0x3000, v52;
	[tilespmem:v49+s18+$0x0] =	vst.idx.msk $0xffff, v4  }
0x7f: {  	v18 =	vand.u32 $0x380, v18;
	v4 =	vshll.u32 v8, $0x7;
	v8 =	vor.u32 v21, v34;
	[tilespmem:v45+s18+$0x0] =	vst.idx.msk $0xffff, v3  }
0x80: {  	v21 =	vor.u32 v21, v36;
	v3 =	vand.u32 $0x380, v4;
	v45 =	vand.u32 $0x3000, v56;
	v4 =	vld.idx.msk [tilespmem:v51+s10+$0x0], $0xffff;
	[tilespmem:v46+s18+$0x0] =	vst.idx.msk $0xffff, v1  }
0x81: {  	v51 =	vor.u32 v3, v6;
	v52 =	vor.u32 v18, v45;
	v1 =	vld.idx.msk [tilespmem:v55+s10+$0x0], $0xffff;
	[tilespmem:v44+s18+$0x0] =	vst.idx.msk $0xffff, v19  }
0x82: {  	v48 =	vor.u32 v27, v51;
	v18 =	vor.u32 v10, v52;
	v55 =	vor.u32 v11, v52;
	v3 =	vld.idx.msk [tilespmem:v7+s10+$0x0], $0xffff  }
0x83: {  	v49 =	vor.u32 v10, v51;
	v6 =	vor.u32 v0, v52;
	v56 =	vld.idx.msk [tilespmem:v5+s10+$0x0], $0xffff;
	[tilespmem:v25+s18+$0x0] =	vst.idx.msk $0xffff, v17  }
0x84: {  	v45 =	vor.u32 v11, v51;
	v58 =	vor.u32 v27, v52;
	v25 =	vld.idx.msk [tilespmem:v2+s10+$0x0], $0xffff;
	[tilespmem:v22+s18+$0x0] =	vst.idx.msk $0xffff, v43  }
0x85: {  	v46 =	vor.u32 v12, v51;
	v59 =	vor.u32 v12, v52;
	v22 =	vor.u32 v20, v39;
	v21 =	vld.idx.msk [tilespmem:v21+s10+$0x0], $0xffff  }
0x86: {  	v60 =	vor.u32 v20, v38;
	v44 =	vor.u32 v28, v51;
	v7 =	vld.idx.msk [tilespmem:v57+s10+$0x0], $0xffff;
	[tilespmem:v47+s18+$0x0] =	vst.idx.msk $0xffff, v42  }
0x87: {  	v2 =	vor.u32 v0, v51;
	v57 =	vor.u32 v20, v37;
	v43 =	vld.idx.msk [tilespmem:v8+s10+$0x0], $0xffff;
	[tilespmem:v50+s18+$0x0] =	vst.idx.msk $0xffff, v23  }
.Ltmp0:
0x88: {  	v19 =	vor.u32 v20, v35;
	v17 =	vor.u32 v20, v34;
	v5 =	vld.idx.msk [tilespmem:v54+s10+$0x0], $0xffff;
	[tilespmem:v6+s18+$0x0] =	vst.idx.msk $0xffff, v3;
	(pc) =	sbr.rel @p0 .LBB2_2-.Ltmp0, $4  }
0x89: {  	v54 =	vor.u32 v28, v52;
	v6 =	vld.idx.msk [tilespmem:v53+s10+$0x0], $0xffff;
	v53 =	vor.u32 v20, v36;
	[tilespmem:v58+s18+$0x0] =	vst.idx.msk $0xffff, v4  }
0x8a: {  	v4 =	vld.idx.msk [tilespmem:v22+s10+$0x0], $0xffff;
	[tilespmem:v18+s18+$0x0] =	vst.idx.msk $0xffff, v1  }
0x8b: {  	s29 =	sadd.s32 $0x1, s28;
	v47 =	vor.u32 v9, v52;
	v42 =	vmov v21;
	v3 =	vld.idx.msk [tilespmem:v60+s10+$0x0], $0xffff;
	[tilespmem:v55+s18+$0x0] =	vst.idx.msk $0xffff, v25  }
0x8c: {  	v8 =	vadd.s32 s28, v0;
	v50 =	vor.u32 v9, v51;
	v18 =	vadd.s32 s29, v0;
	v1 =	vld.idx.msk [tilespmem:v57+s10+$0x0], $0xffff;
	[tilespmem:v59+s18+$0x0] =	vst.idx.msk $0xffff, v56  }
0x8d: {  	_ =	sdelay $0x1  }
0x8e: {  	v20 =	vand.u32 $0xF, v18  }
0x8f: {  	v20 =	vor.u32 s25, v20  }
0x90: {  	v22 =	vand.u32 $0xF, v8;
	v19 =	vld.idx.msk [tilespmem:v19+s10+$0x0], $0xffff;
	v25 =	vor.u32 v62, v52;
	v21 =	vor.u32 v20, v41  }
0x91: {  	v53 =	vld.idx.msk [tilespmem:v53+s10+$0x0], $0xffff;
	v51 =	vor.u32 v62, v51;
	[tilespmem:v54+s18+$0x0] =	vst.idx.msk $0xffff, v7;
	v23 =	vor.u32 v20, v39  }
0x92: {  	v17 =	vld.idx.msk [tilespmem:v17+s10+$0x0], $0xffff;
	[tilespmem:v2+s18+$0x0] =	vst.idx.msk $0xffff, v5;
	v22 =	vor.u32 s25, v22;
	v58 =	vor.u32 v20, v40  }
0x93: {  	v18 =	vshll.u32 v18, $0x7;
	[tilespmem:v48+s18+$0x0] =	vst.idx.msk $0xffff, v6;
	v7 =	vor.u32 v20, v37;
	v41 =	vor.u32 v22, v41  }
0x94: {  	v59 =	vor.u32 v22, v40;
	v60 =	vor.u32 v20, v38;
	v5 =	vor.u32 v20, v36  }
0x95: {  	v18 =	vand.u32 $0x380, v18;
	[tilespmem:v49+s18+$0x0] =	vst.idx.msk $0xffff, v4;
	v4 =	vshll.u32 v8, $0x7;
	v8 =	vor.u32 v20, v34;
	v2 =	vld.idx.msk [tilespmem:v21+s10+$0x0], $0xffff  }
0x96: {  	v55 =	vshll.u32 v22, $0x9;
	v32 =	vor.u32 v20, v35;
	v21 =	vshll.u32 v20, $0x9;
	v23 =	vld.idx.msk [tilespmem:v23+s10+$0x0], $0xffff  }
0x97: {  	v6 =	vand.u32 $0x3000, v55;
	[tilespmem:v45+s18+$0x0] =	vst.idx.msk $0xffff, v3;
	v3 =	vand.u32 $0x380, v4;
	v20 =	vld.idx.msk [tilespmem:v58+s10+$0x0], $0xffff;
	v4 =	vand.u32 $0x3000, v21  }
0x98: {  	[tilespmem:v46+s18+$0x0] =	vst.idx.msk $0xffff, v1;
	v1 =	vor.u32 v3, v6;
	v7 =	vld.idx.msk [tilespmem:v7+s10+$0x0], $0xffff;
	v3 =	vor.u32 v18, v4  }
0x99: {  	[tilespmem:v44+s18+$0x0] =	vst.idx.msk $0xffff, v19;
	v5 =	vld.idx.msk [tilespmem:v5+s10+$0x0], $0xffff;
	v6 =	vor.u32 v0, v3  }
0x9a: {  	[tilespmem:v51+s18+$0x0] =	vst.idx.msk $0xffff, v17;
	v8 =	vld.idx.msk [tilespmem:v8+s10+$0x0], $0xffff;
	v18 =	vor.u32 v22, v39;
	v17 =	vor.u32 v27, v3  }
0x9b: {  	v19 =	vor.u32 v22, v38;
	[tilespmem:v25+s18+$0x0] =	vst.idx.msk $0xffff, v43;
	v56 =	vld.idx.msk [tilespmem:v59+s10+$0x0], $0xffff;
	v54 =	vor.u32 v10, v3  }
0x9c: {  	v25 =	vor.u32 v22, v37;
	[tilespmem:v47+s18+$0x0] =	vst.idx.msk $0xffff, v42;
	v4 =	vld.idx.msk [tilespmem:v60+s10+$0x0], $0xffff;
	v55 =	vor.u32 v11, v3  }
0x9d: {  	v57 =	vor.u32 v22, v35;
	[tilespmem:v50+s18+$0x0] =	vst.idx.msk $0xffff, v53;
	v41 =	vld.idx.msk [tilespmem:v41+s10+$0x0], $0xffff;
	v58 =	vor.u32 v12, v3  }
0x9e: {  	v59 =	vor.u32 v22, v36;
	v21 =	vld.idx.msk [tilespmem:v32+s10+$0x0], $0xffff;
	[tilespmem:v6+s18+$0x0] =	vst.idx.msk $0xffff, v20;
	v6 =	vor.u32 v28, v3  }
0x9f: {  	v22 =	vor.u32 v22, v34;
	v18 =	vld.idx.msk [tilespmem:v18+s10+$0x0], $0xffff;
	v20 =	vor.u32 v0, v1;
	[tilespmem:v17+s18+$0x0] =	vst.idx.msk $0xffff, v2  }
0xa0: {  	v2 =	vld.idx.msk [tilespmem:v19+s10+$0x0], $0xffff;
	v17 =	vor.u32 v27, v1;
	[tilespmem:v54+s18+$0x0] =	vst.idx.msk $0xffff, v23  }
0xa1: {  	v19 =	vld.idx.msk [tilespmem:v25+s10+$0x0], $0xffff;
	v23 =	vor.u32 v10, v1;
	[tilespmem:v55+s18+$0x0] =	vst.idx.msk $0xffff, v4  }
0xa2: {  	v25 =	vor.u32 v11, v1;
	v4 =	vld.idx.msk [tilespmem:v57+s10+$0x0], $0xffff;
	[tilespmem:v58+s18+$0x0] =	vst.idx.msk $0xffff, v7  }
0xa3: {  	v60 =	vor.u32 v12, v1;
	v7 =	vld.idx.msk [tilespmem:v59+s10+$0x0], $0xffff;
	[tilespmem:v6+s18+$0x0] =	vst.idx.msk $0xffff, v21  }
0xa4: {  	v6 =	vld.idx.msk [tilespmem:v22+s10+$0x0], $0xffff;
	v21 =	vor.u32 v28, v1;
	[tilespmem:v20+s18+$0x0] =	vst.idx.msk $0xffff, v56  }
0xa5: {  	v20 =	vor.u32 v62, v1;
	[tilespmem:v17+s18+$0x0] =	vst.idx.msk $0xffff, v41  }
0xa6: {  	v17 =	vor.u32 v62, v3;
	[tilespmem:v23+s18+$0x0] =	vst.idx.msk $0xffff, v18  }
0xa7: {  	v3 =	vor.u32 v9, v3;
	[tilespmem:v25+s18+$0x0] =	vst.idx.msk $0xffff, v2  }
0xa8: {  	v1 =	vor.u32 v9, v1;
	[tilespmem:v60+s18+$0x0] =	vst.idx.msk $0xffff, v19  }
0xa9: {  	[tilespmem:v21+s18+$0x0] =	vst.idx.msk $0xffff, v4  }
0xaa: {  	[tilespmem:v20+s18+$0x0] =	vst.idx.msk $0xffff, v6  }
0xab: {  	[tilespmem:v17+s18+$0x0] =	vst.idx.msk $0xffff, v8  }
0xac: {  	[tilespmem:v3+s18+$0x0] =	vst.idx.msk $0xffff, v5  }
0xad: {  	[tilespmem:v1+s18+$0x0] =	vst.idx.msk $0xffff, v7  }
0xae: {  	_ =	swait.ge [sflag:s19], $0x4000  }
0xaf: {  	[sflag:s19] =	ssyncset.done $0x0  }
0xb0: {  	[sflag:s19] =	ssyncadd.s32 $0xFFFFC000  }
0xb1: {  	v1 =	vld [tilespmem:$0x80]  }
0xb2: {  	v3 =	vld [tilespmem:$0xA0]  }
0xb3: {  	v2 =	vld [tilespmem:$0x90]  }
0xb4: {  	v4 =	vld [tilespmem:$0xB0]  }
0xb5: {  	v5 =	vld [tilespmem:$0xC0]  }
0xb6: {  	v6 =	vld [tilespmem:$0xD0]  }
0xb7: {  	v7 =	vld [tilespmem:$0xE0];
	v3 =	vshll.u32 v3, $0x5  }
0xb8: {  	s30 =	simm.s32 $0x1;
	v8 =	vld [tilespmem:$0xF0];
	v3 =	vand.u32 $0x60, v3  }
0xb9: {  	v17 =	vadd.s32 s30, v0;
	v2 =	vshll.u32 v2, $0x5;
	v40 =	vor.u32 v61, v3;
	v3 =	vld [tilespmem:$0x1FF10]  }
0xba: {  	v18 =	vand.u32 $0xF, v17;
	v17 =	vshll.u32 v17, $0x7;
	v2 =	vand.u32 $0x60, v2  }
0xbb: {  	v1 =	vshll.u32 v1, $0x5;
	v4 =	vshll.u32 v4, $0x5;
	v38 =	vor.u32 v33, v2;
	v2 =	vld [tilespmem:$0x1FF00]  }
0xbc: {  	v5 =	vshll.u32 v5, $0x5;
	v6 =	vshll.u32 v6, $0x5;
	v4 =	vand.u32 $0x60, v4  }
0xbd: {  	s26 =	simm.s32 $0x0;
	v7 =	vshll.u32 v7, $0x5;
	v6 =	vand.u32 $0x60, v6;
	v39 =	vor.u32 v14, v4;
	v4 =	vld [tilespmem:$0x1FE30]  }
0xbe: {  	s31 =	sand.u32 $0x10, s26;
	v8 =	vshll.u32 v8, $0x5;
	v1 =	vand.u32 $0x60, v1;
	v36 =	vor.u32 v3, v6;
	v6 =	vld [tilespmem:$0x1FE40]  }
0xbf: {  	v5 =	vand.u32 $0x60, v5;
	v42 =	vor.u32 v63, v1;
	v1 =	vor.u32 s31, v18  }
0xc0: {  	v7 =	vand.u32 $0x60, v7;
	v37 =	vor.u32 v2, v5;
	v2 =	vor.u32 v1, v38  }
0xc1: {  	v8 =	vand.u32 $0x60, v8;
	v20 =	vor.u32 v1, v39;
	v3 =	vor.u32 v1, v37  }
0xc2: {  	v35 =	vor.u32 v4, v7;
	v4 =	vadd.s32 s26, v0;
	v5 =	vor.u32 v1, v40  }
0xc3: {  	v7 =	vor.u32 v1, v42;
	v48 =	vor.u32 v1, v35;
	v34 =	vor.u32 v6, v8  }
0xc4: {  	v6 =	vand.u32 $0xF, v4;
	v4 =	vshll.u32 v4, $0x7;
	v8 =	vor.u32 v1, v36  }
0xc5: {  	v51 =	vld.idx.msk [tilespmem:v2+s12+$0x0], $0xffff;
	v2 =	vand.u32 $0x380, v17;
	v17 =	vshll.u32 v1, $0x9;
	v6 =	vor.u32 s31, v6  }
0xc6: {  	v4 =	vand.u32 $0x380, v4;
	v41 =	vld.idx.msk [tilespmem:v3+s12+$0x0], $0xffff;
	v3 =	vand.u32 $0x3000, v17;
	v49 =	vor.u32 v1, v34  }
0xc7: {  	v18 =	vor.u32 v6, v42;
	v19 =	vor.u32 v6, v40;
	v17 =	vshll.u32 v6, $0x9  }
0xc8: {  	v54 =	vld.idx.msk [tilespmem:v5+s12+$0x0], $0xffff;
	v21 =	vor.u32 v3, v2;
	v5 =	vor.u32 v6, v38;
	v25 =	vor.u32 v6, v39  }
0xc9: {  	v14 =	vmovc v62;
	v61 =	vld.idx.msk [tilespmem:v7+s12+$0x0], $0xffff;
	v1 =	vor.u32 v6, v36;
	v7 =	vor.u32 v6, v34;
	v2 =	vand.u32 $0x3000, v17  }
0xca: {  	v48 =	vld.idx.msk [tilespmem:v48+s12+$0x0], $0xffff;
	v3 =	vor.u32 v26, v21;
	v17 =	vor.u32 v6, v35;
	v63 =	vor.u32 v15, v21  }
0xcb: {  	v62 =	vor.u32 v16, v21;
	v44 =	vor.u32 v29, v21;
	v23 =	vor.u32 v2, v4;
	v2 =	vld.idx.msk [tilespmem:v20+s12+$0x0], $0xffff  }
0xcc: {  	v46 =	vor.u32 v13, v21;
	v45 =	vor.u32 v30, v21;
	v43 =	vor.u32 v31, v21;
	v47 =	vld.idx.msk [tilespmem:v8+s12+$0x0], $0xffff  }
0xcd: {  	s29 =	simm.s32 $0x3;
	v32 =	vmovc v27;
	v4 =	vor.u32 v24, v21;
	v22 =	vor.u32 $0x400, v23;
	v8 =	vor.u32 v6, v37;
	v49 =	vld.idx.msk [tilespmem:v49+s12+$0x0], $0xffff  }
0xce: {  	v33 =	vmovc v24;
	v20 =	vadd.s32 s29, v0;
	v24 =	vmovc v26;
	v21 =	vmov v15;
	v53 =	vor.u32 v14, v22;
	v55 =	vld.idx.msk [tilespmem:v18+s12+$0x0], $0xffff  }
0xcf: {  	v15 =	vmovc v9;
	v50 =	vor.u32 v9, v22;
	v9 =	vmov v10;
	v6 =	vor.u32 v10, v22;
	v52 =	vld.idx.msk [tilespmem:v19+s12+$0x0], $0xffff  }
0xd0: {  	v60 =	vor.u32 v12, v22;
	v58 =	vor.u32 v28, v22;
	v59 =	vld.idx.msk [tilespmem:v5+s12+$0x0], $0xffff;
	v5 =	vor.u32 v26, v23  }
0xd1: {  	s28 =	simm.s32 $0x2;
	v14 =	vmovc v16;
	v16 =	vmovc v21;
	v10 =	vmov v31;
	v57 =	vld.idx.msk [tilespmem:v25+s12+$0x0], $0xffff;
	v23 =	vmov v13;
	v13 =	vmov v28  }
0xd2: {  	s25 =	sand.u32 $0x10, s28;
	s26 =	simm.s32 $0x4;
	v19 =	vadd.s32 s28, v0;
	v18 =	vor.u32 v11, v22;
	v31 =	vmovc v23;
	v56 =	vld.idx.msk [tilespmem:v8+s12+$0x0], $0xffff;
	v8 =	vor.u32 v27, v22  }
.LBB2_4:
0xd3: {  	v22 =	vand.u32 $0xF, v20;
	v1 =	vld.idx.msk [tilespmem:v1+s12+$0x0], $0xffff  }
0xd4: {  	v17 =	vld.idx.msk [tilespmem:v17+s12+$0x0], $0xffff;
	[tilespmem:v3+s18+$0x0] =	vst.idx.msk $0xffff, v61;
	v22 =	vor.u32 s25, v22  }
0xd5: {  	v3 =	vand.u32 $0xF, v19;
	v7 =	vld.idx.msk [tilespmem:v7+s12+$0x0], $0xffff;
	[tilespmem:v5+s18+$0x0] =	vst.idx.msk $0xffff, v55;
	v23 =	vor.u32 v22, v38  }
0xd6: {  	v21 =	vshll.u32 v19, $0x7;
	[tilespmem:v4+s18+$0x0] =	vst.idx.msk $0xffff, v51;
	v25 =	vor.u32 s25, v3;
	v3 =	vor.u32 v22, v37  }
0xd7: {  	v20 =	vshll.u32 v20, $0x7;
	v4 =	vshll.u32 v22, $0x9;
	[tilespmem:v63+s18+$0x0] =	vst.idx.msk $0xffff, v54;
	v61 =	vor.u32 v22, v40  }
0xd8: {  	v20 =	vand.u32 $0x380, v20;
	v19 =	vor.u32 v22, v42;
	v4 =	vand.u32 $0x3000, v4;
	[tilespmem:v62+s18+$0x0] =	vst.idx.msk $0xffff, v2  }
0xd9: {  	v2 =	vshll.u32 v25, $0x9;
	v20 =	vor.u32 v4, v20;
	v4 =	vor.u32 v22, v36;
	[tilespmem:v8+s18+$0x0] =	vst.idx.msk $0xffff, v59  }
0xda: {  	v21 =	vand.u32 $0x380, v21;
	v63 =	vor.u32 v25, v42;
	v2 =	vand.u32 $0x3000, v2;
	[tilespmem:v6+s18+$0x0] =	vst.idx.msk $0xffff, v52;
	v51 =	vld.idx.msk [tilespmem:v23+s12+$0x0], $0xffff  }
0xdb: {  	v26 =	vor.u32 v22, v39;
	v8 =	vor.u32 v2, v21;
	[tilespmem:v18+s18+$0x0] =	vst.idx.msk $0xffff, v57;
	v21 =	vld.idx.msk [tilespmem:v3+s12+$0x0], $0xffff  }
0xdc: {  	v27 =	vor.u32 v22, v35;
	v6 =	vor.u32 v25, v40;
	v54 =	vld.idx.msk [tilespmem:v61+s12+$0x0], $0xffff;
	[tilespmem:v60+s18+$0x0] =	vst.idx.msk $0xffff, v56  }
0xdd: {  	v5 =	vor.u32 v25, v38;
	v22 =	vor.u32 v22, v34;
	v61 =	vld.idx.msk [tilespmem:v19+s12+$0x0], $0xffff;
	[tilespmem:v58+s18+$0x0] =	vst.idx.msk $0xffff, v1  }
0xde: {  	v62 =	vor.u32 v14, v20;
	v18 =	vor.u32 v25, v39;
	v28 =	vld.idx.msk [tilespmem:v4+s12+$0x0], $0xffff;
	[tilespmem:v53+s18+$0x0] =	vst.idx.msk $0xffff, v17  }
0xdf: {  	v23 =	vor.u32 $0x400, v8;
	v56 =	vor.u32 v25, v37;
	[tilespmem:v46+s18+$0x0] =	vst.idx.msk $0xffff, v41;
	v55 =	vld.idx.msk [tilespmem:v63+s12+$0x0], $0xffff  }
0xe0: {  	v3 =	vor.u32 v24, v20;
	v1 =	vor.u32 v25, v36;
	[tilespmem:v50+s18+$0x0] =	vst.idx.msk $0xffff, v7;
	v2 =	vld.idx.msk [tilespmem:v26+s12+$0x0], $0xffff  }
0xe1: {  	v60 =	vor.u32 v12, v23;
	v58 =	vor.u32 v13, v23;
	v52 =	vld.idx.msk [tilespmem:v6+s12+$0x0], $0xffff;
	v6 =	vor.u32 v29, v20  }
0xe2: {  	p0 =	slt.u32 s26, $0x1E;
	v4 =	vor.u32 v33, v20;
	v17 =	vor.u32 v25, v35;
	[tilespmem:v44+s18+$0x0] =	vst.idx.msk $0xffff, v47;
	v44 =	vmov v6;
	v6 =	vld [tilespmem:$0x1FFD0]  }
.Ltmp1:
0xe3: {  	v46 =	vor.u32 v31, v20;
	v63 =	vor.u32 v16, v20;
	v7 =	vor.u32 v25, v34;
	v59 =	vld.idx.msk [tilespmem:v5+s12+$0x0], $0xffff;
	(pc) =	sbr.rel @p0 .LBB2_4-.Ltmp1, $4  }
0xe4: {  	v50 =	vor.u32 v15, v23;
	v5 =	vor.u32 v24, v8;
	[tilespmem:v45+s18+$0x0] =	vst.idx.msk $0xffff, v48;
	v57 =	vld.idx.msk [tilespmem:v18+s12+$0x0], $0xffff  }
0xe5: {  	s28 =	smov.u32 s26;
	v45 =	vor.u32 v30, v20;
	v8 =	vor.u32 v32, v23;
	[tilespmem:v43+s18+$0x0] =	vst.idx.msk $0xffff, v49;
	v56 =	vld.idx.msk [tilespmem:v56+s12+$0x0], $0xffff  }
0xe6: {  	s29 =	sand.u32 $0x10, s26;
	s31 =	sadd.s32 $0x1, s28;
	v19 =	vadd.s32 s28, v0;
	v18 =	vor.u32 v11, v23;
	v41 =	vmovc v21;
	v43 =	vor.u32 v10, v20;
	v48 =	vld.idx.msk [tilespmem:v27+s12+$0x0], $0xffff  }
0xe7: {  	s26 =	sadd.s32 $0x2, s26;
	s25 =	smov.u32 s29;
	v20 =	vadd.s32 s31, v0;
	v49 =	vld.idx.msk [tilespmem:v22+s12+$0x0], $0xffff;
	v47 =	vmovc v28;
	v53 =	vor.u32 v6, v23;
	v6 =	vor.u32 v9, v23  }
0xe8: {  	_ =	sdelay $0x3  }
0xe9: {  	v21 =	vand.u32 $0xF, v20;
	v1 =	vld.idx.msk [tilespmem:v1+s12+$0x0], $0xffff  }
0xea: {  	[tilespmem:v3+s18+$0x0] =	vst.idx.msk $0xffff, v61;
	v17 =	vld.idx.msk [tilespmem:v17+s12+$0x0], $0xffff;
	v21 =	vor.u32 s25, v21  }
0xeb: {  	v7 =	vld.idx.msk [tilespmem:v7+s12+$0x0], $0xffff;
	[tilespmem:v5+s18+$0x0] =	vst.idx.msk $0xffff, v55;
	v22 =	vor.u32 v21, v38  }
0xec: {  	[tilespmem:v4+s18+$0x0] =	vst.idx.msk $0xffff, v51;
	v3 =	vor.u32 v21, v37  }
0xed: {  	v23 =	vand.u32 $0xF, v19;
	[tilespmem:v8+s18+$0x0] =	vst.idx.msk $0xffff, v59;
	v4 =	vor.u32 v21, v40  }
0xee: {  	v23 =	vor.u32 s25, v23;
	[tilespmem:v63+s18+$0x0] =	vst.idx.msk $0xffff, v54;
	v25 =	vor.u32 v21, v42  }
0xef: {  	v26 =	vor.u32 v23, v42;
	[tilespmem:v6+s18+$0x0] =	vst.idx.msk $0xffff, v52  }
0xf0: {  	v8 =	vor.u32 v23, v40;
	[tilespmem:v62+s18+$0x0] =	vst.idx.msk $0xffff, v2;
	v5 =	vld.idx.msk [tilespmem:v22+s12+$0x0], $0xffff  }
0xf1: {  	v27 =	vor.u32 v21, v39;
	[tilespmem:v18+s18+$0x0] =	vst.idx.msk $0xffff, v57;
	v3 =	vld.idx.msk [tilespmem:v3+s12+$0x0], $0xffff  }
0xf2: {  	v19 =	vshll.u32 v19, $0x7;
	v20 =	vshll.u32 v20, $0x7;
	v28 =	vor.u32 v23, v38;
	[tilespmem:v60+s18+$0x0] =	vst.idx.msk $0xffff, v56;
	v4 =	vld.idx.msk [tilespmem:v4+s12+$0x0], $0xffff  }
0xf3: {  	v20 =	vand.u32 $0x380, v20;
	v19 =	vand.u32 $0x380, v19;
	v2 =	vor.u32 v21, v36;
	[tilespmem:v58+s18+$0x0] =	vst.idx.msk $0xffff, v1;
	v18 =	vld.idx.msk [tilespmem:v25+s12+$0x0], $0xffff  }
0xf4: {  	v59 =	vor.u32 v23, v35;
	[tilespmem:v53+s18+$0x0] =	vst.idx.msk $0xffff, v17;
	v17 =	vor.u32 v23, v37;
	v1 =	vld.idx.msk [tilespmem:v26+s12+$0x0], $0xffff  }
0xf5: {  	v22 =	vshll.u32 v21, $0x9;
	v25 =	vor.u32 v21, v35;
	v21 =	vor.u32 v21, v34;
	v8 =	vld.idx.msk [tilespmem:v8+s12+$0x0], $0xffff  }
0xf6: {  	[tilespmem:v50+s18+$0x0] =	vst.idx.msk $0xffff, v7;
	v7 =	vld.idx.msk [tilespmem:v27+s12+$0x0], $0xffff;
	v26 =	vor.u32 v23, v36;
	v6 =	vand.u32 $0x3000, v22;
	v22 =	vshll.u32 v23, $0x9  }
0xf7: {  	v28 =	vld.idx.msk [tilespmem:v28+s12+$0x0], $0xffff;
	v6 =	vor.u32 v6, v20;
	v20 =	vor.u32 v23, v39;
	v22 =	vand.u32 $0x3000, v22  }
0xf8: {  	v2 =	vld.idx.msk [tilespmem:v2+s12+$0x0], $0xffff;
	v23 =	vor.u32 v23, v34;
	v19 =	vor.u32 v22, v19;
	v22 =	vor.u32 v24, v6  }
0xf9: {  	[tilespmem:v46+s18+$0x0] =	vst.idx.msk $0xffff, v41;
	v27 =	vor.u32 v33, v6;
	v17 =	vld.idx.msk [tilespmem:v17+s12+$0x0], $0xffff  }
0xfa: {  	[tilespmem:v44+s18+$0x0] =	vst.idx.msk $0xffff, v47;
	v62 =	vor.u32 $0x400, v19;
	v19 =	vor.u32 v24, v19;
	v25 =	vld.idx.msk [tilespmem:v25+s12+$0x0], $0xffff  }
0xfb: {  	[tilespmem:v45+s18+$0x0] =	vst.idx.msk $0xffff, v48;
	v60 =	vor.u32 v16, v6;
	v21 =	vld.idx.msk [tilespmem:v21+s12+$0x0], $0xffff  }
0xfc: {  	[tilespmem:v43+s18+$0x0] =	vst.idx.msk $0xffff, v49;
	v61 =	vor.u32 v14, v6;
	v20 =	vld.idx.msk [tilespmem:v20+s12+$0x0], $0xffff  }
0xfd: {  	v63 =	vor.u32 v32, v62;
	v23 =	vld.idx.msk [tilespmem:v23+s12+$0x0], $0xffff;
	[tilespmem:v22+s18+$0x0] =	vst.idx.msk $0xffff, v18  }
0xfe: {  	v18 =	vor.u32 v9, v62;
	v22 =	vld.idx.msk [tilespmem:v26+s12+$0x0], $0xffff;
	[tilespmem:v27+s18+$0x0] =	vst.idx.msk $0xffff, v5  }
0xff: {  	v26 =	vld.idx.msk [tilespmem:v59+s12+$0x0], $0xffff;
	v5 =	vor.u32 v11, v62;
	[tilespmem:v19+s18+$0x0] =	vst.idx.msk $0xffff, v1  }
0x100: {  	[tilespmem:v60+s18+$0x0] =	vst.idx.msk $0xffff, v4;
	v4 =	vor.u32 v12, v62  }
0x101: {  	[tilespmem:v61+s18+$0x0] =	vst.idx.msk $0xffff, v7  }
0x102: {  	v7 =	vor.u32 v13, v62;
	v14 =	vld [tilespmem:$0x1FFD0];
	[tilespmem:v63+s18+$0x0] =	vst.idx.msk $0xffff, v28  }
0x103: {  	[tilespmem:v18+s18+$0x0] =	vst.idx.msk $0xffff, v8;
	v8 =	vor.u32 v31, v6  }
0x104: {  	[tilespmem:v5+s18+$0x0] =	vst.idx.msk $0xffff, v20;
	v5 =	vor.u32 v29, v6  }
0x105: {  	[tilespmem:v4+s18+$0x0] =	vst.idx.msk $0xffff, v17;
	v4 =	vor.u32 v30, v6  }
0x106: {  	v6 =	vor.u32 v10, v6  }
0x107: {  	[tilespmem:v7+s18+$0x0] =	vst.idx.msk $0xffff, v22;
	v1 =	vor.u32 v14, v62  }
0x108: {  	v19 =	vor.u32 v15, v62;
	[tilespmem:v8+s18+$0x0] =	vst.idx.msk $0xffff, v3  }
0x109: {  	[tilespmem:v5+s18+$0x0] =	vst.idx.msk $0xffff, v2  }
0x10a: {  	[tilespmem:v4+s18+$0x0] =	vst.idx.msk $0xffff, v25  }
0x10b: {  	[tilespmem:v6+s18+$0x0] =	vst.idx.msk $0xffff, v21  }
0x10c: {  	[tilespmem:v1+s18+$0x0] =	vst.idx.msk $0xffff, v26  }
0x10d: {  	[tilespmem:v19+s18+$0x0] =	vst.idx.msk $0xffff, v23  }
0x10e: {  	_ =	swait.ge [sflag:s20], $0x4000  }
0x10f: {  	[sflag:s20] =	ssyncset.done $0x0  }
0x110: {  	[sflag:s20] =	ssyncadd.s32 $0xFFFFC000  }
0x111: {  	v1 =	vld [tilespmem:$0x100];
	_ =	sdelay $0x1  }
0x112: {  	v16 =	vld [tilespmem:$0x1FEC0];
	_ =	sdelay $0x2  }
0x113: {  	v2 =	vld [tilespmem:$0x110];
	v1 =	vshll.u32 v1, $0x5  }
0x114: {  	v1 =	vand.u32 $0x60, v1  }
0x115: {  	v42 =	vor.u32 v16, v1;
	v1 =	vld [tilespmem:$0x1FED0];
	_ =	sdelay $0x2  }
0x116: {  	v3 =	vld [tilespmem:$0x120];
	v2 =	vshll.u32 v2, $0x5  }
0x117: {  	v2 =	vand.u32 $0x60, v2  }
0x118: {  	v38 =	vor.u32 v1, v2;
	v2 =	vld [tilespmem:$0x1FEE0];
	_ =	sdelay $0x2  }
0x119: {  	v4 =	vld [tilespmem:$0x130];
	v3 =	vshll.u32 v3, $0x5  }
0x11a: {  	v3 =	vand.u32 $0x60, v3  }
0x11b: {  	v40 =	vor.u32 v2, v3;
	v3 =	vld [tilespmem:$0x1FEF0]  }
0x11c: {  	v5 =	vld [tilespmem:$0x140]  }
0x11d: {  	v6 =	vld [tilespmem:$0x150]  }
0x11e: {  	v7 =	vld [tilespmem:$0x160];
	v4 =	vshll.u32 v4, $0x5  }
0x11f: {  	v4 =	vand.u32 $0x60, v4;
	v2 =	vld [tilespmem:$0x1FF00]  }
0x120: {  	s30 =	simm.s32 $0x1;
	v39 =	vor.u32 v3, v4;
	v3 =	vld [tilespmem:$0x1FF10]  }
0x121: {  	s26 =	simm.s32 $0x0;
	v17 =	vadd.s32 s30, v0;
	v4 =	vld [tilespmem:$0x1FE30]  }
0x122: {  	s31 =	sand.u32 $0x10, s26;
	v18 =	vand.u32 $0xF, v17;
	v5 =	vshll.u32 v5, $0x5;
	v6 =	vshll.u32 v6, $0x5  }
0x123: {  	v8 =	vld [tilespmem:$0x170];
	v7 =	vshll.u32 v7, $0x5;
	v5 =	vand.u32 $0x60, v5;
	v1 =	vor.u32 s31, v18  }
0x124: {  	v6 =	vand.u32 $0x60, v6;
	v37 =	vor.u32 v2, v5;
	v2 =	vor.u32 v1, v38  }
0x125: {  	v7 =	vand.u32 $0x60, v7;
	v36 =	vor.u32 v3, v6;
	v3 =	vor.u32 v1, v37  }
0x126: {  	v35 =	vor.u32 v4, v7;
	v6 =	vld [tilespmem:$0x1FE40];
	v7 =	vor.u32 v1, v42  }
0x127: {  	v24 =	vld [tilespmem:$0x1FE50]  }
0x128: {  	v33 =	vld [tilespmem:$0x1FE60];
	v8 =	vshll.u32 v8, $0x5  }
0x129: {  	v17 =	vshll.u32 v17, $0x7;
	v8 =	vand.u32 $0x60, v8;
	v51 =	vld.idx.msk [tilespmem:v2+s14+$0x0], $0xffff  }
0x12a: {  	v5 =	vor.u32 v1, v40;
	v4 =	vadd.s32 s26, v0;
	v2 =	vand.u32 $0x380, v17;
	v41 =	vld.idx.msk [tilespmem:v3+s14+$0x0], $0xffff  }
0x12b: {  	v17 =	vshll.u32 v1, $0x9;
	v34 =	vor.u32 v6, v8;
	v8 =	vor.u32 v1, v36;
	v61 =	vld.idx.msk [tilespmem:v7+s14+$0x0], $0xffff  }
0x12c: {  	v20 =	vor.u32 v1, v39;
	v6 =	vand.u32 $0xF, v4;
	v3 =	vand.u32 $0x3000, v17;
	v7 =	vld [tilespmem:$0x1FFB0]  }
0x12d: {  	v10 =	vld [tilespmem:$0x1FEA0];
	v22 =	vor.u32 v1, v35;
	v6 =	vor.u32 s31, v6;
	v21 =	vor.u32 v3, v2  }
0x12e: {  	v16 =	vld [tilespmem:$0x1FE70];
	v26 =	vor.u32 v1, v34;
	v18 =	vor.u32 v6, v42;
	v19 =	vor.u32 v6, v40  }
0x12f: {  	v54 =	vld.idx.msk [tilespmem:v5+s14+$0x0], $0xffff;
	v17 =	vshll.u32 v6, $0x9;
	v5 =	vor.u32 v6, v38;
	v25 =	vor.u32 v6, v39  }
0x130: {  	v1 =	vor.u32 v6, v35;
	v2 =	vand.u32 $0x3000, v17;
	v17 =	vor.u32 v6, v36;
	v47 =	vld.idx.msk [tilespmem:v8+s14+$0x0], $0xffff  }
0x131: {  	v8 =	vor.u32 v6, v37;
	v44 =	vor.u32 v7, v21;
	v7 =	vor.u32 v6, v34;
	v6 =	vld [tilespmem:$0x1FE80]  }
0x132: {  	v0 =	vld [tilespmem:$0x1FFA0];
	v4 =	vshll.u32 v4, $0x7  }
0x133: {  	v4 =	vand.u32 $0x380, v4;
	v48 =	vld.idx.msk [tilespmem:v22+s14+$0x0], $0xffff  }
0x134: {  	v23 =	vor.u32 v2, v4;
	v2 =	vld.idx.msk [tilespmem:v20+s14+$0x0], $0xffff  }
0x135: {  	v49 =	vld.idx.msk [tilespmem:v26+s14+$0x0], $0xffff  }
0x136: {  	v46 =	vor.u32 v6, v21;
	v6 =	vld [tilespmem:$0x1FE90]  }
0x137: {  	v55 =	vld.idx.msk [tilespmem:v18+s14+$0x0], $0xffff  }
0x138: {  	v3 =	vor.u32 v24, v21;
	v63 =	vor.u32 v33, v21;
	v27 =	vor.u32 $0x800, v23;
	v52 =	vld.idx.msk [tilespmem:v19+s14+$0x0], $0xffff  }
0x139: {  	v62 =	vor.u32 v16, v21;
	v4 =	vor.u32 v0, v21;
	v53 =	vor.u32 v14, v27;
	v59 =	vld.idx.msk [tilespmem:v5+s14+$0x0], $0xffff  }
0x13a: {  	s29 =	simm.s32 $0x3;
	v43 =	vmovc v32;
	v50 =	vor.u32 v15, v27;
	v60 =	vor.u32 v12, v27;
	v57 =	vld.idx.msk [tilespmem:v25+s14+$0x0], $0xffff;
	v18 =	vlaneseq.u32;
	v19 =	vmovc v9  }
0x13b: {  	v5 =	vor.u32 v0, v23;
	v9 =	vmovc v15;
	v15 =	vmovc v14;
	v20 =	vadd.s32 s29, v18;
	v56 =	vld.idx.msk [tilespmem:v8+s14+$0x0], $0xffff;
	v32 =	vmov v6  }
0x13c: {  	v45 =	vor.u32 v6, v21;
	v6 =	vmovc v43;
	v43 =	vor.u32 v10, v21;
	v21 =	vmovc v11;
	v11 =	vmov v19  }
0x13d: {  	s28 =	simm.s32 $0x2;
	v10 =	vmovc v6;
	v8 =	vor.u32 v6, v27;
	v6 =	vor.u32 v19, v27;
	v19 =	vmovc v13;
	v13 =	vmov v12  }
0x13e: {  	s25 =	sand.u32 $0x10, s28;
	s26 =	simm.s32 $0x4;
	v12 =	vmovc v21;
	v14 =	vmovc v19;
	v58 =	vor.u32 v19, v27;
	v19 =	vadd.s32 s28, v18;
	v18 =	vor.u32 v21, v27  }
.LBB2_6:
0x13f: {  	v22 =	vand.u32 $0xF, v20  }
0x140: {  	[tilespmem:v4+s18+$0x0] =	vst.idx.msk $0xffff, v61;
	v22 =	vor.u32 s25, v22  }
0x141: {  	v4 =	vand.u32 $0xF, v19;
	[tilespmem:v3+s18+$0x0] =	vst.idx.msk $0xffff, v51;
	v23 =	vor.u32 v22, v38  }
0x142: {  	v17 =	vld.idx.msk [tilespmem:v17+s14+$0x0], $0xffff;
	v25 =	vor.u32 s25, v4;
	v3 =	vor.u32 v22, v37;
	[tilespmem:v63+s18+$0x0] =	vst.idx.msk $0xffff, v54  }
0x143: {  	v21 =	vshll.u32 v19, $0x7;
	v1 =	vld.idx.msk [tilespmem:v1+s14+$0x0], $0xffff;
	v27 =	vor.u32 v22, v40;
	[tilespmem:v62+s18+$0x0] =	vst.idx.msk $0xffff, v2;
	v2 =	vshll.u32 v25, $0x9  }
0x144: {  	v7 =	vld.idx.msk [tilespmem:v7+s14+$0x0], $0xffff;
	v21 =	vand.u32 $0x380, v21;
	v19 =	vor.u32 v22, v42;
	v2 =	vand.u32 $0x3000, v2  }
0x145: {  	[tilespmem:v5+s18+$0x0] =	vst.idx.msk $0xffff, v55;
	v5 =	vor.u32 v22, v36;
	v21 =	vor.u32 v2, v21;
	v2 =	vld [tilespmem:$0x1FFB0]  }
0x146: {  	[tilespmem:v8+s18+$0x0] =	vst.idx.msk $0xffff, v59;
	v51 =	vld.idx.msk [tilespmem:v23+s14+$0x0], $0xffff  }
0x147: {  	v26 =	vor.u32 v25, v42;
	[tilespmem:v6+s18+$0x0] =	vst.idx.msk $0xffff, v52;
	v23 =	vld.idx.msk [tilespmem:v3+s14+$0x0], $0xffff  }
0x148: {  	v6 =	vor.u32 v25, v40;
	[tilespmem:v18+s18+$0x0] =	vst.idx.msk $0xffff, v57;
	v54 =	vld.idx.msk [tilespmem:v27+s14+$0x0], $0xffff  }
0x149: {  	v20 =	vshll.u32 v20, $0x7;
	v4 =	vshll.u32 v22, $0x9;
	v28 =	vor.u32 v22, v39;
	[tilespmem:v60+s18+$0x0] =	vst.idx.msk $0xffff, v56;
	v61 =	vld.idx.msk [tilespmem:v19+s14+$0x0], $0xffff  }
0x14a: {  	v20 =	vand.u32 $0x380, v20;
	v29 =	vor.u32 v22, v35;
	v4 =	vand.u32 $0x3000, v4;
	v31 =	vld.idx.msk [tilespmem:v5+s14+$0x0], $0xffff;
	[tilespmem:v58+s18+$0x0] =	vst.idx.msk $0xffff, v17  }
0x14b: {  	v22 =	vor.u32 v22, v34;
	v20 =	vor.u32 v4, v20;
	v5 =	vld [tilespmem:$0x1FE80];
	[tilespmem:v53+s18+$0x0] =	vst.idx.msk $0xffff, v1  }
0x14c: {  	v8 =	vor.u32 v25, v38;
	v4 =	vor.u32 v0, v20;
	v55 =	vld.idx.msk [tilespmem:v26+s14+$0x0], $0xffff;
	[tilespmem:v50+s18+$0x0] =	vst.idx.msk $0xffff, v7  }
0x14d: {  	v63 =	vor.u32 v33, v20;
	v18 =	vor.u32 v25, v39;
	[tilespmem:v46+s18+$0x0] =	vst.idx.msk $0xffff, v41;
	v52 =	vld.idx.msk [tilespmem:v6+s14+$0x0], $0xffff  }
0x14e: {  	v62 =	vor.u32 v16, v20;
	v27 =	vor.u32 v25, v37;
	v6 =	vor.u32 v2, v20;
	v2 =	vld.idx.msk [tilespmem:v28+s14+$0x0], $0xffff  }
0x14f: {  	v30 =	vor.u32 $0x800, v21;
	v3 =	vor.u32 v24, v20;
	[tilespmem:v44+s18+$0x0] =	vst.idx.msk $0xffff, v47;
	v44 =	vmov v6;
	v6 =	vld [tilespmem:$0x1FEA0]  }
0x150: {  	p0 =	slt.u32 s26, $0x1E;
	v60 =	vor.u32 v13, v30;
	v17 =	vor.u32 v25, v36;
	v58 =	vor.u32 v14, v30  }
.Ltmp2:
0x151: {  	v1 =	vor.u32 v25, v35;
	v53 =	vor.u32 v15, v30;
	v7 =	vor.u32 v25, v34;
	v59 =	vld.idx.msk [tilespmem:v8+s14+$0x0], $0xffff;
	(pc) =	sbr.rel @p0 .LBB2_6-.Ltmp2, $4  }
0x152: {  	v50 =	vor.u32 v9, v30;
	v57 =	vld.idx.msk [tilespmem:v18+s14+$0x0], $0xffff;
	v8 =	vor.u32 v10, v30;
	[tilespmem:v45+s18+$0x0] =	vst.idx.msk $0xffff, v48  }
0x153: {  	s28 =	smov.u32 s26;
	v18 =	vlaneseq.u32;
	v46 =	vor.u32 v5, v20;
	v5 =	vor.u32 v0, v21;
	v56 =	vld.idx.msk [tilespmem:v27+s14+$0x0], $0xffff;
	[tilespmem:v43+s18+$0x0] =	vst.idx.msk $0xffff, v49  }
0x154: {  	s29 =	sand.u32 $0x10, s26;
	s31 =	sadd.s32 $0x1, s28;
	v41 =	vmovc v23;
	v45 =	vor.u32 v32, v20;
	v19 =	vadd.s32 s28, v18;
	v48 =	vld.idx.msk [tilespmem:v29+s14+$0x0], $0xffff;
	v43 =	vor.u32 v6, v20  }
0x155: {  	s26 =	sadd.s32 $0x2, s26;
	s25 =	smov.u32 s29;
	v47 =	vmovc v31;
	v49 =	vld.idx.msk [tilespmem:v22+s14+$0x0], $0xffff;
	v6 =	vor.u32 v11, v30;
	v20 =	vadd.s32 s31, v18;
	v18 =	vor.u32 v12, v30  }
0x156: {  	_ =	sdelay $0x3  }
0x157: {  	v21 =	vand.u32 $0xF, v20;
	v17 =	vld.idx.msk [tilespmem:v17+s14+$0x0], $0xffff  }
0x158: {  	[tilespmem:v4+s18+$0x0] =	vst.idx.msk $0xffff, v61;
	v1 =	vld.idx.msk [tilespmem:v1+s14+$0x0], $0xffff;
	v21 =	vor.u32 s25, v21  }
0x159: {  	v7 =	vld.idx.msk [tilespmem:v7+s14+$0x0], $0xffff;
	[tilespmem:v5+s18+$0x0] =	vst.idx.msk $0xffff, v55;
	v22 =	vor.u32 v21, v38  }
0x15a: {  	[tilespmem:v3+s18+$0x0] =	vst.idx.msk $0xffff, v51;
	v4 =	vor.u32 v21, v37  }
0x15b: {  	v23 =	vand.u32 $0xF, v19;
	[tilespmem:v8+s18+$0x0] =	vst.idx.msk $0xffff, v59;
	v3 =	vor.u32 v21, v40  }
0x15c: {  	v23 =	vor.u32 s25, v23;
	v25 =	vor.u32 v21, v42;
	[tilespmem:v63+s18+$0x0] =	vst.idx.msk $0xffff, v54  }
0x15d: {  	v26 =	vor.u32 v23, v42;
	[tilespmem:v6+s18+$0x0] =	vst.idx.msk $0xffff, v52  }
0x15e: {  	v8 =	vor.u32 v23, v40;
	[tilespmem:v62+s18+$0x0] =	vst.idx.msk $0xffff, v2;
	v5 =	vld.idx.msk [tilespmem:v22+s14+$0x0], $0xffff  }
0x15f: {  	v27 =	vor.u32 v21, v39;
	[tilespmem:v18+s18+$0x0] =	vst.idx.msk $0xffff, v57;
	v4 =	vld.idx.msk [tilespmem:v4+s14+$0x0], $0xffff  }
0x160: {  	v19 =	vshll.u32 v19, $0x7;
	v20 =	vshll.u32 v20, $0x7;
	v28 =	vor.u32 v23, v38;
	[tilespmem:v60+s18+$0x0] =	vst.idx.msk $0xffff, v56;
	v3 =	vld.idx.msk [tilespmem:v3+s14+$0x0], $0xffff  }
0x161: {  	v20 =	vand.u32 $0x380, v20;
	v19 =	vand.u32 $0x380, v19;
	v2 =	vor.u32 v21, v36;
	[tilespmem:v58+s18+$0x0] =	vst.idx.msk $0xffff, v17;
	v18 =	vld.idx.msk [tilespmem:v25+s14+$0x0], $0xffff  }
0x162: {  	v29 =	vor.u32 v23, v35;
	[tilespmem:v53+s18+$0x0] =	vst.idx.msk $0xffff, v1;
	v25 =	vor.u32 v21, v35;
	v17 =	vld.idx.msk [tilespmem:v26+s14+$0x0], $0xffff  }
0x163: {  	v22 =	vshll.u32 v21, $0x9;
	v21 =	vor.u32 v21, v34;
	v1 =	vld.idx.msk [tilespmem:v8+s14+$0x0], $0xffff;
	v8 =	vor.u32 v23, v37  }
0x164: {  	[tilespmem:v50+s18+$0x0] =	vst.idx.msk $0xffff, v7;
	v7 =	vld.idx.msk [tilespmem:v27+s14+$0x0], $0xffff;
	v26 =	vor.u32 v23, v36;
	v6 =	vand.u32 $0x3000, v22;
	v22 =	vshll.u32 v23, $0x9  }
0x165: {  	v28 =	vld.idx.msk [tilespmem:v28+s14+$0x0], $0xffff;
	v6 =	vor.u32 v6, v20;
	v20 =	vor.u32 v23, v39;
	v22 =	vand.u32 $0x3000, v22  }
0x166: {  	v2 =	vld.idx.msk [tilespmem:v2+s14+$0x0], $0xffff;
	v23 =	vor.u32 v23, v34;
	v19 =	vor.u32 v22, v19;
	v22 =	vor.u32 v0, v6  }
0x167: {  	[tilespmem:v46+s18+$0x0] =	vst.idx.msk $0xffff, v41;
	v27 =	vor.u32 v24, v6;
	v25 =	vld.idx.msk [tilespmem:v25+s14+$0x0], $0xffff  }
0x168: {  	[tilespmem:v44+s18+$0x0] =	vst.idx.msk $0xffff, v47;
	v42 =	vor.u32 $0x800, v19;
	v19 =	vor.u32 v0, v19;
	v21 =	vld.idx.msk [tilespmem:v21+s14+$0x0], $0xffff  }
0x169: {  	[tilespmem:v45+s18+$0x0] =	vst.idx.msk $0xffff, v48;
	v30 =	vor.u32 v33, v6;
	v8 =	vld.idx.msk [tilespmem:v8+s14+$0x0], $0xffff  }
0x16a: {  	[tilespmem:v43+s18+$0x0] =	vst.idx.msk $0xffff, v49;
	v43 =	vor.u32 v10, v42;
	v20 =	vld.idx.msk [tilespmem:v20+s14+$0x0], $0xffff  }
0x16b: {  	v31 =	vor.u32 v16, v6;
	v23 =	vld.idx.msk [tilespmem:v23+s14+$0x0], $0xffff;
	[tilespmem:v22+s18+$0x0] =	vst.idx.msk $0xffff, v18  }
0x16c: {  	v18 =	vor.u32 v11, v42;
	v22 =	vld.idx.msk [tilespmem:v26+s14+$0x0], $0xffff;
	[tilespmem:v27+s18+$0x0] =	vst.idx.msk $0xffff, v5  }
0x16d: {  	v26 =	vld.idx.msk [tilespmem:v29+s14+$0x0], $0xffff;
	[tilespmem:v19+s18+$0x0] =	vst.idx.msk $0xffff, v17  }
0x16e: {  	[tilespmem:v30+s18+$0x0] =	vst.idx.msk $0xffff, v3  }
0x16f: {  	[tilespmem:v43+s18+$0x0] =	vst.idx.msk $0xffff, v28  }
0x170: {  	[tilespmem:v31+s18+$0x0] =	vst.idx.msk $0xffff, v7  }
0x171: {  	v5 =	vor.u32 v12, v42;
	[tilespmem:v18+s18+$0x0] =	vst.idx.msk $0xffff, v1  }
0x172: {  	v0 =	vld [tilespmem:$0x1FE80];
	_ =	sdelay $0x2  }
0x173: {  	v3 =	vor.u32 v13, v42  }
0x174: {  	v7 =	vor.u32 v14, v42;
	[tilespmem:v5+s18+$0x0] =	vst.idx.msk $0xffff, v20  }
0x175: {  	v1 =	vor.u32 v0, v6;
	v0 =	vld [tilespmem:$0x1FFB0];
	_ =	sdelay $0x2  }
0x176: {  	[tilespmem:v3+s18+$0x0] =	vst.idx.msk $0xffff, v8  }
0x177: {  	[tilespmem:v7+s18+$0x0] =	vst.idx.msk $0xffff, v22  }
0x178: {  	v17 =	vor.u32 v15, v42;
	v5 =	vor.u32 v0, v6;
	v0 =	vld [tilespmem:$0x1FEA0];
	_ =	sdelay $0x1  }
0x179: {  	v19 =	vor.u32 v9, v42;
	_ =	sdelay $0x1  }
0x17a: {  	v3 =	vor.u32 v32, v6  }
0x17b: {  	[tilespmem:v17+s18+$0x0] =	vst.idx.msk $0xffff, v26;
	v6 =	vor.u32 v0, v6  }
0x17c: {  	[tilespmem:v1+s18+$0x0] =	vst.idx.msk $0xffff, v4  }
0x17d: {  	[tilespmem:v19+s18+$0x0] =	vst.idx.msk $0xffff, v23  }
0x17e: {  	[tilespmem:v5+s18+$0x0] =	vst.idx.msk $0xffff, v2  }
0x17f: {  	[tilespmem:v3+s18+$0x0] =	vst.idx.msk $0xffff, v25  }
0x180: {  	[tilespmem:v6+s18+$0x0] =	vst.idx.msk $0xffff, v21  }
0x181: {  	_ =	swait.ge [sflag:s21], $0x4000  }
0x182: {  	[sflag:s21] =	ssyncset.done $0x0  }
0x183: {  	[sflag:s21] =	ssyncadd.s32 $0xFFFFC000  }
0x184: {  	v1 =	vld [tilespmem:$0x180];
	_ =	sdelay $0x1  }
0x185: {  	v0 =	vld [tilespmem:$0x1FEC0];
	_ =	sdelay $0x2  }
0x186: {  	v4 =	vld [tilespmem:$0x1B0];
	v1 =	vshll.u32 v1, $0x5  }
0x187: {  	v2 =	vld [tilespmem:$0x190];
	v1 =	vand.u32 $0x60, v1  }
0x188: {  	v37 =	vor.u32 v0, v1;
	v1 =	vld [tilespmem:$0x1FEF0]  }
0x189: {  	v0 =	vld [tilespmem:$0x1FED0]  }
0x18a: {  	v3 =	vld [tilespmem:$0x1A0]  }
0x18b: {  	v5 =	vld [tilespmem:$0x1C0];
	v4 =	vshll.u32 v4, $0x5  }
0x18c: {  	v7 =	vld [tilespmem:$0x1E0];
	v2 =	vshll.u32 v2, $0x5;
	v4 =	vand.u32 $0x60, v4  }
0x18d: {  	v2 =	vand.u32 $0x60, v2;
	v36 =	vor.u32 v1, v4;
	v1 =	vld [tilespmem:$0x1FF00]  }
0x18e: {  	v38 =	vor.u32 v0, v2;
	v2 =	vld [tilespmem:$0x1FE30]  }
0x18f: {  	v6 =	vld [tilespmem:$0x1D0]  }
0x190: {  	v8 =	vld [tilespmem:$0x1F0];
	v5 =	vshll.u32 v5, $0x5  }
0x191: {  	v7 =	vshll.u32 v7, $0x5;
	v5 =	vand.u32 $0x60, v5;
	v0 =	vld [tilespmem:$0x1FEE0]  }
0x192: {  	v7 =	vand.u32 $0x60, v7;
	v35 =	vor.u32 v1, v5;
	v1 =	vld [tilespmem:$0x1FF10]  }
0x193: {  	v34 =	vor.u32 v2, v7;
	v2 =	vld [tilespmem:$0x1FE40]  }
0x194: {  	v3 =	vshll.u32 v3, $0x5  }
0x195: {  	v6 =	vshll.u32 v6, $0x5;
	v8 =	vshll.u32 v8, $0x5;
	v3 =	vand.u32 $0x60, v3  }
0x196: {  	s30 =	simm.s32 $0x1;
	v6 =	vand.u32 $0x60, v6;
	v40 =	vor.u32 v0, v3;
	v0 =	vlaneseq.u32  }
0x197: {  	s26 =	simm.s32 $0x0;
	v8 =	vand.u32 $0x60, v8;
	v41 =	vor.u32 v1, v6;
	v1 =	vadd.s32 s30, v0  }
0x198: {  	s28 =	sand.u32 $0x10, s26;
	v39 =	vor.u32 v2, v8;
	v2 =	vand.u32 $0xF, v1  }
0x199: {  	v2 =	vor.u32 s28, v2  }
0x19a: {  	v1 =	vshll.u32 v1, $0x7;
	v6 =	vshll.u32 v2, $0x9;
	v7 =	vor.u32 v2, v36  }
0x19b: {  	v1 =	vand.u32 $0x380, v1;
	v5 =	vor.u32 v2, v40;
	v6 =	vand.u32 $0x3000, v6  }
0x19c: {  	v32 =	vld [tilespmem:$0x1FFC0];
	v20 =	vor.u32 $0xC50, v0;
	v3 =	vor.u32 v2, v37;
	v1 =	vor.u32 v6, v1  }
0x19d: {  	v42 =	vld [tilespmem:$0x1FEB0];
	v62 =	vor.u32 $0xC60, v0;
	v4 =	vor.u32 v2, v38;
	v18 =	vor.u32 v20, v1  }
0x19e: {  	v8 =	vor.u32 v2, v35;
	v17 =	vor.u32 v2, v41;
	[tilespmem:$0x1FE10] =	vst v18;
	v18 =	vor.u32 v62, v1  }
0x19f: {  	v19 =	vor.u32 v2, v34;
	v2 =	vor.u32 v2, v39;
	v7 =	vld.idx.msk [tilespmem:v7+s16+$0x0], $0xffff;
	[tilespmem:$0x1FE20] =	vst v18  }
0x1a0: {  	v5 =	vld.idx.msk [tilespmem:v5+s16+$0x0], $0xffff  }
0x1a1: {  	v33 =	vmov v9;
	v9 =	vor.u32 $0xC20, v0;
	v6 =	vor.u32 v32, v1;
	v3 =	vld.idx.msk [tilespmem:v3+s16+$0x0], $0xffff  }
0x1a2: {  	v24 =	vmovc v10;
	v10 =	vmovc v14;
	v13 =	vor.u32 $0xC30, v0;
	v14 =	vor.u32 $0xC40, v0;
	v52 =	vor.u32 v42, v1;
	v4 =	vld.idx.msk [tilespmem:v4+s16+$0x0], $0xffff  }
0x1a3: {  	s31 =	simm.s32 $0x3;
	v16 =	vmovc v15;
	v15 =	vor.u32 $0xC70, v0;
	v25 =	vadd.s32 s26, v0;
	v43 =	vor.u32 v9, v1;
	v63 =	vld.idx.msk [tilespmem:v8+s16+$0x0], $0xffff  }
0x1a4: {  	s25 =	simm.s32 $0x2;
	v27 =	vadd.s32 s31, v0;
	v44 =	vand.u32 $0xF, v25;
	v50 =	vor.u32 v13, v1;
	v26 =	vld.idx.msk [tilespmem:v2+s16+$0x0], $0xffff  }
0x1a5: {  	s26 =	sand.u32 $0x10, s25;
	v47 =	vor.u32 v14, v1;
	v29 =	vor.u32 v15, v1;
	v1 =	vand.u32 $0xF, v27;
	v17 =	vld.idx.msk [tilespmem:v17+s16+$0x0], $0xffff  }
0x1a6: {  	v28 =	vor.u32 s28, v44;
	v1 =	vor.u32 s26, v1;
	v18 =	vld.idx.msk [tilespmem:v19+s16+$0x0], $0xffff;
	[tilespmem:v6+s18+$0x0] =	vst.idx.msk $0xffff, v3  }
0x1a7: {  	v60 =	vshll.u32 v28, $0x9;
	v55 =	vor.u32 v1, v37;
	[tilespmem:v52+s18+$0x0] =	vst.idx.msk $0xffff, v4  }
0x1a8: {  	v49 =	vand.u32 $0x3000, v60;
	v61 =	vor.u32 v1, v36;
	v57 =	vor.u32 v1, v38;
	[tilespmem:v43+s18+$0x0] =	vst.idx.msk $0xffff, v5  }
0x1a9: {  	v2 =	vshll.u32 v25, $0x7;
	v19 =	vor.u32 v1, v40;
	v30 =	vor.u32 v1, v35;
	[tilespmem:v50+s18+$0x0] =	vst.idx.msk $0xffff, v7  }
0x1aa: {  	v56 =	vor.u32 v1, v41;
	v60 =	vor.u32 v1, v34;
	v2 =	vand.u32 $0x380, v2;
	[tilespmem:v47+s18+$0x0] =	vst.idx.msk $0xffff, v63  }
0x1ab: {  	v49 =	vor.u32 v49, v2;
	v2 =	vshll.u32 v1, $0x9;
	v6 =	vor.u32 v1, v39;
	v1 =	vld [tilespmem:$0x1FE10];
	_ =	sdelay $0x6  }
0x1ac: {  	v45 =	vor.u32 v28, v40  }
0x1ad: {  	v46 =	vor.u32 v28, v41;
	[tilespmem:v1+s18+$0x0] =	vst.idx.msk $0xffff, v17  }
0x1ae: {  	v5 =	vld [tilespmem:$0x1FE20];
	_ =	sdelay $0x1  }
0x1af: {  	v23 =	vor.u32 v28, v34;
	v21 =	vor.u32 v28, v35;
	v25 =	vor.u32 v28, v38  }
0x1b0: {  	v22 =	vor.u32 v28, v36;
	v31 =	vor.u32 v28, v39;
	v59 =	vld.idx.msk [tilespmem:v45+s16+$0x0], $0xffff;
	v28 =	vor.u32 v28, v37  }
0x1b1: {  	v27 =	vshll.u32 v27, $0x7;
	v58 =	vld.idx.msk [tilespmem:v46+s16+$0x0], $0xffff  }
0x1b2: {  	v2 =	vand.u32 $0x3000, v2;
	v3 =	vand.u32 $0x380, v27;
	v61 =	vld.idx.msk [tilespmem:v61+s16+$0x0], $0xffff  }
0x1b3: {  	v53 =	vld.idx.msk [tilespmem:v19+s16+$0x0], $0xffff;
	v2 =	vor.u32 v2, v3  }
0x1b4: {  	v46 =	vmovc v42;
	v8 =	vor.u32 $0xC00, v49;
	v4 =	vld.idx.msk [tilespmem:v25+s16+$0x0], $0xffff;
	v25 =	vor.u32 v32, v49;
	v54 =	vor.u32 v32, v2  }
0x1b5: {  	v19 =	vld.idx.msk [tilespmem:v28+s16+$0x0], $0xffff;
	v52 =	vor.u32 v42, v2;
	v51 =	vor.u32 v9, v2;
	[tilespmem:v5+s18+$0x0] =	vst.idx.msk $0xffff, v18  }
0x1b6: {  	v49 =	vld.idx.msk [tilespmem:v30+s16+$0x0], $0xffff;
	v48 =	vor.u32 v14, v2;
	v3 =	vor.u32 v20, v2;
	[tilespmem:v29+s18+$0x0] =	vst.idx.msk $0xffff, v26  }
0x1b7: {  	v42 =	vmovc v15;
	v50 =	vor.u32 v13, v2;
	v63 =	vor.u32 v62, v2;
	v2 =	vor.u32 v15, v2;
	v15 =	vld [tilespmem:$0x1FFF0]  }
0x1b8: {  	v44 =	vmov v13;
	v7 =	vld.idx.msk [tilespmem:v23+s16+$0x0], $0xffff  }
0x1b9: {  	v45 =	vmovc v14;
	v43 =	vmovc v9;
	v14 =	vmov v20;
	v9 =	vmov v24;
	v47 =	vmov v62;
	v62 =	vld.idx.msk [tilespmem:v31+s16+$0x0], $0xffff  }
0x1ba: {  	v20 =	vor.u32 v24, v8;
	v13 =	vmovc v33;
	v1 =	vor.u32 v10, v8;
	v17 =	vld.idx.msk [tilespmem:v22+s16+$0x0], $0xffff;
	v10 =	vmov v11  }
0x1bb: {  	v22 =	vor.u32 v11, v8;
	v18 =	vld.idx.msk [tilespmem:v21+s16+$0x0], $0xffff;
	v21 =	vor.u32 v12, v8;
	v5 =	vor.u32 v33, v8  }
0x1bc: {  	s28 =	simm.s32 $0x4;
	v11 =	vmovc v12;
	v12 =	vmovc v15;
	v23 =	vor.u32 v15, v8;
	v8 =	vor.u32 v16, v8;
	v15 =	vmov v16  }
.LBB2_8:
0x1bd: {  	_ = 	snop  }
0x1be: {  	v26 =	vadd.s32 s25, v0  }
0x1bf: {  	s29 =	sadd.s32 $0x1, s28;
	v27 =	vld.idx.msk [tilespmem:v6+s16+$0x0], $0xffff;
	v29 =	vmov v3;
	v3 =	vand.u32 $0xF, v26  }
0x1c0: {  	v28 =	vmovc v61;
	v31 =	vmov v2;
	v6 =	vld.idx.msk [tilespmem:v57+s16+$0x0], $0xffff;
	v2 =	vadd.s32 s29, v0;
	v3 =	vor.u32 s26, v3;
	[tilespmem:v25+s18+$0x0] =	vst.idx.msk $0xffff, v19  }
0x1c1: {  	s25 =	smov.u32 s28;
	v33 =	vor.u32 v3, v36;
	v25 =	vshll.u32 v26, $0x7;
	v26 =	vor.u32 v3, v34;
	[tilespmem:v20+s18+$0x0] =	vst.idx.msk $0xffff, v4  }
0x1c2: {  	s26 =	sand.u32 $0x10, s25;
	v19 =	vld.idx.msk [tilespmem:v55+s16+$0x0], $0xffff;
	v4 =	vand.u32 $0xF, v2;
	v2 =	vshll.u32 v2, $0x7;
	v20 =	vor.u32 v3, v40;
	[tilespmem:v22+s18+$0x0] =	vst.idx.msk $0xffff, v59  }
0x1c3: {  	v22 =	vor.u32 v3, v39;
	[tilespmem:v21+s18+$0x0] =	vst.idx.msk $0xffff, v17;
	v17 =	vor.u32 s26, v4;
	v4 =	vor.u32 v3, v38  }
0x1c4: {  	v21 =	vor.u32 v3, v41;
	[tilespmem:v23+s18+$0x0] =	vst.idx.msk $0xffff, v18;
	v18 =	vor.u32 v3, v35;
	v23 =	vshll.u32 v3, $0x9  }
0x1c5: {  	v16 =	vld.idx.msk [tilespmem:v56+s16+$0x0], $0xffff;
	v55 =	vor.u32 v17, v37;
	[tilespmem:v1+s18+$0x0] =	vst.idx.msk $0xffff, v58;
	v1 =	vand.u32 $0x3000, v23;
	v23 =	vand.u32 $0x380, v25  }
0x1c6: {  	v57 =	vor.u32 v17, v38;
	[tilespmem:v8+s18+$0x0] =	vst.idx.msk $0xffff, v7;
	v7 =	vld.idx.msk [tilespmem:v60+s16+$0x0], $0xffff;
	v1 =	vor.u32 v1, v23  }
0x1c7: {  	v56 =	vor.u32 v17, v41;
	[tilespmem:v5+s18+$0x0] =	vst.idx.msk $0xffff, v62;
	v24 =	vor.u32 $0xC00, v1;
	v25 =	vor.u32 v32, v1;
	v1 =	vld [tilespmem:$0x1FFE0]  }
0x1c8: {  	v8 =	vor.u32 v17, v36;
	v23 =	vor.u32 v17, v35;
	[tilespmem:v54+s18+$0x0] =	vst.idx.msk $0xffff, v19;
	v59 =	vld.idx.msk [tilespmem:v20+s16+$0x0], $0xffff  }
0x1c9: {  	v30 =	vmovc v63;
	v60 =	vor.u32 v17, v34;
	v5 =	vor.u32 v17, v40;
	v20 =	vshll.u32 v17, $0x9;
	v58 =	vld.idx.msk [tilespmem:v21+s16+$0x0], $0xffff  }
0x1ca: {  	v2 =	vand.u32 $0x380, v2;
	[tilespmem:v52+s18+$0x0] =	vst.idx.msk $0xffff, v6;
	v6 =	vor.u32 v17, v39;
	v4 =	vld.idx.msk [tilespmem:v4+s16+$0x0], $0xffff;
	v19 =	vand.u32 $0x3000, v20  }
0x1cb: {  	[tilespmem:v51+s18+$0x0] =	vst.idx.msk $0xffff, v53;
	v62 =	vld.idx.msk [tilespmem:v22+s16+$0x0], $0xffff;
	v22 =	vor.u32 v10, v24;
	v2 =	vor.u32 v19, v2  }
0x1cc: {  	v17 =	vld.idx.msk [tilespmem:v33+s16+$0x0], $0xffff;
	v21 =	vor.u32 v11, v24;
	v20 =	vor.u32 v3, v37;
	v54 =	vor.u32 v32, v2  }
0x1cd: {  	p0 =	slt.u32 s28, $0x1E;
	v52 =	vor.u32 v46, v2;
	v61 =	vld.idx.msk [tilespmem:v8+s16+$0x0], $0xffff;
	v51 =	vor.u32 v43, v2;
	v8 =	vor.u32 v45, v2  }
.Ltmp3:
0x1ce: {  	v3 =	vor.u32 v14, v2;
	v63 =	vor.u32 v47, v2;
	v53 =	vld.idx.msk [tilespmem:v5+s16+$0x0], $0xffff;
	[tilespmem:v50+s18+$0x0] =	vst.idx.msk $0xffff, v28;
	(pc) =	sbr.rel @p0 .LBB2_8-.Ltmp3, $4  }
0x1cf: {  	v18 =	vld.idx.msk [tilespmem:v18+s16+$0x0], $0xffff;
	v5 =	vor.u32 v44, v2;
	v2 =	vor.u32 v42, v2;
	[tilespmem:v48+s18+$0x0] =	vst.idx.msk $0xffff, v49  }
0x1d0: {  	v1 =	vor.u32 v1, v24;
	v50 =	vmov v5;
	v48 =	vmov v8;
	v49 =	vld.idx.msk [tilespmem:v23+s16+$0x0], $0xffff;
	[tilespmem:v29+s18+$0x0] =	vst.idx.msk $0xffff, v16  }
0x1d1: {  	v5 =	vor.u32 v13, v24;
	v8 =	vor.u32 v15, v24;
	v19 =	vld.idx.msk [tilespmem:v20+s16+$0x0], $0xffff;
	[tilespmem:v30+s18+$0x0] =	vst.idx.msk $0xffff, v7  }
0x1d2: {  	s28 =	sadd.s32 $0x2, s28;
	v20 =	vor.u32 v9, v24;
	v23 =	vor.u32 v12, v24;
	v7 =	vld.idx.msk [tilespmem:v26+s16+$0x0], $0xffff;
	[tilespmem:v31+s18+$0x0] =	vst.idx.msk $0xffff, v27  }
0x1d3: {  	_ =	sdelay $0x3  }
0x1d4: {  	v16 =	vadd.s32 s25, v0;
	[tilespmem:v25+s18+$0x0] =	vst.idx.msk $0xffff, v19  }
0x1d5: {  	v19 =	vand.u32 $0xF, v16;
	[tilespmem:v20+s18+$0x0] =	vst.idx.msk $0xffff, v4  }
0x1d6: {  	v46 =	vor.u32 s26, v19;
	v19 =	vld.idx.msk [tilespmem:v55+s16+$0x0], $0xffff;
	[tilespmem:v22+s18+$0x0] =	vst.idx.msk $0xffff, v59  }
0x1d7: {  	[tilespmem:v21+s18+$0x0] =	vst.idx.msk $0xffff, v17  }
0x1d8: {  	v17 =	vld.idx.msk [tilespmem:v57+s16+$0x0], $0xffff;
	[tilespmem:v23+s18+$0x0] =	vst.idx.msk $0xffff, v18  }
0x1d9: {  	v6 =	vld.idx.msk [tilespmem:v6+s16+$0x0], $0xffff;
	[tilespmem:v1+s18+$0x0] =	vst.idx.msk $0xffff, v58  }
0x1da: {  	v1 =	vld.idx.msk [tilespmem:v56+s16+$0x0], $0xffff;
	[tilespmem:v8+s18+$0x0] =	vst.idx.msk $0xffff, v7  }
0x1db: {  	v56 =	vld.idx.msk [tilespmem:v60+s16+$0x0], $0xffff;
	[tilespmem:v54+s18+$0x0] =	vst.idx.msk $0xffff, v19  }
0x1dc: {  	v20 =	vor.u32 v46, v40;
	[tilespmem:v5+s18+$0x0] =	vst.idx.msk $0xffff, v62  }
0x1dd: {  	v55 =	vor.u32 v46, v37;
	[tilespmem:v52+s18+$0x0] =	vst.idx.msk $0xffff, v17  }
0x1de: {  	v18 =	vor.u32 v46, v41;
	[tilespmem:v51+s18+$0x0] =	vst.idx.msk $0xffff, v53  }
0x1df: {  	[tilespmem:v50+s18+$0x0] =	vst.idx.msk $0xffff, v61  }
0x1e0: {  	v47 =	vor.u32 v46, v38;
	[tilespmem:v48+s18+$0x0] =	vst.idx.msk $0xffff, v49  }
0x1e1: {  	v4 =	vor.u32 v46, v34;
	v57 =	vshll.u32 v16, $0x7;
	v16 =	vshll.u32 v46, $0x9;
	v20 =	vld.idx.msk [tilespmem:v20+s16+$0x0], $0xffff;
	[tilespmem:v3+s18+$0x0] =	vst.idx.msk $0xffff, v1  }
0x1e2: {  	v16 =	vand.u32 $0x3000, v16;
	v58 =	vor.u32 v46, v36;
	v5 =	vand.u32 $0x380, v57;
	v7 =	vld.idx.msk [tilespmem:v55+s16+$0x0], $0xffff;
	[tilespmem:v63+s18+$0x0] =	vst.idx.msk $0xffff, v56  }
0x1e3: {  	v19 =	vor.u32 v46, v35;
	v5 =	vor.u32 v16, v5;
	v17 =	vld.idx.msk [tilespmem:v18+s16+$0x0], $0xffff;
	[tilespmem:v2+s18+$0x0] =	vst.idx.msk $0xffff, v6  }
0x1e4: {  	v8 =	vor.u32 v46, v39;
	v18 =	vor.u32 $0xC00, v5;
	v5 =	vor.u32 v32, v5;
	v28 =	vld [tilespmem:$0x1FFE0]  }
0x1e5: {  	v16 =	vld.idx.msk [tilespmem:v47+s16+$0x0], $0xffff;
	v59 =	vor.u32 v9, v18  }
0x1e6: {  	v4 =	vld.idx.msk [tilespmem:v4+s16+$0x0], $0xffff;
	v24 =	vor.u32 v10, v18  }
0x1e7: {  	v23 =	vld.idx.msk [tilespmem:v58+s16+$0x0], $0xffff;
	v3 =	vor.u32 v11, v18  }
0x1e8: {  	v1 =	vld.idx.msk [tilespmem:v19+s16+$0x0], $0xffff;
	v19 =	vor.u32 v12, v18  }
0x1e9: {  	v8 =	vld.idx.msk [tilespmem:v8+s16+$0x0], $0xffff;
	[tilespmem:v5+s18+$0x0] =	vst.idx.msk $0xffff, v7;
	v2 =	vor.u32 v28, v18  }
0x1ea: {  	v61 =	vor.u32 v15, v18;
	[tilespmem:v59+s18+$0x0] =	vst.idx.msk $0xffff, v16  }
0x1eb: {  	v63 =	vor.u32 v13, v18;
	[tilespmem:v24+s18+$0x0] =	vst.idx.msk $0xffff, v20  }
0x1ec: {  	[tilespmem:v3+s18+$0x0] =	vst.idx.msk $0xffff, v23  }
0x1ed: {  	[tilespmem:v19+s18+$0x0] =	vst.idx.msk $0xffff, v1  }
0x1ee: {  	[tilespmem:v2+s18+$0x0] =	vst.idx.msk $0xffff, v17  }
0x1ef: {  	[tilespmem:v61+s18+$0x0] =	vst.idx.msk $0xffff, v4  }
0x1f0: {  	[tilespmem:v63+s18+$0x0] =	vst.idx.msk $0xffff, v8  }
0x1f1: {  	[hbm4b:s5+s22] =	stream.strided.scatter [tilespmem:s18], [sflag:$0x5], $0x4000, s23, s22, $0x38;
	[tilespmem:$0x14400] =	vst v63  }
0x1f2: {  	_ =	swait.ge [sflag:s7], $0x4000  }
0x1f3: {  	v63 =	vld [tilespmem:$0x1FEC0]  }
0x1f4: {  	v33 =	vld [tilespmem:$0x1FED0]  }
0x1f5: {  	v61 =	vld [tilespmem:$0x1FEE0]  }
0x1f6: {  	v14 =	vld [tilespmem:$0x1FEF0]  }
0x1f7: {  	v19 =	vld [tilespmem:$0x1FF00]  }
0x1f8: {  	v18 =	vld [tilespmem:$0x1FF10]  }
0x1f9: {  	v26 =	vld [tilespmem:$0x1FF20]  }
0x1fa: {  	s24 =	sadd.s32 $0x1, s24;
	v24 =	vld [tilespmem:$0x1FF30]  }
0x1fb: {  	p0 =	sne.s32 s24, s6;
	v62 =	vmov v15;
	v15 =	vld [tilespmem:$0x1FF40]  }
.Ltmp4:
0x1fc: {  	v16 =	vld [tilespmem:$0x1FF50];
	(pc) =	sbr.rel @p0 .LBB2_1-.Ltmp4, $4  }
0x1fd: {  	v27 =	vmov v9;
	v9 =	vmov v13;
	v13 =	vld [tilespmem:$0x1FF60]  }
0x1fe: {  	v29 =	vld [tilespmem:$0x1FF70]  }
0x1ff: {  	[sflag:s7] =	ssyncset.done $0x0;
	v30 =	vld [tilespmem:$0x1FF80]  }
0x200: {  	v31 =	vld [tilespmem:$0x1FF90];
	[sflag:s7] =	ssyncadd.s32 $0xFFFFC000  }
0x201: {  	_ =	sfence.sel $0x180000  }
0x202: {  	[bflag:$0x0] =	sbarrier.arrive $0xFFFF  }
0x203: {  	p0 =	sne.s32 s1, $0x0;
	_ =	strace $0x9000004A  }
0x204: {  	s0 =	sadd.s32 @!p0 $0x100000, s0;
	[bflag:$0x2] =	sbarrier.arrive $0xFFFF  }
0x205: {  	[sflag:s0] =	ssyncadd.tile.s32 @!p0 $0x1;
	_ =	shalt  }
.Lfunc_end2:
_tile_overlayer_lowered:
.L_overlay_start_2:
0x206: {  	(tag) =	ssettag $0x2  }
0x207: {  	s0 =	rddreg [dreg:$0x0];
	s2 =	stileid.u32  }
0x208: {  	s1 =	rddreg [dreg:$0x1];
	p0 =	sne.s32 s2, $0x0  }
0x209: {  	s3 =	rddreg [dreg:$0x2];
	[bflag:$0x3] =	sbarrier.arrive $0xFFFF;
	s2 =	simm.s32 @!p0 $0x1C05  }
0x20a: {  	[timem:s3], [sflag:s2] =	dma.local @!p0 [hbm:s0], s1  }
0x20b: {  	s0 =	simm.s32 @!p0 $0x5  }
0x20c: {  	_ =	swait.ge @!p0 [sflag:s0], s1  }
0x20d: {  	s1 =	ssub.s32 @!p0 $0x0, s1;
	[sflag:s0] =	ssyncset.done @!p0 $0x0  }
0x20e: {  	[sflag:s0] =	ssyncadd.s32 @!p0 s1  }
0x20f: {  	[bflag:$0x3] =	sbarrier.arrive $0xFFFF  }
0x210: {  	_ =	shalt  }

</sc_bundles>
